<compile_context>
chip_gen: v7x
topology: tpu7x:2x2x1
jax: 0.10.2.dev20260603
libtpu: 0.0.44.dev20260713+nightly
codegen_flags: <defaults>
</compile_context>

<pallas_src>
import functools

import jax
import jax.numpy as jnp
from jax import lax
from jax.experimental import pallas as pl
from jax.experimental.pallas import tpu as pltpu
from jax.experimental.pallas import tpu_sc as plsc

LANES = 16
IDX_PER_DMA = 400
NBUF = 4
NIDX = 4


@functools.lru_cache(maxsize=None)
def _build(n_tok: int, q: int, f: int):
    info = plsc.get_sparse_core_info()
    nc, ns = info.num_cores, info.num_subcores
    nw = nc * ns

    assert f % LANES == 0
    assert n_tok % nw == 0
    tok_w = n_tok // nw
    t_chunk = 50
    while tok_w % (t_chunk * NIDX):
        t_chunk //= 2
    n_chunks = tok_w // t_chunk
    assert n_chunks >= NIDX
    rows_chunk = t_chunk * q
    assert rows_chunk % IDX_PER_DMA == 0
    n_sub = rows_chunk // IDX_PER_DMA
    f_v = f // LANES

    mesh = plsc.VectorSubcoreMesh(core_axis_name="c", subcore_axis_name="s")

    @functools.partial(
        pl.kernel,
        out_type=jax.ShapeDtypeStruct((n_tok, f), jnp.float32),
        mesh=mesh,
        compiler_params=pltpu.CompilerParams(use_tc_tiling_on_sc=False),
        scratch_types=[
            pltpu.VMEM((NIDX, rows_chunk), jnp.int32),
            pltpu.VMEM((NBUF, rows_chunk, f), jnp.float32),
            pltpu.VMEM((NBUF, t_chunk, f), jnp.float32),
            pltpu.VMEM((LANES,), jnp.int32),
            pltpu.SemaphoreType.DMA,
            pltpu.SemaphoreType.DMA,
            pltpu.SemaphoreType.DMA,
            pltpu.SemaphoreType.DMA,
            pltpu.SemaphoreType.DMA,
            pltpu.SemaphoreType.DMA,
            pltpu.SemaphoreType.DMA,
            pltpu.SemaphoreType.DMA,
            pltpu.SemaphoreType.DMA,
            pltpu.SemaphoreType.DMA,
            pltpu.SemaphoreType.DMA,
            pltpu.SemaphoreType.DMA,
        ],
    )
    def emb(xf_hbm, table_hbm, off_hbm, out_hbm, idx_v, rows_v, out_v, off_v,
            gsem0, gsem1, gsem2, gsem3, isem0, isem1, isem2, isem3,
            osem0, osem1, osem2, osem3):
        gsems = (gsem0, gsem1, gsem2, gsem3)
        isems = (isem0, isem1, isem2, isem3)
        osems = (osem0, osem1, osem2, osem3)
        wid = lax.axis_index("s") * nc + lax.axis_index("c")
        base_t = wid * tok_w

        pltpu.sync_copy(off_hbm, off_v)
        offv = off_v[...]

        def idx_desc(si, g):
            return pltpu.make_async_copy(
                xf_hbm.at[pl.ds((base_t + g * t_chunk) * q, rows_chunk)],
                idx_v.at[si], isems[si])

        def gather_descs(b, si):
            return [
                pltpu.make_async_copy(
                    table_hbm.at[idx_v.at[si, pl.ds(j * IDX_PER_DMA, IDX_PER_DMA)]],
                    rows_v.at[b, pl.ds(j * IDX_PER_DMA, IDX_PER_DMA)],
                    gsems[b],
                )
                for j in range(n_sub)
            ]

        def out_desc(b, g):
            return pltpu.make_async_copy(
                out_v.at[b], out_hbm.at[pl.ds(base_t + g * t_chunk, t_chunk)],
                osems[b])

        def stage(b, si, g):
            idx_desc(si, g).wait()

            @plsc.parallel_loop(0, rows_chunk, LANES, unroll=2)
            def off_body(s):
                idx_v[si, pl.ds(s, LANES)] = idx_v[si, pl.ds(s, LANES)] + offv

            for h in gather_descs(b, si):
                h.start()

        def compute(b, g):
            @pl.when(g >= NBUF)
            def _():
                out_desc(b, g).wait()

            @plsc.parallel_loop(0, t_chunk, 1, unroll=2)
            def tok_body(t):
                rbase = t * q
                for cc in range(f_v):
                    sl = pl.ds(cc * LANES, LANES)
                    vals = [rows_v[b, rbase + qq, sl] for qq in range(q)]
                    while len(vals) > 1:
                        vals = [vals[i] + vals[i + 1] for i in range(0, len(vals) - 1, 2)] + (
                            [vals[-1]] if len(vals) % 2 else [])
                    out_v[b, t, sl] = vals[0]

            out_desc(b, g).start()

        for g0 in range(NIDX):
            idx_desc(g0, g0).start()
        for g0 in range(NBUF):
            stage(g0 % NBUF, g0 % NIDX, g0)

        def loop_body(i, c):
            gg = i * NIDX
            for k in range(NIDX):
                g = gg + k
                b = k % NBUF
                si = k
                sj = (k + NBUF) % NIDX

                for h in gather_descs(b, si):
                    h.wait()

                @pl.when(g + NIDX < n_chunks)
                def _():
                    idx_desc(si, g + NIDX).start()

                compute(b, g)

                @pl.when(g + NBUF < n_chunks)
                def _():
                    stage(b, sj, g + NBUF)

            return c

        lax.fori_loop(0, n_chunks // NIDX, loop_body, 0)

        for g0 in range(NBUF):
            out_desc(g0 % NBUF, n_chunks - NBUF + g0).wait()

    return emb


def kernel(x, table, sum_over_quantizers):
    b, s, q = x.shape
    v, f = table.shape
    seg = v // q
    n_tok = b * s

    flag = jnp.asarray(sum_over_quantizers).astype(jnp.int32)
    off16 = (jnp.arange(LANES, dtype=jnp.int32) % q) * jnp.int32(seg) * flag

    xf = x.reshape(n_tok * q)
    out = _build(n_tok, q, f)(xf, table, off16)
    return out.reshape(b, s, f)

# --- scband reference (transcript-rebuilt; emitter-appended) ---
"""Pipeline reference for scband-multivariate-embedding-19842748908277 (READ-ONLY COPY).

The authoritative reference and input builder live on the scoring server;
editing this copy changes nothing except your own understanding.
"""

import jax, jax.numpy as jnp
import numpy as np

NUM_TOKENS = 100000
NUM_FEATURES = 64
NUM_QUANTIZERS = 8
BATCH = 1024
SEQ = 200


def setup_inputs(seed: int = 0) -> dict:
    key = jax.random.key(seed)
    k1, k2 = jax.random.split(key)
    x = jax.random.randint(k1, (BATCH, SEQ, NUM_QUANTIZERS), 0, NUM_TOKENS, dtype=jnp.int32)
    table = jax.random.normal(k2, (NUM_QUANTIZERS * NUM_TOKENS, NUM_FEATURES), dtype=jnp.float32) * 0.02
    return {"x": x, "table": table, "sum_over_quantizers": True}


def reference(x, table, sum_over_quantizers):
    # MultivariateEmbedding.forward
    flag = jnp.asarray(sum_over_quantizers).astype(x.dtype)
    offsets = jnp.arange(x.shape[-1], dtype=x.dtype) * NUM_TOKENS * flag
    x = x + offsets  # shift each quantizer's codes into its own table segment
    out = jnp.take(table, x, axis=0)  # gather: [B, S, Q, F]
    out = out.sum(-2)  # [B, S, F]
    return out

if __name__ == "__main__":
    import jax
    _d = setup_inputs()
    print(jax.jit(kernel)(*tuple(_d.values())))

</pallas_src>

<mosaic_0001>
#map = affine_map<(d0, d1) -> (0)>
#map1 = affine_map<(d0, d1) -> (0, 0)>
module attributes {stable_mosaic.version = 14 : i64} {
  func.func @emb(%arg0: i32, %arg1: i32, %arg2: memref<1638400xi32, #tpu.memory_space<hbm>>, %arg3: memref<800000x64xf32, #tpu.memory_space<hbm>>, %arg4: memref<16xi32, #tpu.memory_space<hbm>>, %arg5: memref<204800x64xf32, #tpu.memory_space<hbm>>, %arg6: memref<4x400xi32, #tpu.memory_space<vmem>>, %arg7: memref<4x400x64xf32, #tpu.memory_space<vmem>>, %arg8: memref<4x50x64xf32, #tpu.memory_space<vmem>>, %arg9: memref<16xi32, #tpu.memory_space<vmem>>, %arg10: memref<!tpu.dma_semaphore, #tpu.memory_space<semaphore_mem>>, %arg11: memref<!tpu.dma_semaphore, #tpu.memory_space<semaphore_mem>>, %arg12: memref<!tpu.dma_semaphore, #tpu.memory_space<semaphore_mem>>, %arg13: memref<!tpu.dma_semaphore, #tpu.memory_space<semaphore_mem>>, %arg14: memref<!tpu.dma_semaphore, #tpu.memory_space<semaphore_mem>>, %arg15: memref<!tpu.dma_semaphore, #tpu.memory_space<semaphore_mem>>, %arg16: memref<!tpu.dma_semaphore, #tpu.memory_space<semaphore_mem>>, %arg17: memref<!tpu.dma_semaphore, #tpu.memory_space<semaphore_mem>>, %arg18: memref<!tpu.dma_semaphore, #tpu.memory_space<semaphore_mem>>, %arg19: memref<!tpu.dma_semaphore, #tpu.memory_space<semaphore_mem>>, %arg20: memref<!tpu.dma_semaphore, #tpu.memory_space<semaphore_mem>>, %arg21: memref<!tpu.dma_semaphore, #tpu.memory_space<semaphore_mem>>) attributes {dimension_semantics = [#tpu.dimension_semantics<core_parallel>, #tpu.dimension_semantics<subcore_parallel>], iteration_bounds = array<i64: 2, 16>, scalar_prefetch = 0 : i64, scratch_operands = 16 : i64, tpu.core_type = #tpu.core_type<sc_vector_subcore>, window_params = [{transform_indices = #map}, {transform_indices = #map1}, {transform_indices = #map}, {transform_indices = #map1}]} {
    %mul3A = arith.constant 2 : i32
    %mul3A_0 = arith.muli %arg1, %mul3A : i32
    %add3A = arith.addi %mul3A_0, %arg0 : i32
    %mul3A_1 = arith.constant 6400 : i32
    %mul3A_2 = arith.muli %add3A, %mul3A_1 : i32
    "tpu.region"() ({
      %run_scoped3A = tpu.sem_alloc : memref<!tpu.dma_semaphore, #tpu.memory_space<semaphore_mem>>
      tpu.enqueue_dma source(%arg4 : memref<16xi32, #tpu.memory_space<hbm>>) target(%arg9 : memref<16xi32, #tpu.memory_space<vmem>>) target_semaphore(%run_scoped3A : memref<!tpu.dma_semaphore, #tpu.memory_space<semaphore_mem>>)
      tpu.wait_dma2 semaphore(%run_scoped3A : memref<!tpu.dma_semaphore, #tpu.memory_space<semaphore_mem>>) src(%arg4 : memref<16xi32, #tpu.memory_space<hbm>>) dst(%arg9 : memref<16xi32, #tpu.memory_space<vmem>>)
      tpu.yield
    }) : () -> ()
    %get3A = arith.constant 0 : index
    %get3A_3 = tpu.vector_load %arg9[%get3A] {strides = array<i32>} : memref<16xi32, #tpu.memory_space<vmem>>, vector<16xi32>,
    %get3A_4 = vector.shape_cast %get3A_3 : vector<16xi32> to vector<16xi32>
    %add3A_5 = arith.constant 0 : i32
    %add3A_6 = arith.addi %mul3A_2, %add3A_5 : i32
    %mul3A_7 = arith.constant 8 : i32
    %mul3A_8 = arith.muli %add3A_6, %mul3A_7 : i32
    %dma_start3A = arith.constant 0 : i32
    %dma_start3A_9 = arith.constant 0 : i32
    %dma_start3A_10 = tpu.memref_slice %arg6[%dma_start3A, %dma_start3A_9] : memref<4x400xi32, #tpu.memory_space<vmem>> -> memref<1x400xi32, #tpu.memory_space<vmem>>
    %dma_start3A_11 = tpu.memref_squeeze %dma_start3A_10 : memref<1x400xi32, #tpu.memory_space<vmem>> -> memref<400xi32, #tpu.memory_space<vmem>>
    %dma_start3A_12 = tpu.memref_slice %arg2[%mul3A_8] : memref<1638400xi32, #tpu.memory_space<hbm>> -> memref<400xi32, #tpu.memory_space<hbm>>
    %dma_start3A_13 = arith.constant 0 : i32
    %dma_start3A_14 = tpu.memref_slice %arg6[%dma_start3A, %dma_start3A_13] : memref<4x400xi32, #tpu.memory_space<vmem>> -> memref<1x400xi32, #tpu.memory_space<vmem>>
    %dma_start3A_15 = tpu.memref_squeeze %dma_start3A_14 : memref<1x400xi32, #tpu.memory_space<vmem>> -> memref<400xi32, #tpu.memory_space<vmem>>
    %dma_start3A_16 = tpu.memref_slice %arg2[%mul3A_8] : memref<1638400xi32, #tpu.memory_space<hbm>> -> memref<400xi32, #tpu.memory_space<hbm>>
    tpu.enqueue_dma source(%dma_start3A_16 : memref<400xi32, #tpu.memory_space<hbm>>) target(%dma_start3A_15 : memref<400xi32, #tpu.memory_space<vmem>>) target_semaphore(%arg14 : memref<!tpu.dma_semaphore, #tpu.memory_space<semaphore_mem>>)
    %add3A_17 = arith.constant 50 : i32
    %add3A_18 = arith.addi %mul3A_2, %add3A_17 : i32
    %mul3A_19 = arith.constant 8 : i32
    %mul3A_20 = arith.muli %add3A_18, %mul3A_19 : i32
    %dma_start3A_21 = arith.constant 1 : i32
    %dma_start3A_22 = arith.constant 0 : i32
    %dma_start3A_23 = tpu.memref_slice %arg6[%dma_start3A_21, %dma_start3A_22] : memref<4x400xi32, #tpu.memory_space<vmem>> -> memref<1x400xi32, #tpu.memory_space<vmem>>
    %dma_start3A_24 = tpu.memref_squeeze %dma_start3A_23 : memref<1x400xi32, #tpu.memory_space<vmem>> -> memref<400xi32, #tpu.memory_space<vmem>>
    %dma_start3A_25 = tpu.memref_slice %arg2[%mul3A_20] : memref<1638400xi32, #tpu.memory_space<hbm>> -> memref<400xi32, #tpu.memory_space<hbm>>
    %dma_start3A_26 = arith.constant 0 : i32
    %dma_start3A_27 = tpu.memref_slice %arg6[%dma_start3A_21, %dma_start3A_26] : memref<4x400xi32, #tpu.memory_space<vmem>> -> memref<1x400xi32, #tpu.memory_space<vmem>>
    %dma_start3A_28 = tpu.memref_squeeze %dma_start3A_27 : memref<1x400xi32, #tpu.memory_space<vmem>> -> memref<400xi32, #tpu.memory_space<vmem>>
    %dma_start3A_29 = tpu.memref_slice %arg2[%mul3A_20] : memref<1638400xi32, #tpu.memory_space<hbm>> -> memref<400xi32, #tpu.memory_space<hbm>>
    tpu.enqueue_dma source(%dma_start3A_29 : memref<400xi32, #tpu.memory_space<hbm>>) target(%dma_start3A_28 : memref<400xi32, #tpu.memory_space<vmem>>) target_semaphore(%arg15 : memref<!tpu.dma_semaphore, #tpu.memory_space<semaphore_mem>>)
    %add3A_30 = arith.constant 100 : i32
    %add3A_31 = arith.addi %mul3A_2, %add3A_30 : i32
    %mul3A_32 = arith.constant 8 : i32
    %mul3A_33 = arith.muli %add3A_31, %mul3A_32 : i32
    %dma_start3A_34 = arith.constant 2 : i32
    %dma_start3A_35 = arith.constant 0 : i32
    %dma_start3A_36 = tpu.memref_slice %arg6[%dma_start3A_34, %dma_start3A_35] : memref<4x400xi32, #tpu.memory_space<vmem>> -> memref<1x400xi32, #tpu.memory_space<vmem>>
    %dma_start3A_37 = tpu.memref_squeeze %dma_start3A_36 : memref<1x400xi32, #tpu.memory_space<vmem>> -> memref<400xi32, #tpu.memory_space<vmem>>
    %dma_start3A_38 = tpu.memref_slice %arg2[%mul3A_33] : memref<1638400xi32, #tpu.memory_space<hbm>> -> memref<400xi32, #tpu.memory_space<hbm>>
    %dma_start3A_39 = arith.constant 0 : i32
    %dma_start3A_40 = tpu.memref_slice %arg6[%dma_start3A_34, %dma_start3A_39] : memref<4x400xi32, #tpu.memory_space<vmem>> -> memref<1x400xi32, #tpu.memory_space<vmem>>
    %dma_start3A_41 = tpu.memref_squeeze %dma_start3A_40 : memref<1x400xi32, #tpu.memory_space<vmem>> -> memref<400xi32, #tpu.memory_space<vmem>>
    %dma_start3A_42 = tpu.memref_slice %arg2[%mul3A_33] : memref<1638400xi32, #tpu.memory_space<hbm>> -> memref<400xi32, #tpu.memory_space<hbm>>
    tpu.enqueue_dma source(%dma_start3A_42 : memref<400xi32, #tpu.memory_space<hbm>>) target(%dma_start3A_41 : memref<400xi32, #tpu.memory_space<vmem>>) target_semaphore(%arg16 : memref<!tpu.dma_semaphore, #tpu.memory_space<semaphore_mem>>)
    %add3A_43 = arith.constant 150 : i32
    %add3A_44 = arith.addi %mul3A_2, %add3A_43 : i32
    %mul3A_45 = arith.constant 8 : i32
    %mul3A_46 = arith.muli %add3A_44, %mul3A_45 : i32
    %dma_start3A_47 = arith.constant 3 : i32
    %dma_start3A_48 = arith.constant 0 : i32
    %dma_start3A_49 = tpu.memref_slice %arg6[%dma_start3A_47, %dma_start3A_48] : memref<4x400xi32, #tpu.memory_space<vmem>> -> memref<1x400xi32, #tpu.memory_space<vmem>>
    %dma_start3A_50 = tpu.memref_squeeze %dma_start3A_49 : memref<1x400xi32, #tpu.memory_space<vmem>> -> memref<400xi32, #tpu.memory_space<vmem>>
    %dma_start3A_51 = tpu.memref_slice %arg2[%mul3A_46] : memref<1638400xi32, #tpu.memory_space<hbm>> -> memref<400xi32, #tpu.memory_space<hbm>>
    %dma_start3A_52 = arith.constant 0 : i32
    %dma_start3A_53 = tpu.memref_slice %arg6[%dma_start3A_47, %dma_start3A_52] : memref<4x400xi32, #tpu.memory_space<vmem>> -> memref<1x400xi32, #tpu.memory_space<vmem>>
    %dma_start3A_54 = tpu.memref_squeeze %dma_start3A_53 : memref<1x400xi32, #tpu.memory_space<vmem>> -> memref<400xi32, #tpu.memory_space<vmem>>
    %dma_start3A_55 = tpu.memref_slice %arg2[%mul3A_46] : memref<1638400xi32, #tpu.memory_space<hbm>> -> memref<400xi32, #tpu.memory_space<hbm>>
    tpu.enqueue_dma source(%dma_start3A_55 : memref<400xi32, #tpu.memory_space<hbm>>) target(%dma_start3A_54 : memref<400xi32, #tpu.memory_space<vmem>>) target_semaphore(%arg17 : memref<!tpu.dma_semaphore, #tpu.memory_space<semaphore_mem>>)
    %add3A_56 = arith.constant 0 : i32
    %add3A_57 = arith.addi %mul3A_2, %add3A_56 : i32
    %mul3A_58 = arith.constant 8 : i32
    %mul3A_59 = arith.muli %add3A_57, %mul3A_58 : i32
    %dma_wait3A = arith.constant 0 : i32
    %dma_wait3A_60 = arith.constant 0 : i32
    %dma_wait3A_61 = tpu.memref_slice %arg6[%dma_wait3A, %dma_wait3A_60] : memref<4x400xi32, #tpu.memory_space<vmem>> -> memref<1x400xi32, #tpu.memory_space<vmem>>
    %dma_wait3A_62 = tpu.memref_squeeze %dma_wait3A_61 : memref<1x400xi32, #tpu.memory_space<vmem>> -> memref<400xi32, #tpu.memory_space<vmem>>
    %dma_wait3A_63 = tpu.memref_slice %arg2[%mul3A_59] : memref<1638400xi32, #tpu.memory_space<hbm>> -> memref<400xi32, #tpu.memory_space<hbm>>
    %dma_wait3A_64 = arith.constant 0 : i32
    %dma_wait3A_65 = tpu.memref_slice %arg6[%dma_wait3A, %dma_wait3A_64] : memref<4x400xi32, #tpu.memory_space<vmem>> -> memref<1x400xi32, #tpu.memory_space<vmem>>
    %dma_wait3A_66 = tpu.memref_squeeze %dma_wait3A_65 : memref<1x400xi32, #tpu.memory_space<vmem>> -> memref<400xi32, #tpu.memory_space<vmem>>
    %dma_wait3A_67 = tpu.memref_slice %arg2[%mul3A_59] : memref<1638400xi32, #tpu.memory_space<hbm>> -> memref<400xi32, #tpu.memory_space<hbm>>
    tpu.wait_dma2 semaphore(%arg14 : memref<!tpu.dma_semaphore, #tpu.memory_space<semaphore_mem>>) src(%dma_wait3A_67 : memref<400xi32, #tpu.memory_space<hbm>>) dst(%dma_wait3A_66 : memref<400xi32, #tpu.memory_space<vmem>>)
    %parallel_loop3A = arith.constant 0 : i32
    %parallel_loop3A_68 = arith.constant 400 : i32
    %parallel_loop3A_69 = arith.constant 16 : i32
    scf.for %parallel_loop3A_231 = %parallel_loop3A to %parallel_loop3A_68 step %parallel_loop3A_69  : i32 {
      %parallel_loop3A_232 = arith.constant 0 : i32
      %parallel_loop3A_233 = arith.index_cast %parallel_loop3A_232 : i32 to index
      %parallel_loop3A_234 = arith.index_cast %parallel_loop3A_231 : i32 to index
      %parallel_loop3A_235 = tpu.vector_load %arg6[%parallel_loop3A_233, %parallel_loop3A_234] {strides = array<i32>} : memref<4x400xi32, #tpu.memory_space<vmem>>, vector<1x16xi32>,
      %parallel_loop3A_236 = vector.shape_cast %parallel_loop3A_235 : vector<1x16xi32> to vector<16xi32>
      %parallel_loop3A_237 = arith.addi %parallel_loop3A_236, %get3A_4 : vector<16xi32>
      %parallel_loop3A_238 = arith.constant 0 : i32
      %parallel_loop3A_239 = arith.index_cast %parallel_loop3A_238 : i32 to index
      %parallel_loop3A_240 = arith.index_cast %parallel_loop3A_231 : i32 to index
      %parallel_loop3A_241 = tpu.vector_load %arg6[%parallel_loop3A_239, %parallel_loop3A_240] {strides = array<i32>} : memref<4x400xi32, #tpu.memory_space<vmem>>, vector<1x16xi32>,
      %parallel_loop3A_242 = vector.shape_cast %parallel_loop3A_241 : vector<1x16xi32> to vector<16xi32>
      %parallel_loop3A_243 = vector.shape_cast %parallel_loop3A_237 : vector<16xi32> to vector<1x16xi32>
      tpu.vector_store %arg6[%parallel_loop3A_239, %parallel_loop3A_240], %parallel_loop3A_243 {strides = array<i32>} : memref<4x400xi32, #tpu.memory_space<vmem>>, vector<1x16xi32>,
    } {sc.loop_unroll_factor = 2 : i64, sc.parallel_access}
    %dma_start3A_70 = arith.constant 0 : i32
    %dma_start3A_71 = arith.constant 0 : i32
    %dma_start3A_72 = arith.constant 0 : i32
    %dma_start3A_73 = arith.constant 0 : i32
    %dma_start3A_74 = tpu.memref_slice %arg7[%dma_start3A_71, %dma_start3A_72, %dma_start3A_73] : memref<4x400x64xf32, #tpu.memory_space<vmem>> -> memref<1x400x64xf32, #tpu.memory_space<vmem>>
    %dma_start3A_75 = tpu.memref_squeeze %dma_start3A_74 : memref<1x400x64xf32, #tpu.memory_space<vmem>> -> memref<400x64xf32, #tpu.memory_space<vmem>>
    %dma_start3A_76 = arith.constant 0 : i32
    %dma_start3A_77 = tpu.memref_slice %arg6[%dma_start3A_70, %dma_start3A_76] : memref<4x400xi32, #tpu.memory_space<vmem>> -> memref<1x400xi32, #tpu.memory_space<vmem>>
    %dma_start3A_78 = tpu.memref_squeeze %dma_start3A_77 : memref<1x400xi32, #tpu.memory_space<vmem>> -> memref<400xi32, #tpu.memory_space<vmem>>
    %dma_start3A_79 = arith.constant 0 : i32
    %dma_start3A_80 = arith.constant 0 : i32
    %dma_start3A_81 = tpu.memref_slice %arg3[%dma_start3A_79, %dma_start3A_80] : memref<800000x64xf32, #tpu.memory_space<hbm>> -> memref<800000x64xf32, #tpu.memory_space<hbm>>
    tpu.enqueue_indirect_dma source(%dma_start3A_81 : memref<800000x64xf32, #tpu.memory_space<hbm>>) target(%dma_start3A_75 : memref<400x64xf32, #tpu.memory_space<vmem>>) offsets(%dma_start3A_78 : memref<400xi32, #tpu.memory_space<vmem>>) semaphore(%arg10 : memref<!tpu.dma_semaphore, #tpu.memory_space<semaphore_mem>>)
    %add3A_82 = arith.constant 50 : i32
    %add3A_83 = arith.addi %mul3A_2, %add3A_82 : i32
    %mul3A_84 = arith.constant 8 : i32
    %mul3A_85 = arith.muli %add3A_83, %mul3A_84 : i32
    %dma_wait3A_86 = arith.constant 1 : i32
    %dma_wait3A_87 = arith.constant 0 : i32
    %dma_wait3A_88 = tpu.memref_slice %arg6[%dma_wait3A_86, %dma_wait3A_87] : memref<4x400xi32, #tpu.memory_space<vmem>> -> memref<1x400xi32, #tpu.memory_space<vmem>>
    %dma_wait3A_89 = tpu.memref_squeeze %dma_wait3A_88 : memref<1x400xi32, #tpu.memory_space<vmem>> -> memref<400xi32, #tpu.memory_space<vmem>>
    %dma_wait3A_90 = tpu.memref_slice %arg2[%mul3A_85] : memref<1638400xi32, #tpu.memory_space<hbm>> -> memref<400xi32, #tpu.memory_space<hbm>>
    %dma_wait3A_91 = arith.constant 0 : i32
    %dma_wait3A_92 = tpu.memref_slice %arg6[%dma_wait3A_86, %dma_wait3A_91] : memref<4x400xi32, #tpu.memory_space<vmem>> -> memref<1x400xi32, #tpu.memory_space<vmem>>
    %dma_wait3A_93 = tpu.memref_squeeze %dma_wait3A_92 : memref<1x400xi32, #tpu.memory_space<vmem>> -> memref<400xi32, #tpu.memory_space<vmem>>
    %dma_wait3A_94 = tpu.memref_slice %arg2[%mul3A_85] : memref<1638400xi32, #tpu.memory_space<hbm>> -> memref<400xi32, #tpu.memory_space<hbm>>
    tpu.wait_dma2 semaphore(%arg15 : memref<!tpu.dma_semaphore, #tpu.memory_space<semaphore_mem>>) src(%dma_wait3A_94 : memref<400xi32, #tpu.memory_space<hbm>>) dst(%dma_wait3A_93 : memref<400xi32, #tpu.memory_space<vmem>>)
    %parallel_loop3A_95 = arith.constant 0 : i32
    %parallel_loop3A_96 = arith.constant 400 : i32
    %parallel_loop3A_97 = arith.constant 16 : i32
    scf.for %parallel_loop3A_231 = %parallel_loop3A_95 to %parallel_loop3A_96 step %parallel_loop3A_97  : i32 {
      %parallel_loop3A_232 = arith.constant 1 : i32
      %parallel_loop3A_233 = arith.index_cast %parallel_loop3A_232 : i32 to index
      %parallel_loop3A_234 = arith.index_cast %parallel_loop3A_231 : i32 to index
      %parallel_loop3A_235 = tpu.vector_load %arg6[%parallel_loop3A_233, %parallel_loop3A_234] {strides = array<i32>} : memref<4x400xi32, #tpu.memory_space<vmem>>, vector<1x16xi32>,
      %parallel_loop3A_236 = vector.shape_cast %parallel_loop3A_235 : vector<1x16xi32> to vector<16xi32>
      %parallel_loop3A_237 = arith.addi %parallel_loop3A_236, %get3A_4 : vector<16xi32>
      %parallel_loop3A_238 = arith.constant 1 : i32
      %parallel_loop3A_239 = arith.index_cast %parallel_loop3A_238 : i32 to index
      %parallel_loop3A_240 = arith.index_cast %parallel_loop3A_231 : i32 to index
      %parallel_loop3A_241 = tpu.vector_load %arg6[%parallel_loop3A_239, %parallel_loop3A_240] {strides = array<i32>} : memref<4x400xi32, #tpu.memory_space<vmem>>, vector<1x16xi32>,
      %parallel_loop3A_242 = vector.shape_cast %parallel_loop3A_241 : vector<1x16xi32> to vector<16xi32>
      %parallel_loop3A_243 = vector.shape_cast %parallel_loop3A_237 : vector<16xi32> to vector<1x16xi32>
      tpu.vector_store %arg6[%parallel_loop3A_239, %parallel_loop3A_240], %parallel_loop3A_243 {strides = array<i32>} : memref<4x400xi32, #tpu.memory_space<vmem>>, vector<1x16xi32>,
    } {sc.loop_unroll_factor = 2 : i64, sc.parallel_access}
    %dma_start3A_98 = arith.constant 1 : i32
    %dma_start3A_99 = arith.constant 1 : i32
    %dma_start3A_100 = arith.constant 0 : i32
    %dma_start3A_101 = arith.constant 0 : i32
    %dma_start3A_102 = tpu.memref_slice %arg7[%dma_start3A_99, %dma_start3A_100, %dma_start3A_101] : memref<4x400x64xf32, #tpu.memory_space<vmem>> -> memref<1x400x64xf32, #tpu.memory_space<vmem>>
    %dma_start3A_103 = tpu.memref_squeeze %dma_start3A_102 : memref<1x400x64xf32, #tpu.memory_space<vmem>> -> memref<400x64xf32, #tpu.memory_space<vmem>>
    %dma_start3A_104 = arith.constant 0 : i32
    %dma_start3A_105 = tpu.memref_slice %arg6[%dma_start3A_98, %dma_start3A_104] : memref<4x400xi32, #tpu.memory_space<vmem>> -> memref<1x400xi32, #tpu.memory_space<vmem>>
    %dma_start3A_106 = tpu.memref_squeeze %dma_start3A_105 : memref<1x400xi32, #tpu.memory_space<vmem>> -> memref<400xi32, #tpu.memory_space<vmem>>
    %dma_start3A_107 = arith.constant 0 : i32
    %dma_start3A_108 = arith.constant 0 : i32
    %dma_start3A_109 = tpu.memref_slice %arg3[%dma_start3A_107, %dma_start3A_108] : memref<800000x64xf32, #tpu.memory_space<hbm>> -> memref<800000x64xf32, #tpu.memory_space<hbm>>
    tpu.enqueue_indirect_dma source(%dma_start3A_109 : memref<800000x64xf32, #tpu.memory_space<hbm>>) target(%dma_start3A_103 : memref<400x64xf32, #tpu.memory_space<vmem>>) offsets(%dma_start3A_106 : memref<400xi32, #tpu.memory_space<vmem>>) semaphore(%arg11 : memref<!tpu.dma_semaphore, #tpu.memory_space<semaphore_mem>>)
    %add3A_110 = arith.constant 100 : i32
    %add3A_111 = arith.addi %mul3A_2, %add3A_110 : i32
    %mul3A_112 = arith.constant 8 : i32
    %mul3A_113 = arith.muli %add3A_111, %mul3A_112 : i32
    %dma_wait3A_114 = arith.constant 2 : i32
    %dma_wait3A_115 = arith.constant 0 : i32
    %dma_wait3A_116 = tpu.memref_slice %arg6[%dma_wait3A_114, %dma_wait3A_115] : memref<4x400xi32, #tpu.memory_space<vmem>> -> memref<1x400xi32, #tpu.memory_space<vmem>>
    %dma_wait3A_117 = tpu.memref_squeeze %dma_wait3A_116 : memref<1x400xi32, #tpu.memory_space<vmem>> -> memref<400xi32, #tpu.memory_space<vmem>>
    %dma_wait3A_118 = tpu.memref_slice %arg2[%mul3A_113] : memref<1638400xi32, #tpu.memory_space<hbm>> -> memref<400xi32, #tpu.memory_space<hbm>>
    %dma_wait3A_119 = arith.constant 0 : i32
    %dma_wait3A_120 = tpu.memref_slice %arg6[%dma_wait3A_114, %dma_wait3A_119] : memref<4x400xi32, #tpu.memory_space<vmem>> -> memref<1x400xi32, #tpu.memory_space<vmem>>
    %dma_wait3A_121 = tpu.memref_squeeze %dma_wait3A_120 : memref<1x400xi32, #tpu.memory_space<vmem>> -> memref<400xi32, #tpu.memory_space<vmem>>
    %dma_wait3A_122 = tpu.memref_slice %arg2[%mul3A_113] : memref<1638400xi32, #tpu.memory_space<hbm>> -> memref<400xi32, #tpu.memory_space<hbm>>
    tpu.wait_dma2 semaphore(%arg16 : memref<!tpu.dma_semaphore, #tpu.memory_space<semaphore_mem>>) src(%dma_wait3A_122 : memref<400xi32, #tpu.memory_space<hbm>>) dst(%dma_wait3A_121 : memref<400xi32, #tpu.memory_space<vmem>>)
    %parallel_loop3A_123 = arith.constant 0 : i32
    %parallel_loop3A_124 = arith.constant 400 : i32
    %parallel_loop3A_125 = arith.constant 16 : i32
    scf.for %parallel_loop3A_231 = %parallel_loop3A_123 to %parallel_loop3A_124 step %parallel_loop3A_125  : i32 {
      %parallel_loop3A_232 = arith.constant 2 : i32
      %parallel_loop3A_233 = arith.index_cast %parallel_loop3A_232 : i32 to index
      %parallel_loop3A_234 = arith.index_cast %parallel_loop3A_231 : i32 to index
      %parallel_loop3A_235 = tpu.vector_load %arg6[%parallel_loop3A_233, %parallel_loop3A_234] {strides = array<i32>} : memref<4x400xi32, #tpu.memory_space<vmem>>, vector<1x16xi32>,
      %parallel_loop3A_236 = vector.shape_cast %parallel_loop3A_235 : vector<1x16xi32> to vector<16xi32>
      %parallel_loop3A_237 = arith.addi %parallel_loop3A_236, %get3A_4 : vector<16xi32>
      %parallel_loop3A_238 = arith.constant 2 : i32
      %parallel_loop3A_239 = arith.index_cast %parallel_loop3A_238 : i32 to index
      %parallel_loop3A_240 = arith.index_cast %parallel_loop3A_231 : i32 to index
      %parallel_loop3A_241 = tpu.vector_load %arg6[%parallel_loop3A_239, %parallel_loop3A_240] {strides = array<i32>} : memref<4x400xi32, #tpu.memory_space<vmem>>, vector<1x16xi32>,
      %parallel_loop3A_242 = vector.shape_cast %parallel_loop3A_241 : vector<1x16xi32> to vector<16xi32>
      %parallel_loop3A_243 = vector.shape_cast %parallel_loop3A_237 : vector<16xi32> to vector<1x16xi32>
      tpu.vector_store %arg6[%parallel_loop3A_239, %parallel_loop3A_240], %parallel_loop3A_243 {strides = array<i32>} : memref<4x400xi32, #tpu.memory_space<vmem>>, vector<1x16xi32>,
    } {sc.loop_unroll_factor = 2 : i64, sc.parallel_access}
    %dma_start3A_126 = arith.constant 2 : i32
    %dma_start3A_127 = arith.constant 2 : i32
    %dma_start3A_128 = arith.constant 0 : i32
    %dma_start3A_129 = arith.constant 0 : i32
    %dma_start3A_130 = tpu.memref_slice %arg7[%dma_start3A_127, %dma_start3A_128, %dma_start3A_129] : memref<4x400x64xf32, #tpu.memory_space<vmem>> -> memref<1x400x64xf32, #tpu.memory_space<vmem>>
    %dma_start3A_131 = tpu.memref_squeeze %dma_start3A_130 : memref<1x400x64xf32, #tpu.memory_space<vmem>> -> memref<400x64xf32, #tpu.memory_space<vmem>>
    %dma_start3A_132 = arith.constant 0 : i32
    %dma_start3A_133 = tpu.memref_slice %arg6[%dma_start3A_126, %dma_start3A_132] : memref<4x400xi32, #tpu.memory_space<vmem>> -> memref<1x400xi32, #tpu.memory_space<vmem>>
    %dma_start3A_134 = tpu.memref_squeeze %dma_start3A_133 : memref<1x400xi32, #tpu.memory_space<vmem>> -> memref<400xi32, #tpu.memory_space<vmem>>
    %dma_start3A_135 = arith.constant 0 : i32
    %dma_start3A_136 = arith.constant 0 : i32
    %dma_start3A_137 = tpu.memref_slice %arg3[%dma_start3A_135, %dma_start3A_136] : memref<800000x64xf32, #tpu.memory_space<hbm>> -> memref<800000x64xf32, #tpu.memory_space<hbm>>
    tpu.enqueue_indirect_dma source(%dma_start3A_137 : memref<800000x64xf32, #tpu.memory_space<hbm>>) target(%dma_start3A_131 : memref<400x64xf32, #tpu.memory_space<vmem>>) offsets(%dma_start3A_134 : memref<400xi32, #tpu.memory_space<vmem>>) semaphore(%arg12 : memref<!tpu.dma_semaphore, #tpu.memory_space<semaphore_mem>>)
    %add3A_138 = arith.constant 150 : i32
    %add3A_139 = arith.addi %mul3A_2, %add3A_138 : i32
    %mul3A_140 = arith.constant 8 : i32
    %mul3A_141 = arith.muli %add3A_139, %mul3A_140 : i32
    %dma_wait3A_142 = arith.constant 3 : i32
    %dma_wait3A_143 = arith.constant 0 : i32
    %dma_wait3A_144 = tpu.memref_slice %arg6[%dma_wait3A_142, %dma_wait3A_143] : memref<4x400xi32, #tpu.memory_space<vmem>> -> memref<1x400xi32, #tpu.memory_space<vmem>>
    %dma_wait3A_145 = tpu.memref_squeeze %dma_wait3A_144 : memref<1x400xi32, #tpu.memory_space<vmem>> -> memref<400xi32, #tpu.memory_space<vmem>>
    %dma_wait3A_146 = tpu.memref_slice %arg2[%mul3A_141] : memref<1638400xi32, #tpu.memory_space<hbm>> -> memref<400xi32, #tpu.memory_space<hbm>>
    %dma_wait3A_147 = arith.constant 0 : i32
    %dma_wait3A_148 = tpu.memref_slice %arg6[%dma_wait3A_142, %dma_wait3A_147] : memref<4x400xi32, #tpu.memory_space<vmem>> -> memref<1x400xi32, #tpu.memory_space<vmem>>
    %dma_wait3A_149 = tpu.memref_squeeze %dma_wait3A_148 : memref<1x400xi32, #tpu.memory_space<vmem>> -> memref<400xi32, #tpu.memory_space<vmem>>
    %dma_wait3A_150 = tpu.memref_slice %arg2[%mul3A_141] : memref<1638400xi32, #tpu.memory_space<hbm>> -> memref<400xi32, #tpu.memory_space<hbm>>
    tpu.wait_dma2 semaphore(%arg17 : memref<!tpu.dma_semaphore, #tpu.memory_space<semaphore_mem>>) src(%dma_wait3A_150 : memref<400xi32, #tpu.memory_space<hbm>>) dst(%dma_wait3A_149 : memref<400xi32, #tpu.memory_space<vmem>>)
    %parallel_loop3A_151 = arith.constant 0 : i32
    %parallel_loop3A_152 = arith.constant 400 : i32
    %parallel_loop3A_153 = arith.constant 16 : i32
    scf.for %parallel_loop3A_231 = %parallel_loop3A_151 to %parallel_loop3A_152 step %parallel_loop3A_153  : i32 {
      %parallel_loop3A_232 = arith.constant 3 : i32
      %parallel_loop3A_233 = arith.index_cast %parallel_loop3A_232 : i32 to index
      %parallel_loop3A_234 = arith.index_cast %parallel_loop3A_231 : i32 to index
      %parallel_loop3A_235 = tpu.vector_load %arg6[%parallel_loop3A_233, %parallel_loop3A_234] {strides = array<i32>} : memref<4x400xi32, #tpu.memory_space<vmem>>, vector<1x16xi32>,
      %parallel_loop3A_236 = vector.shape_cast %parallel_loop3A_235 : vector<1x16xi32> to vector<16xi32>
      %parallel_loop3A_237 = arith.addi %parallel_loop3A_236, %get3A_4 : vector<16xi32>
      %parallel_loop3A_238 = arith.constant 3 : i32
      %parallel_loop3A_239 = arith.index_cast %parallel_loop3A_238 : i32 to index
      %parallel_loop3A_240 = arith.index_cast %parallel_loop3A_231 : i32 to index
      %parallel_loop3A_241 = tpu.vector_load %arg6[%parallel_loop3A_239, %parallel_loop3A_240] {strides = array<i32>} : memref<4x400xi32, #tpu.memory_space<vmem>>, vector<1x16xi32>,
      %parallel_loop3A_242 = vector.shape_cast %parallel_loop3A_241 : vector<1x16xi32> to vector<16xi32>
      %parallel_loop3A_243 = vector.shape_cast %parallel_loop3A_237 : vector<16xi32> to vector<1x16xi32>
      tpu.vector_store %arg6[%parallel_loop3A_239, %parallel_loop3A_240], %parallel_loop3A_243 {strides = array<i32>} : memref<4x400xi32, #tpu.memory_space<vmem>>, vector<1x16xi32>,
    } {sc.loop_unroll_factor = 2 : i64, sc.parallel_access}
    %dma_start3A_154 = arith.constant 3 : i32
    %dma_start3A_155 = arith.constant 3 : i32
    %dma_start3A_156 = arith.constant 0 : i32
    %dma_start3A_157 = arith.constant 0 : i32
    %dma_start3A_158 = tpu.memref_slice %arg7[%dma_start3A_155, %dma_start3A_156, %dma_start3A_157] : memref<4x400x64xf32, #tpu.memory_space<vmem>> -> memref<1x400x64xf32, #tpu.memory_space<vmem>>
    %dma_start3A_159 = tpu.memref_squeeze %dma_start3A_158 : memref<1x400x64xf32, #tpu.memory_space<vmem>> -> memref<400x64xf32, #tpu.memory_space<vmem>>
    %dma_start3A_160 = arith.constant 0 : i32
    %dma_start3A_161 = tpu.memref_slice %arg6[%dma_start3A_154, %dma_start3A_160] : memref<4x400xi32, #tpu.memory_space<vmem>> -> memref<1x400xi32, #tpu.memory_space<vmem>>
    %dma_start3A_162 = tpu.memref_squeeze %dma_start3A_161 : memref<1x400xi32, #tpu.memory_space<vmem>> -> memref<400xi32, #tpu.memory_space<vmem>>
    %dma_start3A_163 = arith.constant 0 : i32
    %dma_start3A_164 = arith.constant 0 : i32
    %dma_start3A_165 = tpu.memref_slice %arg3[%dma_start3A_163, %dma_start3A_164] : memref<800000x64xf32, #tpu.memory_space<hbm>> -> memref<800000x64xf32, #tpu.memory_space<hbm>>
    tpu.enqueue_indirect_dma source(%dma_start3A_165 : memref<800000x64xf32, #tpu.memory_space<hbm>>) target(%dma_start3A_159 : memref<400x64xf32, #tpu.memory_space<vmem>>) offsets(%dma_start3A_162 : memref<400xi32, #tpu.memory_space<vmem>>) semaphore(%arg13 : memref<!tpu.dma_semaphore, #tpu.memory_space<semaphore_mem>>)
    %scan3A = arith.constant 0 : i32
    %scan3A_166 = arith.constant 0 : i32
    %scan3A_167 = arith.constant 32 : i32
    %scan3A_168 = arith.addi %scan3A_166, %scan3A_167 : i32
    %scan3A_169 = arith.constant 1 : i32
    scf.for %scan3A_231 = %scan3A_166 to %scan3A_168 step %scan3A_169  : i32 {
      %mul3A_232 = arith.constant 4 : i32
      %mul3A_233 = arith.muli %scan3A_231, %mul3A_232 : i32
      %add3A_234 = arith.constant 0 : i32
      %add3A_235 = arith.addi %mul3A_233, %add3A_234 : i32
      %dma_wait3A_236 = arith.constant 0 : i32
      %dma_wait3A_237 = arith.constant 0 : i32
      %dma_wait3A_238 = arith.constant 0 : i32
      %dma_wait3A_239 = arith.constant 0 : i32
      %dma_wait3A_240 = tpu.memref_slice %arg7[%dma_wait3A_237, %dma_wait3A_238, %dma_wait3A_239] : memref<4x400x64xf32, #tpu.memory_space<vmem>> -> memref<1x400x64xf32, #tpu.memory_space<vmem>>
      %dma_wait3A_241 = tpu.memref_squeeze %dma_wait3A_240 : memref<1x400x64xf32, #tpu.memory_space<vmem>> -> memref<400x64xf32, #tpu.memory_space<vmem>>
      %dma_wait3A_242 = arith.constant 0 : i32
      %dma_wait3A_243 = tpu.memref_slice %arg6[%dma_wait3A_236, %dma_wait3A_242] : memref<4x400xi32, #tpu.memory_space<vmem>> -> memref<1x400xi32, #tpu.memory_space<vmem>>
      %dma_wait3A_244 = tpu.memref_squeeze %dma_wait3A_243 : memref<1x400xi32, #tpu.memory_space<vmem>> -> memref<400xi32, #tpu.memory_space<vmem>>
      %dma_wait3A_245 = arith.constant 0 : i32
      %dma_wait3A_246 = arith.constant 0 : i32
      %dma_wait3A_247 = tpu.memref_slice %arg3[%dma_wait3A_245, %dma_wait3A_246] : memref<800000x64xf32, #tpu.memory_space<hbm>> -> memref<800000x64xf32, #tpu.memory_space<hbm>>
      tpu.wait_indirect_dma semaphore(%arg10 : memref<!tpu.dma_semaphore, #tpu.memory_space<semaphore_mem>>) src(%dma_wait3A_247 : memref<800000x64xf32, #tpu.memory_space<hbm>>) dst(%dma_wait3A_241 : memref<400x64xf32, #tpu.memory_space<vmem>>)
      %add3A_248 = arith.constant 4 : i32
      %add3A_249 = arith.addi %add3A_235, %add3A_248 : i32
      %lt3A = arith.constant 128 : i32
      %lt3A_250 = arith.cmpi slt, %add3A_249, %lt3A : i32
      %convert_element_type3A = arith.extui %lt3A_250 : i1 to i32
      %cond3A = arith.constant 0 : i32
      %cond3A_251 = arith.cmpi ne, %convert_element_type3A, %cond3A : i32
      scf.if %cond3A_251 {
        %add3A_438 = arith.constant 4 : i32
        %add3A_439 = arith.addi %add3A_235, %add3A_438 : i32
        %mul3A_440 = arith.constant 50 : i32
        %mul3A_441 = arith.muli %add3A_439, %mul3A_440 : i32
        %add3A_442 = arith.addi %mul3A_2, %mul3A_441 : i32
        %mul3A_443 = arith.constant 8 : i32
        %mul3A_444 = arith.muli %add3A_442, %mul3A_443 : i32
        %dma_start3A_445 = arith.constant 0 : i32
        %dma_start3A_446 = arith.constant 0 : i32
        %dma_start3A_447 = tpu.memref_slice %arg6[%dma_start3A_445, %dma_start3A_446] : memref<4x400xi32, #tpu.memory_space<vmem>> -> memref<1x400xi32, #tpu.memory_space<vmem>>
        %dma_start3A_448 = tpu.memref_squeeze %dma_start3A_447 : memref<1x400xi32, #tpu.memory_space<vmem>> -> memref<400xi32, #tpu.memory_space<vmem>>
        %dma_start3A_449 = tpu.memref_slice %arg2[%mul3A_444] : memref<1638400xi32, #tpu.memory_space<hbm>> -> memref<400xi32, #tpu.memory_space<hbm>>
        %dma_start3A_450 = arith.constant 0 : i32
        %dma_start3A_451 = tpu.memref_slice %arg6[%dma_start3A_445, %dma_start3A_450] : memref<4x400xi32, #tpu.memory_space<vmem>> -> memref<1x400xi32, #tpu.memory_space<vmem>>
        %dma_start3A_452 = tpu.memref_squeeze %dma_start3A_451 : memref<1x400xi32, #tpu.memory_space<vmem>> -> memref<400xi32, #tpu.memory_space<vmem>>
        %dma_start3A_453 = tpu.memref_slice %arg2[%mul3A_444] : memref<1638400xi32, #tpu.memory_space<hbm>> -> memref<400xi32, #tpu.memory_space<hbm>>
        tpu.enqueue_dma source(%dma_start3A_453 : memref<400xi32, #tpu.memory_space<hbm>>) target(%dma_start3A_452 : memref<400xi32, #tpu.memory_space<vmem>>) target_semaphore(%arg14 : memref<!tpu.dma_semaphore, #tpu.memory_space<semaphore_mem>>)
      } else {
      }
      %ge3A = arith.constant 4 : i32
      %ge3A_252 = arith.cmpi sge, %add3A_235, %ge3A : i32
      %convert_element_type3A_253 = arith.extui %ge3A_252 : i1 to i32
      %cond3A_254 = arith.constant 0 : i32
      %cond3A_255 = arith.cmpi ne, %convert_element_type3A_253, %cond3A_254 : i32
      scf.if %cond3A_255 {
        %mul3A_438 = arith.constant 50 : i32
        %mul3A_439 = arith.muli %add3A_235, %mul3A_438 : i32
        %add3A_440 = arith.addi %mul3A_2, %mul3A_439 : i32
        %dma_wait3A_441 = arith.constant 0 : i32
        %dma_wait3A_442 = arith.constant 0 : i32
        %dma_wait3A_443 = arith.constant 0 : i32
        %dma_wait3A_444 = tpu.memref_slice %arg8[%dma_wait3A_441, %dma_wait3A_442, %dma_wait3A_443] : memref<4x50x64xf32, #tpu.memory_space<vmem>> -> memref<1x50x64xf32, #tpu.memory_space<vmem>>
        %dma_wait3A_445 = tpu.memref_squeeze %dma_wait3A_444 : memref<1x50x64xf32, #tpu.memory_space<vmem>> -> memref<50x64xf32, #tpu.memory_space<vmem>>
        %dma_wait3A_446 = arith.constant 0 : i32
        %dma_wait3A_447 = tpu.memref_slice %arg5[%add3A_440, %dma_wait3A_446] : memref<204800x64xf32, #tpu.memory_space<hbm>> -> memref<50x64xf32, #tpu.memory_space<hbm>>
        %dma_wait3A_448 = arith.constant 0 : i32
        %dma_wait3A_449 = tpu.memref_slice %arg5[%add3A_440, %dma_wait3A_448] : memref<204800x64xf32, #tpu.memory_space<hbm>> -> memref<50x64xf32, #tpu.memory_space<hbm>>
        %dma_wait3A_450 = arith.constant 0 : i32
        %dma_wait3A_451 = arith.constant 0 : i32
        %dma_wait3A_452 = tpu.memref_slice %arg8[%dma_wait3A_441, %dma_wait3A_450, %dma_wait3A_451] : memref<4x50x64xf32, #tpu.memory_space<vmem>> -> memref<1x50x64xf32, #tpu.memory_space<vmem>>
        %dma_wait3A_453 = tpu.memref_squeeze %dma_wait3A_452 : memref<1x50x64xf32, #tpu.memory_space<vmem>> -> memref<50x64xf32, #tpu.memory_space<vmem>>
        tpu.wait_dma2 semaphore(%arg18 : memref<!tpu.dma_semaphore, #tpu.memory_space<semaphore_mem>>) src(%dma_wait3A_453 : memref<50x64xf32, #tpu.memory_space<vmem>>) dst(%dma_wait3A_449 : memref<50x64xf32, #tpu.memory_space<hbm>>)
      } else {
      }
      %parallel_loop3A_256 = arith.constant 0 : i32
      %parallel_loop3A_257 = arith.constant 50 : i32
      %parallel_loop3A_258 = arith.constant 1 : i32
      scf.for %parallel_loop3A_438 = %parallel_loop3A_256 to %parallel_loop3A_257 step %parallel_loop3A_258  : i32 {
        %parallel_loop3A_439 = arith.constant 8 : i32
        %parallel_loop3A_440 = arith.muli %parallel_loop3A_438, %parallel_loop3A_439 : i32
        %parallel_loop3A_441 = arith.constant 0 : i32
        %parallel_loop3A_442 = arith.addi %parallel_loop3A_440, %parallel_loop3A_441 : i32
        %parallel_loop3A_443 = arith.constant 0 : i32
        %parallel_loop3A_444 = arith.index_cast %parallel_loop3A_443 : i32 to index
        %parallel_loop3A_445 = arith.index_cast %parallel_loop3A_442 : i32 to index
        %parallel_loop3A_446 = arith.constant 0 : index
        %parallel_loop3A_447 = tpu.vector_load %arg7[%parallel_loop3A_444, %parallel_loop3A_445, %parallel_loop3A_446] {strides = array<i32>} : memref<4x400x64xf32, #tpu.memory_space<vmem>>, vector<1x1x16xf32>,
        %parallel_loop3A_448 = vector.shape_cast %parallel_loop3A_447 : vector<1x1x16xf32> to vector<16xf32>
        %parallel_loop3A_449 = arith.constant 1 : i32
        %parallel_loop3A_450 = arith.addi %parallel_loop3A_440, %parallel_loop3A_449 : i32
        %parallel_loop3A_451 = arith.constant 0 : i32
        %parallel_loop3A_452 = arith.index_cast %parallel_loop3A_451 : i32 to index
        %parallel_loop3A_453 = arith.index_cast %parallel_loop3A_450 : i32 to index
        %parallel_loop3A_454 = arith.constant 0 : index
        %parallel_loop3A_455 = tpu.vector_load %arg7[%parallel_loop3A_452, %parallel_loop3A_453, %parallel_loop3A_454] {strides = array<i32>} : memref<4x400x64xf32, #tpu.memory_space<vmem>>, vector<1x1x16xf32>,
        %parallel_loop3A_456 = vector.shape_cast %parallel_loop3A_455 : vector<1x1x16xf32> to vector<16xf32>
        %parallel_loop3A_457 = arith.constant 2 : i32
        %parallel_loop3A_458 = arith.addi %parallel_loop3A_440, %parallel_loop3A_457 : i32
        %parallel_loop3A_459 = arith.constant 0 : i32
        %parallel_loop3A_460 = arith.index_cast %parallel_loop3A_459 : i32 to index
        %parallel_loop3A_461 = arith.index_cast %parallel_loop3A_458 : i32 to index
        %parallel_loop3A_462 = arith.constant 0 : index
        %parallel_loop3A_463 = tpu.vector_load %arg7[%parallel_loop3A_460, %parallel_loop3A_461, %parallel_loop3A_462] {strides = array<i32>} : memref<4x400x64xf32, #tpu.memory_space<vmem>>, vector<1x1x16xf32>,
        %parallel_loop3A_464 = vector.shape_cast %parallel_loop3A_463 : vector<1x1x16xf32> to vector<16xf32>
        %parallel_loop3A_465 = arith.constant 3 : i32
        %parallel_loop3A_466 = arith.addi %parallel_loop3A_440, %parallel_loop3A_465 : i32
        %parallel_loop3A_467 = arith.constant 0 : i32
        %parallel_loop3A_468 = arith.index_cast %parallel_loop3A_467 : i32 to index
        %parallel_loop3A_469 = arith.index_cast %parallel_loop3A_466 : i32 to index
        %parallel_loop3A_470 = arith.constant 0 : index
        %parallel_loop3A_471 = tpu.vector_load %arg7[%parallel_loop3A_468, %parallel_loop3A_469, %parallel_loop3A_470] {strides = array<i32>} : memref<4x400x64xf32, #tpu.memory_space<vmem>>, vector<1x1x16xf32>,
        %parallel_loop3A_472 = vector.shape_cast %parallel_loop3A_471 : vector<1x1x16xf32> to vector<16xf32>
        %parallel_loop3A_473 = arith.constant 4 : i32
        %parallel_loop3A_474 = arith.addi %parallel_loop3A_440, %parallel_loop3A_473 : i32
        %parallel_loop3A_475 = arith.constant 0 : i32
        %parallel_loop3A_476 = arith.index_cast %parallel_loop3A_475 : i32 to index
        %parallel_loop3A_477 = arith.index_cast %parallel_loop3A_474 : i32 to index
        %parallel_loop3A_478 = arith.constant 0 : index
        %parallel_loop3A_479 = tpu.vector_load %arg7[%parallel_loop3A_476, %parallel_loop3A_477, %parallel_loop3A_478] {strides = array<i32>} : memref<4x400x64xf32, #tpu.memory_space<vmem>>, vector<1x1x16xf32>,
        %parallel_loop3A_480 = vector.shape_cast %parallel_loop3A_479 : vector<1x1x16xf32> to vector<16xf32>
        %parallel_loop3A_481 = arith.constant 5 : i32
        %parallel_loop3A_482 = arith.addi %parallel_loop3A_440, %parallel_loop3A_481 : i32
        %parallel_loop3A_483 = arith.constant 0 : i32
        %parallel_loop3A_484 = arith.index_cast %parallel_loop3A_483 : i32 to index
        %parallel_loop3A_485 = arith.index_cast %parallel_loop3A_482 : i32 to index
        %parallel_loop3A_486 = arith.constant 0 : index
        %parallel_loop3A_487 = tpu.vector_load %arg7[%parallel_loop3A_484, %parallel_loop3A_485, %parallel_loop3A_486] {strides = array<i32>} : memref<4x400x64xf32, #tpu.memory_space<vmem>>, vector<1x1x16xf32>,
        %parallel_loop3A_488 = vector.shape_cast %parallel_loop3A_487 : vector<1x1x16xf32> to vector<16xf32>
        %parallel_loop3A_489 = arith.constant 6 : i32
        %parallel_loop3A_490 = arith.addi %parallel_loop3A_440, %parallel_loop3A_489 : i32
        %parallel_loop3A_491 = arith.constant 0 : i32
        %parallel_loop3A_492 = arith.index_cast %parallel_loop3A_491 : i32 to index
        %parallel_loop3A_493 = arith.index_cast %parallel_loop3A_490 : i32 to index
        %parallel_loop3A_494 = arith.constant 0 : index
        %parallel_loop3A_495 = tpu.vector_load %arg7[%parallel_loop3A_492, %parallel_loop3A_493, %parallel_loop3A_494] {strides = array<i32>} : memref<4x400x64xf32, #tpu.memory_space<vmem>>, vector<1x1x16xf32>,
        %parallel_loop3A_496 = vector.shape_cast %parallel_loop3A_495 : vector<1x1x16xf32> to vector<16xf32>
        %parallel_loop3A_497 = arith.constant 7 : i32
        %parallel_loop3A_498 = arith.addi %parallel_loop3A_440, %parallel_loop3A_497 : i32
        %parallel_loop3A_499 = arith.constant 0 : i32
        %parallel_loop3A_500 = arith.index_cast %parallel_loop3A_499 : i32 to index
        %parallel_loop3A_501 = arith.index_cast %parallel_loop3A_498 : i32 to index
        %parallel_loop3A_502 = arith.constant 0 : index
        %parallel_loop3A_503 = tpu.vector_load %arg7[%parallel_loop3A_500, %parallel_loop3A_501, %parallel_loop3A_502] {strides = array<i32>} : memref<4x400x64xf32, #tpu.memory_space<vmem>>, vector<1x1x16xf32>,
        %parallel_loop3A_504 = vector.shape_cast %parallel_loop3A_503 : vector<1x1x16xf32> to vector<16xf32>
        %parallel_loop3A_505 = arith.addf %parallel_loop3A_448, %parallel_loop3A_456 : vector<16xf32>
        %parallel_loop3A_506 = arith.addf %parallel_loop3A_464, %parallel_loop3A_472 : vector<16xf32>
        %parallel_loop3A_507 = arith.addf %parallel_loop3A_480, %parallel_loop3A_488 : vector<16xf32>
        %parallel_loop3A_508 = arith.addf %parallel_loop3A_496, %parallel_loop3A_504 : vector<16xf32>
        %parallel_loop3A_509 = arith.addf %parallel_loop3A_505, %parallel_loop3A_506 : vector<16xf32>
        %parallel_loop3A_510 = arith.addf %parallel_loop3A_507, %parallel_loop3A_508 : vector<16xf32>
        %parallel_loop3A_511 = arith.addf %parallel_loop3A_509, %parallel_loop3A_510 : vector<16xf32>
        %parallel_loop3A_512 = arith.constant 0 : i32
        %parallel_loop3A_513 = arith.index_cast %parallel_loop3A_512 : i32 to index
        %parallel_loop3A_514 = arith.index_cast %parallel_loop3A_438 : i32 to index
        %parallel_loop3A_515 = arith.constant 0 : index
        %parallel_loop3A_516 = tpu.vector_load %arg8[%parallel_loop3A_513, %parallel_loop3A_514, %parallel_loop3A_515] {strides = array<i32>} : memref<4x50x64xf32, #tpu.memory_space<vmem>>, vector<1x1x16xf32>,
        %parallel_loop3A_517 = vector.shape_cast %parallel_loop3A_516 : vector<1x1x16xf32> to vector<16xf32>
        %parallel_loop3A_518 = vector.shape_cast %parallel_loop3A_511 : vector<16xf32> to vector<1x1x16xf32>
        tpu.vector_store %arg8[%parallel_loop3A_513, %parallel_loop3A_514, %parallel_loop3A_515], %parallel_loop3A_518 {strides = array<i32>} : memref<4x50x64xf32, #tpu.memory_space<vmem>>, vector<1x1x16xf32>,
        %parallel_loop3A_519 = arith.constant 0 : i32
        %parallel_loop3A_520 = arith.addi %parallel_loop3A_440, %parallel_loop3A_519 : i32
        %parallel_loop3A_521 = arith.constant 0 : i32
        %parallel_loop3A_522 = arith.index_cast %parallel_loop3A_521 : i32 to index
        %parallel_loop3A_523 = arith.index_cast %parallel_loop3A_520 : i32 to index
        %parallel_loop3A_524 = arith.constant 16 : index
        %parallel_loop3A_525 = tpu.vector_load %arg7[%parallel_loop3A_522, %parallel_loop3A_523, %parallel_loop3A_524] {strides = array<i32>} : memref<4x400x64xf32, #tpu.memory_space<vmem>>, vector<1x1x16xf32>,
        %parallel_loop3A_526 = vector.shape_cast %parallel_loop3A_525 : vector<1x1x16xf32> to vector<16xf32>
        %parallel_loop3A_527 = arith.constant 1 : i32
        %parallel_loop3A_528 = arith.addi %parallel_loop3A_440, %parallel_loop3A_527 : i32
        %parallel_loop3A_529 = arith.constant 0 : i32
        %parallel_loop3A_530 = arith.index_cast %parallel_loop3A_529 : i32 to index
        %parallel_loop3A_531 = arith.index_cast %parallel_loop3A_528 : i32 to index
        %parallel_loop3A_532 = arith.constant 16 : index
        %parallel_loop3A_533 = tpu.vector_load %arg7[%parallel_loop3A_530, %parallel_loop3A_531, %parallel_loop3A_532] {strides = array<i32>} : memref<4x400x64xf32, #tpu.memory_space<vmem>>, vector<1x1x16xf32>,
        %parallel_loop3A_534 = vector.shape_cast %parallel_loop3A_533 : vector<1x1x16xf32> to vector<16xf32>
        %parallel_loop3A_535 = arith.constant 2 : i32
        %parallel_loop3A_536 = arith.addi %parallel_loop3A_440, %parallel_loop3A_535 : i32
        %parallel_loop3A_537 = arith.constant 0 : i32
        %parallel_loop3A_538 = arith.index_cast %parallel_loop3A_537 : i32 to index
        %parallel_loop3A_539 = arith.index_cast %parallel_loop3A_536 : i32 to index
        %parallel_loop3A_540 = arith.constant 16 : index
        %parallel_loop3A_541 = tpu.vector_load %arg7[%parallel_loop3A_538, %parallel_loop3A_539, %parallel_loop3A_540] {strides = array<i32>} : memref<4x400x64xf32, #tpu.memory_space<vmem>>, vector<1x1x16xf32>,
        %parallel_loop3A_542 = vector.shape_cast %parallel_loop3A_541 : vector<1x1x16xf32> to vector<16xf32>
        %parallel_loop3A_543 = arith.constant 3 : i32
        %parallel_loop3A_544 = arith.addi %parallel_loop3A_440, %parallel_loop3A_543 : i32
        %parallel_loop3A_545 = arith.constant 0 : i32
        %parallel_loop3A_546 = arith.index_cast %parallel_loop3A_545 : i32 to index
        %parallel_loop3A_547 = arith.index_cast %parallel_loop3A_544 : i32 to index
        %parallel_loop3A_548 = arith.constant 16 : index
        %parallel_loop3A_549 = tpu.vector_load %arg7[%parallel_loop3A_546, %parallel_loop3A_547, %parallel_loop3A_548] {strides = array<i32>} : memref<4x400x64xf32, #tpu.memory_space<vmem>>, vector<1x1x16xf32>,
        %parallel_loop3A_550 = vector.shape_cast %parallel_loop3A_549 : vector<1x1x16xf32> to vector<16xf32>
        %parallel_loop3A_551 = arith.constant 4 : i32
        %parallel_loop3A_552 = arith.addi %parallel_loop3A_440, %parallel_loop3A_551 : i32
        %parallel_loop3A_553 = arith.constant 0 : i32
        %parallel_loop3A_554 = arith.index_cast %parallel_loop3A_553 : i32 to index
        %parallel_loop3A_555 = arith.index_cast %parallel_loop3A_552 : i32 to index
        %parallel_loop3A_556 = arith.constant 16 : index
        %parallel_loop3A_557 = tpu.vector_load %arg7[%parallel_loop3A_554, %parallel_loop3A_555, %parallel_loop3A_556] {strides = array<i32>} : memref<4x400x64xf32, #tpu.memory_space<vmem>>, vector<1x1x16xf32>,
        %parallel_loop3A_558 = vector.shape_cast %parallel_loop3A_557 : vector<1x1x16xf32> to vector<16xf32>
        %parallel_loop3A_559 = arith.constant 5 : i32
        %parallel_loop3A_560 = arith.addi %parallel_loop3A_440, %parallel_loop3A_559 : i32
        %parallel_loop3A_561 = arith.constant 0 : i32
        %parallel_loop3A_562 = arith.index_cast %parallel_loop3A_561 : i32 to index
        %parallel_loop3A_563 = arith.index_cast %parallel_loop3A_560 : i32 to index
        %parallel_loop3A_564 = arith.constant 16 : index
        %parallel_loop3A_565 = tpu.vector_load %arg7[%parallel_loop3A_562, %parallel_loop3A_563, %parallel_loop3A_564] {strides = array<i32>} : memref<4x400x64xf32, #tpu.memory_space<vmem>>, vector<1x1x16xf32>,
        %parallel_loop3A_566 = vector.shape_cast %parallel_loop3A_565 : vector<1x1x16xf32> to vector<16xf32>
        %parallel_loop3A_567 = arith.constant 6 : i32
        %parallel_loop3A_568 = arith.addi %parallel_loop3A_440, %parallel_loop3A_567 : i32
        %parallel_loop3A_569 = arith.constant 0 : i32
        %parallel_loop3A_570 = arith.index_cast %parallel_loop3A_569 : i32 to index
        %parallel_loop3A_571 = arith.index_cast %parallel_loop3A_568 : i32 to index
        %parallel_loop3A_572 = arith.constant 16 : index
        %parallel_loop3A_573 = tpu.vector_load %arg7[%parallel_loop3A_570, %parallel_loop3A_571, %parallel_loop3A_572] {strides = array<i32>} : memref<4x400x64xf32, #tpu.memory_space<vmem>>, vector<1x1x16xf32>,
        %parallel_loop3A_574 = vector.shape_cast %parallel_loop3A_573 : vector<1x1x16xf32> to vector<16xf32>
        %parallel_loop3A_575 = arith.constant 7 : i32
        %parallel_loop3A_576 = arith.addi %parallel_loop3A_440, %parallel_loop3A_575 : i32
        %parallel_loop3A_577 = arith.constant 0 : i32
        %parallel_loop3A_578 = arith.index_cast %parallel_loop3A_577 : i32 to index
        %parallel_loop3A_579 = arith.index_cast %parallel_loop3A_576 : i32 to index
        %parallel_loop3A_580 = arith.constant 16 : index
        %parallel_loop3A_581 = tpu.vector_load %arg7[%parallel_loop3A_578, %parallel_loop3A_579, %parallel_loop3A_580] {strides = array<i32>} : memref<4x400x64xf32, #tpu.memory_space<vmem>>, vector<1x1x16xf32>,
        %parallel_loop3A_582 = vector.shape_cast %parallel_loop3A_581 : vector<1x1x16xf32> to vector<16xf32>
        %parallel_loop3A_583 = arith.addf %parallel_loop3A_526, %parallel_loop3A_534 : vector<16xf32>
        %parallel_loop3A_584 = arith.addf %parallel_loop3A_542, %parallel_loop3A_550 : vector<16xf32>
        %parallel_loop3A_585 = arith.addf %parallel_loop3A_558, %parallel_loop3A_566 : vector<16xf32>
        %parallel_loop3A_586 = arith.addf %parallel_loop3A_574, %parallel_loop3A_582 : vector<16xf32>
        %parallel_loop3A_587 = arith.addf %parallel_loop3A_583, %parallel_loop3A_584 : vector<16xf32>
        %parallel_loop3A_588 = arith.addf %parallel_loop3A_585, %parallel_loop3A_586 : vector<16xf32>
        %parallel_loop3A_589 = arith.addf %parallel_loop3A_587, %parallel_loop3A_588 : vector<16xf32>
        %parallel_loop3A_590 = arith.constant 0 : i32
        %parallel_loop3A_591 = arith.index_cast %parallel_loop3A_590 : i32 to index
        %parallel_loop3A_592 = arith.index_cast %parallel_loop3A_438 : i32 to index
        %parallel_loop3A_593 = arith.constant 16 : index
        %parallel_loop3A_594 = tpu.vector_load %arg8[%parallel_loop3A_591, %parallel_loop3A_592, %parallel_loop3A_593] {strides = array<i32>} : memref<4x50x64xf32, #tpu.memory_space<vmem>>, vector<1x1x16xf32>,
        %parallel_loop3A_595 = vector.shape_cast %parallel_loop3A_594 : vector<1x1x16xf32> to vector<16xf32>
        %parallel_loop3A_596 = vector.shape_cast %parallel_loop3A_589 : vector<16xf32> to vector<1x1x16xf32>
        tpu.vector_store %arg8[%parallel_loop3A_591, %parallel_loop3A_592, %parallel_loop3A_593], %parallel_loop3A_596 {strides = array<i32>} : memref<4x50x64xf32, #tpu.memory_space<vmem>>, vector<1x1x16xf32>,
        %parallel_loop3A_597 = arith.constant 0 : i32
        %parallel_loop3A_598 = arith.addi %parallel_loop3A_440, %parallel_loop3A_597 : i32
        %parallel_loop3A_599 = arith.constant 0 : i32
        %parallel_loop3A_600 = arith.index_cast %parallel_loop3A_599 : i32 to index
        %parallel_loop3A_601 = arith.index_cast %parallel_loop3A_598 : i32 to index
        %parallel_loop3A_602 = arith.constant 32 : index
        %parallel_loop3A_603 = tpu.vector_load %arg7[%parallel_loop3A_600, %parallel_loop3A_601, %parallel_loop3A_602] {strides = array<i32>} : memref<4x400x64xf32, #tpu.memory_space<vmem>>, vector<1x1x16xf32>,
        %parallel_loop3A_604 = vector.shape_cast %parallel_loop3A_603 : vector<1x1x16xf32> to vector<16xf32>
        %parallel_loop3A_605 = arith.constant 1 : i32
        %parallel_loop3A_606 = arith.addi %parallel_loop3A_440, %parallel_loop3A_605 : i32
        %parallel_loop3A_607 = arith.constant 0 : i32
        %parallel_loop3A_608 = arith.index_cast %parallel_loop3A_607 : i32 to index
        %parallel_loop3A_609 = arith.index_cast %parallel_loop3A_606 : i32 to index
        %parallel_loop3A_610 = arith.constant 32 : index
        %parallel_loop3A_611 = tpu.vector_load %arg7[%parallel_loop3A_608, %parallel_loop3A_609, %parallel_loop3A_610] {strides = array<i32>} : memref<4x400x64xf32, #tpu.memory_space<vmem>>, vector<1x1x16xf32>,
        %parallel_loop3A_612 = vector.shape_cast %parallel_loop3A_611 : vector<1x1x16xf32> to vector<16xf32>
        %parallel_loop3A_613 = arith.constant 2 : i32
        %parallel_loop3A_614 = arith.addi %parallel_loop3A_440, %parallel_loop3A_613 : i32
        %parallel_loop3A_615 = arith.constant 0 : i32
        %parallel_loop3A_616 = arith.index_cast %parallel_loop3A_615 : i32 to index
        %parallel_loop3A_617 = arith.index_cast %parallel_loop3A_614 : i32 to index
        %parallel_loop3A_618 = arith.constant 32 : index
        %parallel_loop3A_619 = tpu.vector_load %arg7[%parallel_loop3A_616, %parallel_loop3A_617, %parallel_loop3A_618] {strides = array<i32>} : memref<4x400x64xf32, #tpu.memory_space<vmem>>, vector<1x1x16xf32>,
        %parallel_loop3A_620 = vector.shape_cast %parallel_loop3A_619 : vector<1x1x16xf32> to vector<16xf32>
        %parallel_loop3A_621 = arith.constant 3 : i32
        %parallel_loop3A_622 = arith.addi %parallel_loop3A_440, %parallel_loop3A_621 : i32
        %parallel_loop3A_623 = arith.constant 0 : i32
        %parallel_loop3A_624 = arith.index_cast %parallel_loop3A_623 : i32 to index
        %parallel_loop3A_625 = arith.index_cast %parallel_loop3A_622 : i32 to index
        %parallel_loop3A_626 = arith.constant 32 : index
        %parallel_loop3A_627 = tpu.vector_load %arg7[%parallel_loop3A_624, %parallel_loop3A_625, %parallel_loop3A_626] {strides = array<i32>} : memref<4x400x64xf32, #tpu.memory_space<vmem>>, vector<1x1x16xf32>,
        %parallel_loop3A_628 = vector.shape_cast %parallel_loop3A_627 : vector<1x1x16xf32> to vector<16xf32>
        %parallel_loop3A_629 = arith.constant 4 : i32
        %parallel_loop3A_630 = arith.addi %parallel_loop3A_440, %parallel_loop3A_629 : i32
        %parallel_loop3A_631 = arith.constant 0 : i32
        %parallel_loop3A_632 = arith.index_cast %parallel_loop3A_631 : i32 to index
        %parallel_loop3A_633 = arith.index_cast %parallel_loop3A_630 : i32 to index
        %parallel_loop3A_634 = arith.constant 32 : index
        %parallel_loop3A_635 = tpu.vector_load %arg7[%parallel_loop3A_632, %parallel_loop3A_633, %parallel_loop3A_634] {strides = array<i32>} : memref<4x400x64xf32, #tpu.memory_space<vmem>>, vector<1x1x16xf32>,
        %parallel_loop3A_636 = vector.shape_cast %parallel_loop3A_635 : vector<1x1x16xf32> to vector<16xf32>
        %parallel_loop3A_637 = arith.constant 5 : i32
        %parallel_loop3A_638 = arith.addi %parallel_loop3A_440, %parallel_loop3A_637 : i32
        %parallel_loop3A_639 = arith.constant 0 : i32
        %parallel_loop3A_640 = arith.index_cast %parallel_loop3A_639 : i32 to index
        %parallel_loop3A_641 = arith.index_cast %parallel_loop3A_638 : i32 to index
        %parallel_loop3A_642 = arith.constant 32 : index
        %parallel_loop3A_643 = tpu.vector_load %arg7[%parallel_loop3A_640, %parallel_loop3A_641, %parallel_loop3A_642] {strides = array<i32>} : memref<4x400x64xf32, #tpu.memory_space<vmem>>, vector<1x1x16xf32>,
        %parallel_loop3A_644 = vector.shape_cast %parallel_loop3A_643 : vector<1x1x16xf32> to vector<16xf32>
        %parallel_loop3A_645 = arith.constant 6 : i32
        %parallel_loop3A_646 = arith.addi %parallel_loop3A_440, %parallel_loop3A_645 : i32
        %parallel_loop3A_647 = arith.constant 0 : i32
        %parallel_loop3A_648 = arith.index_cast %parallel_loop3A_647 : i32 to index
        %parallel_loop3A_649 = arith.index_cast %parallel_loop3A_646 : i32 to index
        %parallel_loop3A_650 = arith.constant 32 : index
        %parallel_loop3A_651 = tpu.vector_load %arg7[%parallel_loop3A_648, %parallel_loop3A_649, %parallel_loop3A_650] {strides = array<i32>} : memref<4x400x64xf32, #tpu.memory_space<vmem>>, vector<1x1x16xf32>,
        %parallel_loop3A_652 = vector.shape_cast %parallel_loop3A_651 : vector<1x1x16xf32> to vector<16xf32>
        %parallel_loop3A_653 = arith.constant 7 : i32
        %parallel_loop3A_654 = arith.addi %parallel_loop3A_440, %parallel_loop3A_653 : i32
        %parallel_loop3A_655 = arith.constant 0 : i32
        %parallel_loop3A_656 = arith.index_cast %parallel_loop3A_655 : i32 to index
        %parallel_loop3A_657 = arith.index_cast %parallel_loop3A_654 : i32 to index
        %parallel_loop3A_658 = arith.constant 32 : index
        %parallel_loop3A_659 = tpu.vector_load %arg7[%parallel_loop3A_656, %parallel_loop3A_657, %parallel_loop3A_658] {strides = array<i32>} : memref<4x400x64xf32, #tpu.memory_space<vmem>>, vector<1x1x16xf32>,
        %parallel_loop3A_660 = vector.shape_cast %parallel_loop3A_659 : vector<1x1x16xf32> to vector<16xf32>
        %parallel_loop3A_661 = arith.addf %parallel_loop3A_604, %parallel_loop3A_612 : vector<16xf32>
        %parallel_loop3A_662 = arith.addf %parallel_loop3A_620, %parallel_loop3A_628 : vector<16xf32>
        %parallel_loop3A_663 = arith.addf %parallel_loop3A_636, %parallel_loop3A_644 : vector<16xf32>
        %parallel_loop3A_664 = arith.addf %parallel_loop3A_652, %parallel_loop3A_660 : vector<16xf32>
        %parallel_loop3A_665 = arith.addf %parallel_loop3A_661, %parallel_loop3A_662 : vector<16xf32>
        %parallel_loop3A_666 = arith.addf %parallel_loop3A_663, %parallel_loop3A_664 : vector<16xf32>
        %parallel_loop3A_667 = arith.addf %parallel_loop3A_665, %parallel_loop3A_666 : vector<16xf32>
        %parallel_loop3A_668 = arith.constant 0 : i32
        %parallel_loop3A_669 = arith.index_cast %parallel_loop3A_668 : i32 to index
        %parallel_loop3A_670 = arith.index_cast %parallel_loop3A_438 : i32 to index
        %parallel_loop3A_671 = arith.constant 32 : index
        %parallel_loop3A_672 = tpu.vector_load %arg8[%parallel_loop3A_669, %parallel_loop3A_670, %parallel_loop3A_671] {strides = array<i32>} : memref<4x50x64xf32, #tpu.memory_space<vmem>>, vector<1x1x16xf32>,
        %parallel_loop3A_673 = vector.shape_cast %parallel_loop3A_672 : vector<1x1x16xf32> to vector<16xf32>
        %parallel_loop3A_674 = vector.shape_cast %parallel_loop3A_667 : vector<16xf32> to vector<1x1x16xf32>
        tpu.vector_store %arg8[%parallel_loop3A_669, %parallel_loop3A_670, %parallel_loop3A_671], %parallel_loop3A_674 {strides = array<i32>} : memref<4x50x64xf32, #tpu.memory_space<vmem>>, vector<1x1x16xf32>,
        %parallel_loop3A_675 = arith.constant 0 : i32
        %parallel_loop3A_676 = arith.addi %parallel_loop3A_440, %parallel_loop3A_675 : i32
        %parallel_loop3A_677 = arith.constant 0 : i32
        %parallel_loop3A_678 = arith.index_cast %parallel_loop3A_677 : i32 to index
        %parallel_loop3A_679 = arith.index_cast %parallel_loop3A_676 : i32 to index
        %parallel_loop3A_680 = arith.constant 48 : index
        %parallel_loop3A_681 = tpu.vector_load %arg7[%parallel_loop3A_678, %parallel_loop3A_679, %parallel_loop3A_680] {strides = array<i32>} : memref<4x400x64xf32, #tpu.memory_space<vmem>>, vector<1x1x16xf32>,
        %parallel_loop3A_682 = vector.shape_cast %parallel_loop3A_681 : vector<1x1x16xf32> to vector<16xf32>
        %parallel_loop3A_683 = arith.constant 1 : i32
        %parallel_loop3A_684 = arith.addi %parallel_loop3A_440, %parallel_loop3A_683 : i32
        %parallel_loop3A_685 = arith.constant 0 : i32
        %parallel_loop3A_686 = arith.index_cast %parallel_loop3A_685 : i32 to index
        %parallel_loop3A_687 = arith.index_cast %parallel_loop3A_684 : i32 to index
        %parallel_loop3A_688 = arith.constant 48 : index
        %parallel_loop3A_689 = tpu.vector_load %arg7[%parallel_loop3A_686, %parallel_loop3A_687, %parallel_loop3A_688] {strides = array<i32>} : memref<4x400x64xf32, #tpu.memory_space<vmem>>, vector<1x1x16xf32>,
        %parallel_loop3A_690 = vector.shape_cast %parallel_loop3A_689 : vector<1x1x16xf32> to vector<16xf32>
        %parallel_loop3A_691 = arith.constant 2 : i32
        %parallel_loop3A_692 = arith.addi %parallel_loop3A_440, %parallel_loop3A_691 : i32
        %parallel_loop3A_693 = arith.constant 0 : i32
        %parallel_loop3A_694 = arith.index_cast %parallel_loop3A_693 : i32 to index
        %parallel_loop3A_695 = arith.index_cast %parallel_loop3A_692 : i32 to index
        %parallel_loop3A_696 = arith.constant 48 : index
        %parallel_loop3A_697 = tpu.vector_load %arg7[%parallel_loop3A_694, %parallel_loop3A_695, %parallel_loop3A_696] {strides = array<i32>} : memref<4x400x64xf32, #tpu.memory_space<vmem>>, vector<1x1x16xf32>,
        %parallel_loop3A_698 = vector.shape_cast %parallel_loop3A_697 : vector<1x1x16xf32> to vector<16xf32>
        %parallel_loop3A_699 = arith.constant 3 : i32
        %parallel_loop3A_700 = arith.addi %parallel_loop3A_440, %parallel_loop3A_699 : i32
        %parallel_loop3A_701 = arith.constant 0 : i32
        %parallel_loop3A_702 = arith.index_cast %parallel_loop3A_701 : i32 to index
        %parallel_loop3A_703 = arith.index_cast %parallel_loop3A_700 : i32 to index
        %parallel_loop3A_704 = arith.constant 48 : index
        %parallel_loop3A_705 = tpu.vector_load %arg7[%parallel_loop3A_702, %parallel_loop3A_703, %parallel_loop3A_704] {strides = array<i32>} : memref<4x400x64xf32, #tpu.memory_space<vmem>>, vector<1x1x16xf32>,
        %parallel_loop3A_706 = vector.shape_cast %parallel_loop3A_705 : vector<1x1x16xf32> to vector<16xf32>
        %parallel_loop3A_707 = arith.constant 4 : i32
        %parallel_loop3A_708 = arith.addi %parallel_loop3A_440, %parallel_loop3A_707 : i32
        %parallel_loop3A_709 = arith.constant 0 : i32
        %parallel_loop3A_710 = arith.index_cast %parallel_loop3A_709 : i32 to index
        %parallel_loop3A_711 = arith.index_cast %parallel_loop3A_708 : i32 to index
        %parallel_loop3A_712 = arith.constant 48 : index
        %parallel_loop3A_713 = tpu.vector_load %arg7[%parallel_loop3A_710, %parallel_loop3A_711, %parallel_loop3A_712] {strides = array<i32>} : memref<4x400x64xf32, #tpu.memory_space<vmem>>, vector<1x1x16xf32>,
        %parallel_loop3A_714 = vector.shape_cast %parallel_loop3A_713 : vector<1x1x16xf32> to vector<16xf32>
        %parallel_loop3A_715 = arith.constant 5 : i32
        %parallel_loop3A_716 = arith.addi %parallel_loop3A_440, %parallel_loop3A_715 : i32
        %parallel_loop3A_717 = arith.constant 0 : i32
        %parallel_loop3A_718 = arith.index_cast %parallel_loop3A_717 : i32 to index
        %parallel_loop3A_719 = arith.index_cast %parallel_loop3A_716 : i32 to index
        %parallel_loop3A_720 = arith.constant 48 : index
        %parallel_loop3A_721 = tpu.vector_load %arg7[%parallel_loop3A_718, %parallel_loop3A_719, %parallel_loop3A_720] {strides = array<i32>} : memref<4x400x64xf32, #tpu.memory_space<vmem>>, vector<1x1x16xf32>,
        %parallel_loop3A_722 = vector.shape_cast %parallel_loop3A_721 : vector<1x1x16xf32> to vector<16xf32>
        %parallel_loop3A_723 = arith.constant 6 : i32
        %parallel_loop3A_724 = arith.addi %parallel_loop3A_440, %parallel_loop3A_723 : i32
        %parallel_loop3A_725 = arith.constant 0 : i32
        %parallel_loop3A_726 = arith.index_cast %parallel_loop3A_725 : i32 to index
        %parallel_loop3A_727 = arith.index_cast %parallel_loop3A_724 : i32 to index
        %parallel_loop3A_728 = arith.constant 48 : index
        %parallel_loop3A_729 = tpu.vector_load %arg7[%parallel_loop3A_726, %parallel_loop3A_727, %parallel_loop3A_728] {strides = array<i32>} : memref<4x400x64xf32, #tpu.memory_space<vmem>>, vector<1x1x16xf32>,
        %parallel_loop3A_730 = vector.shape_cast %parallel_loop3A_729 : vector<1x1x16xf32> to vector<16xf32>
        %parallel_loop3A_731 = arith.constant 7 : i32
        %parallel_loop3A_732 = arith.addi %parallel_loop3A_440, %parallel_loop3A_731 : i32
        %parallel_loop3A_733 = arith.constant 0 : i32
        %parallel_loop3A_734 = arith.index_cast %parallel_loop3A_733 : i32 to index
        %parallel_loop3A_735 = arith.index_cast %parallel_loop3A_732 : i32 to index
        %parallel_loop3A_736 = arith.constant 48 : index
        %parallel_loop3A_737 = tpu.vector_load %arg7[%parallel_loop3A_734, %parallel_loop3A_735, %parallel_loop3A_736] {strides = array<i32>} : memref<4x400x64xf32, #tpu.memory_space<vmem>>, vector<1x1x16xf32>,
        %parallel_loop3A_738 = vector.shape_cast %parallel_loop3A_737 : vector<1x1x16xf32> to vector<16xf32>
        %parallel_loop3A_739 = arith.addf %parallel_loop3A_682, %parallel_loop3A_690 : vector<16xf32>
        %parallel_loop3A_740 = arith.addf %parallel_loop3A_698, %parallel_loop3A_706 : vector<16xf32>
        %parallel_loop3A_741 = arith.addf %parallel_loop3A_714, %parallel_loop3A_722 : vector<16xf32>
        %parallel_loop3A_742 = arith.addf %parallel_loop3A_730, %parallel_loop3A_738 : vector<16xf32>
        %parallel_loop3A_743 = arith.addf %parallel_loop3A_739, %parallel_loop3A_740 : vector<16xf32>
        %parallel_loop3A_744 = arith.addf %parallel_loop3A_741, %parallel_loop3A_742 : vector<16xf32>
        %parallel_loop3A_745 = arith.addf %parallel_loop3A_743, %parallel_loop3A_744 : vector<16xf32>
        %parallel_loop3A_746 = arith.constant 0 : i32
        %parallel_loop3A_747 = arith.index_cast %parallel_loop3A_746 : i32 to index
        %parallel_loop3A_748 = arith.index_cast %parallel_loop3A_438 : i32 to index
        %parallel_loop3A_749 = arith.constant 48 : index
        %parallel_loop3A_750 = tpu.vector_load %arg8[%parallel_loop3A_747, %parallel_loop3A_748, %parallel_loop3A_749] {strides = array<i32>} : memref<4x50x64xf32, #tpu.memory_space<vmem>>, vector<1x1x16xf32>,
        %parallel_loop3A_751 = vector.shape_cast %parallel_loop3A_750 : vector<1x1x16xf32> to vector<16xf32>
        %parallel_loop3A_752 = vector.shape_cast %parallel_loop3A_745 : vector<16xf32> to vector<1x1x16xf32>
        tpu.vector_store %arg8[%parallel_loop3A_747, %parallel_loop3A_748, %parallel_loop3A_749], %parallel_loop3A_752 {strides = array<i32>} : memref<4x50x64xf32, #tpu.memory_space<vmem>>, vector<1x1x16xf32>,
      } {sc.loop_unroll_factor = 2 : i64, sc.parallel_access}
      %mul3A_259 = arith.constant 50 : i32
      %mul3A_260 = arith.muli %add3A_235, %mul3A_259 : i32
      %add3A_261 = arith.addi %mul3A_2, %mul3A_260 : i32
      %dma_start3A_262 = arith.constant 0 : i32
      %dma_start3A_263 = arith.constant 0 : i32
      %dma_start3A_264 = arith.constant 0 : i32
      %dma_start3A_265 = tpu.memref_slice %arg8[%dma_start3A_262, %dma_start3A_263, %dma_start3A_264] : memref<4x50x64xf32, #tpu.memory_space<vmem>> -> memref<1x50x64xf32, #tpu.memory_space<vmem>>
      %dma_start3A_266 = tpu.memref_squeeze %dma_start3A_265 : memref<1x50x64xf32, #tpu.memory_space<vmem>> -> memref<50x64xf32, #tpu.memory_space<vmem>>
      %dma_start3A_267 = arith.constant 0 : i32
      %dma_start3A_268 = tpu.memref_slice %arg5[%add3A_261, %dma_start3A_267] : memref<204800x64xf32, #tpu.memory_space<hbm>> -> memref<50x64xf32, #tpu.memory_space<hbm>>
      %dma_start3A_269 = arith.constant 0 : i32
      %dma_start3A_270 = tpu.memref_slice %arg5[%add3A_261, %dma_start3A_269] : memref<204800x64xf32, #tpu.memory_space<hbm>> -> memref<50x64xf32, #tpu.memory_space<hbm>>
      %dma_start3A_271 = arith.constant 0 : i32
      %dma_start3A_272 = arith.constant 0 : i32
      %dma_start3A_273 = tpu.memref_slice %arg8[%dma_start3A_262, %dma_start3A_271, %dma_start3A_272] : memref<4x50x64xf32, #tpu.memory_space<vmem>> -> memref<1x50x64xf32, #tpu.memory_space<vmem>>
      %dma_start3A_274 = tpu.memref_squeeze %dma_start3A_273 : memref<1x50x64xf32, #tpu.memory_space<vmem>> -> memref<50x64xf32, #tpu.memory_space<vmem>>
      tpu.enqueue_dma source(%dma_start3A_274 : memref<50x64xf32, #tpu.memory_space<vmem>>) target(%dma_start3A_270 : memref<50x64xf32, #tpu.memory_space<hbm>>) target_semaphore(%arg18 : memref<!tpu.dma_semaphore, #tpu.memory_space<semaphore_mem>>)
      %add3A_275 = arith.constant 4 : i32
      %add3A_276 = arith.addi %add3A_235, %add3A_275 : i32
      %lt3A_277 = arith.constant 128 : i32
      %lt3A_278 = arith.cmpi slt, %add3A_276, %lt3A_277 : i32
      %convert_element_type3A_279 = arith.extui %lt3A_278 : i1 to i32
      %cond3A_280 = arith.constant 0 : i32
      %cond3A_281 = arith.cmpi ne, %convert_element_type3A_279, %cond3A_280 : i32
      scf.if %cond3A_281 {
        %add3A_438 = arith.constant 4 : i32
        %add3A_439 = arith.addi %add3A_235, %add3A_438 : i32
        %mul3A_440 = arith.constant 50 : i32
        %mul3A_441 = arith.muli %add3A_439, %mul3A_440 : i32
        %add3A_442 = arith.addi %mul3A_2, %mul3A_441 : i32
        %mul3A_443 = arith.constant 8 : i32
        %mul3A_444 = arith.muli %add3A_442, %mul3A_443 : i32
        %dma_wait3A_445 = arith.constant 0 : i32
        %dma_wait3A_446 = arith.constant 0 : i32
        %dma_wait3A_447 = tpu.memref_slice %arg6[%dma_wait3A_445, %dma_wait3A_446] : memref<4x400xi32, #tpu.memory_space<vmem>> -> memref<1x400xi32, #tpu.memory_space<vmem>>
        %dma_wait3A_448 = tpu.memref_squeeze %dma_wait3A_447 : memref<1x400xi32, #tpu.memory_space<vmem>> -> memref<400xi32, #tpu.memory_space<vmem>>
        %dma_wait3A_449 = tpu.memref_slice %arg2[%mul3A_444] : memref<1638400xi32, #tpu.memory_space<hbm>> -> memref<400xi32, #tpu.memory_space<hbm>>
        %dma_wait3A_450 = arith.constant 0 : i32
        %dma_wait3A_451 = tpu.memref_slice %arg6[%dma_wait3A_445, %dma_wait3A_450] : memref<4x400xi32, #tpu.memory_space<vmem>> -> memref<1x400xi32, #tpu.memory_space<vmem>>
        %dma_wait3A_452 = tpu.memref_squeeze %dma_wait3A_451 : memref<1x400xi32, #tpu.memory_space<vmem>> -> memref<400xi32, #tpu.memory_space<vmem>>
        %dma_wait3A_453 = tpu.memref_slice %arg2[%mul3A_444] : memref<1638400xi32, #tpu.memory_space<hbm>> -> memref<400xi32, #tpu.memory_space<hbm>>
        tpu.wait_dma2 semaphore(%arg14 : memref<!tpu.dma_semaphore, #tpu.memory_space<semaphore_mem>>) src(%dma_wait3A_453 : memref<400xi32, #tpu.memory_space<hbm>>) dst(%dma_wait3A_452 : memref<400xi32, #tpu.memory_space<vmem>>)
        %parallel_loop3A_454 = arith.constant 0 : i32
        %parallel_loop3A_455 = arith.constant 400 : i32
        %parallel_loop3A_456 = arith.constant 16 : i32
        scf.for %parallel_loop3A_469 = %parallel_loop3A_454 to %parallel_loop3A_455 step %parallel_loop3A_456  : i32 {
          %parallel_loop3A_470 = arith.constant 0 : i32
          %parallel_loop3A_471 = arith.index_cast %parallel_loop3A_470 : i32 to index
          %parallel_loop3A_472 = arith.index_cast %parallel_loop3A_469 : i32 to index
          %parallel_loop3A_473 = tpu.vector_load %arg6[%parallel_loop3A_471, %parallel_loop3A_472] {strides = array<i32>} : memref<4x400xi32, #tpu.memory_space<vmem>>, vector<1x16xi32>,
          %parallel_loop3A_474 = vector.shape_cast %parallel_loop3A_473 : vector<1x16xi32> to vector<16xi32>
          %parallel_loop3A_475 = arith.addi %parallel_loop3A_474, %get3A_4 : vector<16xi32>
          %parallel_loop3A_476 = arith.constant 0 : i32
          %parallel_loop3A_477 = arith.index_cast %parallel_loop3A_476 : i32 to index
          %parallel_loop3A_478 = arith.index_cast %parallel_loop3A_469 : i32 to index
          %parallel_loop3A_479 = tpu.vector_load %arg6[%parallel_loop3A_477, %parallel_loop3A_478] {strides = array<i32>} : memref<4x400xi32, #tpu.memory_space<vmem>>, vector<1x16xi32>,
          %parallel_loop3A_480 = vector.shape_cast %parallel_loop3A_479 : vector<1x16xi32> to vector<16xi32>
          %parallel_loop3A_481 = vector.shape_cast %parallel_loop3A_475 : vector<16xi32> to vector<1x16xi32>
          tpu.vector_store %arg6[%parallel_loop3A_477, %parallel_loop3A_478], %parallel_loop3A_481 {strides = array<i32>} : memref<4x400xi32, #tpu.memory_space<vmem>>, vector<1x16xi32>,
        } {sc.loop_unroll_factor = 2 : i64, sc.parallel_access}
        %dma_start3A_457 = arith.constant 0 : i32
        %dma_start3A_458 = arith.constant 0 : i32
        %dma_start3A_459 = arith.constant 0 : i32
        %dma_start3A_460 = arith.constant 0 : i32
        %dma_start3A_461 = tpu.memref_slice %arg7[%dma_start3A_458, %dma_start3A_459, %dma_start3A_460] : memref<4x400x64xf32, #tpu.memory_space<vmem>> -> memref<1x400x64xf32, #tpu.memory_space<vmem>>
        %dma_start3A_462 = tpu.memref_squeeze %dma_start3A_461 : memref<1x400x64xf32, #tpu.memory_space<vmem>> -> memref<400x64xf32, #tpu.memory_space<vmem>>
        %dma_start3A_463 = arith.constant 0 : i32
        %dma_start3A_464 = tpu.memref_slice %arg6[%dma_start3A_457, %dma_start3A_463] : memref<4x400xi32, #tpu.memory_space<vmem>> -> memref<1x400xi32, #tpu.memory_space<vmem>>
        %dma_start3A_465 = tpu.memref_squeeze %dma_start3A_464 : memref<1x400xi32, #tpu.memory_space<vmem>> -> memref<400xi32, #tpu.memory_space<vmem>>
        %dma_start3A_466 = arith.constant 0 : i32
        %dma_start3A_467 = arith.constant 0 : i32
        %dma_start3A_468 = tpu.memref_slice %arg3[%dma_start3A_466, %dma_start3A_467] : memref<800000x64xf32, #tpu.memory_space<hbm>> -> memref<800000x64xf32, #tpu.memory_space<hbm>>
        tpu.enqueue_indirect_dma source(%dma_start3A_468 : memref<800000x64xf32, #tpu.memory_space<hbm>>) target(%dma_start3A_462 : memref<400x64xf32, #tpu.memory_space<vmem>>) offsets(%dma_start3A_465 : memref<400xi32, #tpu.memory_space<vmem>>) semaphore(%arg10 : memref<!tpu.dma_semaphore, #tpu.memory_space<semaphore_mem>>)
      } else {
      }
      %add3A_282 = arith.constant 1 : i32
      %add3A_283 = arith.addi %mul3A_233, %add3A_282 : i32
      %dma_wait3A_284 = arith.constant 1 : i32
      %dma_wait3A_285 = arith.constant 1 : i32
      %dma_wait3A_286 = arith.constant 0 : i32
      %dma_wait3A_287 = arith.constant 0 : i32
      %dma_wait3A_288 = tpu.memref_slice %arg7[%dma_wait3A_285, %dma_wait3A_286, %dma_wait3A_287] : memref<4x400x64xf32, #tpu.memory_space<vmem>> -> memref<1x400x64xf32, #tpu.memory_space<vmem>>
      %dma_wait3A_289 = tpu.memref_squeeze %dma_wait3A_288 : memref<1x400x64xf32, #tpu.memory_space<vmem>> -> memref<400x64xf32, #tpu.memory_space<vmem>>
      %dma_wait3A_290 = arith.constant 0 : i32
      %dma_wait3A_291 = tpu.memref_slice %arg6[%dma_wait3A_284, %dma_wait3A_290] : memref<4x400xi32, #tpu.memory_space<vmem>> -> memref<1x400xi32, #tpu.memory_space<vmem>>
      %dma_wait3A_292 = tpu.memref_squeeze %dma_wait3A_291 : memref<1x400xi32, #tpu.memory_space<vmem>> -> memref<400xi32, #tpu.memory_space<vmem>>
      %dma_wait3A_293 = arith.constant 0 : i32
      %dma_wait3A_294 = arith.constant 0 : i32
      %dma_wait3A_295 = tpu.memref_slice %arg3[%dma_wait3A_293, %dma_wait3A_294] : memref<800000x64xf32, #tpu.memory_space<hbm>> -> memref<800000x64xf32, #tpu.memory_space<hbm>>
      tpu.wait_indirect_dma semaphore(%arg11 : memref<!tpu.dma_semaphore, #tpu.memory_space<semaphore_mem>>) src(%dma_wait3A_295 : memref<800000x64xf32, #tpu.memory_space<hbm>>) dst(%dma_wait3A_289 : memref<400x64xf32, #tpu.memory_space<vmem>>)
      %add3A_296 = arith.constant 4 : i32
      %add3A_297 = arith.addi %add3A_283, %add3A_296 : i32
      %lt3A_298 = arith.constant 128 : i32
      %lt3A_299 = arith.cmpi slt, %add3A_297, %lt3A_298 : i32
      %convert_element_type3A_300 = arith.extui %lt3A_299 : i1 to i32
      %cond3A_301 = arith.constant 0 : i32
      %cond3A_302 = arith.cmpi ne, %convert_element_type3A_300, %cond3A_301 : i32
      scf.if %cond3A_302 {
        %add3A_438 = arith.constant 4 : i32
        %add3A_439 = arith.addi %add3A_283, %add3A_438 : i32
        %mul3A_440 = arith.constant 50 : i32
        %mul3A_441 = arith.muli %add3A_439, %mul3A_440 : i32
        %add3A_442 = arith.addi %mul3A_2, %mul3A_441 : i32
        %mul3A_443 = arith.constant 8 : i32
        %mul3A_444 = arith.muli %add3A_442, %mul3A_443 : i32
        %dma_start3A_445 = arith.constant 1 : i32
        %dma_start3A_446 = arith.constant 0 : i32
        %dma_start3A_447 = tpu.memref_slice %arg6[%dma_start3A_445, %dma_start3A_446] : memref<4x400xi32, #tpu.memory_space<vmem>> -> memref<1x400xi32, #tpu.memory_space<vmem>>
        %dma_start3A_448 = tpu.memref_squeeze %dma_start3A_447 : memref<1x400xi32, #tpu.memory_space<vmem>> -> memref<400xi32, #tpu.memory_space<vmem>>
        %dma_start3A_449 = tpu.memref_slice %arg2[%mul3A_444] : memref<1638400xi32, #tpu.memory_space<hbm>> -> memref<400xi32, #tpu.memory_space<hbm>>
        %dma_start3A_450 = arith.constant 0 : i32
        %dma_start3A_451 = tpu.memref_slice %arg6[%dma_start3A_445, %dma_start3A_450] : memref<4x400xi32, #tpu.memory_space<vmem>> -> memref<1x400xi32, #tpu.memory_space<vmem>>
        %dma_start3A_452 = tpu.memref_squeeze %dma_start3A_451 : memref<1x400xi32, #tpu.memory_space<vmem>> -> memref<400xi32, #tpu.memory_space<vmem>>
        %dma_start3A_453 = tpu.memref_slice %arg2[%mul3A_444] : memref<1638400xi32, #tpu.memory_space<hbm>> -> memref<400xi32, #tpu.memory_space<hbm>>
        tpu.enqueue_dma source(%dma_start3A_453 : memref<400xi32, #tpu.memory_space<hbm>>) target(%dma_start3A_452 : memref<400xi32, #tpu.memory_space<vmem>>) target_semaphore(%arg15 : memref<!tpu.dma_semaphore, #tpu.memory_space<semaphore_mem>>)
      } else {
      }
      %ge3A_303 = arith.constant 4 : i32
      %ge3A_304 = arith.cmpi sge, %add3A_283, %ge3A_303 : i32
      %convert_element_type3A_305 = arith.extui %ge3A_304 : i1 to i32
      %cond3A_306 = arith.constant 0 : i32
      %cond3A_307 = arith.cmpi ne, %convert_element_type3A_305, %cond3A_306 : i32
      scf.if %cond3A_307 {
        %mul3A_438 = arith.constant 50 : i32
        %mul3A_439 = arith.muli %add3A_283, %mul3A_438 : i32
        %add3A_440 = arith.addi %mul3A_2, %mul3A_439 : i32
        %dma_wait3A_441 = arith.constant 1 : i32
        %dma_wait3A_442 = arith.constant 0 : i32
        %dma_wait3A_443 = arith.constant 0 : i32
        %dma_wait3A_444 = tpu.memref_slice %arg8[%dma_wait3A_441, %dma_wait3A_442, %dma_wait3A_443] : memref<4x50x64xf32, #tpu.memory_space<vmem>> -> memref<1x50x64xf32, #tpu.memory_space<vmem>>
        %dma_wait3A_445 = tpu.memref_squeeze %dma_wait3A_444 : memref<1x50x64xf32, #tpu.memory_space<vmem>> -> memref<50x64xf32, #tpu.memory_space<vmem>>
        %dma_wait3A_446 = arith.constant 0 : i32
        %dma_wait3A_447 = tpu.memref_slice %arg5[%add3A_440, %dma_wait3A_446] : memref<204800x64xf32, #tpu.memory_space<hbm>> -> memref<50x64xf32, #tpu.memory_space<hbm>>
        %dma_wait3A_448 = arith.constant 0 : i32
        %dma_wait3A_449 = tpu.memref_slice %arg5[%add3A_440, %dma_wait3A_448] : memref<204800x64xf32, #tpu.memory_space<hbm>> -> memref<50x64xf32, #tpu.memory_space<hbm>>
        %dma_wait3A_450 = arith.constant 0 : i32
        %dma_wait3A_451 = arith.constant 0 : i32
        %dma_wait3A_452 = tpu.memref_slice %arg8[%dma_wait3A_441, %dma_wait3A_450, %dma_wait3A_451] : memref<4x50x64xf32, #tpu.memory_space<vmem>> -> memref<1x50x64xf32, #tpu.memory_space<vmem>>
        %dma_wait3A_453 = tpu.memref_squeeze %dma_wait3A_452 : memref<1x50x64xf32, #tpu.memory_space<vmem>> -> memref<50x64xf32, #tpu.memory_space<vmem>>
        tpu.wait_dma2 semaphore(%arg19 : memref<!tpu.dma_semaphore, #tpu.memory_space<semaphore_mem>>) src(%dma_wait3A_453 : memref<50x64xf32, #tpu.memory_space<vmem>>) dst(%dma_wait3A_449 : memref<50x64xf32, #tpu.memory_space<hbm>>)
      } else {
      }
      %parallel_loop3A_308 = arith.constant 0 : i32
      %parallel_loop3A_309 = arith.constant 50 : i32
      %parallel_loop3A_310 = arith.constant 1 : i32
      scf.for %parallel_loop3A_438 = %parallel_loop3A_308 to %parallel_loop3A_309 step %parallel_loop3A_310  : i32 {
        %parallel_loop3A_439 = arith.constant 8 : i32
        %parallel_loop3A_440 = arith.muli %parallel_loop3A_438, %parallel_loop3A_439 : i32
        %parallel_loop3A_441 = arith.constant 0 : i32
        %parallel_loop3A_442 = arith.addi %parallel_loop3A_440, %parallel_loop3A_441 : i32
        %parallel_loop3A_443 = arith.constant 1 : i32
        %parallel_loop3A_444 = arith.index_cast %parallel_loop3A_443 : i32 to index
        %parallel_loop3A_445 = arith.index_cast %parallel_loop3A_442 : i32 to index
        %parallel_loop3A_446 = arith.constant 0 : index
        %parallel_loop3A_447 = tpu.vector_load %arg7[%parallel_loop3A_444, %parallel_loop3A_445, %parallel_loop3A_446] {strides = array<i32>} : memref<4x400x64xf32, #tpu.memory_space<vmem>>, vector<1x1x16xf32>,
        %parallel_loop3A_448 = vector.shape_cast %parallel_loop3A_447 : vector<1x1x16xf32> to vector<16xf32>
        %parallel_loop3A_449 = arith.constant 1 : i32
        %parallel_loop3A_450 = arith.addi %parallel_loop3A_440, %parallel_loop3A_449 : i32
        %parallel_loop3A_451 = arith.constant 1 : i32
        %parallel_loop3A_452 = arith.index_cast %parallel_loop3A_451 : i32 to index
        %parallel_loop3A_453 = arith.index_cast %parallel_loop3A_450 : i32 to index
        %parallel_loop3A_454 = arith.constant 0 : index
        %parallel_loop3A_455 = tpu.vector_load %arg7[%parallel_loop3A_452, %parallel_loop3A_453, %parallel_loop3A_454] {strides = array<i32>} : memref<4x400x64xf32, #tpu.memory_space<vmem>>, vector<1x1x16xf32>,
        %parallel_loop3A_456 = vector.shape_cast %parallel_loop3A_455 : vector<1x1x16xf32> to vector<16xf32>
        %parallel_loop3A_457 = arith.constant 2 : i32
        %parallel_loop3A_458 = arith.addi %parallel_loop3A_440, %parallel_loop3A_457 : i32
        %parallel_loop3A_459 = arith.constant 1 : i32
        %parallel_loop3A_460 = arith.index_cast %parallel_loop3A_459 : i32 to index
        %parallel_loop3A_461 = arith.index_cast %parallel_loop3A_458 : i32 to index
        %parallel_loop3A_462 = arith.constant 0 : index
        %parallel_loop3A_463 = tpu.vector_load %arg7[%parallel_loop3A_460, %parallel_loop3A_461, %parallel_loop3A_462] {strides = array<i32>} : memref<4x400x64xf32, #tpu.memory_space<vmem>>, vector<1x1x16xf32>,
        %parallel_loop3A_464 = vector.shape_cast %parallel_loop3A_463 : vector<1x1x16xf32> to vector<16xf32>
        %parallel_loop3A_465 = arith.constant 3 : i32
        %parallel_loop3A_466 = arith.addi %parallel_loop3A_440, %parallel_loop3A_465 : i32
        %parallel_loop3A_467 = arith.constant 1 : i32
        %parallel_loop3A_468 = arith.index_cast %parallel_loop3A_467 : i32 to index
        %parallel_loop3A_469 = arith.index_cast %parallel_loop3A_466 : i32 to index
        %parallel_loop3A_470 = arith.constant 0 : index
        %parallel_loop3A_471 = tpu.vector_load %arg7[%parallel_loop3A_468, %parallel_loop3A_469, %parallel_loop3A_470] {strides = array<i32>} : memref<4x400x64xf32, #tpu.memory_space<vmem>>, vector<1x1x16xf32>,
        %parallel_loop3A_472 = vector.shape_cast %parallel_loop3A_471 : vector<1x1x16xf32> to vector<16xf32>
        %parallel_loop3A_473 = arith.constant 4 : i32
        %parallel_loop3A_474 = arith.addi %parallel_loop3A_440, %parallel_loop3A_473 : i32
        %parallel_loop3A_475 = arith.constant 1 : i32
        %parallel_loop3A_476 = arith.index_cast %parallel_loop3A_475 : i32 to index
        %parallel_loop3A_477 = arith.index_cast %parallel_loop3A_474 : i32 to index
        %parallel_loop3A_478 = arith.constant 0 : index
        %parallel_loop3A_479 = tpu.vector_load %arg7[%parallel_loop3A_476, %parallel_loop3A_477, %parallel_loop3A_478] {strides = array<i32>} : memref<4x400x64xf32, #tpu.memory_space<vmem>>, vector<1x1x16xf32>,
        %parallel_loop3A_480 = vector.shape_cast %parallel_loop3A_479 : vector<1x1x16xf32> to vector<16xf32>
        %parallel_loop3A_481 = arith.constant 5 : i32
        %parallel_loop3A_482 = arith.addi %parallel_loop3A_440, %parallel_loop3A_481 : i32
        %parallel_loop3A_483 = arith.constant 1 : i32
        %parallel_loop3A_484 = arith.index_cast %parallel_loop3A_483 : i32 to index
        %parallel_loop3A_485 = arith.index_cast %parallel_loop3A_482 : i32 to index
        %parallel_loop3A_486 = arith.constant 0 : index
        %parallel_loop3A_487 = tpu.vector_load %arg7[%parallel_loop3A_484, %parallel_loop3A_485, %parallel_loop3A_486] {strides = array<i32>} : memref<4x400x64xf32, #tpu.memory_space<vmem>>, vector<1x1x16xf32>,
        %parallel_loop3A_488 = vector.shape_cast %parallel_loop3A_487 : vector<1x1x16xf32> to vector<16xf32>
        %parallel_loop3A_489 = arith.constant 6 : i32
        %parallel_loop3A_490 = arith.addi %parallel_loop3A_440, %parallel_loop3A_489 : i32
        %parallel_loop3A_491 = arith.constant 1 : i32
        %parallel_loop3A_492 = arith.index_cast %parallel_loop3A_491 : i32 to index
        %parallel_loop3A_493 = arith.index_cast %parallel_loop3A_490 : i32 to index
        %parallel_loop3A_494 = arith.constant 0 : index
        %parallel_loop3A_495 = tpu.vector_load %arg7[%parallel_loop3A_492, %parallel_loop3A_493, %parallel_loop3A_494] {strides = array<i32>} : memref<4x400x64xf32, #tpu.memory_space<vmem>>, vector<1x1x16xf32>,
        %parallel_loop3A_496 = vector.shape_cast %parallel_loop3A_495 : vector<1x1x16xf32> to vector<16xf32>
        %parallel_loop3A_497 = arith.constant 7 : i32
        %parallel_loop3A_498 = arith.addi %parallel_loop3A_440, %parallel_loop3A_497 : i32
        %parallel_loop3A_499 = arith.constant 1 : i32
        %parallel_loop3A_500 = arith.index_cast %parallel_loop3A_499 : i32 to index
        %parallel_loop3A_501 = arith.index_cast %parallel_loop3A_498 : i32 to index
        %parallel_loop3A_502 = arith.constant 0 : index
        %parallel_loop3A_503 = tpu.vector_load %arg7[%parallel_loop3A_500, %parallel_loop3A_501, %parallel_loop3A_502] {strides = array<i32>} : memref<4x400x64xf32, #tpu.memory_space<vmem>>, vector<1x1x16xf32>,
        %parallel_loop3A_504 = vector.shape_cast %parallel_loop3A_503 : vector<1x1x16xf32> to vector<16xf32>
        %parallel_loop3A_505 = arith.addf %parallel_loop3A_448, %parallel_loop3A_456 : vector<16xf32>
        %parallel_loop3A_506 = arith.addf %parallel_loop3A_464, %parallel_loop3A_472 : vector<16xf32>
        %parallel_loop3A_507 = arith.addf %parallel_loop3A_480, %parallel_loop3A_488 : vector<16xf32>
        %parallel_loop3A_508 = arith.addf %parallel_loop3A_496, %parallel_loop3A_504 : vector<16xf32>
        %parallel_loop3A_509 = arith.addf %parallel_loop3A_505, %parallel_loop3A_506 : vector<16xf32>
        %parallel_loop3A_510 = arith.addf %parallel_loop3A_507, %parallel_loop3A_508 : vector<16xf32>
        %parallel_loop3A_511 = arith.addf %parallel_loop3A_509, %parallel_loop3A_510 : vector<16xf32>
        %parallel_loop3A_512 = arith.constant 1 : i32
        %parallel_loop3A_513 = arith.index_cast %parallel_loop3A_512 : i32 to index
        %parallel_loop3A_514 = arith.index_cast %parallel_loop3A_438 : i32 to index
        %parallel_loop3A_515 = arith.constant 0 : index
        %parallel_loop3A_516 = tpu.vector_load %arg8[%parallel_loop3A_513, %parallel_loop3A_514, %parallel_loop3A_515] {strides = array<i32>} : memref<4x50x64xf32, #tpu.memory_space<vmem>>, vector<1x1x16xf32>,
        %parallel_loop3A_517 = vector.shape_cast %parallel_loop3A_516 : vector<1x1x16xf32> to vector<16xf32>
        %parallel_loop3A_518 = vector.shape_cast %parallel_loop3A_511 : vector<16xf32> to vector<1x1x16xf32>
        tpu.vector_store %arg8[%parallel_loop3A_513, %parallel_loop3A_514, %parallel_loop3A_515], %parallel_loop3A_518 {strides = array<i32>} : memref<4x50x64xf32, #tpu.memory_space<vmem>>, vector<1x1x16xf32>,
        %parallel_loop3A_519 = arith.constant 0 : i32
        %parallel_loop3A_520 = arith.addi %parallel_loop3A_440, %parallel_loop3A_519 : i32
        %parallel_loop3A_521 = arith.constant 1 : i32
        %parallel_loop3A_522 = arith.index_cast %parallel_loop3A_521 : i32 to index
        %parallel_loop3A_523 = arith.index_cast %parallel_loop3A_520 : i32 to index
        %parallel_loop3A_524 = arith.constant 16 : index
        %parallel_loop3A_525 = tpu.vector_load %arg7[%parallel_loop3A_522, %parallel_loop3A_523, %parallel_loop3A_524] {strides = array<i32>} : memref<4x400x64xf32, #tpu.memory_space<vmem>>, vector<1x1x16xf32>,
        %parallel_loop3A_526 = vector.shape_cast %parallel_loop3A_525 : vector<1x1x16xf32> to vector<16xf32>
        %parallel_loop3A_527 = arith.constant 1 : i32
        %parallel_loop3A_528 = arith.addi %parallel_loop3A_440, %parallel_loop3A_527 : i32
        %parallel_loop3A_529 = arith.constant 1 : i32
        %parallel_loop3A_530 = arith.index_cast %parallel_loop3A_529 : i32 to index
        %parallel_loop3A_531 = arith.index_cast %parallel_loop3A_528 : i32 to index
        %parallel_loop3A_532 = arith.constant 16 : index
        %parallel_loop3A_533 = tpu.vector_load %arg7[%parallel_loop3A_530, %parallel_loop3A_531, %parallel_loop3A_532] {strides = array<i32>} : memref<4x400x64xf32, #tpu.memory_space<vmem>>, vector<1x1x16xf32>,
        %parallel_loop3A_534 = vector.shape_cast %parallel_loop3A_533 : vector<1x1x16xf32> to vector<16xf32>
        %parallel_loop3A_535 = arith.constant 2 : i32
        %parallel_loop3A_536 = arith.addi %parallel_loop3A_440, %parallel_loop3A_535 : i32
        %parallel_loop3A_537 = arith.constant 1 : i32
        %parallel_loop3A_538 = arith.index_cast %parallel_loop3A_537 : i32 to index
        %parallel_loop3A_539 = arith.index_cast %parallel_loop3A_536 : i32 to index
        %parallel_loop3A_540 = arith.constant 16 : index
        %parallel_loop3A_541 = tpu.vector_load %arg7[%parallel_loop3A_538, %parallel_loop3A_539, %parallel_loop3A_540] {strides = array<i32>} : memref<4x400x64xf32, #tpu.memory_space<vmem>>, vector<1x1x16xf32>,
        %parallel_loop3A_542 = vector.shape_cast %parallel_loop3A_541 : vector<1x1x16xf32> to vector<16xf32>
        %parallel_loop3A_543 = arith.constant 3 : i32
        %parallel_loop3A_544 = arith.addi %parallel_loop3A_440, %parallel_loop3A_543 : i32
        %parallel_loop3A_545 = arith.constant 1 : i32
        %parallel_loop3A_546 = arith.index_cast %parallel_loop3A_545 : i32 to index
        %parallel_loop3A_547 = arith.index_cast %parallel_loop3A_544 : i32 to index
        %parallel_loop3A_548 = arith.constant 16 : index
        %parallel_loop3A_549 = tpu.vector_load %arg7[%parallel_loop3A_546, %parallel_loop3A_547, %parallel_loop3A_548] {strides = array<i32>} : memref<4x400x64xf32, #tpu.memory_space<vmem>>, vector<1x1x16xf32>,
        %parallel_loop3A_550 = vector.shape_cast %parallel_loop3A_549 : vector<1x1x16xf32> to vector<16xf32>
        %parallel_loop3A_551 = arith.constant 4 : i32
        %parallel_loop3A_552 = arith.addi %parallel_loop3A_440, %parallel_loop3A_551 : i32
        %parallel_loop3A_553 = arith.constant 1 : i32
        %parallel_loop3A_554 = arith.index_cast %parallel_loop3A_553 : i32 to index
        %parallel_loop3A_555 = arith.index_cast %parallel_loop3A_552 : i32 to index
        %parallel_loop3A_556 = arith.constant 16 : index
        %parallel_loop3A_557 = tpu.vector_load %arg7[%parallel_loop3A_554, %parallel_loop3A_555, %parallel_loop3A_556] {strides = array<i32>} : memref<4x400x64xf32, #tpu.memory_space<vmem>>, vector<1x1x16xf32>,
        %parallel_loop3A_558 = vector.shape_cast %parallel_loop3A_557 : vector<1x1x16xf32> to vector<16xf32>
        %parallel_loop3A_559 = arith.constant 5 : i32
        %parallel_loop3A_560 = arith.addi %parallel_loop3A_440, %parallel_loop3A_559 : i32
        %parallel_loop3A_561 = arith.constant 1 : i32
        %parallel_loop3A_562 = arith.index_cast %parallel_loop3A_561 : i32 to index
        %parallel_loop3A_563 = arith.index_cast %parallel_loop3A_560 : i32 to index
        %parallel_loop3A_564 = arith.constant 16 : index
        %parallel_loop3A_565 = tpu.vector_load %arg7[%parallel_loop3A_562, %parallel_loop3A_563, %parallel_loop3A_564] {strides = array<i32>} : memref<4x400x64xf32, #tpu.memory_space<vmem>>, vector<1x1x16xf32>,
        %parallel_loop3A_566 = vector.shape_cast %parallel_loop3A_565 : vector<1x1x16xf32> to vector<16xf32>
        %parallel_loop3A_567 = arith.constant 6 : i32
        %parallel_loop3A_568 = arith.addi %parallel_loop3A_440, %parallel_loop3A_567 : i32
        %parallel_loop3A_569 = arith.constant 1 : i32
        %parallel_loop3A_570 = arith.index_cast %parallel_loop3A_569 : i32 to index
        %parallel_loop3A_571 = arith.index_cast %parallel_loop3A_568 : i32 to index
        %parallel_loop3A_572 = arith.constant 16 : index
        %parallel_loop3A_573 = tpu.vector_load %arg7[%parallel_loop3A_570, %parallel_loop3A_571, %parallel_loop3A_572] {strides = array<i32>} : memref<4x400x64xf32, #tpu.memory_space<vmem>>, vector<1x1x16xf32>,
        %parallel_loop3A_574 = vector.shape_cast %parallel_loop3A_573 : vector<1x1x16xf32> to vector<16xf32>
        %parallel_loop3A_575 = arith.constant 7 : i32
        %parallel_loop3A_576 = arith.addi %parallel_loop3A_440, %parallel_loop3A_575 : i32
        %parallel_loop3A_577 = arith.constant 1 : i32
        %parallel_loop3A_578 = arith.index_cast %parallel_loop3A_577 : i32 to index
        %parallel_loop3A_579 = arith.index_cast %parallel_loop3A_576 : i32 to index
        %parallel_loop3A_580 = arith.constant 16 : index
        %parallel_loop3A_581 = tpu.vector_load %arg7[%parallel_loop3A_578, %parallel_loop3A_579, %parallel_loop3A_580] {strides = array<i32>} : memref<4x400x64xf32, #tpu.memory_space<vmem>>, vector<1x1x16xf32>,
        %parallel_loop3A_582 = vector.shape_cast %parallel_loop3A_581 : vector<1x1x16xf32> to vector<16xf32>
        %parallel_loop3A_583 = arith.addf %parallel_loop3A_526, %parallel_loop3A_534 : vector<16xf32>
        %parallel_loop3A_584 = arith.addf %parallel_loop3A_542, %parallel_loop3A_550 : vector<16xf32>
        %parallel_loop3A_585 = arith.addf %parallel_loop3A_558, %parallel_loop3A_566 : vector<16xf32>
        %parallel_loop3A_586 = arith.addf %parallel_loop3A_574, %parallel_loop3A_582 : vector<16xf32>
        %parallel_loop3A_587 = arith.addf %parallel_loop3A_583, %parallel_loop3A_584 : vector<16xf32>
        %parallel_loop3A_588 = arith.addf %parallel_loop3A_585, %parallel_loop3A_586 : vector<16xf32>
        %parallel_loop3A_589 = arith.addf %parallel_loop3A_587, %parallel_loop3A_588 : vector<16xf32>
        %parallel_loop3A_590 = arith.constant 1 : i32
        %parallel_loop3A_591 = arith.index_cast %parallel_loop3A_590 : i32 to index
        %parallel_loop3A_592 = arith.index_cast %parallel_loop3A_438 : i32 to index
        %parallel_loop3A_593 = arith.constant 16 : index
        %parallel_loop3A_594 = tpu.vector_load %arg8[%parallel_loop3A_591, %parallel_loop3A_592, %parallel_loop3A_593] {strides = array<i32>} : memref<4x50x64xf32, #tpu.memory_space<vmem>>, vector<1x1x16xf32>,
        %parallel_loop3A_595 = vector.shape_cast %parallel_loop3A_594 : vector<1x1x16xf32> to vector<16xf32>
        %parallel_loop3A_596 = vector.shape_cast %parallel_loop3A_589 : vector<16xf32> to vector<1x1x16xf32>
        tpu.vector_store %arg8[%parallel_loop3A_591, %parallel_loop3A_592, %parallel_loop3A_593], %parallel_loop3A_596 {strides = array<i32>} : memref<4x50x64xf32, #tpu.memory_space<vmem>>, vector<1x1x16xf32>,
        %parallel_loop3A_597 = arith.constant 0 : i32
        %parallel_loop3A_598 = arith.addi %parallel_loop3A_440, %parallel_loop3A_597 : i32
        %parallel_loop3A_599 = arith.constant 1 : i32
        %parallel_loop3A_600 = arith.index_cast %parallel_loop3A_599 : i32 to index
        %parallel_loop3A_601 = arith.index_cast %parallel_loop3A_598 : i32 to index
        %parallel_loop3A_602 = arith.constant 32 : index
        %parallel_loop3A_603 = tpu.vector_load %arg7[%parallel_loop3A_600, %parallel_loop3A_601, %parallel_loop3A_602] {strides = array<i32>} : memref<4x400x64xf32, #tpu.memory_space<vmem>>, vector<1x1x16xf32>,
        %parallel_loop3A_604 = vector.shape_cast %parallel_loop3A_603 : vector<1x1x16xf32> to vector<16xf32>
        %parallel_loop3A_605 = arith.constant 1 : i32
        %parallel_loop3A_606 = arith.addi %parallel_loop3A_440, %parallel_loop3A_605 : i32
        %parallel_loop3A_607 = arith.constant 1 : i32
        %parallel_loop3A_608 = arith.index_cast %parallel_loop3A_607 : i32 to index
        %parallel_loop3A_609 = arith.index_cast %parallel_loop3A_606 : i32 to index
        %parallel_loop3A_610 = arith.constant 32 : index
        %parallel_loop3A_611 = tpu.vector_load %arg7[%parallel_loop3A_608, %parallel_loop3A_609, %parallel_loop3A_610] {strides = array<i32>} : memref<4x400x64xf32, #tpu.memory_space<vmem>>, vector<1x1x16xf32>,
        %parallel_loop3A_612 = vector.shape_cast %parallel_loop3A_611 : vector<1x1x16xf32> to vector<16xf32>
        %parallel_loop3A_613 = arith.constant 2 : i32
        %parallel_loop3A_614 = arith.addi %parallel_loop3A_440, %parallel_loop3A_613 : i32
        %parallel_loop3A_615 = arith.constant 1 : i32
        %parallel_loop3A_616 = arith.index_cast %parallel_loop3A_615 : i32 to index
        %parallel_loop3A_617 = arith.index_cast %parallel_loop3A_614 : i32 to index
        %parallel_loop3A_618 = arith.constant 32 : index
        %parallel_loop3A_619 = tpu.vector_load %arg7[%parallel_loop3A_616, %parallel_loop3A_617, %parallel_loop3A_618] {strides = array<i32>} : memref<4x400x64xf32, #tpu.memory_space<vmem>>, vector<1x1x16xf32>,
        %parallel_loop3A_620 = vector.shape_cast %parallel_loop3A_619 : vector<1x1x16xf32> to vector<16xf32>
        %parallel_loop3A_621 = arith.constant 3 : i32
        %parallel_loop3A_622 = arith.addi %parallel_loop3A_440, %parallel_loop3A_621 : i32
        %parallel_loop3A_623 = arith.constant 1 : i32
        %parallel_loop3A_624 = arith.index_cast %parallel_loop3A_623 : i32 to index
        %parallel_loop3A_625 = arith.index_cast %parallel_loop3A_622 : i32 to index
        %parallel_loop3A_626 = arith.constant 32 : index
        %parallel_loop3A_627 = tpu.vector_load %arg7[%parallel_loop3A_624, %parallel_loop3A_625, %parallel_loop3A_626] {strides = array<i32>} : memref<4x400x64xf32, #tpu.memory_space<vmem>>, vector<1x1x16xf32>,
        %parallel_loop3A_628 = vector.shape_cast %parallel_loop3A_627 : vector<1x1x16xf32> to vector<16xf32>
        %parallel_loop3A_629 = arith.constant 4 : i32
        %parallel_loop3A_630 = arith.addi %parallel_loop3A_440, %parallel_loop3A_629 : i32
        %parallel_loop3A_631 = arith.constant 1 : i32
        %parallel_loop3A_632 = arith.index_cast %parallel_loop3A_631 : i32 to index
        %parallel_loop3A_633 = arith.index_cast %parallel_loop3A_630 : i32 to index
        %parallel_loop3A_634 = arith.constant 32 : index
        %parallel_loop3A_635 = tpu.vector_load %arg7[%parallel_loop3A_632, %parallel_loop3A_633, %parallel_loop3A_634] {strides = array<i32>} : memref<4x400x64xf32, #tpu.memory_space<vmem>>, vector<1x1x16xf32>,
        %parallel_loop3A_636 = vector.shape_cast %parallel_loop3A_635 : vector<1x1x16xf32> to vector<16xf32>
        %parallel_loop3A_637 = arith.constant 5 : i32
        %parallel_loop3A_638 = arith.addi %parallel_loop3A_440, %parallel_loop3A_637 : i32
        %parallel_loop3A_639 = arith.constant 1 : i32
        %parallel_loop3A_640 = arith.index_cast %parallel_loop3A_639 : i32 to index
        %parallel_loop3A_641 = arith.index_cast %parallel_loop3A_638 : i32 to index
        %parallel_loop3A_642 = arith.constant 32 : index
        %parallel_loop3A_643 = tpu.vector_load %arg7[%parallel_loop3A_640, %parallel_loop3A_641, %parallel_loop3A_642] {strides = array<i32>} : memref<4x400x64xf32, #tpu.memory_space<vmem>>, vector<1x1x16xf32>,
        %parallel_loop3A_644 = vector.shape_cast %parallel_loop3A_643 : vector<1x1x16xf32> to vector<16xf32>
        %parallel_loop3A_645 = arith.constant 6 : i32
        %parallel_loop3A_646 = arith.addi %parallel_loop3A_440, %parallel_loop3A_645 : i32
        %parallel_loop3A_647 = arith.constant 1 : i32
        %parallel_loop3A_648 = arith.index_cast %parallel_loop3A_647 : i32 to index
        %parallel_loop3A_649 = arith.index_cast %parallel_loop3A_646 : i32 to index
        %parallel_loop3A_650 = arith.constant 32 : index
        %parallel_loop3A_651 = tpu.vector_load %arg7[%parallel_loop3A_648, %parallel_loop3A_649, %parallel_loop3A_650] {strides = array<i32>} : memref<4x400x64xf32, #tpu.memory_space<vmem>>, vector<1x1x16xf32>,
        %parallel_loop3A_652 = vector.shape_cast %parallel_loop3A_651 : vector<1x1x16xf32> to vector<16xf32>
        %parallel_loop3A_653 = arith.constant 7 : i32
        %parallel_loop3A_654 = arith.addi %parallel_loop3A_440, %parallel_loop3A_653 : i32
        %parallel_loop3A_655 = arith.constant 1 : i32
        %parallel_loop3A_656 = arith.index_cast %parallel_loop3A_655 : i32 to index
        %parallel_loop3A_657 = arith.index_cast %parallel_loop3A_654 : i32 to index
        %parallel_loop3A_658 = arith.constant 32 : index
        %parallel_loop3A_659 = tpu.vector_load %arg7[%parallel_loop3A_656, %parallel_loop3A_657, %parallel_loop3A_658] {strides = array<i32>} : memref<4x400x64xf32, #tpu.memory_space<vmem>>, vector<1x1x16xf32>,
        %parallel_loop3A_660 = vector.shape_cast %parallel_loop3A_659 : vector<1x1x16xf32> to vector<16xf32>
        %parallel_loop3A_661 = arith.addf %parallel_loop3A_604, %parallel_loop3A_612 : vector<16xf32>
        %parallel_loop3A_662 = arith.addf %parallel_loop3A_620, %parallel_loop3A_628 : vector<16xf32>
        %parallel_loop3A_663 = arith.addf %parallel_loop3A_636, %parallel_loop3A_644 : vector<16xf32>
        %parallel_loop3A_664 = arith.addf %parallel_loop3A_652, %parallel_loop3A_660 : vector<16xf32>
        %parallel_loop3A_665 = arith.addf %parallel_loop3A_661, %parallel_loop3A_662 : vector<16xf32>
        %parallel_loop3A_666 = arith.addf %parallel_loop3A_663, %parallel_loop3A_664 : vector<16xf32>
        %parallel_loop3A_667 = arith.addf %parallel_loop3A_665, %parallel_loop3A_666 : vector<16xf32>
        %parallel_loop3A_668 = arith.constant 1 : i32
        %parallel_loop3A_669 = arith.index_cast %parallel_loop3A_668 : i32 to index
        %parallel_loop3A_670 = arith.index_cast %parallel_loop3A_438 : i32 to index
        %parallel_loop3A_671 = arith.constant 32 : index
        %parallel_loop3A_672 = tpu.vector_load %arg8[%parallel_loop3A_669, %parallel_loop3A_670, %parallel_loop3A_671] {strides = array<i32>} : memref<4x50x64xf32, #tpu.memory_space<vmem>>, vector<1x1x16xf32>,
        %parallel_loop3A_673 = vector.shape_cast %parallel_loop3A_672 : vector<1x1x16xf32> to vector<16xf32>
        %parallel_loop3A_674 = vector.shape_cast %parallel_loop3A_667 : vector<16xf32> to vector<1x1x16xf32>
        tpu.vector_store %arg8[%parallel_loop3A_669, %parallel_loop3A_670, %parallel_loop3A_671], %parallel_loop3A_674 {strides = array<i32>} : memref<4x50x64xf32, #tpu.memory_space<vmem>>, vector<1x1x16xf32>,
        %parallel_loop3A_675 = arith.constant 0 : i32
        %parallel_loop3A_676 = arith.addi %parallel_loop3A_440, %parallel_loop3A_675 : i32
        %parallel_loop3A_677 = arith.constant 1 : i32
        %parallel_loop3A_678 = arith.index_cast %parallel_loop3A_677 : i32 to index
        %parallel_loop3A_679 = arith.index_cast %parallel_loop3A_676 : i32 to index
        %parallel_loop3A_680 = arith.constant 48 : index
        %parallel_loop3A_681 = tpu.vector_load %arg7[%parallel_loop3A_678, %parallel_loop3A_679, %parallel_loop3A_680] {strides = array<i32>} : memref<4x400x64xf32, #tpu.memory_space<vmem>>, vector<1x1x16xf32>,
        %parallel_loop3A_682 = vector.shape_cast %parallel_loop3A_681 : vector<1x1x16xf32> to vector<16xf32>
        %parallel_loop3A_683 = arith.constant 1 : i32
        %parallel_loop3A_684 = arith.addi %parallel_loop3A_440, %parallel_loop3A_683 : i32
        %parallel_loop3A_685 = arith.constant 1 : i32
        %parallel_loop3A_686 = arith.index_cast %parallel_loop3A_685 : i32 to index
        %parallel_loop3A_687 = arith.index_cast %parallel_loop3A_684 : i32 to index
        %parallel_loop3A_688 = arith.constant 48 : index
        %parallel_loop3A_689 = tpu.vector_load %arg7[%parallel_loop3A_686, %parallel_loop3A_687, %parallel_loop3A_688] {strides = array<i32>} : memref<4x400x64xf32, #tpu.memory_space<vmem>>, vector<1x1x16xf32>,
        %parallel_loop3A_690 = vector.shape_cast %parallel_loop3A_689 : vector<1x1x16xf32> to vector<16xf32>
        %parallel_loop3A_691 = arith.constant 2 : i32
        %parallel_loop3A_692 = arith.addi %parallel_loop3A_440, %parallel_loop3A_691 : i32
        %parallel_loop3A_693 = arith.constant 1 : i32
        %parallel_loop3A_694 = arith.index_cast %parallel_loop3A_693 : i32 to index
        %parallel_loop3A_695 = arith.index_cast %parallel_loop3A_692 : i32 to index
        %parallel_loop3A_696 = arith.constant 48 : index
        %parallel_loop3A_697 = tpu.vector_load %arg7[%parallel_loop3A_694, %parallel_loop3A_695, %parallel_loop3A_696] {strides = array<i32>} : memref<4x400x64xf32, #tpu.memory_space<vmem>>, vector<1x1x16xf32>,
        %parallel_loop3A_698 = vector.shape_cast %parallel_loop3A_697 : vector<1x1x16xf32> to vector<16xf32>
        %parallel_loop3A_699 = arith.constant 3 : i32
        %parallel_loop3A_700 = arith.addi %parallel_loop3A_440, %parallel_loop3A_699 : i32
        %parallel_loop3A_701 = arith.constant 1 : i32
        %parallel_loop3A_702 = arith.index_cast %parallel_loop3A_701 : i32 to index
        %parallel_loop3A_703 = arith.index_cast %parallel_loop3A_700 : i32 to index
        %parallel_loop3A_704 = arith.constant 48 : index
        %parallel_loop3A_705 = tpu.vector_load %arg7[%parallel_loop3A_702, %parallel_loop3A_703, %parallel_loop3A_704] {strides = array<i32>} : memref<4x400x64xf32, #tpu.memory_space<vmem>>, vector<1x1x16xf32>,
        %parallel_loop3A_706 = vector.shape_cast %parallel_loop3A_705 : vector<1x1x16xf32> to vector<16xf32>
        %parallel_loop3A_707 = arith.constant 4 : i32
        %parallel_loop3A_708 = arith.addi %parallel_loop3A_440, %parallel_loop3A_707 : i32
        %parallel_loop3A_709 = arith.constant 1 : i32
        %parallel_loop3A_710 = arith.index_cast %parallel_loop3A_709 : i32 to index
        %parallel_loop3A_711 = arith.index_cast %parallel_loop3A_708 : i32 to index
        %parallel_loop3A_712 = arith.constant 48 : index
        %parallel_loop3A_713 = tpu.vector_load %arg7[%parallel_loop3A_710, %parallel_loop3A_711, %parallel_loop3A_712] {strides = array<i32>} : memref<4x400x64xf32, #tpu.memory_space<vmem>>, vector<1x1x16xf32>,
        %parallel_loop3A_714 = vector.shape_cast %parallel_loop3A_713 : vector<1x1x16xf32> to vector<16xf32>
        %parallel_loop3A_715 = arith.constant 5 : i32
        %parallel_loop3A_716 = arith.addi %parallel_loop3A_440, %parallel_loop3A_715 : i32
        %parallel_loop3A_717 = arith.constant 1 : i32
        %parallel_loop3A_718 = arith.index_cast %parallel_loop3A_717 : i32 to index
        %parallel_loop3A_719 = arith.index_cast %parallel_loop3A_716 : i32 to index
        %parallel_loop3A_720 = arith.constant 48 : index
        %parallel_loop3A_721 = tpu.vector_load %arg7[%parallel_loop3A_718, %parallel_loop3A_719, %parallel_loop3A_720] {strides = array<i32>} : memref<4x400x64xf32, #tpu.memory_space<vmem>>, vector<1x1x16xf32>,
        %parallel_loop3A_722 = vector.shape_cast %parallel_loop3A_721 : vector<1x1x16xf32> to vector<16xf32>
        %parallel_loop3A_723 = arith.constant 6 : i32
        %parallel_loop3A_724 = arith.addi %parallel_loop3A_440, %parallel_loop3A_723 : i32
        %parallel_loop3A_725 = arith.constant 1 : i32
        %parallel_loop3A_726 = arith.index_cast %parallel_loop3A_725 : i32 to index
        %parallel_loop3A_727 = arith.index_cast %parallel_loop3A_724 : i32 to index
        %parallel_loop3A_728 = arith.constant 48 : index
        %parallel_loop3A_729 = tpu.vector_load %arg7[%parallel_loop3A_726, %parallel_loop3A_727, %parallel_loop3A_728] {strides = array<i32>} : memref<4x400x64xf32, #tpu.memory_space<vmem>>, vector<1x1x16xf32>,
        %parallel_loop3A_730 = vector.shape_cast %parallel_loop3A_729 : vector<1x1x16xf32> to vector<16xf32>
        %parallel_loop3A_731 = arith.constant 7 : i32
        %parallel_loop3A_732 = arith.addi %parallel_loop3A_440, %parallel_loop3A_731 : i32
        %parallel_loop3A_733 = arith.constant 1 : i32
        %parallel_loop3A_734 = arith.index_cast %parallel_loop3A_733 : i32 to index
        %parallel_loop3A_735 = arith.index_cast %parallel_loop3A_732 : i32 to index
        %parallel_loop3A_736 = arith.constant 48 : index
        %parallel_loop3A_737 = tpu.vector_load %arg7[%parallel_loop3A_734, %parallel_loop3A_735, %parallel_loop3A_736] {strides = array<i32>} : memref<4x400x64xf32, #tpu.memory_space<vmem>>, vector<1x1x16xf32>,
        %parallel_loop3A_738 = vector.shape_cast %parallel_loop3A_737 : vector<1x1x16xf32> to vector<16xf32>
        %parallel_loop3A_739 = arith.addf %parallel_loop3A_682, %parallel_loop3A_690 : vector<16xf32>
        %parallel_loop3A_740 = arith.addf %parallel_loop3A_698, %parallel_loop3A_706 : vector<16xf32>
        %parallel_loop3A_741 = arith.addf %parallel_loop3A_714, %parallel_loop3A_722 : vector<16xf32>
        %parallel_loop3A_742 = arith.addf %parallel_loop3A_730, %parallel_loop3A_738 : vector<16xf32>
        %parallel_loop3A_743 = arith.addf %parallel_loop3A_739, %parallel_loop3A_740 : vector<16xf32>
        %parallel_loop3A_744 = arith.addf %parallel_loop3A_741, %parallel_loop3A_742 : vector<16xf32>
        %parallel_loop3A_745 = arith.addf %parallel_loop3A_743, %parallel_loop3A_744 : vector<16xf32>
        %parallel_loop3A_746 = arith.constant 1 : i32
        %parallel_loop3A_747 = arith.index_cast %parallel_loop3A_746 : i32 to index
        %parallel_loop3A_748 = arith.index_cast %parallel_loop3A_438 : i32 to index
        %parallel_loop3A_749 = arith.constant 48 : index
        %parallel_loop3A_750 = tpu.vector_load %arg8[%parallel_loop3A_747, %parallel_loop3A_748, %parallel_loop3A_749] {strides = array<i32>} : memref<4x50x64xf32, #tpu.memory_space<vmem>>, vector<1x1x16xf32>,
        %parallel_loop3A_751 = vector.shape_cast %parallel_loop3A_750 : vector<1x1x16xf32> to vector<16xf32>
        %parallel_loop3A_752 = vector.shape_cast %parallel_loop3A_745 : vector<16xf32> to vector<1x1x16xf32>
        tpu.vector_store %arg8[%parallel_loop3A_747, %parallel_loop3A_748, %parallel_loop3A_749], %parallel_loop3A_752 {strides = array<i32>} : memref<4x50x64xf32, #tpu.memory_space<vmem>>, vector<1x1x16xf32>,
      } {sc.loop_unroll_factor = 2 : i64, sc.parallel_access}
      %mul3A_311 = arith.constant 50 : i32
      %mul3A_312 = arith.muli %add3A_283, %mul3A_311 : i32
      %add3A_313 = arith.addi %mul3A_2, %mul3A_312 : i32
      %dma_start3A_314 = arith.constant 1 : i32
      %dma_start3A_315 = arith.constant 0 : i32
      %dma_start3A_316 = arith.constant 0 : i32
      %dma_start3A_317 = tpu.memref_slice %arg8[%dma_start3A_314, %dma_start3A_315, %dma_start3A_316] : memref<4x50x64xf32, #tpu.memory_space<vmem>> -> memref<1x50x64xf32, #tpu.memory_space<vmem>>
      %dma_start3A_318 = tpu.memref_squeeze %dma_start3A_317 : memref<1x50x64xf32, #tpu.memory_space<vmem>> -> memref<50x64xf32, #tpu.memory_space<vmem>>
      %dma_start3A_319 = arith.constant 0 : i32
      %dma_start3A_320 = tpu.memref_slice %arg5[%add3A_313, %dma_start3A_319] : memref<204800x64xf32, #tpu.memory_space<hbm>> -> memref<50x64xf32, #tpu.memory_space<hbm>>
      %dma_start3A_321 = arith.constant 0 : i32
      %dma_start3A_322 = tpu.memref_slice %arg5[%add3A_313, %dma_start3A_321] : memref<204800x64xf32, #tpu.memory_space<hbm>> -> memref<50x64xf32, #tpu.memory_space<hbm>>
      %dma_start3A_323 = arith.constant 0 : i32
      %dma_start3A_324 = arith.constant 0 : i32
      %dma_start3A_325 = tpu.memref_slice %arg8[%dma_start3A_314, %dma_start3A_323, %dma_start3A_324] : memref<4x50x64xf32, #tpu.memory_space<vmem>> -> memref<1x50x64xf32, #tpu.memory_space<vmem>>
      %dma_start3A_326 = tpu.memref_squeeze %dma_start3A_325 : memref<1x50x64xf32, #tpu.memory_space<vmem>> -> memref<50x64xf32, #tpu.memory_space<vmem>>
      tpu.enqueue_dma source(%dma_start3A_326 : memref<50x64xf32, #tpu.memory_space<vmem>>) target(%dma_start3A_322 : memref<50x64xf32, #tpu.memory_space<hbm>>) target_semaphore(%arg19 : memref<!tpu.dma_semaphore, #tpu.memory_space<semaphore_mem>>)
      %add3A_327 = arith.constant 4 : i32
      %add3A_328 = arith.addi %add3A_283, %add3A_327 : i32
      %lt3A_329 = arith.constant 128 : i32
      %lt3A_330 = arith.cmpi slt, %add3A_328, %lt3A_329 : i32
      %convert_element_type3A_331 = arith.extui %lt3A_330 : i1 to i32
      %cond3A_332 = arith.constant 0 : i32
      %cond3A_333 = arith.cmpi ne, %convert_element_type3A_331, %cond3A_332 : i32
      scf.if %cond3A_333 {
        %add3A_438 = arith.constant 4 : i32
        %add3A_439 = arith.addi %add3A_283, %add3A_438 : i32
        %mul3A_440 = arith.constant 50 : i32
        %mul3A_441 = arith.muli %add3A_439, %mul3A_440 : i32
        %add3A_442 = arith.addi %mul3A_2, %mul3A_441 : i32
        %mul3A_443 = arith.constant 8 : i32
        %mul3A_444 = arith.muli %add3A_442, %mul3A_443 : i32
        %dma_wait3A_445 = arith.constant 1 : i32
        %dma_wait3A_446 = arith.constant 0 : i32
        %dma_wait3A_447 = tpu.memref_slice %arg6[%dma_wait3A_445, %dma_wait3A_446] : memref<4x400xi32, #tpu.memory_space<vmem>> -> memref<1x400xi32, #tpu.memory_space<vmem>>
        %dma_wait3A_448 = tpu.memref_squeeze %dma_wait3A_447 : memref<1x400xi32, #tpu.memory_space<vmem>> -> memref<400xi32, #tpu.memory_space<vmem>>
        %dma_wait3A_449 = tpu.memref_slice %arg2[%mul3A_444] : memref<1638400xi32, #tpu.memory_space<hbm>> -> memref<400xi32, #tpu.memory_space<hbm>>
        %dma_wait3A_450 = arith.constant 0 : i32
        %dma_wait3A_451 = tpu.memref_slice %arg6[%dma_wait3A_445, %dma_wait3A_450] : memref<4x400xi32, #tpu.memory_space<vmem>> -> memref<1x400xi32, #tpu.memory_space<vmem>>
        %dma_wait3A_452 = tpu.memref_squeeze %dma_wait3A_451 : memref<1x400xi32, #tpu.memory_space<vmem>> -> memref<400xi32, #tpu.memory_space<vmem>>
        %dma_wait3A_453 = tpu.memref_slice %arg2[%mul3A_444] : memref<1638400xi32, #tpu.memory_space<hbm>> -> memref<400xi32, #tpu.memory_space<hbm>>
        tpu.wait_dma2 semaphore(%arg15 : memref<!tpu.dma_semaphore, #tpu.memory_space<semaphore_mem>>) src(%dma_wait3A_453 : memref<400xi32, #tpu.memory_space<hbm>>) dst(%dma_wait3A_452 : memref<400xi32, #tpu.memory_space<vmem>>)
        %parallel_loop3A_454 = arith.constant 0 : i32
        %parallel_loop3A_455 = arith.constant 400 : i32
        %parallel_loop3A_456 = arith.constant 16 : i32
        scf.for %parallel_loop3A_469 = %parallel_loop3A_454 to %parallel_loop3A_455 step %parallel_loop3A_456  : i32 {
          %parallel_loop3A_470 = arith.constant 1 : i32
          %parallel_loop3A_471 = arith.index_cast %parallel_loop3A_470 : i32 to index
          %parallel_loop3A_472 = arith.index_cast %parallel_loop3A_469 : i32 to index
          %parallel_loop3A_473 = tpu.vector_load %arg6[%parallel_loop3A_471, %parallel_loop3A_472] {strides = array<i32>} : memref<4x400xi32, #tpu.memory_space<vmem>>, vector<1x16xi32>,
          %parallel_loop3A_474 = vector.shape_cast %parallel_loop3A_473 : vector<1x16xi32> to vector<16xi32>
          %parallel_loop3A_475 = arith.addi %parallel_loop3A_474, %get3A_4 : vector<16xi32>
          %parallel_loop3A_476 = arith.constant 1 : i32
          %parallel_loop3A_477 = arith.index_cast %parallel_loop3A_476 : i32 to index
          %parallel_loop3A_478 = arith.index_cast %parallel_loop3A_469 : i32 to index
          %parallel_loop3A_479 = tpu.vector_load %arg6[%parallel_loop3A_477, %parallel_loop3A_478] {strides = array<i32>} : memref<4x400xi32, #tpu.memory_space<vmem>>, vector<1x16xi32>,
          %parallel_loop3A_480 = vector.shape_cast %parallel_loop3A_479 : vector<1x16xi32> to vector<16xi32>
          %parallel_loop3A_481 = vector.shape_cast %parallel_loop3A_475 : vector<16xi32> to vector<1x16xi32>
          tpu.vector_store %arg6[%parallel_loop3A_477, %parallel_loop3A_478], %parallel_loop3A_481 {strides = array<i32>} : memref<4x400xi32, #tpu.memory_space<vmem>>, vector<1x16xi32>,
        } {sc.loop_unroll_factor = 2 : i64, sc.parallel_access}
        %dma_start3A_457 = arith.constant 1 : i32
        %dma_start3A_458 = arith.constant 1 : i32
        %dma_start3A_459 = arith.constant 0 : i32
        %dma_start3A_460 = arith.constant 0 : i32
        %dma_start3A_461 = tpu.memref_slice %arg7[%dma_start3A_458, %dma_start3A_459, %dma_start3A_460] : memref<4x400x64xf32, #tpu.memory_space<vmem>> -> memref<1x400x64xf32, #tpu.memory_space<vmem>>
        %dma_start3A_462 = tpu.memref_squeeze %dma_start3A_461 : memref<1x400x64xf32, #tpu.memory_space<vmem>> -> memref<400x64xf32, #tpu.memory_space<vmem>>
        %dma_start3A_463 = arith.constant 0 : i32
        %dma_start3A_464 = tpu.memref_slice %arg6[%dma_start3A_457, %dma_start3A_463] : memref<4x400xi32, #tpu.memory_space<vmem>> -> memref<1x400xi32, #tpu.memory_space<vmem>>
        %dma_start3A_465 = tpu.memref_squeeze %dma_start3A_464 : memref<1x400xi32, #tpu.memory_space<vmem>> -> memref<400xi32, #tpu.memory_space<vmem>>
        %dma_start3A_466 = arith.constant 0 : i32
        %dma_start3A_467 = arith.constant 0 : i32
        %dma_start3A_468 = tpu.memref_slice %arg3[%dma_start3A_466, %dma_start3A_467] : memref<800000x64xf32, #tpu.memory_space<hbm>> -> memref<800000x64xf32, #tpu.memory_space<hbm>>
        tpu.enqueue_indirect_dma source(%dma_start3A_468 : memref<800000x64xf32, #tpu.memory_space<hbm>>) target(%dma_start3A_462 : memref<400x64xf32, #tpu.memory_space<vmem>>) offsets(%dma_start3A_465 : memref<400xi32, #tpu.memory_space<vmem>>) semaphore(%arg11 : memref<!tpu.dma_semaphore, #tpu.memory_space<semaphore_mem>>)
      } else {
      }
      %add3A_334 = arith.constant 2 : i32
      %add3A_335 = arith.addi %mul3A_233, %add3A_334 : i32
      %dma_wait3A_336 = arith.constant 2 : i32
      %dma_wait3A_337 = arith.constant 2 : i32
      %dma_wait3A_338 = arith.constant 0 : i32
      %dma_wait3A_339 = arith.constant 0 : i32
      %dma_wait3A_340 = tpu.memref_slice %arg7[%dma_wait3A_337, %dma_wait3A_338, %dma_wait3A_339] : memref<4x400x64xf32, #tpu.memory_space<vmem>> -> memref<1x400x64xf32, #tpu.memory_space<vmem>>
      %dma_wait3A_341 = tpu.memref_squeeze %dma_wait3A_340 : memref<1x400x64xf32, #tpu.memory_space<vmem>> -> memref<400x64xf32, #tpu.memory_space<vmem>>
      %dma_wait3A_342 = arith.constant 0 : i32
      %dma_wait3A_343 = tpu.memref_slice %arg6[%dma_wait3A_336, %dma_wait3A_342] : memref<4x400xi32, #tpu.memory_space<vmem>> -> memref<1x400xi32, #tpu.memory_space<vmem>>
      %dma_wait3A_344 = tpu.memref_squeeze %dma_wait3A_343 : memref<1x400xi32, #tpu.memory_space<vmem>> -> memref<400xi32, #tpu.memory_space<vmem>>
      %dma_wait3A_345 = arith.constant 0 : i32
      %dma_wait3A_346 = arith.constant 0 : i32
      %dma_wait3A_347 = tpu.memref_slice %arg3[%dma_wait3A_345, %dma_wait3A_346] : memref<800000x64xf32, #tpu.memory_space<hbm>> -> memref<800000x64xf32, #tpu.memory_space<hbm>>
      tpu.wait_indirect_dma semaphore(%arg12 : memref<!tpu.dma_semaphore, #tpu.memory_space<semaphore_mem>>) src(%dma_wait3A_347 : memref<800000x64xf32, #tpu.memory_space<hbm>>) dst(%dma_wait3A_341 : memref<400x64xf32, #tpu.memory_space<vmem>>)
      %add3A_348 = arith.constant 4 : i32
      %add3A_349 = arith.addi %add3A_335, %add3A_348 : i32
      %lt3A_350 = arith.constant 128 : i32
      %lt3A_351 = arith.cmpi slt, %add3A_349, %lt3A_350 : i32
      %convert_element_type3A_352 = arith.extui %lt3A_351 : i1 to i32
      %cond3A_353 = arith.constant 0 : i32
      %cond3A_354 = arith.cmpi ne, %convert_element_type3A_352, %cond3A_353 : i32
      scf.if %cond3A_354 {
        %add3A_438 = arith.constant 4 : i32
        %add3A_439 = arith.addi %add3A_335, %add3A_438 : i32
        %mul3A_440 = arith.constant 50 : i32
        %mul3A_441 = arith.muli %add3A_439, %mul3A_440 : i32
        %add3A_442 = arith.addi %mul3A_2, %mul3A_441 : i32
        %mul3A_443 = arith.constant 8 : i32
        %mul3A_444 = arith.muli %add3A_442, %mul3A_443 : i32
        %dma_start3A_445 = arith.constant 2 : i32
        %dma_start3A_446 = arith.constant 0 : i32
        %dma_start3A_447 = tpu.memref_slice %arg6[%dma_start3A_445, %dma_start3A_446] : memref<4x400xi32, #tpu.memory_space<vmem>> -> memref<1x400xi32, #tpu.memory_space<vmem>>
        %dma_start3A_448 = tpu.memref_squeeze %dma_start3A_447 : memref<1x400xi32, #tpu.memory_space<vmem>> -> memref<400xi32, #tpu.memory_space<vmem>>
        %dma_start3A_449 = tpu.memref_slice %arg2[%mul3A_444] : memref<1638400xi32, #tpu.memory_space<hbm>> -> memref<400xi32, #tpu.memory_space<hbm>>
        %dma_start3A_450 = arith.constant 0 : i32
        %dma_start3A_451 = tpu.memref_slice %arg6[%dma_start3A_445, %dma_start3A_450] : memref<4x400xi32, #tpu.memory_space<vmem>> -> memref<1x400xi32, #tpu.memory_space<vmem>>
        %dma_start3A_452 = tpu.memref_squeeze %dma_start3A_451 : memref<1x400xi32, #tpu.memory_space<vmem>> -> memref<400xi32, #tpu.memory_space<vmem>>
        %dma_start3A_453 = tpu.memref_slice %arg2[%mul3A_444] : memref<1638400xi32, #tpu.memory_space<hbm>> -> memref<400xi32, #tpu.memory_space<hbm>>
        tpu.enqueue_dma source(%dma_start3A_453 : memref<400xi32, #tpu.memory_space<hbm>>) target(%dma_start3A_452 : memref<400xi32, #tpu.memory_space<vmem>>) target_semaphore(%arg16 : memref<!tpu.dma_semaphore, #tpu.memory_space<semaphore_mem>>)
      } else {
      }
      %ge3A_355 = arith.constant 4 : i32
      %ge3A_356 = arith.cmpi sge, %add3A_335, %ge3A_355 : i32
      %convert_element_type3A_357 = arith.extui %ge3A_356 : i1 to i32
      %cond3A_358 = arith.constant 0 : i32
      %cond3A_359 = arith.cmpi ne, %convert_element_type3A_357, %cond3A_358 : i32
      scf.if %cond3A_359 {
        %mul3A_438 = arith.constant 50 : i32
        %mul3A_439 = arith.muli %add3A_335, %mul3A_438 : i32
        %add3A_440 = arith.addi %mul3A_2, %mul3A_439 : i32
        %dma_wait3A_441 = arith.constant 2 : i32
        %dma_wait3A_442 = arith.constant 0 : i32
        %dma_wait3A_443 = arith.constant 0 : i32
        %dma_wait3A_444 = tpu.memref_slice %arg8[%dma_wait3A_441, %dma_wait3A_442, %dma_wait3A_443] : memref<4x50x64xf32, #tpu.memory_space<vmem>> -> memref<1x50x64xf32, #tpu.memory_space<vmem>>
        %dma_wait3A_445 = tpu.memref_squeeze %dma_wait3A_444 : memref<1x50x64xf32, #tpu.memory_space<vmem>> -> memref<50x64xf32, #tpu.memory_space<vmem>>
        %dma_wait3A_446 = arith.constant 0 : i32
        %dma_wait3A_447 = tpu.memref_slice %arg5[%add3A_440, %dma_wait3A_446] : memref<204800x64xf32, #tpu.memory_space<hbm>> -> memref<50x64xf32, #tpu.memory_space<hbm>>
        %dma_wait3A_448 = arith.constant 0 : i32
        %dma_wait3A_449 = tpu.memref_slice %arg5[%add3A_440, %dma_wait3A_448] : memref<204800x64xf32, #tpu.memory_space<hbm>> -> memref<50x64xf32, #tpu.memory_space<hbm>>
        %dma_wait3A_450 = arith.constant 0 : i32
        %dma_wait3A_451 = arith.constant 0 : i32
        %dma_wait3A_452 = tpu.memref_slice %arg8[%dma_wait3A_441, %dma_wait3A_450, %dma_wait3A_451] : memref<4x50x64xf32, #tpu.memory_space<vmem>> -> memref<1x50x64xf32, #tpu.memory_space<vmem>>
        %dma_wait3A_453 = tpu.memref_squeeze %dma_wait3A_452 : memref<1x50x64xf32, #tpu.memory_space<vmem>> -> memref<50x64xf32, #tpu.memory_space<vmem>>
        tpu.wait_dma2 semaphore(%arg20 : memref<!tpu.dma_semaphore, #tpu.memory_space<semaphore_mem>>) src(%dma_wait3A_453 : memref<50x64xf32, #tpu.memory_space<vmem>>) dst(%dma_wait3A_449 : memref<50x64xf32, #tpu.memory_space<hbm>>)
      } else {
      }
      %parallel_loop3A_360 = arith.constant 0 : i32
      %parallel_loop3A_361 = arith.constant 50 : i32
      %parallel_loop3A_362 = arith.constant 1 : i32
      scf.for %parallel_loop3A_438 = %parallel_loop3A_360 to %parallel_loop3A_361 step %parallel_loop3A_362  : i32 {
        %parallel_loop3A_439 = arith.constant 8 : i32
        %parallel_loop3A_440 = arith.muli %parallel_loop3A_438, %parallel_loop3A_439 : i32
        %parallel_loop3A_441 = arith.constant 0 : i32
        %parallel_loop3A_442 = arith.addi %parallel_loop3A_440, %parallel_loop3A_441 : i32
        %parallel_loop3A_443 = arith.constant 2 : i32
        %parallel_loop3A_444 = arith.index_cast %parallel_loop3A_443 : i32 to index
        %parallel_loop3A_445 = arith.index_cast %parallel_loop3A_442 : i32 to index
        %parallel_loop3A_446 = arith.constant 0 : index
        %parallel_loop3A_447 = tpu.vector_load %arg7[%parallel_loop3A_444, %parallel_loop3A_445, %parallel_loop3A_446] {strides = array<i32>} : memref<4x400x64xf32, #tpu.memory_space<vmem>>, vector<1x1x16xf32>,
        %parallel_loop3A_448 = vector.shape_cast %parallel_loop3A_447 : vector<1x1x16xf32> to vector<16xf32>
        %parallel_loop3A_449 = arith.constant 1 : i32
        %parallel_loop3A_450 = arith.addi %parallel_loop3A_440, %parallel_loop3A_449 : i32
        %parallel_loop3A_451 = arith.constant 2 : i32
        %parallel_loop3A_452 = arith.index_cast %parallel_loop3A_451 : i32 to index
        %parallel_loop3A_453 = arith.index_cast %parallel_loop3A_450 : i32 to index
        %parallel_loop3A_454 = arith.constant 0 : index
        %parallel_loop3A_455 = tpu.vector_load %arg7[%parallel_loop3A_452, %parallel_loop3A_453, %parallel_loop3A_454] {strides = array<i32>} : memref<4x400x64xf32, #tpu.memory_space<vmem>>, vector<1x1x16xf32>,
        %parallel_loop3A_456 = vector.shape_cast %parallel_loop3A_455 : vector<1x1x16xf32> to vector<16xf32>
        %parallel_loop3A_457 = arith.constant 2 : i32
        %parallel_loop3A_458 = arith.addi %parallel_loop3A_440, %parallel_loop3A_457 : i32
        %parallel_loop3A_459 = arith.constant 2 : i32
        %parallel_loop3A_460 = arith.index_cast %parallel_loop3A_459 : i32 to index
        %parallel_loop3A_461 = arith.index_cast %parallel_loop3A_458 : i32 to index
        %parallel_loop3A_462 = arith.constant 0 : index
        %parallel_loop3A_463 = tpu.vector_load %arg7[%parallel_loop3A_460, %parallel_loop3A_461, %parallel_loop3A_462] {strides = array<i32>} : memref<4x400x64xf32, #tpu.memory_space<vmem>>, vector<1x1x16xf32>,
        %parallel_loop3A_464 = vector.shape_cast %parallel_loop3A_463 : vector<1x1x16xf32> to vector<16xf32>
        %parallel_loop3A_465 = arith.constant 3 : i32
        %parallel_loop3A_466 = arith.addi %parallel_loop3A_440, %parallel_loop3A_465 : i32
        %parallel_loop3A_467 = arith.constant 2 : i32
        %parallel_loop3A_468 = arith.index_cast %parallel_loop3A_467 : i32 to index
        %parallel_loop3A_469 = arith.index_cast %parallel_loop3A_466 : i32 to index
        %parallel_loop3A_470 = arith.constant 0 : index
        %parallel_loop3A_471 = tpu.vector_load %arg7[%parallel_loop3A_468, %parallel_loop3A_469, %parallel_loop3A_470] {strides = array<i32>} : memref<4x400x64xf32, #tpu.memory_space<vmem>>, vector<1x1x16xf32>,
        %parallel_loop3A_472 = vector.shape_cast %parallel_loop3A_471 : vector<1x1x16xf32> to vector<16xf32>
        %parallel_loop3A_473 = arith.constant 4 : i32
        %parallel_loop3A_474 = arith.addi %parallel_loop3A_440, %parallel_loop3A_473 : i32
        %parallel_loop3A_475 = arith.constant 2 : i32
        %parallel_loop3A_476 = arith.index_cast %parallel_loop3A_475 : i32 to index
        %parallel_loop3A_477 = arith.index_cast %parallel_loop3A_474 : i32 to index
        %parallel_loop3A_478 = arith.constant 0 : index
        %parallel_loop3A_479 = tpu.vector_load %arg7[%parallel_loop3A_476, %parallel_loop3A_477, %parallel_loop3A_478] {strides = array<i32>} : memref<4x400x64xf32, #tpu.memory_space<vmem>>, vector<1x1x16xf32>,
        %parallel_loop3A_480 = vector.shape_cast %parallel_loop3A_479 : vector<1x1x16xf32> to vector<16xf32>
        %parallel_loop3A_481 = arith.constant 5 : i32
        %parallel_loop3A_482 = arith.addi %parallel_loop3A_440, %parallel_loop3A_481 : i32
        %parallel_loop3A_483 = arith.constant 2 : i32
        %parallel_loop3A_484 = arith.index_cast %parallel_loop3A_483 : i32 to index
        %parallel_loop3A_485 = arith.index_cast %parallel_loop3A_482 : i32 to index
        %parallel_loop3A_486 = arith.constant 0 : index
        %parallel_loop3A_487 = tpu.vector_load %arg7[%parallel_loop3A_484, %parallel_loop3A_485, %parallel_loop3A_486] {strides = array<i32>} : memref<4x400x64xf32, #tpu.memory_space<vmem>>, vector<1x1x16xf32>,
        %parallel_loop3A_488 = vector.shape_cast %parallel_loop3A_487 : vector<1x1x16xf32> to vector<16xf32>
        %parallel_loop3A_489 = arith.constant 6 : i32
        %parallel_loop3A_490 = arith.addi %parallel_loop3A_440, %parallel_loop3A_489 : i32
        %parallel_loop3A_491 = arith.constant 2 : i32
        %parallel_loop3A_492 = arith.index_cast %parallel_loop3A_491 : i32 to index
        %parallel_loop3A_493 = arith.index_cast %parallel_loop3A_490 : i32 to index
        %parallel_loop3A_494 = arith.constant 0 : index
        %parallel_loop3A_495 = tpu.vector_load %arg7[%parallel_loop3A_492, %parallel_loop3A_493, %parallel_loop3A_494] {strides = array<i32>} : memref<4x400x64xf32, #tpu.memory_space<vmem>>, vector<1x1x16xf32>,
        %parallel_loop3A_496 = vector.shape_cast %parallel_loop3A_495 : vector<1x1x16xf32> to vector<16xf32>
        %parallel_loop3A_497 = arith.constant 7 : i32
        %parallel_loop3A_498 = arith.addi %parallel_loop3A_440, %parallel_loop3A_497 : i32
        %parallel_loop3A_499 = arith.constant 2 : i32
        %parallel_loop3A_500 = arith.index_cast %parallel_loop3A_499 : i32 to index
        %parallel_loop3A_501 = arith.index_cast %parallel_loop3A_498 : i32 to index
        %parallel_loop3A_502 = arith.constant 0 : index
        %parallel_loop3A_503 = tpu.vector_load %arg7[%parallel_loop3A_500, %parallel_loop3A_501, %parallel_loop3A_502] {strides = array<i32>} : memref<4x400x64xf32, #tpu.memory_space<vmem>>, vector<1x1x16xf32>,
        %parallel_loop3A_504 = vector.shape_cast %parallel_loop3A_503 : vector<1x1x16xf32> to vector<16xf32>
        %parallel_loop3A_505 = arith.addf %parallel_loop3A_448, %parallel_loop3A_456 : vector<16xf32>
        %parallel_loop3A_506 = arith.addf %parallel_loop3A_464, %parallel_loop3A_472 : vector<16xf32>
        %parallel_loop3A_507 = arith.addf %parallel_loop3A_480, %parallel_loop3A_488 : vector<16xf32>
        %parallel_loop3A_508 = arith.addf %parallel_loop3A_496, %parallel_loop3A_504 : vector<16xf32>
        %parallel_loop3A_509 = arith.addf %parallel_loop3A_505, %parallel_loop3A_506 : vector<16xf32>
        %parallel_loop3A_510 = arith.addf %parallel_loop3A_507, %parallel_loop3A_508 : vector<16xf32>
        %parallel_loop3A_511 = arith.addf %parallel_loop3A_509, %parallel_loop3A_510 : vector<16xf32>
        %parallel_loop3A_512 = arith.constant 2 : i32
        %parallel_loop3A_513 = arith.index_cast %parallel_loop3A_512 : i32 to index
        %parallel_loop3A_514 = arith.index_cast %parallel_loop3A_438 : i32 to index
        %parallel_loop3A_515 = arith.constant 0 : index
        %parallel_loop3A_516 = tpu.vector_load %arg8[%parallel_loop3A_513, %parallel_loop3A_514, %parallel_loop3A_515] {strides = array<i32>} : memref<4x50x64xf32, #tpu.memory_space<vmem>>, vector<1x1x16xf32>,
        %parallel_loop3A_517 = vector.shape_cast %parallel_loop3A_516 : vector<1x1x16xf32> to vector<16xf32>
        %parallel_loop3A_518 = vector.shape_cast %parallel_loop3A_511 : vector<16xf32> to vector<1x1x16xf32>
        tpu.vector_store %arg8[%parallel_loop3A_513, %parallel_loop3A_514, %parallel_loop3A_515], %parallel_loop3A_518 {strides = array<i32>} : memref<4x50x64xf32, #tpu.memory_space<vmem>>, vector<1x1x16xf32>,
        %parallel_loop3A_519 = arith.constant 0 : i32
        %parallel_loop3A_520 = arith.addi %parallel_loop3A_440, %parallel_loop3A_519 : i32
        %parallel_loop3A_521 = arith.constant 2 : i32
        %parallel_loop3A_522 = arith.index_cast %parallel_loop3A_521 : i32 to index
        %parallel_loop3A_523 = arith.index_cast %parallel_loop3A_520 : i32 to index
        %parallel_loop3A_524 = arith.constant 16 : index
        %parallel_loop3A_525 = tpu.vector_load %arg7[%parallel_loop3A_522, %parallel_loop3A_523, %parallel_loop3A_524] {strides = array<i32>} : memref<4x400x64xf32, #tpu.memory_space<vmem>>, vector<1x1x16xf32>,
        %parallel_loop3A_526 = vector.shape_cast %parallel_loop3A_525 : vector<1x1x16xf32> to vector<16xf32>
        %parallel_loop3A_527 = arith.constant 1 : i32
        %parallel_loop3A_528 = arith.addi %parallel_loop3A_440, %parallel_loop3A_527 : i32
        %parallel_loop3A_529 = arith.constant 2 : i32
        %parallel_loop3A_530 = arith.index_cast %parallel_loop3A_529 : i32 to index
        %parallel_loop3A_531 = arith.index_cast %parallel_loop3A_528 : i32 to index
        %parallel_loop3A_532 = arith.constant 16 : index
        %parallel_loop3A_533 = tpu.vector_load %arg7[%parallel_loop3A_530, %parallel_loop3A_531, %parallel_loop3A_532] {strides = array<i32>} : memref<4x400x64xf32, #tpu.memory_space<vmem>>, vector<1x1x16xf32>,
        %parallel_loop3A_534 = vector.shape_cast %parallel_loop3A_533 : vector<1x1x16xf32> to vector<16xf32>
        %parallel_loop3A_535 = arith.constant 2 : i32
        %parallel_loop3A_536 = arith.addi %parallel_loop3A_440, %parallel_loop3A_535 : i32
        %parallel_loop3A_537 = arith.constant 2 : i32
        %parallel_loop3A_538 = arith.index_cast %parallel_loop3A_537 : i32 to index
        %parallel_loop3A_539 = arith.index_cast %parallel_loop3A_536 : i32 to index
        %parallel_loop3A_540 = arith.constant 16 : index
        %parallel_loop3A_541 = tpu.vector_load %arg7[%parallel_loop3A_538, %parallel_loop3A_539, %parallel_loop3A_540] {strides = array<i32>} : memref<4x400x64xf32, #tpu.memory_space<vmem>>, vector<1x1x16xf32>,
        %parallel_loop3A_542 = vector.shape_cast %parallel_loop3A_541 : vector<1x1x16xf32> to vector<16xf32>
        %parallel_loop3A_543 = arith.constant 3 : i32
        %parallel_loop3A_544 = arith.addi %parallel_loop3A_440, %parallel_loop3A_543 : i32
        %parallel_loop3A_545 = arith.constant 2 : i32
        %parallel_loop3A_546 = arith.index_cast %parallel_loop3A_545 : i32 to index
        %parallel_loop3A_547 = arith.index_cast %parallel_loop3A_544 : i32 to index
        %parallel_loop3A_548 = arith.constant 16 : index
        %parallel_loop3A_549 = tpu.vector_load %arg7[%parallel_loop3A_546, %parallel_loop3A_547, %parallel_loop3A_548] {strides = array<i32>} : memref<4x400x64xf32, #tpu.memory_space<vmem>>, vector<1x1x16xf32>,
        %parallel_loop3A_550 = vector.shape_cast %parallel_loop3A_549 : vector<1x1x16xf32> to vector<16xf32>
        %parallel_loop3A_551 = arith.constant 4 : i32
        %parallel_loop3A_552 = arith.addi %parallel_loop3A_440, %parallel_loop3A_551 : i32
        %parallel_loop3A_553 = arith.constant 2 : i32
        %parallel_loop3A_554 = arith.index_cast %parallel_loop3A_553 : i32 to index
        %parallel_loop3A_555 = arith.index_cast %parallel_loop3A_552 : i32 to index
        %parallel_loop3A_556 = arith.constant 16 : index
        %parallel_loop3A_557 = tpu.vector_load %arg7[%parallel_loop3A_554, %parallel_loop3A_555, %parallel_loop3A_556] {strides = array<i32>} : memref<4x400x64xf32, #tpu.memory_space<vmem>>, vector<1x1x16xf32>,
        %parallel_loop3A_558 = vector.shape_cast %parallel_loop3A_557 : vector<1x1x16xf32> to vector<16xf32>
        %parallel_loop3A_559 = arith.constant 5 : i32
        %parallel_loop3A_560 = arith.addi %parallel_loop3A_440, %parallel_loop3A_559 : i32
        %parallel_loop3A_561 = arith.constant 2 : i32
        %parallel_loop3A_562 = arith.index_cast %parallel_loop3A_561 : i32 to index
        %parallel_loop3A_563 = arith.index_cast %parallel_loop3A_560 : i32 to index
        %parallel_loop3A_564 = arith.constant 16 : index
        %parallel_loop3A_565 = tpu.vector_load %arg7[%parallel_loop3A_562, %parallel_loop3A_563, %parallel_loop3A_564] {strides = array<i32>} : memref<4x400x64xf32, #tpu.memory_space<vmem>>, vector<1x1x16xf32>,
        %parallel_loop3A_566 = vector.shape_cast %parallel_loop3A_565 : vector<1x1x16xf32> to vector<16xf32>
        %parallel_loop3A_567 = arith.constant 6 : i32
        %parallel_loop3A_568 = arith.addi %parallel_loop3A_440, %parallel_loop3A_567 : i32
        %parallel_loop3A_569 = arith.constant 2 : i32
        %parallel_loop3A_570 = arith.index_cast %parallel_loop3A_569 : i32 to index
        %parallel_loop3A_571 = arith.index_cast %parallel_loop3A_568 : i32 to index
        %parallel_loop3A_572 = arith.constant 16 : index
        %parallel_loop3A_573 = tpu.vector_load %arg7[%parallel_loop3A_570, %parallel_loop3A_571, %parallel_loop3A_572] {strides = array<i32>} : memref<4x400x64xf32, #tpu.memory_space<vmem>>, vector<1x1x16xf32>,
        %parallel_loop3A_574 = vector.shape_cast %parallel_loop3A_573 : vector<1x1x16xf32> to vector<16xf32>
        %parallel_loop3A_575 = arith.constant 7 : i32
        %parallel_loop3A_576 = arith.addi %parallel_loop3A_440, %parallel_loop3A_575 : i32
        %parallel_loop3A_577 = arith.constant 2 : i32
        %parallel_loop3A_578 = arith.index_cast %parallel_loop3A_577 : i32 to index
        %parallel_loop3A_579 = arith.index_cast %parallel_loop3A_576 : i32 to index
        %parallel_loop3A_580 = arith.constant 16 : index
        %parallel_loop3A_581 = tpu.vector_load %arg7[%parallel_loop3A_578, %parallel_loop3A_579, %parallel_loop3A_580] {strides = array<i32>} : memref<4x400x64xf32, #tpu.memory_space<vmem>>, vector<1x1x16xf32>,
        %parallel_loop3A_582 = vector.shape_cast %parallel_loop3A_581 : vector<1x1x16xf32> to vector<16xf32>
        %parallel_loop3A_583 = arith.addf %parallel_loop3A_526, %parallel_loop3A_534 : vector<16xf32>
        %parallel_loop3A_584 = arith.addf %parallel_loop3A_542, %parallel_loop3A_550 : vector<16xf32>
        %parallel_loop3A_585 = arith.addf %parallel_loop3A_558, %parallel_loop3A_566 : vector<16xf32>
        %parallel_loop3A_586 = arith.addf %parallel_loop3A_574, %parallel_loop3A_582 : vector<16xf32>
        %parallel_loop3A_587 = arith.addf %parallel_loop3A_583, %parallel_loop3A_584 : vector<16xf32>
        %parallel_loop3A_588 = arith.addf %parallel_loop3A_585, %parallel_loop3A_586 : vector<16xf32>
        %parallel_loop3A_589 = arith.addf %parallel_loop3A_587, %parallel_loop3A_588 : vector<16xf32>
        %parallel_loop3A_590 = arith.constant 2 : i32
        %parallel_loop3A_591 = arith.index_cast %parallel_loop3A_590 : i32 to index
        %parallel_loop3A_592 = arith.index_cast %parallel_loop3A_438 : i32 to index
        %parallel_loop3A_593 = arith.constant 16 : index
        %parallel_loop3A_594 = tpu.vector_load %arg8[%parallel_loop3A_591, %parallel_loop3A_592, %parallel_loop3A_593] {strides = array<i32>} : memref<4x50x64xf32, #tpu.memory_space<vmem>>, vector<1x1x16xf32>,
        %parallel_loop3A_595 = vector.shape_cast %parallel_loop3A_594 : vector<1x1x16xf32> to vector<16xf32>
        %parallel_loop3A_596 = vector.shape_cast %parallel_loop3A_589 : vector<16xf32> to vector<1x1x16xf32>
        tpu.vector_store %arg8[%parallel_loop3A_591, %parallel_loop3A_592, %parallel_loop3A_593], %parallel_loop3A_596 {strides = array<i32>} : memref<4x50x64xf32, #tpu.memory_space<vmem>>, vector<1x1x16xf32>,
        %parallel_loop3A_597 = arith.constant 0 : i32
        %parallel_loop3A_598 = arith.addi %parallel_loop3A_440, %parallel_loop3A_597 : i32
        %parallel_loop3A_599 = arith.constant 2 : i32
        %parallel_loop3A_600 = arith.index_cast %parallel_loop3A_599 : i32 to index
        %parallel_loop3A_601 = arith.index_cast %parallel_loop3A_598 : i32 to index
        %parallel_loop3A_602 = arith.constant 32 : index
        %parallel_loop3A_603 = tpu.vector_load %arg7[%parallel_loop3A_600, %parallel_loop3A_601, %parallel_loop3A_602] {strides = array<i32>} : memref<4x400x64xf32, #tpu.memory_space<vmem>>, vector<1x1x16xf32>,
        %parallel_loop3A_604 = vector.shape_cast %parallel_loop3A_603 : vector<1x1x16xf32> to vector<16xf32>
        %parallel_loop3A_605 = arith.constant 1 : i32
        %parallel_loop3A_606 = arith.addi %parallel_loop3A_440, %parallel_loop3A_605 : i32
        %parallel_loop3A_607 = arith.constant 2 : i32
        %parallel_loop3A_608 = arith.index_cast %parallel_loop3A_607 : i32 to index
        %parallel_loop3A_609 = arith.index_cast %parallel_loop3A_606 : i32 to index
        %parallel_loop3A_610 = arith.constant 32 : index
        %parallel_loop3A_611 = tpu.vector_load %arg7[%parallel_loop3A_608, %parallel_loop3A_609, %parallel_loop3A_610] {strides = array<i32>} : memref<4x400x64xf32, #tpu.memory_space<vmem>>, vector<1x1x16xf32>,
        %parallel_loop3A_612 = vector.shape_cast %parallel_loop3A_611 : vector<1x1x16xf32> to vector<16xf32>
        %parallel_loop3A_613 = arith.constant 2 : i32
        %parallel_loop3A_614 = arith.addi %parallel_loop3A_440, %parallel_loop3A_613 : i32
        %parallel_loop3A_615 = arith.constant 2 : i32
        %parallel_loop3A_616 = arith.index_cast %parallel_loop3A_615 : i32 to index
        %parallel_loop3A_617 = arith.index_cast %parallel_loop3A_614 : i32 to index
        %parallel_loop3A_618 = arith.constant 32 : index
        %parallel_loop3A_619 = tpu.vector_load %arg7[%parallel_loop3A_616, %parallel_loop3A_617, %parallel_loop3A_618] {strides = array<i32>} : memref<4x400x64xf32, #tpu.memory_space<vmem>>, vector<1x1x16xf32>,
        %parallel_loop3A_620 = vector.shape_cast %parallel_loop3A_619 : vector<1x1x16xf32> to vector<16xf32>
        %parallel_loop3A_621 = arith.constant 3 : i32
        %parallel_loop3A_622 = arith.addi %parallel_loop3A_440, %parallel_loop3A_621 : i32
        %parallel_loop3A_623 = arith.constant 2 : i32
        %parallel_loop3A_624 = arith.index_cast %parallel_loop3A_623 : i32 to index
        %parallel_loop3A_625 = arith.index_cast %parallel_loop3A_622 : i32 to index
        %parallel_loop3A_626 = arith.constant 32 : index
        %parallel_loop3A_627 = tpu.vector_load %arg7[%parallel_loop3A_624, %parallel_loop3A_625, %parallel_loop3A_626] {strides = array<i32>} : memref<4x400x64xf32, #tpu.memory_space<vmem>>, vector<1x1x16xf32>,
        %parallel_loop3A_628 = vector.shape_cast %parallel_loop3A_627 : vector<1x1x16xf32> to vector<16xf32>
        %parallel_loop3A_629 = arith.constant 4 : i32
        %parallel_loop3A_630 = arith.addi %parallel_loop3A_440, %parallel_loop3A_629 : i32
        %parallel_loop3A_631 = arith.constant 2 : i32
        %parallel_loop3A_632 = arith.index_cast %parallel_loop3A_631 : i32 to index
        %parallel_loop3A_633 = arith.index_cast %parallel_loop3A_630 : i32 to index
        %parallel_loop3A_634 = arith.constant 32 : index
        %parallel_loop3A_635 = tpu.vector_load %arg7[%parallel_loop3A_632, %parallel_loop3A_633, %parallel_loop3A_634] {strides = array<i32>} : memref<4x400x64xf32, #tpu.memory_space<vmem>>, vector<1x1x16xf32>,
        %parallel_loop3A_636 = vector.shape_cast %parallel_loop3A_635 : vector<1x1x16xf32> to vector<16xf32>
        %parallel_loop3A_637 = arith.constant 5 : i32
        %parallel_loop3A_638 = arith.addi %parallel_loop3A_440, %parallel_loop3A_637 : i32
        %parallel_loop3A_639 = arith.constant 2 : i32
        %parallel_loop3A_640 = arith.index_cast %parallel_loop3A_639 : i32 to index
        %parallel_loop3A_641 = arith.index_cast %parallel_loop3A_638 : i32 to index
        %parallel_loop3A_642 = arith.constant 32 : index
        %parallel_loop3A_643 = tpu.vector_load %arg7[%parallel_loop3A_640, %parallel_loop3A_641, %parallel_loop3A_642] {strides = array<i32>} : memref<4x400x64xf32, #tpu.memory_space<vmem>>, vector<1x1x16xf32>,
        %parallel_loop3A_644 = vector.shape_cast %parallel_loop3A_643 : vector<1x1x16xf32> to vector<16xf32>
        %parallel_loop3A_645 = arith.constant 6 : i32
        %parallel_loop3A_646 = arith.addi %parallel_loop3A_440, %parallel_loop3A_645 : i32
        %parallel_loop3A_647 = arith.constant 2 : i32
        %parallel_loop3A_648 = arith.index_cast %parallel_loop3A_647 : i32 to index
        %parallel_loop3A_649 = arith.index_cast %parallel_loop3A_646 : i32 to index
        %parallel_loop3A_650 = arith.constant 32 : index
        %parallel_loop3A_651 = tpu.vector_load %arg7[%parallel_loop3A_648, %parallel_loop3A_649, %parallel_loop3A_650] {strides = array<i32>} : memref<4x400x64xf32, #tpu.memory_space<vmem>>, vector<1x1x16xf32>,
        %parallel_loop3A_652 = vector.shape_cast %parallel_loop3A_651 : vector<1x1x16xf32> to vector<16xf32>
        %parallel_loop3A_653 = arith.constant 7 : i32
        %parallel_loop3A_654 = arith.addi %parallel_loop3A_440, %parallel_loop3A_653 : i32
        %parallel_loop3A_655 = arith.constant 2 : i32
        %parallel_loop3A_656 = arith.index_cast %parallel_loop3A_655 : i32 to index
        %parallel_loop3A_657 = arith.index_cast %parallel_loop3A_654 : i32 to index
        %parallel_loop3A_658 = arith.constant 32 : index
        %parallel_loop3A_659 = tpu.vector_load %arg7[%parallel_loop3A_656, %parallel_loop3A_657, %parallel_loop3A_658] {strides = array<i32>} : memref<4x400x64xf32, #tpu.memory_space<vmem>>, vector<1x1x16xf32>,
        %parallel_loop3A_660 = vector.shape_cast %parallel_loop3A_659 : vector<1x1x16xf32> to vector<16xf32>
        %parallel_loop3A_661 = arith.addf %parallel_loop3A_604, %parallel_loop3A_612 : vector<16xf32>
        %parallel_loop3A_662 = arith.addf %parallel_loop3A_620, %parallel_loop3A_628 : vector<16xf32>
        %parallel_loop3A_663 = arith.addf %parallel_loop3A_636, %parallel_loop3A_644 : vector<16xf32>
        %parallel_loop3A_664 = arith.addf %parallel_loop3A_652, %parallel_loop3A_660 : vector<16xf32>
        %parallel_loop3A_665 = arith.addf %parallel_loop3A_661, %parallel_loop3A_662 : vector<16xf32>
        %parallel_loop3A_666 = arith.addf %parallel_loop3A_663, %parallel_loop3A_664 : vector<16xf32>
        %parallel_loop3A_667 = arith.addf %parallel_loop3A_665, %parallel_loop3A_666 : vector<16xf32>
        %parallel_loop3A_668 = arith.constant 2 : i32
        %parallel_loop3A_669 = arith.index_cast %parallel_loop3A_668 : i32 to index
        %parallel_loop3A_670 = arith.index_cast %parallel_loop3A_438 : i32 to index
        %parallel_loop3A_671 = arith.constant 32 : index
        %parallel_loop3A_672 = tpu.vector_load %arg8[%parallel_loop3A_669, %parallel_loop3A_670, %parallel_loop3A_671] {strides = array<i32>} : memref<4x50x64xf32, #tpu.memory_space<vmem>>, vector<1x1x16xf32>,
        %parallel_loop3A_673 = vector.shape_cast %parallel_loop3A_672 : vector<1x1x16xf32> to vector<16xf32>
        %parallel_loop3A_674 = vector.shape_cast %parallel_loop3A_667 : vector<16xf32> to vector<1x1x16xf32>
        tpu.vector_store %arg8[%parallel_loop3A_669, %parallel_loop3A_670, %parallel_loop3A_671], %parallel_loop3A_674 {strides = array<i32>} : memref<4x50x64xf32, #tpu.memory_space<vmem>>, vector<1x1x16xf32>,
        %parallel_loop3A_675 = arith.constant 0 : i32
        %parallel_loop3A_676 = arith.addi %parallel_loop3A_440, %parallel_loop3A_675 : i32
        %parallel_loop3A_677 = arith.constant 2 : i32
        %parallel_loop3A_678 = arith.index_cast %parallel_loop3A_677 : i32 to index
        %parallel_loop3A_679 = arith.index_cast %parallel_loop3A_676 : i32 to index
        %parallel_loop3A_680 = arith.constant 48 : index
        %parallel_loop3A_681 = tpu.vector_load %arg7[%parallel_loop3A_678, %parallel_loop3A_679, %parallel_loop3A_680] {strides = array<i32>} : memref<4x400x64xf32, #tpu.memory_space<vmem>>, vector<1x1x16xf32>,
        %parallel_loop3A_682 = vector.shape_cast %parallel_loop3A_681 : vector<1x1x16xf32> to vector<16xf32>
        %parallel_loop3A_683 = arith.constant 1 : i32
        %parallel_loop3A_684 = arith.addi %parallel_loop3A_440, %parallel_loop3A_683 : i32
        %parallel_loop3A_685 = arith.constant 2 : i32
        %parallel_loop3A_686 = arith.index_cast %parallel_loop3A_685 : i32 to index
        %parallel_loop3A_687 = arith.index_cast %parallel_loop3A_684 : i32 to index
        %parallel_loop3A_688 = arith.constant 48 : index
        %parallel_loop3A_689 = tpu.vector_load %arg7[%parallel_loop3A_686, %parallel_loop3A_687, %parallel_loop3A_688] {strides = array<i32>} : memref<4x400x64xf32, #tpu.memory_space<vmem>>, vector<1x1x16xf32>,
        %parallel_loop3A_690 = vector.shape_cast %parallel_loop3A_689 : vector<1x1x16xf32> to vector<16xf32>
        %parallel_loop3A_691 = arith.constant 2 : i32
        %parallel_loop3A_692 = arith.addi %parallel_loop3A_440, %parallel_loop3A_691 : i32
        %parallel_loop3A_693 = arith.constant 2 : i32
        %parallel_loop3A_694 = arith.index_cast %parallel_loop3A_693 : i32 to index
        %parallel_loop3A_695 = arith.index_cast %parallel_loop3A_692 : i32 to index
        %parallel_loop3A_696 = arith.constant 48 : index
        %parallel_loop3A_697 = tpu.vector_load %arg7[%parallel_loop3A_694, %parallel_loop3A_695, %parallel_loop3A_696] {strides = array<i32>} : memref<4x400x64xf32, #tpu.memory_space<vmem>>, vector<1x1x16xf32>,
        %parallel_loop3A_698 = vector.shape_cast %parallel_loop3A_697 : vector<1x1x16xf32> to vector<16xf32>
        %parallel_loop3A_699 = arith.constant 3 : i32
        %parallel_loop3A_700 = arith.addi %parallel_loop3A_440, %parallel_loop3A_699 : i32
        %parallel_loop3A_701 = arith.constant 2 : i32
        %parallel_loop3A_702 = arith.index_cast %parallel_loop3A_701 : i32 to index
        %parallel_loop3A_703 = arith.index_cast %parallel_loop3A_700 : i32 to index
        %parallel_loop3A_704 = arith.constant 48 : index
        %parallel_loop3A_705 = tpu.vector_load %arg7[%parallel_loop3A_702, %parallel_loop3A_703, %parallel_loop3A_704] {strides = array<i32>} : memref<4x400x64xf32, #tpu.memory_space<vmem>>, vector<1x1x16xf32>,
        %parallel_loop3A_706 = vector.shape_cast %parallel_loop3A_705 : vector<1x1x16xf32> to vector<16xf32>
        %parallel_loop3A_707 = arith.constant 4 : i32
        %parallel_loop3A_708 = arith.addi %parallel_loop3A_440, %parallel_loop3A_707 : i32
        %parallel_loop3A_709 = arith.constant 2 : i32
        %parallel_loop3A_710 = arith.index_cast %parallel_loop3A_709 : i32 to index
        %parallel_loop3A_711 = arith.index_cast %parallel_loop3A_708 : i32 to index
        %parallel_loop3A_712 = arith.constant 48 : index
        %parallel_loop3A_713 = tpu.vector_load %arg7[%parallel_loop3A_710, %parallel_loop3A_711, %parallel_loop3A_712] {strides = array<i32>} : memref<4x400x64xf32, #tpu.memory_space<vmem>>, vector<1x1x16xf32>,
        %parallel_loop3A_714 = vector.shape_cast %parallel_loop3A_713 : vector<1x1x16xf32> to vector<16xf32>
        %parallel_loop3A_715 = arith.constant 5 : i32
        %parallel_loop3A_716 = arith.addi %parallel_loop3A_440, %parallel_loop3A_715 : i32
        %parallel_loop3A_717 = arith.constant 2 : i32
        %parallel_loop3A_718 = arith.index_cast %parallel_loop3A_717 : i32 to index
        %parallel_loop3A_719 = arith.index_cast %parallel_loop3A_716 : i32 to index
        %parallel_loop3A_720 = arith.constant 48 : index
        %parallel_loop3A_721 = tpu.vector_load %arg7[%parallel_loop3A_718, %parallel_loop3A_719, %parallel_loop3A_720] {strides = array<i32>} : memref<4x400x64xf32, #tpu.memory_space<vmem>>, vector<1x1x16xf32>,
        %parallel_loop3A_722 = vector.shape_cast %parallel_loop3A_721 : vector<1x1x16xf32> to vector<16xf32>
        %parallel_loop3A_723 = arith.constant 6 : i32
        %parallel_loop3A_724 = arith.addi %parallel_loop3A_440, %parallel_loop3A_723 : i32
        %parallel_loop3A_725 = arith.constant 2 : i32
        %parallel_loop3A_726 = arith.index_cast %parallel_loop3A_725 : i32 to index
        %parallel_loop3A_727 = arith.index_cast %parallel_loop3A_724 : i32 to index
        %parallel_loop3A_728 = arith.constant 48 : index
        %parallel_loop3A_729 = tpu.vector_load %arg7[%parallel_loop3A_726, %parallel_loop3A_727, %parallel_loop3A_728] {strides = array<i32>} : memref<4x400x64xf32, #tpu.memory_space<vmem>>, vector<1x1x16xf32>,
        %parallel_loop3A_730 = vector.shape_cast %parallel_loop3A_729 : vector<1x1x16xf32> to vector<16xf32>
        %parallel_loop3A_731 = arith.constant 7 : i32
        %parallel_loop3A_732 = arith.addi %parallel_loop3A_440, %parallel_loop3A_731 : i32
        %parallel_loop3A_733 = arith.constant 2 : i32
        %parallel_loop3A_734 = arith.index_cast %parallel_loop3A_733 : i32 to index
        %parallel_loop3A_735 = arith.index_cast %parallel_loop3A_732 : i32 to index
        %parallel_loop3A_736 = arith.constant 48 : index
        %parallel_loop3A_737 = tpu.vector_load %arg7[%parallel_loop3A_734, %parallel_loop3A_735, %parallel_loop3A_736] {strides = array<i32>} : memref<4x400x64xf32, #tpu.memory_space<vmem>>, vector<1x1x16xf32>,
        %parallel_loop3A_738 = vector.shape_cast %parallel_loop3A_737 : vector<1x1x16xf32> to vector<16xf32>
        %parallel_loop3A_739 = arith.addf %parallel_loop3A_682, %parallel_loop3A_690 : vector<16xf32>
        %parallel_loop3A_740 = arith.addf %parallel_loop3A_698, %parallel_loop3A_706 : vector<16xf32>
        %parallel_loop3A_741 = arith.addf %parallel_loop3A_714, %parallel_loop3A_722 : vector<16xf32>
        %parallel_loop3A_742 = arith.addf %parallel_loop3A_730, %parallel_loop3A_738 : vector<16xf32>
        %parallel_loop3A_743 = arith.addf %parallel_loop3A_739, %parallel_loop3A_740 : vector<16xf32>
        %parallel_loop3A_744 = arith.addf %parallel_loop3A_741, %parallel_loop3A_742 : vector<16xf32>
        %parallel_loop3A_745 = arith.addf %parallel_loop3A_743, %parallel_loop3A_744 : vector<16xf32>
        %parallel_loop3A_746 = arith.constant 2 : i32
        %parallel_loop3A_747 = arith.index_cast %parallel_loop3A_746 : i32 to index
        %parallel_loop3A_748 = arith.index_cast %parallel_loop3A_438 : i32 to index
        %parallel_loop3A_749 = arith.constant 48 : index
        %parallel_loop3A_750 = tpu.vector_load %arg8[%parallel_loop3A_747, %parallel_loop3A_748, %parallel_loop3A_749] {strides = array<i32>} : memref<4x50x64xf32, #tpu.memory_space<vmem>>, vector<1x1x16xf32>,
        %parallel_loop3A_751 = vector.shape_cast %parallel_loop3A_750 : vector<1x1x16xf32> to vector<16xf32>
        %parallel_loop3A_752 = vector.shape_cast %parallel_loop3A_745 : vector<16xf32> to vector<1x1x16xf32>
        tpu.vector_store %arg8[%parallel_loop3A_747, %parallel_loop3A_748, %parallel_loop3A_749], %parallel_loop3A_752 {strides = array<i32>} : memref<4x50x64xf32, #tpu.memory_space<vmem>>, vector<1x1x16xf32>,
      } {sc.loop_unroll_factor = 2 : i64, sc.parallel_access}
      %mul3A_363 = arith.constant 50 : i32
      %mul3A_364 = arith.muli %add3A_335, %mul3A_363 : i32
      %add3A_365 = arith.addi %mul3A_2, %mul3A_364 : i32
      %dma_start3A_366 = arith.constant 2 : i32
      %dma_start3A_367 = arith.constant 0 : i32
      %dma_start3A_368 = arith.constant 0 : i32
      %dma_start3A_369 = tpu.memref_slice %arg8[%dma_start3A_366, %dma_start3A_367, %dma_start3A_368] : memref<4x50x64xf32, #tpu.memory_space<vmem>> -> memref<1x50x64xf32, #tpu.memory_space<vmem>>
      %dma_start3A_370 = tpu.memref_squeeze %dma_start3A_369 : memref<1x50x64xf32, #tpu.memory_space<vmem>> -> memref<50x64xf32, #tpu.memory_space<vmem>>
      %dma_start3A_371 = arith.constant 0 : i32
      %dma_start3A_372 = tpu.memref_slice %arg5[%add3A_365, %dma_start3A_371] : memref<204800x64xf32, #tpu.memory_space<hbm>> -> memref<50x64xf32, #tpu.memory_space<hbm>>
      %dma_start3A_373 = arith.constant 0 : i32
      %dma_start3A_374 = tpu.memref_slice %arg5[%add3A_365, %dma_start3A_373] : memref<204800x64xf32, #tpu.memory_space<hbm>> -> memref<50x64xf32, #tpu.memory_space<hbm>>
      %dma_start3A_375 = arith.constant 0 : i32
      %dma_start3A_376 = arith.constant 0 : i32
      %dma_start3A_377 = tpu.memref_slice %arg8[%dma_start3A_366, %dma_start3A_375, %dma_start3A_376] : memref<4x50x64xf32, #tpu.memory_space<vmem>> -> memref<1x50x64xf32, #tpu.memory_space<vmem>>
      %dma_start3A_378 = tpu.memref_squeeze %dma_start3A_377 : memref<1x50x64xf32, #tpu.memory_space<vmem>> -> memref<50x64xf32, #tpu.memory_space<vmem>>
      tpu.enqueue_dma source(%dma_start3A_378 : memref<50x64xf32, #tpu.memory_space<vmem>>) target(%dma_start3A_374 : memref<50x64xf32, #tpu.memory_space<hbm>>) target_semaphore(%arg20 : memref<!tpu.dma_semaphore, #tpu.memory_space<semaphore_mem>>)
      %add3A_379 = arith.constant 4 : i32
      %add3A_380 = arith.addi %add3A_335, %add3A_379 : i32
      %lt3A_381 = arith.constant 128 : i32
      %lt3A_382 = arith.cmpi slt, %add3A_380, %lt3A_381 : i32
      %convert_element_type3A_383 = arith.extui %lt3A_382 : i1 to i32
      %cond3A_384 = arith.constant 0 : i32
      %cond3A_385 = arith.cmpi ne, %convert_element_type3A_383, %cond3A_384 : i32
      scf.if %cond3A_385 {
        %add3A_438 = arith.constant 4 : i32
        %add3A_439 = arith.addi %add3A_335, %add3A_438 : i32
        %mul3A_440 = arith.constant 50 : i32
        %mul3A_441 = arith.muli %add3A_439, %mul3A_440 : i32
        %add3A_442 = arith.addi %mul3A_2, %mul3A_441 : i32
        %mul3A_443 = arith.constant 8 : i32
        %mul3A_444 = arith.muli %add3A_442, %mul3A_443 : i32
        %dma_wait3A_445 = arith.constant 2 : i32
        %dma_wait3A_446 = arith.constant 0 : i32
        %dma_wait3A_447 = tpu.memref_slice %arg6[%dma_wait3A_445, %dma_wait3A_446] : memref<4x400xi32, #tpu.memory_space<vmem>> -> memref<1x400xi32, #tpu.memory_space<vmem>>
        %dma_wait3A_448 = tpu.memref_squeeze %dma_wait3A_447 : memref<1x400xi32, #tpu.memory_space<vmem>> -> memref<400xi32, #tpu.memory_space<vmem>>
        %dma_wait3A_449 = tpu.memref_slice %arg2[%mul3A_444] : memref<1638400xi32, #tpu.memory_space<hbm>> -> memref<400xi32, #tpu.memory_space<hbm>>
        %dma_wait3A_450 = arith.constant 0 : i32
        %dma_wait3A_451 = tpu.memref_slice %arg6[%dma_wait3A_445, %dma_wait3A_450] : memref<4x400xi32, #tpu.memory_space<vmem>> -> memref<1x400xi32, #tpu.memory_space<vmem>>
        %dma_wait3A_452 = tpu.memref_squeeze %dma_wait3A_451 : memref<1x400xi32, #tpu.memory_space<vmem>> -> memref<400xi32, #tpu.memory_space<vmem>>
        %dma_wait3A_453 = tpu.memref_slice %arg2[%mul3A_444] : memref<1638400xi32, #tpu.memory_space<hbm>> -> memref<400xi32, #tpu.memory_space<hbm>>
        tpu.wait_dma2 semaphore(%arg16 : memref<!tpu.dma_semaphore, #tpu.memory_space<semaphore_mem>>) src(%dma_wait3A_453 : memref<400xi32, #tpu.memory_space<hbm>>) dst(%dma_wait3A_452 : memref<400xi32, #tpu.memory_space<vmem>>)
        %parallel_loop3A_454 = arith.constant 0 : i32
        %parallel_loop3A_455 = arith.constant 400 : i32
        %parallel_loop3A_456 = arith.constant 16 : i32
        scf.for %parallel_loop3A_469 = %parallel_loop3A_454 to %parallel_loop3A_455 step %parallel_loop3A_456  : i32 {
          %parallel_loop3A_470 = arith.constant 2 : i32
          %parallel_loop3A_471 = arith.index_cast %parallel_loop3A_470 : i32 to index
          %parallel_loop3A_472 = arith.index_cast %parallel_loop3A_469 : i32 to index
          %parallel_loop3A_473 = tpu.vector_load %arg6[%parallel_loop3A_471, %parallel_loop3A_472] {strides = array<i32>} : memref<4x400xi32, #tpu.memory_space<vmem>>, vector<1x16xi32>,
          %parallel_loop3A_474 = vector.shape_cast %parallel_loop3A_473 : vector<1x16xi32> to vector<16xi32>
          %parallel_loop3A_475 = arith.addi %parallel_loop3A_474, %get3A_4 : vector<16xi32>
          %parallel_loop3A_476 = arith.constant 2 : i32
          %parallel_loop3A_477 = arith.index_cast %parallel_loop3A_476 : i32 to index
          %parallel_loop3A_478 = arith.index_cast %parallel_loop3A_469 : i32 to index
          %parallel_loop3A_479 = tpu.vector_load %arg6[%parallel_loop3A_477, %parallel_loop3A_478] {strides = array<i32>} : memref<4x400xi32, #tpu.memory_space<vmem>>, vector<1x16xi32>,
          %parallel_loop3A_480 = vector.shape_cast %parallel_loop3A_479 : vector<1x16xi32> to vector<16xi32>
          %parallel_loop3A_481 = vector.shape_cast %parallel_loop3A_475 : vector<16xi32> to vector<1x16xi32>
          tpu.vector_store %arg6[%parallel_loop3A_477, %parallel_loop3A_478], %parallel_loop3A_481 {strides = array<i32>} : memref<4x400xi32, #tpu.memory_space<vmem>>, vector<1x16xi32>,
        } {sc.loop_unroll_factor = 2 : i64, sc.parallel_access}
        %dma_start3A_457 = arith.constant 2 : i32
        %dma_start3A_458 = arith.constant 2 : i32
        %dma_start3A_459 = arith.constant 0 : i32
        %dma_start3A_460 = arith.constant 0 : i32
        %dma_start3A_461 = tpu.memref_slice %arg7[%dma_start3A_458, %dma_start3A_459, %dma_start3A_460] : memref<4x400x64xf32, #tpu.memory_space<vmem>> -> memref<1x400x64xf32, #tpu.memory_space<vmem>>
        %dma_start3A_462 = tpu.memref_squeeze %dma_start3A_461 : memref<1x400x64xf32, #tpu.memory_space<vmem>> -> memref<400x64xf32, #tpu.memory_space<vmem>>
        %dma_start3A_463 = arith.constant 0 : i32
        %dma_start3A_464 = tpu.memref_slice %arg6[%dma_start3A_457, %dma_start3A_463] : memref<4x400xi32, #tpu.memory_space<vmem>> -> memref<1x400xi32, #tpu.memory_space<vmem>>
        %dma_start3A_465 = tpu.memref_squeeze %dma_start3A_464 : memref<1x400xi32, #tpu.memory_space<vmem>> -> memref<400xi32, #tpu.memory_space<vmem>>
        %dma_start3A_466 = arith.constant 0 : i32
        %dma_start3A_467 = arith.constant 0 : i32
        %dma_start3A_468 = tpu.memref_slice %arg3[%dma_start3A_466, %dma_start3A_467] : memref<800000x64xf32, #tpu.memory_space<hbm>> -> memref<800000x64xf32, #tpu.memory_space<hbm>>
        tpu.enqueue_indirect_dma source(%dma_start3A_468 : memref<800000x64xf32, #tpu.memory_space<hbm>>) target(%dma_start3A_462 : memref<400x64xf32, #tpu.memory_space<vmem>>) offsets(%dma_start3A_465 : memref<400xi32, #tpu.memory_space<vmem>>) semaphore(%arg12 : memref<!tpu.dma_semaphore, #tpu.memory_space<semaphore_mem>>)
      } else {
      }
      %add3A_386 = arith.constant 3 : i32
      %add3A_387 = arith.addi %mul3A_233, %add3A_386 : i32
      %dma_wait3A_388 = arith.constant 3 : i32
      %dma_wait3A_389 = arith.constant 3 : i32
      %dma_wait3A_390 = arith.constant 0 : i32
      %dma_wait3A_391 = arith.constant 0 : i32
      %dma_wait3A_392 = tpu.memref_slice %arg7[%dma_wait3A_389, %dma_wait3A_390, %dma_wait3A_391] : memref<4x400x64xf32, #tpu.memory_space<vmem>> -> memref<1x400x64xf32, #tpu.memory_space<vmem>>
      %dma_wait3A_393 = tpu.memref_squeeze %dma_wait3A_392 : memref<1x400x64xf32, #tpu.memory_space<vmem>> -> memref<400x64xf32, #tpu.memory_space<vmem>>
      %dma_wait3A_394 = arith.constant 0 : i32
      %dma_wait3A_395 = tpu.memref_slice %arg6[%dma_wait3A_388, %dma_wait3A_394] : memref<4x400xi32, #tpu.memory_space<vmem>> -> memref<1x400xi32, #tpu.memory_space<vmem>>
      %dma_wait3A_396 = tpu.memref_squeeze %dma_wait3A_395 : memref<1x400xi32, #tpu.memory_space<vmem>> -> memref<400xi32, #tpu.memory_space<vmem>>
      %dma_wait3A_397 = arith.constant 0 : i32
      %dma_wait3A_398 = arith.constant 0 : i32
      %dma_wait3A_399 = tpu.memref_slice %arg3[%dma_wait3A_397, %dma_wait3A_398] : memref<800000x64xf32, #tpu.memory_space<hbm>> -> memref<800000x64xf32, #tpu.memory_space<hbm>>
      tpu.wait_indirect_dma semaphore(%arg13 : memref<!tpu.dma_semaphore, #tpu.memory_space<semaphore_mem>>) src(%dma_wait3A_399 : memref<800000x64xf32, #tpu.memory_space<hbm>>) dst(%dma_wait3A_393 : memref<400x64xf32, #tpu.memory_space<vmem>>)
      %add3A_400 = arith.constant 4 : i32
      %add3A_401 = arith.addi %add3A_387, %add3A_400 : i32
      %lt3A_402 = arith.constant 128 : i32
      %lt3A_403 = arith.cmpi slt, %add3A_401, %lt3A_402 : i32
      %convert_element_type3A_404 = arith.extui %lt3A_403 : i1 to i32
      %cond3A_405 = arith.constant 0 : i32
      %cond3A_406 = arith.cmpi ne, %convert_element_type3A_404, %cond3A_405 : i32
      scf.if %cond3A_406 {
        %add3A_438 = arith.constant 4 : i32
        %add3A_439 = arith.addi %add3A_387, %add3A_438 : i32
        %mul3A_440 = arith.constant 50 : i32
        %mul3A_441 = arith.muli %add3A_439, %mul3A_440 : i32
        %add3A_442 = arith.addi %mul3A_2, %mul3A_441 : i32
        %mul3A_443 = arith.constant 8 : i32
        %mul3A_444 = arith.muli %add3A_442, %mul3A_443 : i32
        %dma_start3A_445 = arith.constant 3 : i32
        %dma_start3A_446 = arith.constant 0 : i32
        %dma_start3A_447 = tpu.memref_slice %arg6[%dma_start3A_445, %dma_start3A_446] : memref<4x400xi32, #tpu.memory_space<vmem>> -> memref<1x400xi32, #tpu.memory_space<vmem>>
        %dma_start3A_448 = tpu.memref_squeeze %dma_start3A_447 : memref<1x400xi32, #tpu.memory_space<vmem>> -> memref<400xi32, #tpu.memory_space<vmem>>
        %dma_start3A_449 = tpu.memref_slice %arg2[%mul3A_444] : memref<1638400xi32, #tpu.memory_space<hbm>> -> memref<400xi32, #tpu.memory_space<hbm>>
        %dma_start3A_450 = arith.constant 0 : i32
        %dma_start3A_451 = tpu.memref_slice %arg6[%dma_start3A_445, %dma_start3A_450] : memref<4x400xi32, #tpu.memory_space<vmem>> -> memref<1x400xi32, #tpu.memory_space<vmem>>
        %dma_start3A_452 = tpu.memref_squeeze %dma_start3A_451 : memref<1x400xi32, #tpu.memory_space<vmem>> -> memref<400xi32, #tpu.memory_space<vmem>>
        %dma_start3A_453 = tpu.memref_slice %arg2[%mul3A_444] : memref<1638400xi32, #tpu.memory_space<hbm>> -> memref<400xi32, #tpu.memory_space<hbm>>
        tpu.enqueue_dma source(%dma_start3A_453 : memref<400xi32, #tpu.memory_space<hbm>>) target(%dma_start3A_452 : memref<400xi32, #tpu.memory_space<vmem>>) target_semaphore(%arg17 : memref<!tpu.dma_semaphore, #tpu.memory_space<semaphore_mem>>)
      } else {
      }
      %ge3A_407 = arith.constant 4 : i32
      %ge3A_408 = arith.cmpi sge, %add3A_387, %ge3A_407 : i32
      %convert_element_type3A_409 = arith.extui %ge3A_408 : i1 to i32
      %cond3A_410 = arith.constant 0 : i32
      %cond3A_411 = arith.cmpi ne, %convert_element_type3A_409, %cond3A_410 : i32
      scf.if %cond3A_411 {
        %mul3A_438 = arith.constant 50 : i32
        %mul3A_439 = arith.muli %add3A_387, %mul3A_438 : i32
        %add3A_440 = arith.addi %mul3A_2, %mul3A_439 : i32
        %dma_wait3A_441 = arith.constant 3 : i32
        %dma_wait3A_442 = arith.constant 0 : i32
        %dma_wait3A_443 = arith.constant 0 : i32
        %dma_wait3A_444 = tpu.memref_slice %arg8[%dma_wait3A_441, %dma_wait3A_442, %dma_wait3A_443] : memref<4x50x64xf32, #tpu.memory_space<vmem>> -> memref<1x50x64xf32, #tpu.memory_space<vmem>>
        %dma_wait3A_445 = tpu.memref_squeeze %dma_wait3A_444 : memref<1x50x64xf32, #tpu.memory_space<vmem>> -> memref<50x64xf32, #tpu.memory_space<vmem>>
        %dma_wait3A_446 = arith.constant 0 : i32
        %dma_wait3A_447 = tpu.memref_slice %arg5[%add3A_440, %dma_wait3A_446] : memref<204800x64xf32, #tpu.memory_space<hbm>> -> memref<50x64xf32, #tpu.memory_space<hbm>>
        %dma_wait3A_448 = arith.constant 0 : i32
        %dma_wait3A_449 = tpu.memref_slice %arg5[%add3A_440, %dma_wait3A_448] : memref<204800x64xf32, #tpu.memory_space<hbm>> -> memref<50x64xf32, #tpu.memory_space<hbm>>
        %dma_wait3A_450 = arith.constant 0 : i32
        %dma_wait3A_451 = arith.constant 0 : i32
        %dma_wait3A_452 = tpu.memref_slice %arg8[%dma_wait3A_441, %dma_wait3A_450, %dma_wait3A_451] : memref<4x50x64xf32, #tpu.memory_space<vmem>> -> memref<1x50x64xf32, #tpu.memory_space<vmem>>
        %dma_wait3A_453 = tpu.memref_squeeze %dma_wait3A_452 : memref<1x50x64xf32, #tpu.memory_space<vmem>> -> memref<50x64xf32, #tpu.memory_space<vmem>>
        tpu.wait_dma2 semaphore(%arg21 : memref<!tpu.dma_semaphore, #tpu.memory_space<semaphore_mem>>) src(%dma_wait3A_453 : memref<50x64xf32, #tpu.memory_space<vmem>>) dst(%dma_wait3A_449 : memref<50x64xf32, #tpu.memory_space<hbm>>)
      } else {
      }
      %parallel_loop3A_412 = arith.constant 0 : i32
      %parallel_loop3A_413 = arith.constant 50 : i32
      %parallel_loop3A_414 = arith.constant 1 : i32
      scf.for %parallel_loop3A_438 = %parallel_loop3A_412 to %parallel_loop3A_413 step %parallel_loop3A_414  : i32 {
        %parallel_loop3A_439 = arith.constant 8 : i32
        %parallel_loop3A_440 = arith.muli %parallel_loop3A_438, %parallel_loop3A_439 : i32
        %parallel_loop3A_441 = arith.constant 0 : i32
        %parallel_loop3A_442 = arith.addi %parallel_loop3A_440, %parallel_loop3A_441 : i32
        %parallel_loop3A_443 = arith.constant 3 : i32
        %parallel_loop3A_444 = arith.index_cast %parallel_loop3A_443 : i32 to index
        %parallel_loop3A_445 = arith.index_cast %parallel_loop3A_442 : i32 to index
        %parallel_loop3A_446 = arith.constant 0 : index
        %parallel_loop3A_447 = tpu.vector_load %arg7[%parallel_loop3A_444, %parallel_loop3A_445, %parallel_loop3A_446] {strides = array<i32>} : memref<4x400x64xf32, #tpu.memory_space<vmem>>, vector<1x1x16xf32>,
        %parallel_loop3A_448 = vector.shape_cast %parallel_loop3A_447 : vector<1x1x16xf32> to vector<16xf32>
        %parallel_loop3A_449 = arith.constant 1 : i32
        %parallel_loop3A_450 = arith.addi %parallel_loop3A_440, %parallel_loop3A_449 : i32
        %parallel_loop3A_451 = arith.constant 3 : i32
        %parallel_loop3A_452 = arith.index_cast %parallel_loop3A_451 : i32 to index
        %parallel_loop3A_453 = arith.index_cast %parallel_loop3A_450 : i32 to index
        %parallel_loop3A_454 = arith.constant 0 : index
        %parallel_loop3A_455 = tpu.vector_load %arg7[%parallel_loop3A_452, %parallel_loop3A_453, %parallel_loop3A_454] {strides = array<i32>} : memref<4x400x64xf32, #tpu.memory_space<vmem>>, vector<1x1x16xf32>,
        %parallel_loop3A_456 = vector.shape_cast %parallel_loop3A_455 : vector<1x1x16xf32> to vector<16xf32>
        %parallel_loop3A_457 = arith.constant 2 : i32
        %parallel_loop3A_458 = arith.addi %parallel_loop3A_440, %parallel_loop3A_457 : i32
        %parallel_loop3A_459 = arith.constant 3 : i32
        %parallel_loop3A_460 = arith.index_cast %parallel_loop3A_459 : i32 to index
        %parallel_loop3A_461 = arith.index_cast %parallel_loop3A_458 : i32 to index
        %parallel_loop3A_462 = arith.constant 0 : index
        %parallel_loop3A_463 = tpu.vector_load %arg7[%parallel_loop3A_460, %parallel_loop3A_461, %parallel_loop3A_462] {strides = array<i32>} : memref<4x400x64xf32, #tpu.memory_space<vmem>>, vector<1x1x16xf32>,
        %parallel_loop3A_464 = vector.shape_cast %parallel_loop3A_463 : vector<1x1x16xf32> to vector<16xf32>
        %parallel_loop3A_465 = arith.constant 3 : i32
        %parallel_loop3A_466 = arith.addi %parallel_loop3A_440, %parallel_loop3A_465 : i32
        %parallel_loop3A_467 = arith.constant 3 : i32
        %parallel_loop3A_468 = arith.index_cast %parallel_loop3A_467 : i32 to index
        %parallel_loop3A_469 = arith.index_cast %parallel_loop3A_466 : i32 to index
        %parallel_loop3A_470 = arith.constant 0 : index
        %parallel_loop3A_471 = tpu.vector_load %arg7[%parallel_loop3A_468, %parallel_loop3A_469, %parallel_loop3A_470] {strides = array<i32>} : memref<4x400x64xf32, #tpu.memory_space<vmem>>, vector<1x1x16xf32>,
        %parallel_loop3A_472 = vector.shape_cast %parallel_loop3A_471 : vector<1x1x16xf32> to vector<16xf32>
        %parallel_loop3A_473 = arith.constant 4 : i32
        %parallel_loop3A_474 = arith.addi %parallel_loop3A_440, %parallel_loop3A_473 : i32
        %parallel_loop3A_475 = arith.constant 3 : i32
        %parallel_loop3A_476 = arith.index_cast %parallel_loop3A_475 : i32 to index
        %parallel_loop3A_477 = arith.index_cast %parallel_loop3A_474 : i32 to index
        %parallel_loop3A_478 = arith.constant 0 : index
        %parallel_loop3A_479 = tpu.vector_load %arg7[%parallel_loop3A_476, %parallel_loop3A_477, %parallel_loop3A_478] {strides = array<i32>} : memref<4x400x64xf32, #tpu.memory_space<vmem>>, vector<1x1x16xf32>,
        %parallel_loop3A_480 = vector.shape_cast %parallel_loop3A_479 : vector<1x1x16xf32> to vector<16xf32>
        %parallel_loop3A_481 = arith.constant 5 : i32
        %parallel_loop3A_482 = arith.addi %parallel_loop3A_440, %parallel_loop3A_481 : i32
        %parallel_loop3A_483 = arith.constant 3 : i32
        %parallel_loop3A_484 = arith.index_cast %parallel_loop3A_483 : i32 to index
        %parallel_loop3A_485 = arith.index_cast %parallel_loop3A_482 : i32 to index
        %parallel_loop3A_486 = arith.constant 0 : index
        %parallel_loop3A_487 = tpu.vector_load %arg7[%parallel_loop3A_484, %parallel_loop3A_485, %parallel_loop3A_486] {strides = array<i32>} : memref<4x400x64xf32, #tpu.memory_space<vmem>>, vector<1x1x16xf32>,
        %parallel_loop3A_488 = vector.shape_cast %parallel_loop3A_487 : vector<1x1x16xf32> to vector<16xf32>
        %parallel_loop3A_489 = arith.constant 6 : i32
        %parallel_loop3A_490 = arith.addi %parallel_loop3A_440, %parallel_loop3A_489 : i32
        %parallel_loop3A_491 = arith.constant 3 : i32
        %parallel_loop3A_492 = arith.index_cast %parallel_loop3A_491 : i32 to index
        %parallel_loop3A_493 = arith.index_cast %parallel_loop3A_490 : i32 to index
        %parallel_loop3A_494 = arith.constant 0 : index
        %parallel_loop3A_495 = tpu.vector_load %arg7[%parallel_loop3A_492, %parallel_loop3A_493, %parallel_loop3A_494] {strides = array<i32>} : memref<4x400x64xf32, #tpu.memory_space<vmem>>, vector<1x1x16xf32>,
        %parallel_loop3A_496 = vector.shape_cast %parallel_loop3A_495 : vector<1x1x16xf32> to vector<16xf32>
        %parallel_loop3A_497 = arith.constant 7 : i32
        %parallel_loop3A_498 = arith.addi %parallel_loop3A_440, %parallel_loop3A_497 : i32
        %parallel_loop3A_499 = arith.constant 3 : i32
        %parallel_loop3A_500 = arith.index_cast %parallel_loop3A_499 : i32 to index
        %parallel_loop3A_501 = arith.index_cast %parallel_loop3A_498 : i32 to index
        %parallel_loop3A_502 = arith.constant 0 : index
        %parallel_loop3A_503 = tpu.vector_load %arg7[%parallel_loop3A_500, %parallel_loop3A_501, %parallel_loop3A_502] {strides = array<i32>} : memref<4x400x64xf32, #tpu.memory_space<vmem>>, vector<1x1x16xf32>,
        %parallel_loop3A_504 = vector.shape_cast %parallel_loop3A_503 : vector<1x1x16xf32> to vector<16xf32>
        %parallel_loop3A_505 = arith.addf %parallel_loop3A_448, %parallel_loop3A_456 : vector<16xf32>
        %parallel_loop3A_506 = arith.addf %parallel_loop3A_464, %parallel_loop3A_472 : vector<16xf32>
        %parallel_loop3A_507 = arith.addf %parallel_loop3A_480, %parallel_loop3A_488 : vector<16xf32>
        %parallel_loop3A_508 = arith.addf %parallel_loop3A_496, %parallel_loop3A_504 : vector<16xf32>
        %parallel_loop3A_509 = arith.addf %parallel_loop3A_505, %parallel_loop3A_506 : vector<16xf32>
        %parallel_loop3A_510 = arith.addf %parallel_loop3A_507, %parallel_loop3A_508 : vector<16xf32>
        %parallel_loop3A_511 = arith.addf %parallel_loop3A_509, %parallel_loop3A_510 : vector<16xf32>
        %parallel_loop3A_512 = arith.constant 3 : i32
        %parallel_loop3A_513 = arith.index_cast %parallel_loop3A_512 : i32 to index
        %parallel_loop3A_514 = arith.index_cast %parallel_loop3A_438 : i32 to index
        %parallel_loop3A_515 = arith.constant 0 : index
        %parallel_loop3A_516 = tpu.vector_load %arg8[%parallel_loop3A_513, %parallel_loop3A_514, %parallel_loop3A_515] {strides = array<i32>} : memref<4x50x64xf32, #tpu.memory_space<vmem>>, vector<1x1x16xf32>,
        %parallel_loop3A_517 = vector.shape_cast %parallel_loop3A_516 : vector<1x1x16xf32> to vector<16xf32>
        %parallel_loop3A_518 = vector.shape_cast %parallel_loop3A_511 : vector<16xf32> to vector<1x1x16xf32>
        tpu.vector_store %arg8[%parallel_loop3A_513, %parallel_loop3A_514, %parallel_loop3A_515], %parallel_loop3A_518 {strides = array<i32>} : memref<4x50x64xf32, #tpu.memory_space<vmem>>, vector<1x1x16xf32>,
        %parallel_loop3A_519 = arith.constant 0 : i32
        %parallel_loop3A_520 = arith.addi %parallel_loop3A_440, %parallel_loop3A_519 : i32
        %parallel_loop3A_521 = arith.constant 3 : i32
        %parallel_loop3A_522 = arith.index_cast %parallel_loop3A_521 : i32 to index
        %parallel_loop3A_523 = arith.index_cast %parallel_loop3A_520 : i32 to index
        %parallel_loop3A_524 = arith.constant 16 : index
        %parallel_loop3A_525 = tpu.vector_load %arg7[%parallel_loop3A_522, %parallel_loop3A_523, %parallel_loop3A_524] {strides = array<i32>} : memref<4x400x64xf32, #tpu.memory_space<vmem>>, vector<1x1x16xf32>,
        %parallel_loop3A_526 = vector.shape_cast %parallel_loop3A_525 : vector<1x1x16xf32> to vector<16xf32>
        %parallel_loop3A_527 = arith.constant 1 : i32
        %parallel_loop3A_528 = arith.addi %parallel_loop3A_440, %parallel_loop3A_527 : i32
        %parallel_loop3A_529 = arith.constant 3 : i32
        %parallel_loop3A_530 = arith.index_cast %parallel_loop3A_529 : i32 to index
        %parallel_loop3A_531 = arith.index_cast %parallel_loop3A_528 : i32 to index
        %parallel_loop3A_532 = arith.constant 16 : index
        %parallel_loop3A_533 = tpu.vector_load %arg7[%parallel_loop3A_530, %parallel_loop3A_531, %parallel_loop3A_532] {strides = array<i32>} : memref<4x400x64xf32, #tpu.memory_space<vmem>>, vector<1x1x16xf32>,
        %parallel_loop3A_534 = vector.shape_cast %parallel_loop3A_533 : vector<1x1x16xf32> to vector<16xf32>
        %parallel_loop3A_535 = arith.constant 2 : i32
        %parallel_loop3A_536 = arith.addi %parallel_loop3A_440, %parallel_loop3A_535 : i32
        %parallel_loop3A_537 = arith.constant 3 : i32
        %parallel_loop3A_538 = arith.index_cast %parallel_loop3A_537 : i32 to index
        %parallel_loop3A_539 = arith.index_cast %parallel_loop3A_536 : i32 to index
        %parallel_loop3A_540 = arith.constant 16 : index
        %parallel_loop3A_541 = tpu.vector_load %arg7[%parallel_loop3A_538, %parallel_loop3A_539, %parallel_loop3A_540] {strides = array<i32>} : memref<4x400x64xf32, #tpu.memory_space<vmem>>, vector<1x1x16xf32>,
        %parallel_loop3A_542 = vector.shape_cast %parallel_loop3A_541 : vector<1x1x16xf32> to vector<16xf32>
        %parallel_loop3A_543 = arith.constant 3 : i32
        %parallel_loop3A_544 = arith.addi %parallel_loop3A_440, %parallel_loop3A_543 : i32
        %parallel_loop3A_545 = arith.constant 3 : i32
        %parallel_loop3A_546 = arith.index_cast %parallel_loop3A_545 : i32 to index
        %parallel_loop3A_547 = arith.index_cast %parallel_loop3A_544 : i32 to index
        %parallel_loop3A_548 = arith.constant 16 : index
        %parallel_loop3A_549 = tpu.vector_load %arg7[%parallel_loop3A_546, %parallel_loop3A_547, %parallel_loop3A_548] {strides = array<i32>} : memref<4x400x64xf32, #tpu.memory_space<vmem>>, vector<1x1x16xf32>,
        %parallel_loop3A_550 = vector.shape_cast %parallel_loop3A_549 : vector<1x1x16xf32> to vector<16xf32>
        %parallel_loop3A_551 = arith.constant 4 : i32
        %parallel_loop3A_552 = arith.addi %parallel_loop3A_440, %parallel_loop3A_551 : i32
        %parallel_loop3A_553 = arith.constant 3 : i32
        %parallel_loop3A_554 = arith.index_cast %parallel_loop3A_553 : i32 to index
        %parallel_loop3A_555 = arith.index_cast %parallel_loop3A_552 : i32 to index
        %parallel_loop3A_556 = arith.constant 16 : index
        %parallel_loop3A_557 = tpu.vector_load %arg7[%parallel_loop3A_554, %parallel_loop3A_555, %parallel_loop3A_556] {strides = array<i32>} : memref<4x400x64xf32, #tpu.memory_space<vmem>>, vector<1x1x16xf32>,
        %parallel_loop3A_558 = vector.shape_cast %parallel_loop3A_557 : vector<1x1x16xf32> to vector<16xf32>
        %parallel_loop3A_559 = arith.constant 5 : i32
        %parallel_loop3A_560 = arith.addi %parallel_loop3A_440, %parallel_loop3A_559 : i32
        %parallel_loop3A_561 = arith.constant 3 : i32
        %parallel_loop3A_562 = arith.index_cast %parallel_loop3A_561 : i32 to index
        %parallel_loop3A_563 = arith.index_cast %parallel_loop3A_560 : i32 to index
        %parallel_loop3A_564 = arith.constant 16 : index
        %parallel_loop3A_565 = tpu.vector_load %arg7[%parallel_loop3A_562, %parallel_loop3A_563, %parallel_loop3A_564] {strides = array<i32>} : memref<4x400x64xf32, #tpu.memory_space<vmem>>, vector<1x1x16xf32>,
        %parallel_loop3A_566 = vector.shape_cast %parallel_loop3A_565 : vector<1x1x16xf32> to vector<16xf32>
        %parallel_loop3A_567 = arith.constant 6 : i32
        %parallel_loop3A_568 = arith.addi %parallel_loop3A_440, %parallel_loop3A_567 : i32
        %parallel_loop3A_569 = arith.constant 3 : i32
        %parallel_loop3A_570 = arith.index_cast %parallel_loop3A_569 : i32 to index
        %parallel_loop3A_571 = arith.index_cast %parallel_loop3A_568 : i32 to index
        %parallel_loop3A_572 = arith.constant 16 : index
        %parallel_loop3A_573 = tpu.vector_load %arg7[%parallel_loop3A_570, %parallel_loop3A_571, %parallel_loop3A_572] {strides = array<i32>} : memref<4x400x64xf32, #tpu.memory_space<vmem>>, vector<1x1x16xf32>,
        %parallel_loop3A_574 = vector.shape_cast %parallel_loop3A_573 : vector<1x1x16xf32> to vector<16xf32>
        %parallel_loop3A_575 = arith.constant 7 : i32
        %parallel_loop3A_576 = arith.addi %parallel_loop3A_440, %parallel_loop3A_575 : i32
        %parallel_loop3A_577 = arith.constant 3 : i32
        %parallel_loop3A_578 = arith.index_cast %parallel_loop3A_577 : i32 to index
        %parallel_loop3A_579 = arith.index_cast %parallel_loop3A_576 : i32 to index
        %parallel_loop3A_580 = arith.constant 16 : index
        %parallel_loop3A_581 = tpu.vector_load %arg7[%parallel_loop3A_578, %parallel_loop3A_579, %parallel_loop3A_580] {strides = array<i32>} : memref<4x400x64xf32, #tpu.memory_space<vmem>>, vector<1x1x16xf32>,
        %parallel_loop3A_582 = vector.shape_cast %parallel_loop3A_581 : vector<1x1x16xf32> to vector<16xf32>
        %parallel_loop3A_583 = arith.addf %parallel_loop3A_526, %parallel_loop3A_534 : vector<16xf32>
        %parallel_loop3A_584 = arith.addf %parallel_loop3A_542, %parallel_loop3A_550 : vector<16xf32>
        %parallel_loop3A_585 = arith.addf %parallel_loop3A_558, %parallel_loop3A_566 : vector<16xf32>
        %parallel_loop3A_586 = arith.addf %parallel_loop3A_574, %parallel_loop3A_582 : vector<16xf32>
        %parallel_loop3A_587 = arith.addf %parallel_loop3A_583, %parallel_loop3A_584 : vector<16xf32>
        %parallel_loop3A_588 = arith.addf %parallel_loop3A_585, %parallel_loop3A_586 : vector<16xf32>
        %parallel_loop3A_589 = arith.addf %parallel_loop3A_587, %parallel_loop3A_588 : vector<16xf32>
        %parallel_loop3A_590 = arith.constant 3 : i32
        %parallel_loop3A_591 = arith.index_cast %parallel_loop3A_590 : i32 to index
        %parallel_loop3A_592 = arith.index_cast %parallel_loop3A_438 : i32 to index
        %parallel_loop3A_593 = arith.constant 16 : index
        %parallel_loop3A_594 = tpu.vector_load %arg8[%parallel_loop3A_591, %parallel_loop3A_592, %parallel_loop3A_593] {strides = array<i32>} : memref<4x50x64xf32, #tpu.memory_space<vmem>>, vector<1x1x16xf32>,
        %parallel_loop3A_595 = vector.shape_cast %parallel_loop3A_594 : vector<1x1x16xf32> to vector<16xf32>
        %parallel_loop3A_596 = vector.shape_cast %parallel_loop3A_589 : vector<16xf32> to vector<1x1x16xf32>
        tpu.vector_store %arg8[%parallel_loop3A_591, %parallel_loop3A_592, %parallel_loop3A_593], %parallel_loop3A_596 {strides = array<i32>} : memref<4x50x64xf32, #tpu.memory_space<vmem>>, vector<1x1x16xf32>,
        %parallel_loop3A_597 = arith.constant 0 : i32
        %parallel_loop3A_598 = arith.addi %parallel_loop3A_440, %parallel_loop3A_597 : i32
        %parallel_loop3A_599 = arith.constant 3 : i32
        %parallel_loop3A_600 = arith.index_cast %parallel_loop3A_599 : i32 to index
        %parallel_loop3A_601 = arith.index_cast %parallel_loop3A_598 : i32 to index
        %parallel_loop3A_602 = arith.constant 32 : index
        %parallel_loop3A_603 = tpu.vector_load %arg7[%parallel_loop3A_600, %parallel_loop3A_601, %parallel_loop3A_602] {strides = array<i32>} : memref<4x400x64xf32, #tpu.memory_space<vmem>>, vector<1x1x16xf32>,
        %parallel_loop3A_604 = vector.shape_cast %parallel_loop3A_603 : vector<1x1x16xf32> to vector<16xf32>
        %parallel_loop3A_605 = arith.constant 1 : i32
        %parallel_loop3A_606 = arith.addi %parallel_loop3A_440, %parallel_loop3A_605 : i32
        %parallel_loop3A_607 = arith.constant 3 : i32
        %parallel_loop3A_608 = arith.index_cast %parallel_loop3A_607 : i32 to index
        %parallel_loop3A_609 = arith.index_cast %parallel_loop3A_606 : i32 to index
        %parallel_loop3A_610 = arith.constant 32 : index
        %parallel_loop3A_611 = tpu.vector_load %arg7[%parallel_loop3A_608, %parallel_loop3A_609, %parallel_loop3A_610] {strides = array<i32>} : memref<4x400x64xf32, #tpu.memory_space<vmem>>, vector<1x1x16xf32>,
        %parallel_loop3A_612 = vector.shape_cast %parallel_loop3A_611 : vector<1x1x16xf32> to vector<16xf32>
        %parallel_loop3A_613 = arith.constant 2 : i32
        %parallel_loop3A_614 = arith.addi %parallel_loop3A_440, %parallel_loop3A_613 : i32
        %parallel_loop3A_615 = arith.constant 3 : i32
        %parallel_loop3A_616 = arith.index_cast %parallel_loop3A_615 : i32 to index
        %parallel_loop3A_617 = arith.index_cast %parallel_loop3A_614 : i32 to index
        %parallel_loop3A_618 = arith.constant 32 : index
        %parallel_loop3A_619 = tpu.vector_load %arg7[%parallel_loop3A_616, %parallel_loop3A_617, %parallel_loop3A_618] {strides = array<i32>} : memref<4x400x64xf32, #tpu.memory_space<vmem>>, vector<1x1x16xf32>,
        %parallel_loop3A_620 = vector.shape_cast %parallel_loop3A_619 : vector<1x1x16xf32> to vector<16xf32>
        %parallel_loop3A_621 = arith.constant 3 : i32
        %parallel_loop3A_622 = arith.addi %parallel_loop3A_440, %parallel_loop3A_621 : i32
        %parallel_loop3A_623 = arith.constant 3 : i32
        %parallel_loop3A_624 = arith.index_cast %parallel_loop3A_623 : i32 to index
        %parallel_loop3A_625 = arith.index_cast %parallel_loop3A_622 : i32 to index
        %parallel_loop3A_626 = arith.constant 32 : index
        %parallel_loop3A_627 = tpu.vector_load %arg7[%parallel_loop3A_624, %parallel_loop3A_625, %parallel_loop3A_626] {strides = array<i32>} : memref<4x400x64xf32, #tpu.memory_space<vmem>>, vector<1x1x16xf32>,
        %parallel_loop3A_628 = vector.shape_cast %parallel_loop3A_627 : vector<1x1x16xf32> to vector<16xf32>
        %parallel_loop3A_629 = arith.constant 4 : i32
        %parallel_loop3A_630 = arith.addi %parallel_loop3A_440, %parallel_loop3A_629 : i32
        %parallel_loop3A_631 = arith.constant 3 : i32
        %parallel_loop3A_632 = arith.index_cast %parallel_loop3A_631 : i32 to index
        %parallel_loop3A_633 = arith.index_cast %parallel_loop3A_630 : i32 to index
        %parallel_loop3A_634 = arith.constant 32 : index
        %parallel_loop3A_635 = tpu.vector_load %arg7[%parallel_loop3A_632, %parallel_loop3A_633, %parallel_loop3A_634] {strides = array<i32>} : memref<4x400x64xf32, #tpu.memory_space<vmem>>, vector<1x1x16xf32>,
        %parallel_loop3A_636 = vector.shape_cast %parallel_loop3A_635 : vector<1x1x16xf32> to vector<16xf32>
        %parallel_loop3A_637 = arith.constant 5 : i32
        %parallel_loop3A_638 = arith.addi %parallel_loop3A_440, %parallel_loop3A_637 : i32
        %parallel_loop3A_639 = arith.constant 3 : i32
        %parallel_loop3A_640 = arith.index_cast %parallel_loop3A_639 : i32 to index
        %parallel_loop3A_641 = arith.index_cast %parallel_loop3A_638 : i32 to index
        %parallel_loop3A_642 = arith.constant 32 : index
        %parallel_loop3A_643 = tpu.vector_load %arg7[%parallel_loop3A_640, %parallel_loop3A_641, %parallel_loop3A_642] {strides = array<i32>} : memref<4x400x64xf32, #tpu.memory_space<vmem>>, vector<1x1x16xf32>,
        %parallel_loop3A_644 = vector.shape_cast %parallel_loop3A_643 : vector<1x1x16xf32> to vector<16xf32>
        %parallel_loop3A_645 = arith.constant 6 : i32
        %parallel_loop3A_646 = arith.addi %parallel_loop3A_440, %parallel_loop3A_645 : i32
        %parallel_loop3A_647 = arith.constant 3 : i32
        %parallel_loop3A_648 = arith.index_cast %parallel_loop3A_647 : i32 to index
        %parallel_loop3A_649 = arith.index_cast %parallel_loop3A_646 : i32 to index
        %parallel_loop3A_650 = arith.constant 32 : index
        %parallel_loop3A_651 = tpu.vector_load %arg7[%parallel_loop3A_648, %parallel_loop3A_649, %parallel_loop3A_650] {strides = array<i32>} : memref<4x400x64xf32, #tpu.memory_space<vmem>>, vector<1x1x16xf32>,
        %parallel_loop3A_652 = vector.shape_cast %parallel_loop3A_651 : vector<1x1x16xf32> to vector<16xf32>
        %parallel_loop3A_653 = arith.constant 7 : i32
        %parallel_loop3A_654 = arith.addi %parallel_loop3A_440, %parallel_loop3A_653 : i32
        %parallel_loop3A_655 = arith.constant 3 : i32
        %parallel_loop3A_656 = arith.index_cast %parallel_loop3A_655 : i32 to index
        %parallel_loop3A_657 = arith.index_cast %parallel_loop3A_654 : i32 to index
        %parallel_loop3A_658 = arith.constant 32 : index
        %parallel_loop3A_659 = tpu.vector_load %arg7[%parallel_loop3A_656, %parallel_loop3A_657, %parallel_loop3A_658] {strides = array<i32>} : memref<4x400x64xf32, #tpu.memory_space<vmem>>, vector<1x1x16xf32>,
        %parallel_loop3A_660 = vector.shape_cast %parallel_loop3A_659 : vector<1x1x16xf32> to vector<16xf32>
        %parallel_loop3A_661 = arith.addf %parallel_loop3A_604, %parallel_loop3A_612 : vector<16xf32>
        %parallel_loop3A_662 = arith.addf %parallel_loop3A_620, %parallel_loop3A_628 : vector<16xf32>
        %parallel_loop3A_663 = arith.addf %parallel_loop3A_636, %parallel_loop3A_644 : vector<16xf32>
        %parallel_loop3A_664 = arith.addf %parallel_loop3A_652, %parallel_loop3A_660 : vector<16xf32>
        %parallel_loop3A_665 = arith.addf %parallel_loop3A_661, %parallel_loop3A_662 : vector<16xf32>
        %parallel_loop3A_666 = arith.addf %parallel_loop3A_663, %parallel_loop3A_664 : vector<16xf32>
        %parallel_loop3A_667 = arith.addf %parallel_loop3A_665, %parallel_loop3A_666 : vector<16xf32>
        %parallel_loop3A_668 = arith.constant 3 : i32
        %parallel_loop3A_669 = arith.index_cast %parallel_loop3A_668 : i32 to index
        %parallel_loop3A_670 = arith.index_cast %parallel_loop3A_438 : i32 to index
        %parallel_loop3A_671 = arith.constant 32 : index
        %parallel_loop3A_672 = tpu.vector_load %arg8[%parallel_loop3A_669, %parallel_loop3A_670, %parallel_loop3A_671] {strides = array<i32>} : memref<4x50x64xf32, #tpu.memory_space<vmem>>, vector<1x1x16xf32>,
        %parallel_loop3A_673 = vector.shape_cast %parallel_loop3A_672 : vector<1x1x16xf32> to vector<16xf32>
        %parallel_loop3A_674 = vector.shape_cast %parallel_loop3A_667 : vector<16xf32> to vector<1x1x16xf32>
        tpu.vector_store %arg8[%parallel_loop3A_669, %parallel_loop3A_670, %parallel_loop3A_671], %parallel_loop3A_674 {strides = array<i32>} : memref<4x50x64xf32, #tpu.memory_space<vmem>>, vector<1x1x16xf32>,
        %parallel_loop3A_675 = arith.constant 0 : i32
        %parallel_loop3A_676 = arith.addi %parallel_loop3A_440, %parallel_loop3A_675 : i32
        %parallel_loop3A_677 = arith.constant 3 : i32
        %parallel_loop3A_678 = arith.index_cast %parallel_loop3A_677 : i32 to index
        %parallel_loop3A_679 = arith.index_cast %parallel_loop3A_676 : i32 to index
        %parallel_loop3A_680 = arith.constant 48 : index
        %parallel_loop3A_681 = tpu.vector_load %arg7[%parallel_loop3A_678, %parallel_loop3A_679, %parallel_loop3A_680] {strides = array<i32>} : memref<4x400x64xf32, #tpu.memory_space<vmem>>, vector<1x1x16xf32>,
        %parallel_loop3A_682 = vector.shape_cast %parallel_loop3A_681 : vector<1x1x16xf32> to vector<16xf32>
        %parallel_loop3A_683 = arith.constant 1 : i32
        %parallel_loop3A_684 = arith.addi %parallel_loop3A_440, %parallel_loop3A_683 : i32
        %parallel_loop3A_685 = arith.constant 3 : i32
        %parallel_loop3A_686 = arith.index_cast %parallel_loop3A_685 : i32 to index
        %parallel_loop3A_687 = arith.index_cast %parallel_loop3A_684 : i32 to index
        %parallel_loop3A_688 = arith.constant 48 : index
        %parallel_loop3A_689 = tpu.vector_load %arg7[%parallel_loop3A_686, %parallel_loop3A_687, %parallel_loop3A_688] {strides = array<i32>} : memref<4x400x64xf32, #tpu.memory_space<vmem>>, vector<1x1x16xf32>,
        %parallel_loop3A_690 = vector.shape_cast %parallel_loop3A_689 : vector<1x1x16xf32> to vector<16xf32>
        %parallel_loop3A_691 = arith.constant 2 : i32
        %parallel_loop3A_692 = arith.addi %parallel_loop3A_440, %parallel_loop3A_691 : i32
        %parallel_loop3A_693 = arith.constant 3 : i32
        %parallel_loop3A_694 = arith.index_cast %parallel_loop3A_693 : i32 to index
        %parallel_loop3A_695 = arith.index_cast %parallel_loop3A_692 : i32 to index
        %parallel_loop3A_696 = arith.constant 48 : index
        %parallel_loop3A_697 = tpu.vector_load %arg7[%parallel_loop3A_694, %parallel_loop3A_695, %parallel_loop3A_696] {strides = array<i32>} : memref<4x400x64xf32, #tpu.memory_space<vmem>>, vector<1x1x16xf32>,
        %parallel_loop3A_698 = vector.shape_cast %parallel_loop3A_697 : vector<1x1x16xf32> to vector<16xf32>
        %parallel_loop3A_699 = arith.constant 3 : i32
        %parallel_loop3A_700 = arith.addi %parallel_loop3A_440, %parallel_loop3A_699 : i32
        %parallel_loop3A_701 = arith.constant 3 : i32
        %parallel_loop3A_702 = arith.index_cast %parallel_loop3A_701 : i32 to index
        %parallel_loop3A_703 = arith.index_cast %parallel_loop3A_700 : i32 to index
        %parallel_loop3A_704 = arith.constant 48 : index
        %parallel_loop3A_705 = tpu.vector_load %arg7[%parallel_loop3A_702, %parallel_loop3A_703, %parallel_loop3A_704] {strides = array<i32>} : memref<4x400x64xf32, #tpu.memory_space<vmem>>, vector<1x1x16xf32>,
        %parallel_loop3A_706 = vector.shape_cast %parallel_loop3A_705 : vector<1x1x16xf32> to vector<16xf32>
        %parallel_loop3A_707 = arith.constant 4 : i32
        %parallel_loop3A_708 = arith.addi %parallel_loop3A_440, %parallel_loop3A_707 : i32
        %parallel_loop3A_709 = arith.constant 3 : i32
        %parallel_loop3A_710 = arith.index_cast %parallel_loop3A_709 : i32 to index
        %parallel_loop3A_711 = arith.index_cast %parallel_loop3A_708 : i32 to index
        %parallel_loop3A_712 = arith.constant 48 : index
        %parallel_loop3A_713 = tpu.vector_load %arg7[%parallel_loop3A_710, %parallel_loop3A_711, %parallel_loop3A_712] {strides = array<i32>} : memref<4x400x64xf32, #tpu.memory_space<vmem>>, vector<1x1x16xf32>,
        %parallel_loop3A_714 = vector.shape_cast %parallel_loop3A_713 : vector<1x1x16xf32> to vector<16xf32>
        %parallel_loop3A_715 = arith.constant 5 : i32
        %parallel_loop3A_716 = arith.addi %parallel_loop3A_440, %parallel_loop3A_715 : i32
        %parallel_loop3A_717 = arith.constant 3 : i32
        %parallel_loop3A_718 = arith.index_cast %parallel_loop3A_717 : i32 to index
        %parallel_loop3A_719 = arith.index_cast %parallel_loop3A_716 : i32 to index
        %parallel_loop3A_720 = arith.constant 48 : index
        %parallel_loop3A_721 = tpu.vector_load %arg7[%parallel_loop3A_718, %parallel_loop3A_719, %parallel_loop3A_720] {strides = array<i32>} : memref<4x400x64xf32, #tpu.memory_space<vmem>>, vector<1x1x16xf32>,
        %parallel_loop3A_722 = vector.shape_cast %parallel_loop3A_721 : vector<1x1x16xf32> to vector<16xf32>
        %parallel_loop3A_723 = arith.constant 6 : i32
        %parallel_loop3A_724 = arith.addi %parallel_loop3A_440, %parallel_loop3A_723 : i32
        %parallel_loop3A_725 = arith.constant 3 : i32
        %parallel_loop3A_726 = arith.index_cast %parallel_loop3A_725 : i32 to index
        %parallel_loop3A_727 = arith.index_cast %parallel_loop3A_724 : i32 to index
        %parallel_loop3A_728 = arith.constant 48 : index
        %parallel_loop3A_729 = tpu.vector_load %arg7[%parallel_loop3A_726, %parallel_loop3A_727, %parallel_loop3A_728] {strides = array<i32>} : memref<4x400x64xf32, #tpu.memory_space<vmem>>, vector<1x1x16xf32>,
        %parallel_loop3A_730 = vector.shape_cast %parallel_loop3A_729 : vector<1x1x16xf32> to vector<16xf32>
        %parallel_loop3A_731 = arith.constant 7 : i32
        %parallel_loop3A_732 = arith.addi %parallel_loop3A_440, %parallel_loop3A_731 : i32
        %parallel_loop3A_733 = arith.constant 3 : i32
        %parallel_loop3A_734 = arith.index_cast %parallel_loop3A_733 : i32 to index
        %parallel_loop3A_735 = arith.index_cast %parallel_loop3A_732 : i32 to index
        %parallel_loop3A_736 = arith.constant 48 : index
        %parallel_loop3A_737 = tpu.vector_load %arg7[%parallel_loop3A_734, %parallel_loop3A_735, %parallel_loop3A_736] {strides = array<i32>} : memref<4x400x64xf32, #tpu.memory_space<vmem>>, vector<1x1x16xf32>,
        %parallel_loop3A_738 = vector.shape_cast %parallel_loop3A_737 : vector<1x1x16xf32> to vector<16xf32>
        %parallel_loop3A_739 = arith.addf %parallel_loop3A_682, %parallel_loop3A_690 : vector<16xf32>
        %parallel_loop3A_740 = arith.addf %parallel_loop3A_698, %parallel_loop3A_706 : vector<16xf32>
        %parallel_loop3A_741 = arith.addf %parallel_loop3A_714, %parallel_loop3A_722 : vector<16xf32>
        %parallel_loop3A_742 = arith.addf %parallel_loop3A_730, %parallel_loop3A_738 : vector<16xf32>
        %parallel_loop3A_743 = arith.addf %parallel_loop3A_739, %parallel_loop3A_740 : vector<16xf32>
        %parallel_loop3A_744 = arith.addf %parallel_loop3A_741, %parallel_loop3A_742 : vector<16xf32>
        %parallel_loop3A_745 = arith.addf %parallel_loop3A_743, %parallel_loop3A_744 : vector<16xf32>
        %parallel_loop3A_746 = arith.constant 3 : i32
        %parallel_loop3A_747 = arith.index_cast %parallel_loop3A_746 : i32 to index
        %parallel_loop3A_748 = arith.index_cast %parallel_loop3A_438 : i32 to index
        %parallel_loop3A_749 = arith.constant 48 : index
        %parallel_loop3A_750 = tpu.vector_load %arg8[%parallel_loop3A_747, %parallel_loop3A_748, %parallel_loop3A_749] {strides = array<i32>} : memref<4x50x64xf32, #tpu.memory_space<vmem>>, vector<1x1x16xf32>,
        %parallel_loop3A_751 = vector.shape_cast %parallel_loop3A_750 : vector<1x1x16xf32> to vector<16xf32>
        %parallel_loop3A_752 = vector.shape_cast %parallel_loop3A_745 : vector<16xf32> to vector<1x1x16xf32>
        tpu.vector_store %arg8[%parallel_loop3A_747, %parallel_loop3A_748, %parallel_loop3A_749], %parallel_loop3A_752 {strides = array<i32>} : memref<4x50x64xf32, #tpu.memory_space<vmem>>, vector<1x1x16xf32>,
      } {sc.loop_unroll_factor = 2 : i64, sc.parallel_access}
      %mul3A_415 = arith.constant 50 : i32
      %mul3A_416 = arith.muli %add3A_387, %mul3A_415 : i32
      %add3A_417 = arith.addi %mul3A_2, %mul3A_416 : i32
      %dma_start3A_418 = arith.constant 3 : i32
      %dma_start3A_419 = arith.constant 0 : i32
      %dma_start3A_420 = arith.constant 0 : i32
      %dma_start3A_421 = tpu.memref_slice %arg8[%dma_start3A_418, %dma_start3A_419, %dma_start3A_420] : memref<4x50x64xf32, #tpu.memory_space<vmem>> -> memref<1x50x64xf32, #tpu.memory_space<vmem>>
      %dma_start3A_422 = tpu.memref_squeeze %dma_start3A_421 : memref<1x50x64xf32, #tpu.memory_space<vmem>> -> memref<50x64xf32, #tpu.memory_space<vmem>>
      %dma_start3A_423 = arith.constant 0 : i32
      %dma_start3A_424 = tpu.memref_slice %arg5[%add3A_417, %dma_start3A_423] : memref<204800x64xf32, #tpu.memory_space<hbm>> -> memref<50x64xf32, #tpu.memory_space<hbm>>
      %dma_start3A_425 = arith.constant 0 : i32
      %dma_start3A_426 = tpu.memref_slice %arg5[%add3A_417, %dma_start3A_425] : memref<204800x64xf32, #tpu.memory_space<hbm>> -> memref<50x64xf32, #tpu.memory_space<hbm>>
      %dma_start3A_427 = arith.constant 0 : i32
      %dma_start3A_428 = arith.constant 0 : i32
      %dma_start3A_429 = tpu.memref_slice %arg8[%dma_start3A_418, %dma_start3A_427, %dma_start3A_428] : memref<4x50x64xf32, #tpu.memory_space<vmem>> -> memref<1x50x64xf32, #tpu.memory_space<vmem>>
      %dma_start3A_430 = tpu.memref_squeeze %dma_start3A_429 : memref<1x50x64xf32, #tpu.memory_space<vmem>> -> memref<50x64xf32, #tpu.memory_space<vmem>>
      tpu.enqueue_dma source(%dma_start3A_430 : memref<50x64xf32, #tpu.memory_space<vmem>>) target(%dma_start3A_426 : memref<50x64xf32, #tpu.memory_space<hbm>>) target_semaphore(%arg21 : memref<!tpu.dma_semaphore, #tpu.memory_space<semaphore_mem>>)
      %add3A_431 = arith.constant 4 : i32
      %add3A_432 = arith.addi %add3A_387, %add3A_431 : i32
      %lt3A_433 = arith.constant 128 : i32
      %lt3A_434 = arith.cmpi slt, %add3A_432, %lt3A_433 : i32
      %convert_element_type3A_435 = arith.extui %lt3A_434 : i1 to i32
      %cond3A_436 = arith.constant 0 : i32
      %cond3A_437 = arith.cmpi ne, %convert_element_type3A_435, %cond3A_436 : i32
      scf.if %cond3A_437 {
        %add3A_438 = arith.constant 4 : i32
        %add3A_439 = arith.addi %add3A_387, %add3A_438 : i32
        %mul3A_440 = arith.constant 50 : i32
        %mul3A_441 = arith.muli %add3A_439, %mul3A_440 : i32
        %add3A_442 = arith.addi %mul3A_2, %mul3A_441 : i32
        %mul3A_443 = arith.constant 8 : i32
        %mul3A_444 = arith.muli %add3A_442, %mul3A_443 : i32
        %dma_wait3A_445 = arith.constant 3 : i32
        %dma_wait3A_446 = arith.constant 0 : i32
        %dma_wait3A_447 = tpu.memref_slice %arg6[%dma_wait3A_445, %dma_wait3A_446] : memref<4x400xi32, #tpu.memory_space<vmem>> -> memref<1x400xi32, #tpu.memory_space<vmem>>
        %dma_wait3A_448 = tpu.memref_squeeze %dma_wait3A_447 : memref<1x400xi32, #tpu.memory_space<vmem>> -> memref<400xi32, #tpu.memory_space<vmem>>
        %dma_wait3A_449 = tpu.memref_slice %arg2[%mul3A_444] : memref<1638400xi32, #tpu.memory_space<hbm>> -> memref<400xi32, #tpu.memory_space<hbm>>
        %dma_wait3A_450 = arith.constant 0 : i32
        %dma_wait3A_451 = tpu.memref_slice %arg6[%dma_wait3A_445, %dma_wait3A_450] : memref<4x400xi32, #tpu.memory_space<vmem>> -> memref<1x400xi32, #tpu.memory_space<vmem>>
        %dma_wait3A_452 = tpu.memref_squeeze %dma_wait3A_451 : memref<1x400xi32, #tpu.memory_space<vmem>> -> memref<400xi32, #tpu.memory_space<vmem>>
        %dma_wait3A_453 = tpu.memref_slice %arg2[%mul3A_444] : memref<1638400xi32, #tpu.memory_space<hbm>> -> memref<400xi32, #tpu.memory_space<hbm>>
        tpu.wait_dma2 semaphore(%arg17 : memref<!tpu.dma_semaphore, #tpu.memory_space<semaphore_mem>>) src(%dma_wait3A_453 : memref<400xi32, #tpu.memory_space<hbm>>) dst(%dma_wait3A_452 : memref<400xi32, #tpu.memory_space<vmem>>)
        %parallel_loop3A_454 = arith.constant 0 : i32
        %parallel_loop3A_455 = arith.constant 400 : i32
        %parallel_loop3A_456 = arith.constant 16 : i32
        scf.for %parallel_loop3A_469 = %parallel_loop3A_454 to %parallel_loop3A_455 step %parallel_loop3A_456  : i32 {
          %parallel_loop3A_470 = arith.constant 3 : i32
          %parallel_loop3A_471 = arith.index_cast %parallel_loop3A_470 : i32 to index
          %parallel_loop3A_472 = arith.index_cast %parallel_loop3A_469 : i32 to index
          %parallel_loop3A_473 = tpu.vector_load %arg6[%parallel_loop3A_471, %parallel_loop3A_472] {strides = array<i32>} : memref<4x400xi32, #tpu.memory_space<vmem>>, vector<1x16xi32>,
          %parallel_loop3A_474 = vector.shape_cast %parallel_loop3A_473 : vector<1x16xi32> to vector<16xi32>
          %parallel_loop3A_475 = arith.addi %parallel_loop3A_474, %get3A_4 : vector<16xi32>
          %parallel_loop3A_476 = arith.constant 3 : i32
          %parallel_loop3A_477 = arith.index_cast %parallel_loop3A_476 : i32 to index
          %parallel_loop3A_478 = arith.index_cast %parallel_loop3A_469 : i32 to index
          %parallel_loop3A_479 = tpu.vector_load %arg6[%parallel_loop3A_477, %parallel_loop3A_478] {strides = array<i32>} : memref<4x400xi32, #tpu.memory_space<vmem>>, vector<1x16xi32>,
          %parallel_loop3A_480 = vector.shape_cast %parallel_loop3A_479 : vector<1x16xi32> to vector<16xi32>
          %parallel_loop3A_481 = vector.shape_cast %parallel_loop3A_475 : vector<16xi32> to vector<1x16xi32>
          tpu.vector_store %arg6[%parallel_loop3A_477, %parallel_loop3A_478], %parallel_loop3A_481 {strides = array<i32>} : memref<4x400xi32, #tpu.memory_space<vmem>>, vector<1x16xi32>,
        } {sc.loop_unroll_factor = 2 : i64, sc.parallel_access}
        %dma_start3A_457 = arith.constant 3 : i32
        %dma_start3A_458 = arith.constant 3 : i32
        %dma_start3A_459 = arith.constant 0 : i32
        %dma_start3A_460 = arith.constant 0 : i32
        %dma_start3A_461 = tpu.memref_slice %arg7[%dma_start3A_458, %dma_start3A_459, %dma_start3A_460] : memref<4x400x64xf32, #tpu.memory_space<vmem>> -> memref<1x400x64xf32, #tpu.memory_space<vmem>>
        %dma_start3A_462 = tpu.memref_squeeze %dma_start3A_461 : memref<1x400x64xf32, #tpu.memory_space<vmem>> -> memref<400x64xf32, #tpu.memory_space<vmem>>
        %dma_start3A_463 = arith.constant 0 : i32
        %dma_start3A_464 = tpu.memref_slice %arg6[%dma_start3A_457, %dma_start3A_463] : memref<4x400xi32, #tpu.memory_space<vmem>> -> memref<1x400xi32, #tpu.memory_space<vmem>>
        %dma_start3A_465 = tpu.memref_squeeze %dma_start3A_464 : memref<1x400xi32, #tpu.memory_space<vmem>> -> memref<400xi32, #tpu.memory_space<vmem>>
        %dma_start3A_466 = arith.constant 0 : i32
        %dma_start3A_467 = arith.constant 0 : i32
        %dma_start3A_468 = tpu.memref_slice %arg3[%dma_start3A_466, %dma_start3A_467] : memref<800000x64xf32, #tpu.memory_space<hbm>> -> memref<800000x64xf32, #tpu.memory_space<hbm>>
        tpu.enqueue_indirect_dma source(%dma_start3A_468 : memref<800000x64xf32, #tpu.memory_space<hbm>>) target(%dma_start3A_462 : memref<400x64xf32, #tpu.memory_space<vmem>>) offsets(%dma_start3A_465 : memref<400xi32, #tpu.memory_space<vmem>>) semaphore(%arg13 : memref<!tpu.dma_semaphore, #tpu.memory_space<semaphore_mem>>)
      } else {
      }
    }
    %scan3A_170 = arith.constant 32 : i32
    %add3A_171 = arith.constant 6200 : i32
    %add3A_172 = arith.addi %mul3A_2, %add3A_171 : i32
    %dma_wait3A_173 = arith.constant 0 : i32
    %dma_wait3A_174 = arith.constant 0 : i32
    %dma_wait3A_175 = arith.constant 0 : i32
    %dma_wait3A_176 = tpu.memref_slice %arg8[%dma_wait3A_173, %dma_wait3A_174, %dma_wait3A_175] : memref<4x50x64xf32, #tpu.memory_space<vmem>> -> memref<1x50x64xf32, #tpu.memory_space<vmem>>
    %dma_wait3A_177 = tpu.memref_squeeze %dma_wait3A_176 : memref<1x50x64xf32, #tpu.memory_space<vmem>> -> memref<50x64xf32, #tpu.memory_space<vmem>>
    %dma_wait3A_178 = arith.constant 0 : i32
    %dma_wait3A_179 = tpu.memref_slice %arg5[%add3A_172, %dma_wait3A_178] : memref<204800x64xf32, #tpu.memory_space<hbm>> -> memref<50x64xf32, #tpu.memory_space<hbm>>
    %dma_wait3A_180 = arith.constant 0 : i32
    %dma_wait3A_181 = tpu.memref_slice %arg5[%add3A_172, %dma_wait3A_180] : memref<204800x64xf32, #tpu.memory_space<hbm>> -> memref<50x64xf32, #tpu.memory_space<hbm>>
    %dma_wait3A_182 = arith.constant 0 : i32
    %dma_wait3A_183 = arith.constant 0 : i32
    %dma_wait3A_184 = tpu.memref_slice %arg8[%dma_wait3A_173, %dma_wait3A_182, %dma_wait3A_183] : memref<4x50x64xf32, #tpu.memory_space<vmem>> -> memref<1x50x64xf32, #tpu.memory_space<vmem>>
    %dma_wait3A_185 = tpu.memref_squeeze %dma_wait3A_184 : memref<1x50x64xf32, #tpu.memory_space<vmem>> -> memref<50x64xf32, #tpu.memory_space<vmem>>
    tpu.wait_dma2 semaphore(%arg18 : memref<!tpu.dma_semaphore, #tpu.memory_space<semaphore_mem>>) src(%dma_wait3A_185 : memref<50x64xf32, #tpu.memory_space<vmem>>) dst(%dma_wait3A_181 : memref<50x64xf32, #tpu.memory_space<hbm>>)
    %add3A_186 = arith.constant 6250 : i32
    %add3A_187 = arith.addi %mul3A_2, %add3A_186 : i32
    %dma_wait3A_188 = arith.constant 1 : i32
    %dma_wait3A_189 = arith.constant 0 : i32
    %dma_wait3A_190 = arith.constant 0 : i32
    %dma_wait3A_191 = tpu.memref_slice %arg8[%dma_wait3A_188, %dma_wait3A_189, %dma_wait3A_190] : memref<4x50x64xf32, #tpu.memory_space<vmem>> -> memref<1x50x64xf32, #tpu.memory_space<vmem>>
    %dma_wait3A_192 = tpu.memref_squeeze %dma_wait3A_191 : memref<1x50x64xf32, #tpu.memory_space<vmem>> -> memref<50x64xf32, #tpu.memory_space<vmem>>
    %dma_wait3A_193 = arith.constant 0 : i32
    %dma_wait3A_194 = tpu.memref_slice %arg5[%add3A_187, %dma_wait3A_193] : memref<204800x64xf32, #tpu.memory_space<hbm>> -> memref<50x64xf32, #tpu.memory_space<hbm>>
    %dma_wait3A_195 = arith.constant 0 : i32
    %dma_wait3A_196 = tpu.memref_slice %arg5[%add3A_187, %dma_wait3A_195] : memref<204800x64xf32, #tpu.memory_space<hbm>> -> memref<50x64xf32, #tpu.memory_space<hbm>>
    %dma_wait3A_197 = arith.constant 0 : i32
    %dma_wait3A_198 = arith.constant 0 : i32
    %dma_wait3A_199 = tpu.memref_slice %arg8[%dma_wait3A_188, %dma_wait3A_197, %dma_wait3A_198] : memref<4x50x64xf32, #tpu.memory_space<vmem>> -> memref<1x50x64xf32, #tpu.memory_space<vmem>>
    %dma_wait3A_200 = tpu.memref_squeeze %dma_wait3A_199 : memref<1x50x64xf32, #tpu.memory_space<vmem>> -> memref<50x64xf32, #tpu.memory_space<vmem>>
    tpu.wait_dma2 semaphore(%arg19 : memref<!tpu.dma_semaphore, #tpu.memory_space<semaphore_mem>>) src(%dma_wait3A_200 : memref<50x64xf32, #tpu.memory_space<vmem>>) dst(%dma_wait3A_196 : memref<50x64xf32, #tpu.memory_space<hbm>>)
    %add3A_201 = arith.constant 6300 : i32
    %add3A_202 = arith.addi %mul3A_2, %add3A_201 : i32
    %dma_wait3A_203 = arith.constant 2 : i32
    %dma_wait3A_204 = arith.constant 0 : i32
    %dma_wait3A_205 = arith.constant 0 : i32
    %dma_wait3A_206 = tpu.memref_slice %arg8[%dma_wait3A_203, %dma_wait3A_204, %dma_wait3A_205] : memref<4x50x64xf32, #tpu.memory_space<vmem>> -> memref<1x50x64xf32, #tpu.memory_space<vmem>>
    %dma_wait3A_207 = tpu.memref_squeeze %dma_wait3A_206 : memref<1x50x64xf32, #tpu.memory_space<vmem>> -> memref<50x64xf32, #tpu.memory_space<vmem>>
    %dma_wait3A_208 = arith.constant 0 : i32
    %dma_wait3A_209 = tpu.memref_slice %arg5[%add3A_202, %dma_wait3A_208] : memref<204800x64xf32, #tpu.memory_space<hbm>> -> memref<50x64xf32, #tpu.memory_space<hbm>>
    %dma_wait3A_210 = arith.constant 0 : i32
    %dma_wait3A_211 = tpu.memref_slice %arg5[%add3A_202, %dma_wait3A_210] : memref<204800x64xf32, #tpu.memory_space<hbm>> -> memref<50x64xf32, #tpu.memory_space<hbm>>
    %dma_wait3A_212 = arith.constant 0 : i32
    %dma_wait3A_213 = arith.constant 0 : i32
    %dma_wait3A_214 = tpu.memref_slice %arg8[%dma_wait3A_203, %dma_wait3A_212, %dma_wait3A_213] : memref<4x50x64xf32, #tpu.memory_space<vmem>> -> memref<1x50x64xf32, #tpu.memory_space<vmem>>
    %dma_wait3A_215 = tpu.memref_squeeze %dma_wait3A_214 : memref<1x50x64xf32, #tpu.memory_space<vmem>> -> memref<50x64xf32, #tpu.memory_space<vmem>>
    tpu.wait_dma2 semaphore(%arg20 : memref<!tpu.dma_semaphore, #tpu.memory_space<semaphore_mem>>) src(%dma_wait3A_215 : memref<50x64xf32, #tpu.memory_space<vmem>>) dst(%dma_wait3A_211 : memref<50x64xf32, #tpu.memory_space<hbm>>)
    %add3A_216 = arith.constant 6350 : i32
    %add3A_217 = arith.addi %mul3A_2, %add3A_216 : i32
    %dma_wait3A_218 = arith.constant 3 : i32
    %dma_wait3A_219 = arith.constant 0 : i32
    %dma_wait3A_220 = arith.constant 0 : i32
    %dma_wait3A_221 = tpu.memref_slice %arg8[%dma_wait3A_218, %dma_wait3A_219, %dma_wait3A_220] : memref<4x50x64xf32, #tpu.memory_space<vmem>> -> memref<1x50x64xf32, #tpu.memory_space<vmem>>
    %dma_wait3A_222 = tpu.memref_squeeze %dma_wait3A_221 : memref<1x50x64xf32, #tpu.memory_space<vmem>> -> memref<50x64xf32, #tpu.memory_space<vmem>>
    %dma_wait3A_223 = arith.constant 0 : i32
    %dma_wait3A_224 = tpu.memref_slice %arg5[%add3A_217, %dma_wait3A_223] : memref<204800x64xf32, #tpu.memory_space<hbm>> -> memref<50x64xf32, #tpu.memory_space<hbm>>
    %dma_wait3A_225 = arith.constant 0 : i32
    %dma_wait3A_226 = tpu.memref_slice %arg5[%add3A_217, %dma_wait3A_225] : memref<204800x64xf32, #tpu.memory_space<hbm>> -> memref<50x64xf32, #tpu.memory_space<hbm>>
    %dma_wait3A_227 = arith.constant 0 : i32
    %dma_wait3A_228 = arith.constant 0 : i32
    %dma_wait3A_229 = tpu.memref_slice %arg8[%dma_wait3A_218, %dma_wait3A_227, %dma_wait3A_228] : memref<4x50x64xf32, #tpu.memory_space<vmem>> -> memref<1x50x64xf32, #tpu.memory_space<vmem>>
    %dma_wait3A_230 = tpu.memref_squeeze %dma_wait3A_229 : memref<1x50x64xf32, #tpu.memory_space<vmem>> -> memref<50x64xf32, #tpu.memory_space<vmem>>
    tpu.wait_dma2 semaphore(%arg21 : memref<!tpu.dma_semaphore, #tpu.memory_space<semaphore_mem>>) src(%dma_wait3A_230 : memref<50x64xf32, #tpu.memory_space<vmem>>) dst(%dma_wait3A_226 : memref<50x64xf32, #tpu.memory_space<hbm>>)
    return
  }
}

</mosaic_0001>

<sc_bundles>
// kernel: kernel.3.cloned.1.call-start
scs
__scs_entry_jumppad:
0x0: {  	(pc) =	sbr.rel $0x88, $3  }
0x1: {  	(tag) =	ssettag $0x0;
	lr =	simm.s32 $0x1  }
0x2: {  	[smem:$0x3F9E] =	sst lr;
	_ =	strace $0xD0000000  }
0x3: {  	_ = 	snop  }
0x4: {  	_ = 	snop  }
0x5: {  	_ = 	snop  }
0x6: {  	_ = 	snop  }
0x7: {  	_ = 	snop  }
__scs_overlays_trampoline_lowered:
0x8: {  	[smem:$0x3FAD] =	sst s0  }
0x9: {  	[smem:$0x3FAE] =	sst s1  }
0xa: {  	[smem:$0x3FAF] =	sst s2  }
0xb: {  	[smem:$0x3FB0] =	sst s3  }
0xc: {  	[smem:$0x3FB1] =	sst s4  }
0xd: {  	[smem:$0x3FB2] =	sst s5  }
0xe: {  	[smem:$0x3FB3] =	sst s6  }
0xf: {  	[smem:$0x3FB4] =	sst s7  }
0x10: {  	[smem:$0x3FB5] =	sst s8  }
0x11: {  	[smem:$0x3FB6] =	sst s9;
	s0 =	simm.s32 @!p0 $0x0  }
0x12: {  	s1 =	sld [smem:$0x3F9C];
	s0 =	simm.s32 @p0 $0x1  }
0x13: {  	[smem:$0x3FB7] =	sst s0;
	s0 =	simm.s32 @!p1 $0x0  }
0x14: {  	s2 =	sld [smem:$0x3F9B];
	s0 =	simm.s32 @p1 $0x1  }
0x15: {  	[smem:$0x3FB8] =	sst s0;
	s0 =	simm.s32 @!p2 $0x0  }
0x16: {  	s3 =	sld [smem:$0x3FDB];
	s0 =	simm.s32 @p2 $0x1  }
0x17: {  	s4 =	simm.s32 $0x1BF5;
	[smem:$0x3FBA] =	sst s0  }
0x18: {  	s0 =	sld [smem:$0x3F9D];
	_ =	swait.ge [sflag:s4], $0x0  }
0x19: {  	s7 =	sld [smem:$0x3F9E]  }
0x1a: {  	s8 =	sadd.s32 $0xFFFFE003, lr  }
0x1b: {  	s9 =	sadd.s32 $0xFFFFFEF7, lr;
	s5 =	simm.s32 $0xFFFFFFFF;
	p2 =	slt.u32 s8, $0xFFFFF086  }
0x1c: {  	p1 =	slt.u32 s9, $0xF7A;
	s5 =	simm.s32 @!p2 $0x0  }
0x1d: {  	s5 =	simm.s32 @p1 $0x1;
	p0 =	seq.s32 s7, s2  }
0x1e: {  	s7 =	smul.u32 @!p0 $0xF7A, s2;
	p2 =	seq.s32 @!p0 s5, $0x0  }
0x1f: {  	s9 =	smul.u32 $0xF7A, s1;
	s8 =	simm.s32 @!p0 $0x1BF5;
	p2 =	por !p2, p0  }
0x20: {  	[sflag:s8] =	ssyncset.s32 @!p0 $0xFFFFF086;
	s6 =	sadd.s32 @!p0 s3, s7;
	s7 =	simm.s32 @!p0 $0x108  }
0x21: {  	s3 =	sadd.s32 s3, s9;
	s6 =	sadd.s32 @!p0 $0x88, s6;
	s7 =	simm.s32 @p2 $0x1082  }
0x22: {  	[simem:s7], [sflag:s8] =	dma.local @!p0 [hbm:s6], $0xF7A  }
0x23: {  	s9 =	sor.u32 $0xD0000000, s2;
	s6 =	simm.s32 $0x108;
	_ =	swait.ge @!p0 [sflag:s8], $0x0  }
0x24: {  	s3 =	sadd.s32 $0x88, s3;
	s6 =	simm.s32 @!p1 $0x1082;
	[sflag:s4] =	ssyncset.s32 $0xFFFFF086  }
0x25: {  	[simem:s6], [sflag:s4] =	dma.local [hbm:s3], $0xF7A  }
0x26: {  	[smem:$0x3F9E] =	sst s1;
	(tag) =	ssettag s2;
	_ =	strace s9  }
0x27: {  	s1 =	sld [smem:$0x3FAE]  }
0x28: {  	s2 =	sld [smem:$0x3FAF]  }
0x29: {  	s4 =	sld [smem:$0x3FB1]  }
0x2a: {  	p0 =	seq.s32 s5, $0x0;
	s5 =	sld [smem:$0x3FB2]  }
0x2b: {  	s6 =	sld [smem:$0x3FB3]  }
0x2c: {  	s7 =	sld [smem:$0x3FB4]  }
0x2d: {  	s3 =	simm.s32 $0x108;
	s8 =	sld [smem:$0x3FB5]  }
0x2e: {  	s3 =	simm.s32 @!p0 $0x1082;
	s9 =	sld [smem:$0x3FB6]  }
0x2f: {  	lr =	sadd.s32 s0, s3;
	s0 =	sld [smem:$0x3FAD]  }
0x30: {  	s3 =	sld [smem:$0x3FB0]  }
0x31: {  	[smem:$0x3FB9] =	sst s10  }
0x32: {  	s10 =	sld [smem:$0x3FB7];
	_ =	sdelay $0x3  }
0x33: {  	p0 =	seq.s32 s10, $0x1;
	s10 =	sld [smem:$0x3FB9];
	_ =	sdelay $0x3  }
0x34: {  	[smem:$0x3FB9] =	sst s10  }
0x35: {  	s10 =	sld [smem:$0x3FB8];
	_ =	sdelay $0x3  }
0x36: {  	p1 =	seq.s32 s10, $0x1;
	s10 =	sld [smem:$0x3FB9];
	_ =	sdelay $0x3  }
0x37: {  	[smem:$0x3FB9] =	sst s10  }
0x38: {  	s10 =	sld [smem:$0x3FBA]  }
0x39: {  	_ = 	snop;
	(pc) =	sbr.ind lr, $3  }
0x3a: {  	_ = 	snop  }
0x3b: {  	_ = 	snop  }
0x3c: {  	p2 =	seq.s32 s10, $0x1;
	s10 =	sld [smem:$0x3FB9]  }
0x3d: {  	_ =	shalt  }
0x3e: {  	_ =	shalt  }
0x3f: {  	_ =	shalt  }
0x40: {  	_ =	shalt  }
0x41: {  	_ =	shalt  }
0x42: {  	_ =	shalt  }
0x43: {  	_ =	shalt  }
0x44: {  	_ =	shalt  }
0x45: {  	_ =	shalt  }
0x46: {  	_ =	shalt  }
0x47: {  	_ =	shalt  }
0x48: {  	_ =	shalt  }
0x49: {  	_ =	shalt  }
0x4a: {  	_ =	shalt  }
0x4b: {  	_ =	shalt  }
0x4c: {  	_ =	shalt  }
0x4d: {  	_ =	shalt  }
0x4e: {  	_ =	shalt  }
0x4f: {  	_ =	shalt  }
0x50: {  	_ =	shalt  }
0x51: {  	_ =	shalt  }
0x52: {  	_ =	shalt  }
0x53: {  	_ =	shalt  }
0x54: {  	_ =	shalt  }
0x55: {  	_ =	shalt  }
0x56: {  	_ =	shalt  }
0x57: {  	_ =	shalt  }
0x58: {  	_ =	shalt  }
0x59: {  	_ =	shalt  }
0x5a: {  	_ =	shalt  }
0x5b: {  	_ =	shalt  }
0x5c: {  	_ =	shalt  }
0x5d: {  	_ =	shalt  }
0x5e: {  	_ =	shalt  }
0x5f: {  	_ =	shalt  }
0x60: {  	_ =	shalt  }
0x61: {  	_ =	shalt  }
0x62: {  	_ =	shalt  }
0x63: {  	_ =	shalt  }
0x64: {  	_ =	shalt  }
0x65: {  	_ =	shalt  }
0x66: {  	_ =	shalt  }
0x67: {  	_ =	shalt  }
0x68: {  	_ =	shalt  }
0x69: {  	_ =	shalt  }
0x6a: {  	_ =	shalt  }
0x6b: {  	_ =	shalt  }
0x6c: {  	_ =	shalt  }
0x6d: {  	_ =	shalt  }
0x6e: {  	_ =	shalt  }
0x6f: {  	_ =	shalt  }
0x70: {  	_ =	shalt  }
0x71: {  	_ =	shalt  }
0x72: {  	_ =	shalt  }
0x73: {  	_ =	shalt  }
0x74: {  	_ =	shalt  }
0x75: {  	_ =	shalt  }
0x76: {  	_ =	shalt  }
0x77: {  	_ =	shalt  }
0x78: {  	_ =	shalt  }
0x79: {  	_ =	shalt  }
0x7a: {  	_ =	shalt  }
0x7b: {  	_ =	shalt  }
0x7c: {  	_ =	shalt  }
0x7d: {  	_ =	shalt  }
0x7e: {  	_ =	shalt  }
0x7f: {  	_ =	shalt  }
0x80: {  	_ =	shalt  }
0x81: {  	_ =	shalt  }
0x82: {  	_ =	shalt  }
0x83: {  	_ =	shalt  }
0x84: {  	_ =	shalt  }
0x85: {  	_ =	shalt  }
0x86: {  	_ =	shalt  }
0x87: {  	_ =	shalt  }
.Lfunc_end0:
.L_simem_size_0:
called_computation.1_lowered:
.L_overlay_start_0:
0x88: {  	s2 =	sld [smem:$0x3FD9]  }
0x89: {  	s3 =	sld [smem:$0x3FFE];
	_ =	sdelay $0x1  }
0x8a: {  	s1 =	srdreg.scid  }
0x8b: {  	s0 =	sand.u32 $0x1, s1  }
0x8c: {  	s17 =	sshll.u32 s0, $0xA;
	s2 =	sadd.s32 s3, s2  }
0x8d: {  	s2 =	sadd.s32 s2, s17  }
0x8e: {  	[smem:$0x3FC5] =	sst s2  }
0x8f: {  	_ = 	snop  }
0x90: {  	s2 =	sld [smem:$0x3FD0];
	(tm) =	ssettm $0x1  }
0x91: {  	s18 =	sld [smem:$0x3FFB];
	_ =	sdelay $0x3  }
0x92: {  	_ =	strace s18  }
0x93: {  	s3 =	sld [smem:$0x3FFC];
	_ =	sdelay $0x3  }
0x94: {  	_ =	strace s3  }
0x95: {  	s3 =	sld [smem:$0x3FFD];
	_ =	sdelay $0x3  }
0x96: {  	_ =	strace s3  }
0x97: {  	_ =	strace $0x8FFFFFFF  }
0x98: {  	s19 =	sld [smem:$0x3FDB];
	_ =	sdelay $0x1  }
0x99: {  	s4 =	simm.s32 $_scs_section_size  }
0x9a: {  	s5 =	simm.s32 $_size__tile_overlayer_lowered;
	s6 =	simm.s32 $_tile_overlayer_lowered  }
0x9b: {  	s22 =	simm.s32 $0x1BFF;
	s21 =	sshll.u32 s6, $0x1;
	s3 =	sadd.s32 s4, s19  }
0x9c: {  	s7 =	simm.s32 $0x0;
	s20 =	sshll.u32 s5, $0x1;
	s5 =	sadd.s32 s21, s3  }
0x9d: {  	[timem:s7], [sflag:s22] =	dma.local [hbm:s5], s20  }
0x9e: {  	_ =	swait.ge [sflag:s22], s20  }
0x9f: {  	s4 =	ssub.s32 $0x0, s20;
	[sflag:s22] =	ssyncset.done $0x0  }
0xa0: {  	[sflag:s22] =	ssyncadd.s32 s4;
	_ =	sdelay $0x1  }
0xa1: {  	s23 =	simm.s32 $0x1B8B  }
0xa2: {  	_ =	swait.ge [sflag:s23], $0x1  }
0xa3: {  	[sflag:s23] =	ssyncset.done $0x0  }
0xa4: {  	s25 =	simm.s32 $0x1B8E;
	s24 =	sld [smem:$0x3FFE];
	[sflag:s23] =	ssyncadd.s32 $0xFFFFFFFF  }
0xa5: {  	s26 =	simm.s32 $execute0_lowered;
	[smem:$0x3FD2] =	sst s25  }
0xa6: {  	s5 =	sshll.u32 s26, $0x1;
	_ =	strace $0x80000046;
	[dreg:$0x1] =	wrdreg $0xFFFFFFFF  }
0xa7: {  	s28 =	simm.s32 $_size_execute0_lowered;
	s3 =	sadd.s32 s3, s5;
	[dreg:$0x0] =	wrdreg $0x0  }
0xa8: {  	s5 =	sshll.u32 s28, $0x1;
	[dreg:$0x2] =	wrdreg s3  }
0xa9: {  	[dreg:$0x3] =	wrdreg s5  }
0xaa: {  	[dreg:$0x4] =	wrdreg $0xC0  }
0xab: {  	_ =	task [dreg:s7], $0x5FFFF  }
0xac: {  	[dreg:$0x1] =	wrdreg $0xFFFFFFFF  }
0xad: {  	[dreg:$0x0] =	wrdreg $0x60  }
0xae: {  	[dreg:$0x2] =	wrdreg s24  }
0xaf: {  	[dreg:$0x3] =	wrdreg s2  }
0xb0: {  	[dreg:$0x4] =	wrdreg $0x9  }
0xb1: {  	_ =	task.clear_ibuf [dreg:s7], $0x5FFFF;
	_ =	strace $0x90000046  }
0xb2: {  	s29 =	simm.s32 $0x9;
	_ =	strace $0x80000048  }
0xb3: {  	_ =	swait.ge [sflag:s29], $0x1  }
0xb4: {  	[sflag:s29] =	ssyncadd.s32 $0xFFFFFFFF  }
0xb5: {  	_ =	strace $0x90000048  }
0xb6: {  	_ =	sfence  }
0xb7: {  	s30 =	sld [smem:$0x0];
	_ =	sdelay $0x2  }
0xb8: {  	s31 =	sshll.u32 s1, $0xD;
	s1 =	sshrl.u32 s1, $0x2  }
0xb9: {  	s3 =	sand.u32 $0x4000, s31;
	s1 =	sadd.s32 s1, s30  }
0xba: {  	s0 =	sor.u32 s3, s0;
	s1 =	sshll.u32 s1, $0x11  }
0xbb: {  	s0 =	sor.u32 s1, s0  }
0xbc: {  	s0 =	sadd.s32 $0x8F2B, s0  }
0xbd: {  	[sflag:s0] =	ssyncadd.remote.s32 $0x1  }
0xbe: {  	_ =	sfence.sel $0xFFFF  }
0xbf: {  	[dreg:$0x0] =	wrdreg $0xFFFFFFFF;
	(pc) =	sbr.abs _section_cstart, $3  }
0xc0: {  	[dreg:$0x1] =	wrdreg $0xFFFFFFFF  }
0xc1: {  	_ =	task.clear_ibuf [dreg:s7], $0x2FFFF;
	_ =	strace $0x9FFFFFFF  }
0xc2: {  	(tm) =	ssettm $0x7FFFFFFF  }
0xc3: {  	_ =	shalt  }
tec
execute0_lowered:
.L_overlay_start_1:
0x0: {  	(tag) =	ssettag $0x1  }
0x1: {  	s0 =	srdreg.scid  }
0x2: {  	s2 =	stileid.u32;
	s1 =	rddreg [dreg:$0x0];
	s21 =	simm.s32 $0x190  }
0x3: {  	s29 =	simm.s32 $0x7;
	s31 =	simm.s32 $0x8;
	s8 =	simm.s32 $0x3  }
0x4: {  	s9 =	simm.s32 $0x1AF40;
	s10 =	simm.s32 $0x4;
	s18 =	simm.s32 $0x1BBC0  }
0x5: {  	s20 =	simm.s32 $0x9;
	s0 =	sand.u32 $0x1, s0;
	s3 =	sshll.u32 s2, $0x1  }
0x6: {  	s14 =	simm.s32 $0x0;
	s2 =	rddreg [dreg:$0x1];
	s4 =	sor.u32 s0, s3  }
0x7: {  	s3 =	simm.s32 $0x0;
	s0 =	ssub.s32 $0x2, s0;
	s4 =	smul.u32 $0x1900, s4  }
0x8: {  	s5 =	sadd.s32 $0xC35A00, s1;
	[smem:$0x7FF] =	sst s3;
	s23 =	sshrl.u32 s0, $0x1  }
0x9: {  	s0 =	ssub.s32 s0, s23;
	s6 =	sadd.s32 s4, s1;
	s1 =	sadd.s32 $0xA00, s1  }
0xa: {  	_ =	strace $0x80000047;
	s0 =	smax.u32 s0, $0x1;
	[dreg:$0x3] =	wrdreg s1  }
0xb: {  	s23 =	simm.s32 $0x4B0;
	s22 =	sadd.s32 $0x320A00, s6;
	[dreg:$0xb] =	wrdreg s0  }
0xc: {  	s13 =	sor.u32 $0x32, s4;
	s7 =	sadd.s32 $0x320A32, s6;
	[dreg:$0x4] =	wrdreg s22  }
0xd: {  	s15 =	sor.u32 $0x64, s4;
	s24 =	sadd.s32 $0x320A64, s6;
	[dreg:$0x5] =	wrdreg s7  }
0xe: {  	s17 =	sor.u32 $0x96, s4;
	s25 =	sadd.s32 $0x320A96, s6;
	[dreg:$0x6] =	wrdreg s24  }
.Ltmp0:
0xf: {  	s26 =	sadd.s32 $0x320AFA, s6;
	[dreg:$0x7] =	wrdreg s25;
	(pc) =	sbr.rel .LBB2_1-.Ltmp0, $4  }
0x10: {  	s11 =	sadd.s32 $0x320AC8, s6;
	s28 =	sadd.s32 $0x320B2C, s6;
	[dreg:$0x8] =	wrdreg s26  }
0x11: {  	s30 =	sadd.s32 $0x320B5E, s6;
	s0 =	simm.s32 $0x1;
	[dreg:$0x9] =	wrdreg s28  }
0x12: {  	s6 =	simm.s32 $0x2;
	[dreg:$0xa] =	wrdreg s30;
	s22 =	simm.s32 $0x320  }
0x13: {  	s24 =	simm.s32 $0x5;
	s26 =	simm.s32 $0x6;
	s7 =	simm.s32 $0x1A2C0  }
.LBB2_40:
0x14: {  	_ =	swait.ge [sflag:s20], $0xC80  }
0x15: {  	[sflag:s20] =	ssyncset.done $0x0  }
0x16: {  	s1 =	simm.s32 $0xA;
	[sflag:s20] =	ssyncadd.s32 $0xFFFFF380  }
0x17: {  	_ =	swait.ge [sflag:s1], $0xC80  }
0x18: {  	[sflag:s1] =	ssyncset.done $0x0  }
0x19: {  	s28 =	simm.s32 $0xB;
	[sflag:s1] =	ssyncadd.s32 $0xFFFFF380  }
0x1a: {  	_ =	swait.ge [sflag:s28], $0xC80  }
0x1b: {  	[sflag:s28] =	ssyncset.done $0x0  }
0x1c: {  	s12 =	simm.s32 $0xC;
	[sflag:s28] =	ssyncadd.s32 $0xFFFFF380  }
0x1d: {  	_ =	swait.ge [sflag:s12], $0xC80  }
0x1e: {  	s14 =	rddreg [dreg:$0xc]  }
0x1f: {  	s30 =	rddreg [dreg:$0xb];
	s14 =	sadd.s32 $0x1, s14  }
0x20: {  	p0 =	sne.s32 s14, s30  }
.Ltmp1:
0x21: {  	_ = 	snop;
	(pc) =	sbr.rel @!p0 .LBB2_41-.Ltmp1, $3  }
0x22: {  	_ =	sdelay $0x1  }
0x23: {  	[sflag:s12] =	ssyncset.done $0x0  }
0x24: {  	[sflag:s12] =	ssyncadd.s32 $0xFFFFF380  }
.LBB2_1:
0x25: {  	[dreg:$0xc] =	wrdreg s14  }
0x26: {  	s1 =	rddreg [dreg:$0x3];
	s12 =	simm.s32 $0x1C840;
	s16 =	simm.s32 $0xD  }
0x27: {  	[tilespmem:s12], [sflag:$0xD] =	stream.linear.gather [hbm4b:s1+s3], $0x10, $0x38;
	[tilespmem:$0x1C850] =	vst v63  }
0x28: {  	_ =	swait.ge [sflag:s16], $0x10  }
0x29: {  	[sflag:s16] =	ssyncset.done $0x0  }
0x2a: {  	s19 =	rddreg [dreg:$0x4];
	[sflag:s16] =	ssyncadd.s32 $0xFFFFFFF0  }
0x2b: {  	v0 =	vld [tilespmem:$0x1C840];
	[tilespmem:s3], [sflag:$0x5] =	stream.linear.gather [hbm4b:s19+s3], $0x190, $0x38  }
0x2c: {  	s25 =	rddreg [dreg:$0x5]  }
0x2d: {  	[tilespmem:s21], [sflag:$0x6] =	stream.linear.gather [hbm4b:s25+s3], $0x190, $0x38;
	[tilespmem:$0x1C850] =	vst v63  }
0x2e: {  	s28 =	rddreg [dreg:$0x6]  }
0x2f: {  	[tilespmem:s22], [sflag:$0x7] =	stream.linear.gather [hbm4b:s28+s3], $0x190, $0x38;
	[tilespmem:$0x1C850] =	vst v63  }
0x30: {  	s30 =	rddreg [dreg:$0x7]  }
0x31: {  	[tilespmem:s23], [sflag:$0x8] =	stream.linear.gather [hbm4b:s30+s3], $0x190, $0x38;
	[tilespmem:$0x1C850] =	vst v63  }
0x32: {  	_ =	swait.ge [sflag:s24], $0x190  }
0x33: {  	[sflag:s24] =	ssyncset.done $0x0  }
0x34: {  	s12 =	simm.s32 $0x10;
	[sflag:s24] =	ssyncadd.s32 $0xFFFFFE70  }
0x35: {  	v1 =	vld [tilespmem:s12+$0xFFFFFFF0]  }
0x36: {  	v2 =	vld [tilespmem:s12+$0x0];
	_ =	sdelay $0x3  }
0x37: {  	s1 =	simm.s32 $0x30;
	v3 =	vadd.s32 v0, v1  }
0x38: {  	s14 =	simm.s32 $0x20;
	v1 =	vld [tilespmem:s1+$0xFFFFFFF0];
	v2 =	vadd.s32 v0, v2;
	[tilespmem:s12+$0xFFFFFFF0] =	vst v3  }
.LBB2_2:
0x39: {  	s14 =	sadd.s32 $0x20, s14  }
0x3a: {  	v3 =	vld [tilespmem:s1+$0x0];
	[tilespmem:s12+$0x0] =	vst v2;
	s12 =	smov.u32 s1;
	p0 =	slt.u32 s14, $0x160  }
.Ltmp2:
0x3b: {  	(pc) =	sbr.rel @p0 .LBB2_2-.Ltmp2, $3  }
0x3c: {  	_ =	sdelay $0x1  }
0x3d: {  	s1 =	sadd.s32 $0x20, s1;
	v2 =	vadd.s32 v0, v1  }
0x3e: {  	v1 =	vld [tilespmem:s1+$0xFFFFFFF0];
	[tilespmem:s12+$0xFFFFFFF0] =	vst v2;
	v2 =	vadd.s32 v0, v3  }
0x3f: {  	v3 =	vld [tilespmem:s1+$0x0];
	_ =	sdelay $0x3  }
0x40: {  	[tilespmem:s12+$0x0] =	vst v2;
	v1 =	vadd.s32 v0, v1  }
0x41: {  	[tilespmem:s1+$0xFFFFFFF0] =	vst v1;
	v1 =	vadd.s32 v0, v3  }
0x42: {  	[tilespmem:s1+$0x0] =	vst v1  }
0x43: {  	v1 =	vld [tilespmem:$0x180];
	_ =	sdelay $0x4  }
0x44: {  	v1 =	vadd.s32 v0, v1  }
0x45: {  	s30 =	simm.s32 $0x640;
	[tilespmem:$0x180] =	vst v1  }
0x46: {  	[tilespmem:s30], [sflag:$0x1] =	stream.indirect.gather [hbm4b:s5+s21], $0x40, s3, s21, $0xb8;
	[tilespmem:$0x1C850] =	vst v63  }
0x47: {  	_ =	swait.ge [sflag:s26], $0x190  }
0x48: {  	[sflag:s26] =	ssyncset.done $0x0  }
0x49: {  	s12 =	simm.s32 $0x1A0;
	[sflag:s26] =	ssyncadd.s32 $0xFFFFFE70  }
0x4a: {  	v1 =	vld [tilespmem:s12+$0xFFFFFFF0]  }
0x4b: {  	v2 =	vld [tilespmem:s12+$0x0];
	_ =	sdelay $0x3  }
0x4c: {  	s1 =	simm.s32 $0x1C0;
	v3 =	vadd.s32 v0, v1  }
0x4d: {  	s14 =	simm.s32 $0x20;
	v1 =	vld [tilespmem:s1+$0xFFFFFFF0];
	v2 =	vadd.s32 v0, v2;
	[tilespmem:s12+$0xFFFFFFF0] =	vst v3  }
.LBB2_4:
0x4e: {  	s14 =	sadd.s32 $0x20, s14  }
0x4f: {  	v3 =	vld [tilespmem:s1+$0x0];
	[tilespmem:s12+$0x0] =	vst v2;
	s12 =	smov.u32 s1;
	p0 =	slt.u32 s14, $0x160  }
.Ltmp3:
0x50: {  	(pc) =	sbr.rel @p0 .LBB2_4-.Ltmp3, $3  }
0x51: {  	_ =	sdelay $0x1  }
0x52: {  	s1 =	sadd.s32 $0x20, s1;
	v2 =	vadd.s32 v0, v1  }
0x53: {  	v1 =	vld [tilespmem:s1+$0xFFFFFFF0];
	[tilespmem:s12+$0xFFFFFFF0] =	vst v2;
	v2 =	vadd.s32 v0, v3  }
0x54: {  	v3 =	vld [tilespmem:s1+$0x0];
	_ =	sdelay $0x3  }
0x55: {  	[tilespmem:s12+$0x0] =	vst v2;
	v1 =	vadd.s32 v0, v1  }
0x56: {  	[tilespmem:s1+$0xFFFFFFF0] =	vst v1;
	v1 =	vadd.s32 v0, v3  }
0x57: {  	[tilespmem:s1+$0x0] =	vst v1  }
0x58: {  	v1 =	vld [tilespmem:$0x310];
	_ =	sdelay $0x4  }
0x59: {  	v1 =	vadd.s32 v0, v1  }
0x5a: {  	s30 =	simm.s32 $0x6A40;
	[tilespmem:$0x310] =	vst v1  }
0x5b: {  	[tilespmem:s30], [sflag:$0x2] =	stream.indirect.gather [hbm4b:s5+s21], $0x40, s21, s21, $0xb8;
	[tilespmem:$0x1C850] =	vst v63  }
0x5c: {  	_ =	swait.ge [sflag:s29], $0x190  }
0x5d: {  	[sflag:s29] =	ssyncset.done $0x0  }
0x5e: {  	s12 =	simm.s32 $0x330;
	[sflag:s29] =	ssyncadd.s32 $0xFFFFFE70  }
0x5f: {  	v1 =	vld [tilespmem:s12+$0xFFFFFFF0]  }
0x60: {  	v2 =	vld [tilespmem:s12+$0x0];
	_ =	sdelay $0x3  }
0x61: {  	s1 =	simm.s32 $0x350;
	v3 =	vadd.s32 v0, v1  }
0x62: {  	s14 =	simm.s32 $0x20;
	v1 =	vld [tilespmem:s1+$0xFFFFFFF0];
	v2 =	vadd.s32 v0, v2;
	[tilespmem:s12+$0xFFFFFFF0] =	vst v3  }
.LBB2_6:
0x63: {  	s14 =	sadd.s32 $0x20, s14  }
0x64: {  	v3 =	vld [tilespmem:s1+$0x0];
	[tilespmem:s12+$0x0] =	vst v2;
	s12 =	smov.u32 s1;
	p0 =	slt.u32 s14, $0x160  }
.Ltmp4:
0x65: {  	(pc) =	sbr.rel @p0 .LBB2_6-.Ltmp4, $3  }
0x66: {  	_ =	sdelay $0x1  }
0x67: {  	s1 =	sadd.s32 $0x20, s1;
	v2 =	vadd.s32 v0, v1  }
0x68: {  	v1 =	vld [tilespmem:s1+$0xFFFFFFF0];
	[tilespmem:s12+$0xFFFFFFF0] =	vst v2;
	v2 =	vadd.s32 v0, v3  }
0x69: {  	v3 =	vld [tilespmem:s1+$0x0];
	_ =	sdelay $0x3  }
0x6a: {  	[tilespmem:s12+$0x0] =	vst v2;
	v1 =	vadd.s32 v0, v1  }
0x6b: {  	[tilespmem:s1+$0xFFFFFFF0] =	vst v1;
	v1 =	vadd.s32 v0, v3  }
0x6c: {  	[tilespmem:s1+$0x0] =	vst v1  }
0x6d: {  	v1 =	vld [tilespmem:$0x4A0];
	_ =	sdelay $0x4  }
0x6e: {  	v1 =	vadd.s32 v0, v1  }
0x6f: {  	s30 =	simm.s32 $0xCE40;
	[tilespmem:$0x4A0] =	vst v1  }
0x70: {  	[tilespmem:s30], [sflag:$0x3] =	stream.indirect.gather [hbm4b:s5+s21], $0x40, s22, s21, $0xb8;
	[tilespmem:$0x1C850] =	vst v63  }
0x71: {  	_ =	swait.ge [sflag:s31], $0x190  }
0x72: {  	[sflag:s31] =	ssyncset.done $0x0  }
0x73: {  	s12 =	simm.s32 $0x4C0;
	[sflag:s31] =	ssyncadd.s32 $0xFFFFFE70  }
0x74: {  	v1 =	vld [tilespmem:s12+$0xFFFFFFF0]  }
0x75: {  	v2 =	vld [tilespmem:s12+$0x0];
	_ =	sdelay $0x3  }
0x76: {  	s1 =	simm.s32 $0x4E0;
	v3 =	vadd.s32 v0, v1  }
0x77: {  	s14 =	simm.s32 $0x20;
	v1 =	vld [tilespmem:s1+$0xFFFFFFF0];
	v2 =	vadd.s32 v0, v2;
	[tilespmem:s12+$0xFFFFFFF0] =	vst v3  }
.LBB2_8:
0x78: {  	s14 =	sadd.s32 $0x20, s14  }
0x79: {  	v3 =	vld [tilespmem:s1+$0x0];
	[tilespmem:s12+$0x0] =	vst v2;
	s12 =	smov.u32 s1;
	p0 =	slt.u32 s14, $0x160  }
.Ltmp5:
0x7a: {  	(pc) =	sbr.rel @p0 .LBB2_8-.Ltmp5, $3  }
0x7b: {  	_ =	sdelay $0x1  }
0x7c: {  	s1 =	sadd.s32 $0x20, s1;
	v2 =	vadd.s32 v0, v1  }
0x7d: {  	v1 =	vld [tilespmem:s1+$0xFFFFFFF0];
	[tilespmem:s12+$0xFFFFFFF0] =	vst v2;
	v2 =	vadd.s32 v0, v3  }
0x7e: {  	v3 =	vld [tilespmem:s1+$0x0];
	_ =	sdelay $0x3  }
0x7f: {  	[tilespmem:s12+$0x0] =	vst v2;
	v1 =	vadd.s32 v0, v1  }
0x80: {  	[tilespmem:s1+$0xFFFFFFF0] =	vst v1;
	v1 =	vadd.s32 v0, v3  }
0x81: {  	[tilespmem:s1+$0x0] =	vst v1  }
0x82: {  	v1 =	vld [tilespmem:$0x630];
	_ =	sdelay $0x4  }
0x83: {  	v1 =	vadd.s32 v0, v1  }
0x84: {  	s30 =	simm.s32 $0x13240;
	s25 =	simm.s32 $0x0;
	[tilespmem:$0x630] =	vst v1  }
0x85: {  	[tilespmem:s30], [sflag:$0x4] =	stream.indirect.gather [hbm4b:s5+s21], $0x40, s23, s21, $0xb8;
	[tilespmem:$0x1C850] =	vst v63  }
.LBB2_10:
0x86: {  	p0 =	seq.s32 s25, $0x1F  }
0x87: {  	p1 =	seq.s32 @!p0 s25, $0x0  }
0x88: {  	p1 =	por p0, !p1  }
.Ltmp6:
0x89: {  	_ = 	snop;
	(pc) =	sbr.rel @!p1 .LBB2_11-.Ltmp6, $4  }
0x8a: {  	_ =	swait.ge [sflag:s0], $0x6400;
	s1 =	smul.u32 @!p0 $0xC8, s25  }
0x8b: {  	[sflag:s0] =	ssyncset.done $0x0  }
0x8c: {  	s12 =	simm.s32 @!p0 $0x0;
	[sflag:s0] =	ssyncadd.s32 $0xFFFF9C00;
	s1 =	sadd.s32 @!p0 s1, s11  }
0x8d: {  	[tilespmem:s12], [sflag:$0x5] =	stream.linear.gather @!p0 [hbm4b:s1+s12], $0x190, $0x38;
	[tilespmem:$0x1C850] =	vst v63  }
.Ltmp7:
0x8e: {  	(pc) =	sbr.rel .LBB2_13-.Ltmp7, $4  }
0x8f: {  	_ = 	snop  }
0x90: {  	_ =	swait.ge [sflag:s20], $0xC80  }
0x91: {  	[sflag:s20] =	ssyncset.done $0x0  }
0x92: {  	p1 =	por $0x0, $0x0;
	[sflag:s20] =	ssyncadd.s32 $0xFFFFF380  }
.LBB2_11:
0x93: {  	p1 =	por @!p0 $0x1, $0x1  }
.LBB2_13:
0x94: {  	s14 =	simm.s32 $0x840  }
0x95: {  	v1 =	vld [tilespmem:s14+$0x0]  }
0x96: {  	v2 =	vld [tilespmem:s14+$0x40]  }
0x97: {  	v3 =	vld [tilespmem:s14+$0x80]  }
0x98: {  	v4 =	vld [tilespmem:s14+$0xC0]  }
0x99: {  	v5 =	vld [tilespmem:s14+$0x100]  }
0x9a: {  	v6 =	vld [tilespmem:s14+$0x140]  }
0x9b: {  	v7 =	vld [tilespmem:s14+$0x180]  }
0x9c: {  	v8 =	vld [tilespmem:s14+$0x1C0]  }
0x9d: {  	v9 =	vld [tilespmem:s14+$0xFFFFFE40]  }
0x9e: {  	s28 =	simm.s32 $0xC40;
	v10 =	vld [tilespmem:s14+$0xFFFFFE80]  }
0x9f: {  	v18 =	vld [tilespmem:s28+$0x40]  }
0xa0: {  	v19 =	vld [tilespmem:s28+$0x80]  }
0xa1: {  	v20 =	vld [tilespmem:s28+$0xC0];
	v1 =	vadd.f32 v2, v1;
	v2 =	vadd.f32 v4, v3  }
0xa2: {  	v3 =	vld [tilespmem:s14+$0xFFFFFEC0];
	v4 =	vadd.f32 v6, v5;
	v5 =	vadd.f32 v8, v7  }
0xa3: {  	v6 =	vld [tilespmem:s14+$0xFFFFFF00]  }
0xa4: {  	v7 =	vld [tilespmem:s14+$0xFFFFFF40];
	v1 =	vadd.f32 v2, v1;
	v2 =	vadd.f32 v5, v4  }
0xa5: {  	v4 =	vld [tilespmem:s14+$0xFFFFFF80]  }
0xa6: {  	v5 =	vld [tilespmem:s14+$0xFFFFFFC0];
	v1 =	vadd.f32 v2, v1  }
0xa7: {  	s30 =	simm.s32 $0x19680;
	v2 =	vld [tilespmem:s14+$0xFFFFFE00]  }
0xa8: {  	v21 =	vld [tilespmem:s28+$0x100];
	[tilespmem:s30+$0x0] =	vst v1  }
0xa9: {  	v1 =	vld [tilespmem:s14+$0x10]  }
0xaa: {  	v8 =	vld [tilespmem:s14+$0x50]  }
0xab: {  	v3 =	vadd.f32 v3, v10;
	v6 =	vadd.f32 v7, v6;
	v7 =	vld [tilespmem:s14+$0x90]  }
0xac: {  	v4 =	vadd.f32 v5, v4;
	v5 =	vld [tilespmem:s14+$0xD0];
	v2 =	vadd.f32 v9, v2  }
0xad: {  	v9 =	vld [tilespmem:s14+$0x110]  }
0xae: {  	v4 =	vadd.f32 v4, v6;
	v6 =	vld [tilespmem:s14+$0x190];
	v2 =	vadd.f32 v3, v2  }
0xaf: {  	v3 =	vld [tilespmem:s14+$0x150]  }
0xb0: {  	v2 =	vadd.f32 v4, v2;
	v4 =	vld [tilespmem:s14+$0x1D0]  }
0xb1: {  	v22 =	vld [tilespmem:s28+$0x140]  }
0xb2: {  	v23 =	vld [tilespmem:s28+$0x180];
	[tilespmem:s30+$0xFFFFFFC0] =	vst v2  }
0xb3: {  	v2 =	vld [tilespmem:s14+$0xFFFFFE10]  }
0xb4: {  	v1 =	vadd.f32 v8, v1;
	v5 =	vadd.f32 v5, v7;
	v10 =	vld [tilespmem:s14+$0xFFFFFE50]  }
0xb5: {  	v7 =	vld [tilespmem:s14+$0xFFFFFE90];
	v3 =	vadd.f32 v3, v9;
	v4 =	vadd.f32 v4, v6  }
0xb6: {  	v8 =	vld [tilespmem:s14+$0xFFFFFF10]  }
0xb7: {  	v1 =	vadd.f32 v5, v1;
	v5 =	vld [tilespmem:s14+$0xFFFFFF90];
	v3 =	vadd.f32 v4, v3  }
0xb8: {  	v6 =	vld [tilespmem:s14+$0xFFFFFED0]  }
0xb9: {  	v4 =	vld [tilespmem:s14+$0xFFFFFF50];
	v1 =	vadd.f32 v3, v1  }
0xba: {  	v3 =	vld [tilespmem:s14+$0xFFFFFFD0]  }
0xbb: {  	v44 =	vld [tilespmem:s28+$0xFFFFFF40];
	[tilespmem:s30+$0x10] =	vst v1  }
0xbc: {  	v1 =	vld [tilespmem:s14+$0x20]  }
0xbd: {  	v9 =	vld [tilespmem:s14+$0x60]  }
0xbe: {  	v2 =	vadd.f32 v10, v2;
	v6 =	vadd.f32 v6, v7;
	v7 =	vld [tilespmem:s14+$0xA0]  }
0xbf: {  	v4 =	vadd.f32 v4, v8;
	v8 =	vld [tilespmem:s14+$0x120];
	v3 =	vadd.f32 v3, v5  }
0xc0: {  	v2 =	vadd.f32 v6, v2;
	v6 =	vld [tilespmem:s14+$0x1A0]  }
0xc1: {  	v5 =	vld [tilespmem:s14+$0xE0];
	v3 =	vadd.f32 v3, v4  }
0xc2: {  	v4 =	vld [tilespmem:s14+$0x160]  }
0xc3: {  	v2 =	vadd.f32 v3, v2;
	v3 =	vld [tilespmem:s14+$0x1E0]  }
0xc4: {  	v46 =	vld [tilespmem:s28+$0xFFFFFFC0]  }
0xc5: {  	v1 =	vadd.f32 v9, v1;
	v9 =	vld [tilespmem:s28+$0x0];
	[tilespmem:s30+$0xFFFFFFD0] =	vst v2  }
0xc6: {  	v2 =	vld [tilespmem:s14+$0xFFFFFE20]  }
0xc7: {  	v5 =	vadd.f32 v5, v7;
	v10 =	vld [tilespmem:s14+$0xFFFFFE60]  }
0xc8: {  	v7 =	vld [tilespmem:s14+$0xFFFFFEA0];
	v4 =	vadd.f32 v4, v8;
	v3 =	vadd.f32 v3, v6  }
0xc9: {  	v6 =	vld [tilespmem:s14+$0xFFFFFEE0]  }
0xca: {  	v8 =	vld [tilespmem:s14+$0xFFFFFF20];
	v1 =	vadd.f32 v5, v1;
	v3 =	vadd.f32 v3, v4  }
0xcb: {  	v5 =	vld [tilespmem:s14+$0xFFFFFFA0]  }
0xcc: {  	v4 =	vld [tilespmem:s14+$0xFFFFFF60];
	v1 =	vadd.f32 v3, v1  }
0xcd: {  	v3 =	vld [tilespmem:s14+$0xFFFFFFE0]  }
0xce: {  	v6 =	vadd.f32 v6, v7;
	v7 =	vld [tilespmem:s28+$0x1C0];
	[tilespmem:s30+$0x20] =	vst v1  }
0xcf: {  	v1 =	vld [tilespmem:s14+$0x30]  }
0xd0: {  	v11 =	vld [tilespmem:s14+$0x70]  }
0xd1: {  	v12 =	vld [tilespmem:s14+$0xB0]  }
0xd2: {  	v13 =	vld [tilespmem:s14+$0xF0]  }
0xd3: {  	v14 =	vld [tilespmem:s14+$0x130]  }
0xd4: {  	v15 =	vld [tilespmem:s14+$0x170]  }
0xd5: {  	v2 =	vadd.f32 v10, v2;
	v16 =	vld [tilespmem:s14+$0x1B0]  }
0xd6: {  	v17 =	vld [tilespmem:s14+$0x1F0];
	v4 =	vadd.f32 v4, v8;
	v3 =	vadd.f32 v3, v5  }
0xd7: {  	v45 =	vadd.f32 v22, v21;
	v9 =	vadd.f32 v18, v9;
	v8 =	vld [tilespmem:s28+$0xFFFFFE80]  }
0xd8: {  	v2 =	vadd.f32 v6, v2;
	v6 =	vld [tilespmem:s28+$0xFFFFFF00];
	v3 =	vadd.f32 v3, v4  }
0xd9: {  	v10 =	vadd.f32 v20, v19;
	v5 =	vld [tilespmem:s28+$0xFFFFFE40];
	v7 =	vadd.f32 v7, v23  }
0xda: {  	v4 =	vld [tilespmem:s28+$0xFFFFFEC0];
	v2 =	vadd.f32 v3, v2  }
0xdb: {  	v9 =	vadd.f32 v10, v9;
	v7 =	vadd.f32 v7, v45;
	v3 =	vld [tilespmem:s28+$0xFFFFFF80]  }
0xdc: {  	[tilespmem:s30+$0xFFFFFFE0] =	vst v2;
	v2 =	vld [tilespmem:s28+$0xFFFFFE00]  }
0xdd: {  	v7 =	vadd.f32 v7, v9;
	v9 =	vld [tilespmem:s14+$0xFFFFFE30]  }
0xde: {  	s12 =	simm.s32 $0x19700;
	v10 =	vld [tilespmem:s14+$0xFFFFFE70]  }
0xdf: {  	[tilespmem:s12+$0x0] =	vst v7;
	v47 =	vld [tilespmem:s14+$0xFFFFFEB0]  }
0xe0: {  	v6 =	vadd.f32 v44, v6;
	v4 =	vadd.f32 v4, v8;
	v7 =	vld [tilespmem:s28+$0x10]  }
0xe1: {  	v8 =	vld [tilespmem:s28+$0x90];
	v3 =	vadd.f32 v46, v3;
	v2 =	vadd.f32 v5, v2  }
0xe2: {  	v48 =	vld [tilespmem:s28+$0x190]  }
0xe3: {  	v5 =	vld [tilespmem:s28+$0x50];
	v3 =	vadd.f32 v3, v6;
	v2 =	vadd.f32 v4, v2  }
0xe4: {  	v6 =	vld [tilespmem:s28+$0x110]  }
0xe5: {  	v4 =	vld [tilespmem:s28+$0xD0];
	v2 =	vadd.f32 v3, v2  }
0xe6: {  	v3 =	vld [tilespmem:s28+$0x150]  }
0xe7: {  	[tilespmem:s12+$0xFFFFFFC0] =	vst v2;
	v2 =	vld [tilespmem:s28+$0x1D0]  }
0xe8: {  	v49 =	vld [tilespmem:s28+$0xFFFFFE10]  }
0xe9: {  	v50 =	vld [tilespmem:s28+$0xFFFFFE50]  }
0xea: {  	v51 =	vld [tilespmem:s28+$0xFFFFFE90]  }
0xeb: {  	v5 =	vadd.f32 v5, v7;
	v7 =	vld [tilespmem:s28+$0xFFFFFED0];
	v4 =	vadd.f32 v4, v8  }
0xec: {  	v8 =	vld [tilespmem:s28+$0xFFFFFF10];
	v3 =	vadd.f32 v3, v6;
	v2 =	vadd.f32 v2, v48  }
0xed: {  	v52 =	vld [tilespmem:s28+$0xFFFFFF90]  }
0xee: {  	v6 =	vld [tilespmem:s28+$0xFFFFFF50];
	v4 =	vadd.f32 v4, v5;
	v2 =	vadd.f32 v2, v3  }
0xef: {  	v3 =	vld [tilespmem:s28+$0xFFFFFFD0]  }
0xf0: {  	v53 =	vld [tilespmem:s14+$0xFFFFFF30];
	v2 =	vadd.f32 v2, v4  }
0xf1: {  	v5 =	vld [tilespmem:s14+$0xFFFFFEF0]  }
0xf2: {  	[tilespmem:s12+$0x10] =	vst v2;
	v2 =	vld [tilespmem:s14+$0xFFFFFF70]  }
0xf3: {  	v7 =	vadd.f32 v7, v51;
	v6 =	vadd.f32 v6, v8;
	v54 =	vld [tilespmem:s28+$0x20]  }
0xf4: {  	v4 =	vadd.f32 v50, v49;
	v3 =	vadd.f32 v3, v52;
	v8 =	vld [tilespmem:s28+$0x60]  }
0xf5: {  	v55 =	vld [tilespmem:s28+$0xA0]  }
0xf6: {  	v4 =	vadd.f32 v7, v4;
	v7 =	vld [tilespmem:s28+$0x120];
	v3 =	vadd.f32 v3, v6  }
0xf7: {  	v56 =	vld [tilespmem:s28+$0x160]  }
0xf8: {  	v6 =	vld [tilespmem:s28+$0xE0];
	v3 =	vadd.f32 v3, v4  }
0xf9: {  	v1 =	vadd.f32 v11, v1;
	v57 =	vadd.f32 v15, v14;
	v11 =	vld [tilespmem:s28+$0x1A0]  }
0xfa: {  	v58 =	vadd.f32 v17, v16;
	v4 =	vadd.f32 v13, v12;
	[tilespmem:s12+$0xFFFFFFD0] =	vst v3;
	v3 =	vld [tilespmem:s28+$0x1E0]  }
0xfb: {  	v59 =	vld [tilespmem:s28+$0xFFFFFE20]  }
0xfc: {  	v1 =	vadd.f32 v4, v1;
	v4 =	vadd.f32 v58, v57;
	v60 =	vld [tilespmem:s28+$0xFFFFFE60]  }
0xfd: {  	v8 =	vadd.f32 v8, v54;
	v61 =	vld [tilespmem:s28+$0xFFFFFEA0];
	v6 =	vadd.f32 v6, v55  }
0xfe: {  	v62 =	vadd.f32 v4, v1;
	v1 =	vadd.f32 v10, v9;
	v10 =	vld [tilespmem:s28+$0xFFFFFEE0]  }
0xff: {  	v4 =	vld [tilespmem:s28+$0xFFFFFF20];
	v9 =	vadd.f32 v56, v7;
	v3 =	vadd.f32 v3, v11  }
0x100: {  	v7 =	vld [tilespmem:s28+$0xFFFFFF60];
	v11 =	vadd.f32 v5, v47  }
0x101: {  	v6 =	vadd.f32 v6, v8;
	v8 =	vld [tilespmem:s28+$0xFFFFFFE0];
	v63 =	vadd.f32 v3, v9  }
0x102: {  	v5 =	vld [tilespmem:s28+$0xFFFFFFA0];
	v1 =	vadd.f32 v11, v1;
	v9 =	vadd.f32 v60, v59  }
0x103: {  	v3 =	vld [tilespmem:s14+$0xFFFFFFB0];
	v10 =	vadd.f32 v10, v61;
	v11 =	vadd.f32 v63, v6  }
0x104: {  	s16 =	simm.s32 $0x2;
	s1 =	simm.s32 $0x1040;
	v2 =	vadd.f32 v2, v53;
	[tilespmem:s30+$0x30] =	vst v62;
	v6 =	vld [tilespmem:s14+$0xFFFFFFF0]  }
.LBB2_14:
0x105: {  	v12 =	vld [tilespmem:s1+$0x0];
	v4 =	vadd.f32 v7, v4;
	v7 =	vadd.f32 v10, v9;
	[tilespmem:s12+$0x20] =	vst v11  }
0x106: {  	v9 =	vld [tilespmem:s28+$0x30]  }
0x107: {  	v5 =	vadd.f32 v8, v5;
	v8 =	vld [tilespmem:s28+$0x70]  }
0x108: {  	v10 =	vld [tilespmem:s28+$0xB0]  }
0x109: {  	v4 =	vadd.f32 v5, v4;
	v5 =	vld [tilespmem:s28+$0xF0];
	v3 =	vadd.f32 v6, v3  }
0x10a: {  	v6 =	vld [tilespmem:s28+$0x130]  }
0x10b: {  	v4 =	vadd.f32 v4, v7;
	v7 =	vld [tilespmem:s28+$0x170];
	v2 =	vadd.f32 v3, v2  }
0x10c: {  	v3 =	vld [tilespmem:s28+$0x1B0]  }
0x10d: {  	[tilespmem:s12+$0xFFFFFFE0] =	vst v4;
	v4 =	vld [tilespmem:s28+$0x1F0];
	v1 =	vadd.f32 v2, v1  }
0x10e: {  	v2 =	vld [tilespmem:s1+$0x40]  }
0x10f: {  	v11 =	vld [tilespmem:s1+$0x80];
	[tilespmem:s30+$0xFFFFFFF0] =	vst v1;
	s30 =	smov.u32 s12  }
0x110: {  	v1 =	vld [tilespmem:s1+$0xC0]  }
0x111: {  	v8 =	vadd.f32 v8, v9;
	v5 =	vadd.f32 v5, v10;
	v13 =	vld [tilespmem:s1+$0x100]  }
0x112: {  	v6 =	vadd.f32 v7, v6;
	v9 =	vld [tilespmem:s1+$0x140];
	v3 =	vadd.f32 v4, v3  }
0x113: {  	v4 =	vld [tilespmem:s1+$0x180]  }
0x114: {  	v5 =	vadd.f32 v5, v8;
	v7 =	vld [tilespmem:s1+$0x1C0];
	v3 =	vadd.f32 v3, v6  }
0x115: {  	v6 =	vld [tilespmem:s1+$0xFFFFFE40]  }
0x116: {  	v8 =	vld [tilespmem:s1+$0xFFFFFE80];
	v3 =	vadd.f32 v3, v5  }
0x117: {  	v5 =	vld [tilespmem:s1+$0xFFFFFEC0]  }
0x118: {  	v2 =	vadd.f32 v2, v12;
	v1 =	vadd.f32 v1, v11;
	v10 =	vld [tilespmem:s1+$0xFFFFFF00];
	[tilespmem:s12+$0x30] =	vst v3  }
0x119: {  	v9 =	vadd.f32 v9, v13;
	v3 =	vld [tilespmem:s1+$0xFFFFFF40];
	v4 =	vadd.f32 v7, v4  }
0x11a: {  	v7 =	vld [tilespmem:s1+$0xFFFFFF80]  }
0x11b: {  	v1 =	vadd.f32 v1, v2;
	v11 =	vld [tilespmem:s1+$0xFFFFFFC0];
	v2 =	vadd.f32 v4, v9  }
0x11c: {  	v4 =	vld [tilespmem:s1+$0xFFFFFE00];
	v5 =	vadd.f32 v5, v8  }
0x11d: {  	v1 =	vadd.f32 v2, v1;
	v2 =	vld [tilespmem:s28+$0xFFFFFE30]  }
0x11e: {  	s12 =	sadd.s32 $0x80, s12;
	v3 =	vadd.f32 v3, v10;
	v8 =	vld [tilespmem:s28+$0xFFFFFE70]  }
0x11f: {  	[tilespmem:s12+$0x0] =	vst v1;
	v1 =	vld [tilespmem:s28+$0xFFFFFEB0]  }
0x120: {  	v7 =	vadd.f32 v11, v7;
	v9 =	vld [tilespmem:s1+$0x10]  }
0x121: {  	v4 =	vadd.f32 v6, v4;
	v6 =	vld [tilespmem:s1+$0x50]  }
0x122: {  	v3 =	vadd.f32 v7, v3;
	v7 =	vld [tilespmem:s1+$0x90]  }
0x123: {  	v4 =	vadd.f32 v5, v4;
	v5 =	vld [tilespmem:s1+$0xD0];
	v8 =	vadd.f32 v8, v2  }
0x124: {  	v2 =	vld [tilespmem:s1+$0x110]  }
0x125: {  	v3 =	vadd.f32 v3, v4;
	v4 =	vld [tilespmem:s1+$0x150]  }
0x126: {  	v10 =	vld [tilespmem:s1+$0x190]  }
0x127: {  	[tilespmem:s12+$0xFFFFFFC0] =	vst v3;
	v3 =	vld [tilespmem:s1+$0x1D0]  }
0x128: {  	v11 =	vld [tilespmem:s1+$0xFFFFFE10]  }
0x129: {  	s16 =	sadd.s32 $0x2, s16;
	v12 =	vld [tilespmem:s1+$0xFFFFFE50]  }
0x12a: {  	p2 =	slt.u32 s16, $0x30;
	v13 =	vld [tilespmem:s1+$0xFFFFFE90]  }
0x12b: {  	v6 =	vadd.f32 v6, v9;
	v5 =	vadd.f32 v5, v7;
	v14 =	vld [tilespmem:s1+$0xFFFFFED0]  }
0x12c: {  	v2 =	vadd.f32 v4, v2;
	v7 =	vld [tilespmem:s1+$0xFFFFFF10];
	v3 =	vadd.f32 v3, v10  }
0x12d: {  	v4 =	vld [tilespmem:s1+$0xFFFFFF50]  }
0x12e: {  	v5 =	vadd.f32 v5, v6;
	v9 =	vld [tilespmem:s1+$0xFFFFFF90];
	v2 =	vadd.f32 v3, v2  }
0x12f: {  	v6 =	vadd.f32 v12, v11;
	v3 =	vld [tilespmem:s1+$0xFFFFFFD0]  }
0x130: {  	v10 =	vadd.f32 v14, v13;
	v2 =	vadd.f32 v2, v5;
	v5 =	vld [tilespmem:s28+$0xFFFFFEF0]  }
0x131: {  	v11 =	vld [tilespmem:s28+$0xFFFFFF30]  }
0x132: {  	v4 =	vadd.f32 v4, v7;
	v6 =	vadd.f32 v10, v6;
	[tilespmem:s12+$0x10] =	vst v2;
	v2 =	vld [tilespmem:s28+$0xFFFFFF70]  }
0x133: {  	v7 =	vld [tilespmem:s1+$0x20]  }
0x134: {  	v3 =	vadd.f32 v3, v9;
	v9 =	vld [tilespmem:s1+$0x60]  }
0x135: {  	v10 =	vld [tilespmem:s1+$0xA0];
	v1 =	vadd.f32 v5, v1  }
0x136: {  	v3 =	vadd.f32 v3, v4;
	v4 =	vld [tilespmem:s1+$0xE0]  }
0x137: {  	v5 =	vld [tilespmem:s1+$0x120];
	v2 =	vadd.f32 v2, v11;
	v1 =	vadd.f32 v1, v8  }
0x138: {  	v3 =	vadd.f32 v3, v6;
	v6 =	vld [tilespmem:s1+$0x160]  }
0x139: {  	v8 =	vld [tilespmem:s1+$0x1A0]  }
0x13a: {  	[tilespmem:s12+$0xFFFFFFD0] =	vst v3;
	v3 =	vld [tilespmem:s1+$0x1E0]  }
0x13b: {  	v11 =	vld [tilespmem:s1+$0xFFFFFE20]  }
0x13c: {  	v12 =	vld [tilespmem:s1+$0xFFFFFE60]  }
0x13d: {  	v13 =	vld [tilespmem:s1+$0xFFFFFEA0]  }
0x13e: {  	v9 =	vadd.f32 v9, v7;
	v10 =	vadd.f32 v4, v10;
	v14 =	vld [tilespmem:s1+$0xFFFFFEE0]  }
0x13f: {  	v6 =	vadd.f32 v6, v5;
	v4 =	vld [tilespmem:s1+$0xFFFFFF20];
	v3 =	vadd.f32 v3, v8  }
.Ltmp8:
0x140: {  	v7 =	vld [tilespmem:s1+$0xFFFFFF60];
	(pc) =	sbr.rel @p2 .LBB2_14-.Ltmp8, $4  }
0x141: {  	v15 =	vadd.f32 v10, v9;
	v5 =	vld [tilespmem:s1+$0xFFFFFFA0];
	v3 =	vadd.f32 v3, v6  }
0x142: {  	v9 =	vadd.f32 v12, v11;
	v8 =	vld [tilespmem:s1+$0xFFFFFFE0]  }
0x143: {  	v10 =	vadd.f32 v14, v13;
	v11 =	vadd.f32 v3, v15;
	v3 =	vld [tilespmem:s28+$0xFFFFFFB0]  }
0x144: {  	v6 =	vld [tilespmem:s28+$0xFFFFFFF0];
	s28 =	smov.u32 s1;
	s1 =	sadd.s32 $0x400, s1  }
0x145: {  	[tilespmem:s12+$0x20] =	vst v11  }
0x146: {  	v11 =	vld [tilespmem:s28+$0x30]  }
0x147: {  	v4 =	vadd.f32 v7, v4;
	v53 =	vld [tilespmem:s28+$0x70];
	v5 =	vadd.f32 v8, v5  }
0x148: {  	v54 =	vld [tilespmem:s28+$0xB0]  }
0x149: {  	v9 =	vadd.f32 v10, v9;
	v55 =	vld [tilespmem:s28+$0xF0];
	v4 =	vadd.f32 v5, v4  }
0x14a: {  	v56 =	vld [tilespmem:s28+$0x130]  }
0x14b: {  	v57 =	vld [tilespmem:s28+$0x170];
	v4 =	vadd.f32 v4, v9  }
0x14c: {  	v12 =	vld [tilespmem:s28+$0x1B0]  }
0x14d: {  	v58 =	vld [tilespmem:s28+$0x1F0];
	[tilespmem:s12+$0xFFFFFFE0] =	vst v4  }
0x14e: {  	v13 =	vld [tilespmem:s28+$0xFFFFFE30]  }
0x14f: {  	v14 =	vld [tilespmem:s28+$0xFFFFFE70]  }
0x150: {  	v15 =	vld [tilespmem:s28+$0xFFFFFEB0]  }
0x151: {  	v16 =	vld [tilespmem:s28+$0xFFFFFEF0]  }
0x152: {  	v3 =	vadd.f32 v6, v3;
	v59 =	vld [tilespmem:s28+$0xFFFFFF30]  }
0x153: {  	v17 =	vld [tilespmem:s28+$0xFFFFFF70]  }
0x154: {  	v2 =	vadd.f32 v3, v2;
	v3 =	vld [tilespmem:s28+$0xFFFFFFB0]  }
0x155: {  	v18 =	vld [tilespmem:s28+$0xFFFFFFF0]  }
0x156: {  	v5 =	vadd.f32 v55, v54  }
0x157: {  	v60 =	vadd.f32 v57, v56;
	v1 =	vadd.f32 v2, v1  }
0x158: {  	v2 =	vadd.f32 v53, v11;
	v4 =	vadd.f32 v58, v12  }
0x159: {  	v61 =	vadd.f32 v14, v13;
	v62 =	vadd.f32 v16, v15  }
0x15a: {  	v6 =	vadd.f32 v17, v59;
	v3 =	vadd.f32 v18, v3  }
0x15b: {  	v2 =	vadd.f32 v5, v2;
	v4 =	vadd.f32 v4, v60  }
0x15c: {  	p2 =	sne.s32 s25, $0x1F;
	s28 =	smul.u32 $0xC8, s25;
	v63 =	vadd.f32 v62, v61;
	v3 =	vadd.f32 v3, v6  }
.Ltmp9:
0x15d: {  	v2 =	vadd.f32 v4, v2;
	(pc) =	sbr.rel @p2 .LBB2_17-.Ltmp9, $4  }
0x15e: {  	[tilespmem:s30+$0xFFFFFFF0] =	vst v1;
	s1 =	sadd.s32 s4, s28;
	v1 =	vadd.f32 v3, v63  }
0x15f: {  	s1 =	sshll.u32 s1, $0x3;
	[tilespmem:s12+$0x30] =	vst v2  }
0x160: {  	s30 =	simm.s32 $0x19640;
	s1 =	sadd.s32 s2, s1;
	[tilespmem:s12+$0xFFFFFFF0] =	vst v1  }
0x161: {  	[hbm4b:s1+s3] =	stream.linear.scatter [tilespmem:s30], [sflag:$0x9], $0xC80, $0x38;
	[tilespmem:$0x1C850] =	vst v63  }
.Ltmp10:
0x162: {  	(pc) =	sbr.rel .LBB2_20-.Ltmp10, $4  }
0x163: {  	_ = 	snop  }
0x164: {  	_ =	swait.ge [sflag:s6], $0x6400  }
0x165: {  	[sflag:s6] =	ssyncset.done $0x0  }
0x166: {  	[sflag:s6] =	ssyncadd.s32 $0xFFFF9C00  }
.LBB2_17:
0x167: {  	_ =	swait.ge [sflag:s24], $0x190  }
0x168: {  	[sflag:s24] =	ssyncset.done $0x0  }
0x169: {  	s12 =	simm.s32 $0x10;
	[sflag:s24] =	ssyncadd.s32 $0xFFFFFE70  }
0x16a: {  	v1 =	vld [tilespmem:s12+$0xFFFFFFF0]  }
0x16b: {  	v2 =	vld [tilespmem:s12+$0x0];
	_ =	sdelay $0x3  }
0x16c: {  	s1 =	simm.s32 $0x30;
	v3 =	vadd.s32 v0, v1  }
0x16d: {  	s14 =	simm.s32 $0x20;
	v1 =	vld [tilespmem:s1+$0xFFFFFFF0];
	v2 =	vadd.s32 v0, v2;
	[tilespmem:s12+$0xFFFFFFF0] =	vst v3  }
.LBB2_18:
0x16e: {  	s14 =	sadd.s32 $0x20, s14  }
0x16f: {  	v3 =	vld [tilespmem:s1+$0x0];
	[tilespmem:s12+$0x0] =	vst v2;
	s12 =	smov.u32 s1;
	p3 =	slt.u32 s14, $0x160  }
.Ltmp11:
0x170: {  	(pc) =	sbr.rel @p3 .LBB2_18-.Ltmp11, $3  }
0x171: {  	_ =	sdelay $0x1  }
0x172: {  	s1 =	sadd.s32 $0x20, s1;
	v2 =	vadd.s32 v0, v1  }
0x173: {  	v1 =	vld [tilespmem:s1+$0xFFFFFFF0];
	[tilespmem:s12+$0xFFFFFFF0] =	vst v2;
	v2 =	vadd.s32 v0, v3  }
0x174: {  	v3 =	vld [tilespmem:s1+$0x0];
	_ =	sdelay $0x3  }
0x175: {  	[tilespmem:s12+$0x0] =	vst v2;
	v1 =	vadd.s32 v0, v1  }
0x176: {  	[tilespmem:s1+$0xFFFFFFF0] =	vst v1;
	v1 =	vadd.s32 v0, v3  }
0x177: {  	[tilespmem:s1+$0x0] =	vst v1  }
0x178: {  	v1 =	vld [tilespmem:$0x180];
	_ =	sdelay $0x4  }
0x179: {  	v1 =	vadd.s32 v0, v1  }
0x17a: {  	s19 =	simm.s32 $0x640;
	[tilespmem:$0x180] =	vst v1  }
0x17b: {  	[tilespmem:s19], [sflag:$0x1] =	stream.indirect.gather [hbm4b:s5+s21], $0x40, s3, s21, $0xb8;
	[tilespmem:$0x1C850] =	vst v63  }
0x17c: {  	_ =	swait.ge [sflag:s6], $0x6400  }
0x17d: {  	[sflag:s6] =	ssyncset.done $0x0;
	s30 =	rddreg [dreg:$0x8]  }
0x17e: {  	[sflag:s6] =	ssyncadd.s32 $0xFFFF9C00;
	s1 =	sadd.s32 s28, s30  }
0x17f: {  	[tilespmem:s21], [sflag:$0x6] =	stream.linear.gather [hbm4b:s1+s3], $0x190, $0x38;
	[tilespmem:$0x1C850] =	vst v63  }
.LBB2_20:
0x180: {  	s1 =	simm.s32 @!p1 $0xA  }
0x181: {  	_ =	swait.ge @!p1 [sflag:s1], $0xC80  }
0x182: {  	[sflag:s1] =	ssyncset.done @!p1 $0x0  }
0x183: {  	s16 =	simm.s32 $0x6E30;
	[sflag:s1] =	ssyncadd.s32 @!p1 $0xFFFFF380  }
0x184: {  	v1 =	vld [tilespmem:s16+$0xFFFFFE10]  }
0x185: {  	v2 =	vld [tilespmem:s16+$0xFFFFFE50]  }
0x186: {  	v3 =	vld [tilespmem:s16+$0xFFFFFE90]  }
0x187: {  	v4 =	vld [tilespmem:s16+$0xFFFFFED0]  }
0x188: {  	v5 =	vld [tilespmem:s16+$0xFFFFFF10]  }
0x189: {  	v6 =	vld [tilespmem:s16+$0xFFFFFF50]  }
0x18a: {  	v7 =	vld [tilespmem:s16+$0xFFFFFF90]  }
0x18b: {  	v8 =	vld [tilespmem:s16+$0xFFFFFFD0]  }
0x18c: {  	v9 =	vld [tilespmem:s16+$0xFFFFFC50]  }
0x18d: {  	s12 =	simm.s32 $0x7230;
	v10 =	vld [tilespmem:s16+$0xFFFFFC90]  }
0x18e: {  	v18 =	vld [tilespmem:s12+$0xFFFFFE50]  }
0x18f: {  	v19 =	vld [tilespmem:s12+$0xFFFFFE90]  }
0x190: {  	v20 =	vld [tilespmem:s12+$0xFFFFFED0];
	v1 =	vadd.f32 v2, v1;
	v2 =	vadd.f32 v4, v3  }
0x191: {  	v3 =	vld [tilespmem:s16+$0xFFFFFCD0];
	v4 =	vadd.f32 v6, v5;
	v5 =	vadd.f32 v8, v7  }
0x192: {  	v6 =	vld [tilespmem:s16+$0xFFFFFD10]  }
0x193: {  	v7 =	vld [tilespmem:s16+$0xFFFFFD50];
	v1 =	vadd.f32 v2, v1;
	v2 =	vadd.f32 v5, v4  }
0x194: {  	v4 =	vld [tilespmem:s16+$0xFFFFFD90]  }
0x195: {  	v5 =	vld [tilespmem:s16+$0xFFFFFDD0];
	v1 =	vadd.f32 v2, v1  }
0x196: {  	s30 =	simm.s32 $0x1A330;
	v2 =	vld [tilespmem:s16+$0xFFFFFC10]  }
0x197: {  	v21 =	vld [tilespmem:s12+$0xFFFFFF10];
	[tilespmem:s30+$0xFFFFFFD0] =	vst v1  }
0x198: {  	v1 =	vld [tilespmem:s16+$0xFFFFFE20]  }
0x199: {  	v8 =	vld [tilespmem:s16+$0xFFFFFE60]  }
0x19a: {  	v3 =	vadd.f32 v3, v10;
	v6 =	vadd.f32 v7, v6;
	v7 =	vld [tilespmem:s16+$0xFFFFFEA0]  }
0x19b: {  	v4 =	vadd.f32 v5, v4;
	v5 =	vld [tilespmem:s16+$0xFFFFFEE0];
	v2 =	vadd.f32 v9, v2  }
0x19c: {  	v9 =	vld [tilespmem:s16+$0xFFFFFF20]  }
0x19d: {  	v4 =	vadd.f32 v4, v6;
	v6 =	vld [tilespmem:s16+$0xFFFFFFA0];
	v2 =	vadd.f32 v3, v2  }
0x19e: {  	v3 =	vld [tilespmem:s16+$0xFFFFFF60]  }
0x19f: {  	v2 =	vadd.f32 v4, v2;
	v4 =	vld [tilespmem:s16+$0xFFFFFFE0]  }
0x1a0: {  	v22 =	vld [tilespmem:s12+$0xFFFFFF50]  }
0x1a1: {  	v23 =	vld [tilespmem:s12+$0xFFFFFF90];
	[tilespmem:s30+$0xFFFFFF90] =	vst v2  }
0x1a2: {  	v2 =	vld [tilespmem:s16+$0xFFFFFC20]  }
0x1a3: {  	v1 =	vadd.f32 v8, v1;
	v5 =	vadd.f32 v5, v7;
	v10 =	vld [tilespmem:s16+$0xFFFFFC60]  }
0x1a4: {  	v7 =	vld [tilespmem:s16+$0xFFFFFCA0];
	v3 =	vadd.f32 v3, v9;
	v4 =	vadd.f32 v4, v6  }
0x1a5: {  	v8 =	vld [tilespmem:s16+$0xFFFFFD20]  }
0x1a6: {  	v1 =	vadd.f32 v5, v1;
	v5 =	vld [tilespmem:s16+$0xFFFFFDA0];
	v3 =	vadd.f32 v4, v3  }
0x1a7: {  	v6 =	vld [tilespmem:s16+$0xFFFFFCE0]  }
0x1a8: {  	v4 =	vld [tilespmem:s16+$0xFFFFFD60];
	v1 =	vadd.f32 v3, v1  }
0x1a9: {  	v3 =	vld [tilespmem:s16+$0xFFFFFDE0]  }
0x1aa: {  	v44 =	vld [tilespmem:s12+$0xFFFFFD50];
	[tilespmem:s30+$0xFFFFFFE0] =	vst v1  }
0x1ab: {  	v1 =	vld [tilespmem:s16+$0xFFFFFE30]  }
0x1ac: {  	v9 =	vld [tilespmem:s16+$0xFFFFFE70]  }
0x1ad: {  	v2 =	vadd.f32 v10, v2;
	v6 =	vadd.f32 v6, v7;
	v7 =	vld [tilespmem:s16+$0xFFFFFEB0]  }
0x1ae: {  	v4 =	vadd.f32 v4, v8;
	v8 =	vld [tilespmem:s16+$0xFFFFFF30];
	v3 =	vadd.f32 v3, v5  }
0x1af: {  	v2 =	vadd.f32 v6, v2;
	v6 =	vld [tilespmem:s16+$0xFFFFFFB0]  }
0x1b0: {  	v5 =	vld [tilespmem:s16+$0xFFFFFEF0];
	v3 =	vadd.f32 v3, v4  }
0x1b1: {  	v4 =	vld [tilespmem:s16+$0xFFFFFF70]  }
0x1b2: {  	v2 =	vadd.f32 v3, v2;
	v3 =	vld [tilespmem:s16+$0xFFFFFFF0]  }
0x1b3: {  	v46 =	vld [tilespmem:s12+$0xFFFFFDD0]  }
0x1b4: {  	v1 =	vadd.f32 v9, v1;
	v9 =	vld [tilespmem:s12+$0xFFFFFE10];
	[tilespmem:s30+$0xFFFFFFA0] =	vst v2  }
0x1b5: {  	v2 =	vld [tilespmem:s16+$0xFFFFFC30]  }
0x1b6: {  	v5 =	vadd.f32 v5, v7;
	v10 =	vld [tilespmem:s16+$0xFFFFFC70]  }
0x1b7: {  	v7 =	vld [tilespmem:s16+$0xFFFFFCB0];
	v4 =	vadd.f32 v4, v8;
	v3 =	vadd.f32 v3, v6  }
0x1b8: {  	v6 =	vld [tilespmem:s16+$0xFFFFFCF0]  }
0x1b9: {  	v8 =	vld [tilespmem:s16+$0xFFFFFD30];
	v1 =	vadd.f32 v5, v1;
	v3 =	vadd.f32 v3, v4  }
0x1ba: {  	v5 =	vld [tilespmem:s16+$0xFFFFFDB0]  }
0x1bb: {  	v4 =	vld [tilespmem:s16+$0xFFFFFD70];
	v1 =	vadd.f32 v3, v1  }
0x1bc: {  	v3 =	vld [tilespmem:s16+$0xFFFFFDF0]  }
0x1bd: {  	v6 =	vadd.f32 v6, v7;
	v7 =	vld [tilespmem:s12+$0xFFFFFFD0];
	[tilespmem:s30+$0xFFFFFFF0] =	vst v1  }
0x1be: {  	v1 =	vld [tilespmem:s16+$0xFFFFFE40]  }
0x1bf: {  	v11 =	vld [tilespmem:s16+$0xFFFFFE80]  }
0x1c0: {  	v12 =	vld [tilespmem:s16+$0xFFFFFEC0]  }
0x1c1: {  	v13 =	vld [tilespmem:s16+$0xFFFFFF00]  }
0x1c2: {  	v14 =	vld [tilespmem:s16+$0xFFFFFF40]  }
0x1c3: {  	v15 =	vld [tilespmem:s16+$0xFFFFFF80]  }
0x1c4: {  	v2 =	vadd.f32 v10, v2;
	v16 =	vld [tilespmem:s16+$0xFFFFFFC0]  }
0x1c5: {  	v17 =	vld [tilespmem:s16+$0x0];
	v4 =	vadd.f32 v4, v8;
	v3 =	vadd.f32 v3, v5  }
0x1c6: {  	v45 =	vadd.f32 v22, v21;
	v9 =	vadd.f32 v18, v9;
	v8 =	vld [tilespmem:s12+$0xFFFFFC90]  }
0x1c7: {  	v2 =	vadd.f32 v6, v2;
	v6 =	vld [tilespmem:s12+$0xFFFFFD10];
	v3 =	vadd.f32 v3, v4  }
0x1c8: {  	v10 =	vadd.f32 v20, v19;
	v5 =	vld [tilespmem:s12+$0xFFFFFC50];
	v7 =	vadd.f32 v7, v23  }
0x1c9: {  	v4 =	vld [tilespmem:s12+$0xFFFFFCD0];
	v2 =	vadd.f32 v3, v2  }
0x1ca: {  	v9 =	vadd.f32 v10, v9;
	v7 =	vadd.f32 v7, v45;
	v3 =	vld [tilespmem:s12+$0xFFFFFD90]  }
0x1cb: {  	[tilespmem:s30+$0xFFFFFFB0] =	vst v2;
	v2 =	vld [tilespmem:s12+$0xFFFFFC10]  }
0x1cc: {  	v7 =	vadd.f32 v7, v9;
	v9 =	vld [tilespmem:s16+$0xFFFFFC40]  }
0x1cd: {  	s14 =	simm.s32 $0x1A3B0;
	v10 =	vld [tilespmem:s16+$0xFFFFFC80]  }
0x1ce: {  	[tilespmem:s14+$0xFFFFFFD0] =	vst v7;
	v47 =	vld [tilespmem:s16+$0xFFFFFCC0]  }
0x1cf: {  	v6 =	vadd.f32 v44, v6;
	v4 =	vadd.f32 v4, v8;
	v7 =	vld [tilespmem:s12+$0xFFFFFE20]  }
0x1d0: {  	v8 =	vld [tilespmem:s12+$0xFFFFFEA0];
	v3 =	vadd.f32 v46, v3;
	v2 =	vadd.f32 v5, v2  }
0x1d1: {  	v48 =	vld [tilespmem:s12+$0xFFFFFFA0]  }
0x1d2: {  	v5 =	vld [tilespmem:s12+$0xFFFFFE60];
	v3 =	vadd.f32 v3, v6;
	v2 =	vadd.f32 v4, v2  }
0x1d3: {  	v6 =	vld [tilespmem:s12+$0xFFFFFF20]  }
0x1d4: {  	v4 =	vld [tilespmem:s12+$0xFFFFFEE0];
	v2 =	vadd.f32 v3, v2  }
0x1d5: {  	v3 =	vld [tilespmem:s12+$0xFFFFFF60]  }
0x1d6: {  	[tilespmem:s14+$0xFFFFFF90] =	vst v2;
	v2 =	vld [tilespmem:s12+$0xFFFFFFE0]  }
0x1d7: {  	v49 =	vld [tilespmem:s12+$0xFFFFFC20]  }
0x1d8: {  	v50 =	vld [tilespmem:s12+$0xFFFFFC60]  }
0x1d9: {  	v51 =	vld [tilespmem:s12+$0xFFFFFCA0]  }
0x1da: {  	v5 =	vadd.f32 v5, v7;
	v7 =	vld [tilespmem:s12+$0xFFFFFCE0];
	v4 =	vadd.f32 v4, v8  }
0x1db: {  	v8 =	vld [tilespmem:s12+$0xFFFFFD20];
	v3 =	vadd.f32 v3, v6;
	v2 =	vadd.f32 v2, v48  }
0x1dc: {  	v52 =	vld [tilespmem:s12+$0xFFFFFDA0]  }
0x1dd: {  	v6 =	vld [tilespmem:s12+$0xFFFFFD60];
	v4 =	vadd.f32 v4, v5;
	v2 =	vadd.f32 v2, v3  }
0x1de: {  	v3 =	vld [tilespmem:s12+$0xFFFFFDE0]  }
0x1df: {  	v53 =	vld [tilespmem:s16+$0xFFFFFD40];
	v2 =	vadd.f32 v2, v4  }
0x1e0: {  	v5 =	vld [tilespmem:s16+$0xFFFFFD00]  }
0x1e1: {  	[tilespmem:s14+$0xFFFFFFE0] =	vst v2;
	v2 =	vld [tilespmem:s16+$0xFFFFFD80]  }
0x1e2: {  	v7 =	vadd.f32 v7, v51;
	v6 =	vadd.f32 v6, v8;
	v54 =	vld [tilespmem:s12+$0xFFFFFE30]  }
0x1e3: {  	v4 =	vadd.f32 v50, v49;
	v3 =	vadd.f32 v3, v52;
	v8 =	vld [tilespmem:s12+$0xFFFFFE70]  }
0x1e4: {  	v55 =	vld [tilespmem:s12+$0xFFFFFEB0]  }
0x1e5: {  	v4 =	vadd.f32 v7, v4;
	v7 =	vld [tilespmem:s12+$0xFFFFFF30];
	v3 =	vadd.f32 v3, v6  }
0x1e6: {  	v56 =	vld [tilespmem:s12+$0xFFFFFF70]  }
0x1e7: {  	v6 =	vld [tilespmem:s12+$0xFFFFFEF0];
	v3 =	vadd.f32 v3, v4  }
0x1e8: {  	v1 =	vadd.f32 v11, v1;
	v57 =	vadd.f32 v15, v14;
	v11 =	vld [tilespmem:s12+$0xFFFFFFB0]  }
0x1e9: {  	v58 =	vadd.f32 v17, v16;
	v4 =	vadd.f32 v13, v12;
	[tilespmem:s14+$0xFFFFFFA0] =	vst v3;
	v3 =	vld [tilespmem:s12+$0xFFFFFFF0]  }
0x1ea: {  	v59 =	vld [tilespmem:s12+$0xFFFFFC30]  }
0x1eb: {  	v1 =	vadd.f32 v4, v1;
	v4 =	vadd.f32 v58, v57;
	v60 =	vld [tilespmem:s12+$0xFFFFFC70]  }
0x1ec: {  	v8 =	vadd.f32 v8, v54;
	v61 =	vld [tilespmem:s12+$0xFFFFFCB0];
	v6 =	vadd.f32 v6, v55  }
0x1ed: {  	v62 =	vadd.f32 v4, v1;
	v1 =	vadd.f32 v10, v9;
	v10 =	vld [tilespmem:s12+$0xFFFFFCF0]  }
0x1ee: {  	v4 =	vld [tilespmem:s12+$0xFFFFFD30];
	v9 =	vadd.f32 v56, v7;
	v3 =	vadd.f32 v3, v11  }
0x1ef: {  	v7 =	vld [tilespmem:s12+$0xFFFFFD70];
	v11 =	vadd.f32 v5, v47  }
0x1f0: {  	v6 =	vadd.f32 v6, v8;
	v8 =	vld [tilespmem:s12+$0xFFFFFDF0];
	v63 =	vadd.f32 v3, v9  }
0x1f1: {  	v5 =	vld [tilespmem:s12+$0xFFFFFDB0];
	v1 =	vadd.f32 v11, v1;
	v9 =	vadd.f32 v60, v59  }
0x1f2: {  	v3 =	vld [tilespmem:s16+$0xFFFFFDC0];
	v10 =	vadd.f32 v10, v61;
	v11 =	vadd.f32 v63, v6  }
0x1f3: {  	s19 =	simm.s32 $0x7630;
	s1 =	simm.s32 $0x2;
	v2 =	vadd.f32 v2, v53;
	[tilespmem:s30+$0x0] =	vst v62;
	v6 =	vld [tilespmem:s16+$0xFFFFFE00]  }
.LBB2_21:
0x1f4: {  	v12 =	vld [tilespmem:s19+$0xFFFFFE10];
	v4 =	vadd.f32 v7, v4;
	v7 =	vadd.f32 v10, v9;
	[tilespmem:s14+$0xFFFFFFF0] =	vst v11  }
0x1f5: {  	v9 =	vld [tilespmem:s12+$0xFFFFFE40]  }
0x1f6: {  	v5 =	vadd.f32 v8, v5;
	v8 =	vld [tilespmem:s12+$0xFFFFFE80]  }
0x1f7: {  	v10 =	vld [tilespmem:s12+$0xFFFFFEC0]  }
0x1f8: {  	v4 =	vadd.f32 v5, v4;
	v5 =	vld [tilespmem:s12+$0xFFFFFF00];
	v3 =	vadd.f32 v6, v3  }
0x1f9: {  	v6 =	vld [tilespmem:s12+$0xFFFFFF40]  }
0x1fa: {  	v4 =	vadd.f32 v4, v7;
	v7 =	vld [tilespmem:s12+$0xFFFFFF80];
	v2 =	vadd.f32 v3, v2  }
0x1fb: {  	v3 =	vld [tilespmem:s12+$0xFFFFFFC0]  }
0x1fc: {  	[tilespmem:s14+$0xFFFFFFB0] =	vst v4;
	v4 =	vld [tilespmem:s12+$0x0];
	v1 =	vadd.f32 v2, v1  }
0x1fd: {  	v2 =	vld [tilespmem:s19+$0xFFFFFE50]  }
0x1fe: {  	v11 =	vld [tilespmem:s19+$0xFFFFFE90];
	[tilespmem:s30+$0xFFFFFFC0] =	vst v1;
	s30 =	smov.u32 s14  }
0x1ff: {  	v1 =	vld [tilespmem:s19+$0xFFFFFED0]  }
0x200: {  	v8 =	vadd.f32 v8, v9;
	v5 =	vadd.f32 v5, v10;
	v13 =	vld [tilespmem:s19+$0xFFFFFF10]  }
0x201: {  	v6 =	vadd.f32 v7, v6;
	v9 =	vld [tilespmem:s19+$0xFFFFFF50];
	v3 =	vadd.f32 v4, v3  }
0x202: {  	v4 =	vld [tilespmem:s19+$0xFFFFFF90]  }
0x203: {  	v5 =	vadd.f32 v5, v8;
	v7 =	vld [tilespmem:s19+$0xFFFFFFD0];
	v3 =	vadd.f32 v3, v6  }
0x204: {  	v6 =	vld [tilespmem:s19+$0xFFFFFC50]  }
0x205: {  	v8 =	vld [tilespmem:s19+$0xFFFFFC90];
	v3 =	vadd.f32 v3, v5  }
0x206: {  	v5 =	vld [tilespmem:s19+$0xFFFFFCD0]  }
0x207: {  	v2 =	vadd.f32 v2, v12;
	v1 =	vadd.f32 v1, v11;
	v10 =	vld [tilespmem:s19+$0xFFFFFD10];
	[tilespmem:s14+$0x0] =	vst v3  }
0x208: {  	v9 =	vadd.f32 v9, v13;
	v3 =	vld [tilespmem:s19+$0xFFFFFD50];
	v4 =	vadd.f32 v7, v4  }
0x209: {  	v7 =	vld [tilespmem:s19+$0xFFFFFD90]  }
0x20a: {  	v1 =	vadd.f32 v1, v2;
	v11 =	vld [tilespmem:s19+$0xFFFFFDD0];
	v2 =	vadd.f32 v4, v9  }
0x20b: {  	v4 =	vld [tilespmem:s19+$0xFFFFFC10];
	v5 =	vadd.f32 v5, v8  }
0x20c: {  	v1 =	vadd.f32 v2, v1;
	v2 =	vld [tilespmem:s12+$0xFFFFFC40]  }
0x20d: {  	s14 =	sadd.s32 $0x80, s14;
	v3 =	vadd.f32 v3, v10;
	v8 =	vld [tilespmem:s12+$0xFFFFFC80]  }
0x20e: {  	[tilespmem:s14+$0xFFFFFFD0] =	vst v1;
	v1 =	vld [tilespmem:s12+$0xFFFFFCC0]  }
0x20f: {  	v7 =	vadd.f32 v11, v7;
	v9 =	vld [tilespmem:s19+$0xFFFFFE20]  }
0x210: {  	v4 =	vadd.f32 v6, v4;
	v6 =	vld [tilespmem:s19+$0xFFFFFE60]  }
0x211: {  	v3 =	vadd.f32 v7, v3;
	v7 =	vld [tilespmem:s19+$0xFFFFFEA0]  }
0x212: {  	v4 =	vadd.f32 v5, v4;
	v5 =	vld [tilespmem:s19+$0xFFFFFEE0];
	v8 =	vadd.f32 v8, v2  }
0x213: {  	v2 =	vld [tilespmem:s19+$0xFFFFFF20]  }
0x214: {  	v3 =	vadd.f32 v3, v4;
	v4 =	vld [tilespmem:s19+$0xFFFFFF60]  }
0x215: {  	v10 =	vld [tilespmem:s19+$0xFFFFFFA0]  }
0x216: {  	[tilespmem:s14+$0xFFFFFF90] =	vst v3;
	v3 =	vld [tilespmem:s19+$0xFFFFFFE0]  }
0x217: {  	v11 =	vld [tilespmem:s19+$0xFFFFFC20]  }
0x218: {  	s1 =	sadd.s32 $0x2, s1;
	v12 =	vld [tilespmem:s19+$0xFFFFFC60]  }
0x219: {  	p3 =	slt.u32 s1, $0x30;
	v13 =	vld [tilespmem:s19+$0xFFFFFCA0]  }
0x21a: {  	v6 =	vadd.f32 v6, v9;
	v5 =	vadd.f32 v5, v7;
	v14 =	vld [tilespmem:s19+$0xFFFFFCE0]  }
0x21b: {  	v2 =	vadd.f32 v4, v2;
	v7 =	vld [tilespmem:s19+$0xFFFFFD20];
	v3 =	vadd.f32 v3, v10  }
0x21c: {  	v4 =	vld [tilespmem:s19+$0xFFFFFD60]  }
0x21d: {  	v5 =	vadd.f32 v5, v6;
	v9 =	vld [tilespmem:s19+$0xFFFFFDA0];
	v2 =	vadd.f32 v3, v2  }
0x21e: {  	v6 =	vadd.f32 v12, v11;
	v3 =	vld [tilespmem:s19+$0xFFFFFDE0]  }
0x21f: {  	v10 =	vadd.f32 v14, v13;
	v2 =	vadd.f32 v2, v5;
	v5 =	vld [tilespmem:s12+$0xFFFFFD00]  }
0x220: {  	v11 =	vld [tilespmem:s12+$0xFFFFFD40]  }
0x221: {  	v4 =	vadd.f32 v4, v7;
	v6 =	vadd.f32 v10, v6;
	[tilespmem:s14+$0xFFFFFFE0] =	vst v2;
	v2 =	vld [tilespmem:s12+$0xFFFFFD80]  }
0x222: {  	v7 =	vld [tilespmem:s19+$0xFFFFFE30]  }
0x223: {  	v3 =	vadd.f32 v3, v9;
	v9 =	vld [tilespmem:s19+$0xFFFFFE70]  }
0x224: {  	v10 =	vld [tilespmem:s19+$0xFFFFFEB0];
	v1 =	vadd.f32 v5, v1  }
0x225: {  	v3 =	vadd.f32 v3, v4;
	v4 =	vld [tilespmem:s19+$0xFFFFFEF0]  }
0x226: {  	v5 =	vld [tilespmem:s19+$0xFFFFFF30];
	v2 =	vadd.f32 v2, v11;
	v1 =	vadd.f32 v1, v8  }
0x227: {  	v3 =	vadd.f32 v3, v6;
	v6 =	vld [tilespmem:s19+$0xFFFFFF70]  }
0x228: {  	v8 =	vld [tilespmem:s19+$0xFFFFFFB0]  }
0x229: {  	[tilespmem:s14+$0xFFFFFFA0] =	vst v3;
	v3 =	vld [tilespmem:s19+$0xFFFFFFF0]  }
0x22a: {  	v11 =	vld [tilespmem:s19+$0xFFFFFC30]  }
0x22b: {  	v12 =	vld [tilespmem:s19+$0xFFFFFC70]  }
0x22c: {  	v13 =	vld [tilespmem:s19+$0xFFFFFCB0]  }
0x22d: {  	v9 =	vadd.f32 v9, v7;
	v10 =	vadd.f32 v4, v10;
	v14 =	vld [tilespmem:s19+$0xFFFFFCF0]  }
0x22e: {  	v6 =	vadd.f32 v6, v5;
	v4 =	vld [tilespmem:s19+$0xFFFFFD30];
	v3 =	vadd.f32 v3, v8  }
.Ltmp12:
0x22f: {  	v7 =	vld [tilespmem:s19+$0xFFFFFD70];
	(pc) =	sbr.rel @p3 .LBB2_21-.Ltmp12, $4  }
0x230: {  	v15 =	vadd.f32 v10, v9;
	v5 =	vld [tilespmem:s19+$0xFFFFFDB0];
	v3 =	vadd.f32 v3, v6  }
0x231: {  	v9 =	vadd.f32 v12, v11;
	v8 =	vld [tilespmem:s19+$0xFFFFFDF0]  }
0x232: {  	v10 =	vadd.f32 v14, v13;
	v11 =	vadd.f32 v3, v15;
	v3 =	vld [tilespmem:s12+$0xFFFFFDC0]  }
0x233: {  	v6 =	vld [tilespmem:s12+$0xFFFFFE00];
	s12 =	smov.u32 s19;
	s19 =	sadd.s32 $0x400, s19  }
0x234: {  	[tilespmem:s14+$0xFFFFFFF0] =	vst v11  }
0x235: {  	v11 =	vld [tilespmem:s12+$0xFFFFFE40]  }
0x236: {  	v4 =	vadd.f32 v7, v4;
	v53 =	vld [tilespmem:s12+$0xFFFFFE80];
	v5 =	vadd.f32 v8, v5  }
0x237: {  	v54 =	vld [tilespmem:s12+$0xFFFFFEC0]  }
0x238: {  	v9 =	vadd.f32 v10, v9;
	v55 =	vld [tilespmem:s12+$0xFFFFFF00];
	v4 =	vadd.f32 v5, v4  }
0x239: {  	v56 =	vld [tilespmem:s12+$0xFFFFFF40]  }
0x23a: {  	v57 =	vld [tilespmem:s12+$0xFFFFFF80];
	v4 =	vadd.f32 v4, v9  }
0x23b: {  	v12 =	vld [tilespmem:s12+$0xFFFFFFC0]  }
0x23c: {  	v58 =	vld [tilespmem:s12+$0x0];
	[tilespmem:s14+$0xFFFFFFB0] =	vst v4  }
0x23d: {  	v13 =	vld [tilespmem:s12+$0xFFFFFC40]  }
0x23e: {  	v14 =	vld [tilespmem:s12+$0xFFFFFC80]  }
0x23f: {  	v15 =	vld [tilespmem:s12+$0xFFFFFCC0]  }
0x240: {  	v16 =	vld [tilespmem:s12+$0xFFFFFD00]  }
0x241: {  	v3 =	vadd.f32 v6, v3;
	v59 =	vld [tilespmem:s12+$0xFFFFFD40]  }
0x242: {  	v17 =	vld [tilespmem:s12+$0xFFFFFD80]  }
0x243: {  	v2 =	vadd.f32 v3, v2;
	v3 =	vld [tilespmem:s12+$0xFFFFFDC0]  }
0x244: {  	v18 =	vld [tilespmem:s12+$0xFFFFFE00]  }
0x245: {  	v5 =	vadd.f32 v55, v54  }
0x246: {  	v60 =	vadd.f32 v57, v56;
	v1 =	vadd.f32 v2, v1  }
0x247: {  	v2 =	vadd.f32 v53, v11;
	v4 =	vadd.f32 v58, v12  }
0x248: {  	v61 =	vadd.f32 v14, v13;
	v62 =	vadd.f32 v16, v15  }
0x249: {  	v6 =	vadd.f32 v17, v59;
	v3 =	vadd.f32 v18, v3  }
0x24a: {  	v2 =	vadd.f32 v5, v2;
	v4 =	vadd.f32 v4, v60  }
0x24b: {  	v63 =	vadd.f32 v62, v61;
	v3 =	vadd.f32 v3, v6  }
.Ltmp13:
0x24c: {  	s1 =	sadd.s32 s28, s13;
	v2 =	vadd.f32 v4, v2;
	(pc) =	sbr.rel @p2 .LBB2_24-.Ltmp13, $4  }
0x24d: {  	s1 =	sshll.u32 s1, $0x3;
	[tilespmem:s30+$0xFFFFFFC0] =	vst v1;
	v1 =	vadd.f32 v3, v63  }
0x24e: {  	s1 =	sand.u32 $0x1FFFFFD0, s1;
	[tilespmem:s14+$0x0] =	vst v2  }
0x24f: {  	s1 =	sadd.s32 s2, s1;
	[tilespmem:s14+$0xFFFFFFC0] =	vst v1  }
0x250: {  	[hbm4b:s1+s3] =	stream.linear.scatter [tilespmem:s7], [sflag:$0xA], $0xC80, $0x38;
	[tilespmem:$0x1C850] =	vst v63  }
.Ltmp14:
0x251: {  	(pc) =	sbr.rel .LBB2_27-.Ltmp14, $4  }
0x252: {  	_ = 	snop  }
0x253: {  	_ =	swait.ge [sflag:s8], $0x6400  }
0x254: {  	[sflag:s8] =	ssyncset.done $0x0  }
0x255: {  	[sflag:s8] =	ssyncadd.s32 $0xFFFF9C00  }
.LBB2_24:
0x256: {  	_ =	swait.ge [sflag:s26], $0x190  }
0x257: {  	[sflag:s26] =	ssyncset.done $0x0  }
0x258: {  	s12 =	simm.s32 $0x1A0;
	[sflag:s26] =	ssyncadd.s32 $0xFFFFFE70  }
0x259: {  	v1 =	vld [tilespmem:s12+$0xFFFFFFF0]  }
0x25a: {  	v2 =	vld [tilespmem:s12+$0x0];
	_ =	sdelay $0x3  }
0x25b: {  	s1 =	simm.s32 $0x1C0;
	v3 =	vadd.s32 v0, v1  }
0x25c: {  	s14 =	simm.s32 $0x20;
	v1 =	vld [tilespmem:s1+$0xFFFFFFF0];
	v2 =	vadd.s32 v0, v2;
	[tilespmem:s12+$0xFFFFFFF0] =	vst v3  }
.LBB2_25:
0x25d: {  	s14 =	sadd.s32 $0x20, s14  }
0x25e: {  	v3 =	vld [tilespmem:s1+$0x0];
	[tilespmem:s12+$0x0] =	vst v2;
	s12 =	smov.u32 s1;
	p3 =	slt.u32 s14, $0x160  }
.Ltmp15:
0x25f: {  	(pc) =	sbr.rel @p3 .LBB2_25-.Ltmp15, $3  }
0x260: {  	_ =	sdelay $0x1  }
0x261: {  	s1 =	sadd.s32 $0x20, s1;
	v2 =	vadd.s32 v0, v1  }
0x262: {  	v1 =	vld [tilespmem:s1+$0xFFFFFFF0];
	[tilespmem:s12+$0xFFFFFFF0] =	vst v2;
	v2 =	vadd.s32 v0, v3  }
0x263: {  	v3 =	vld [tilespmem:s1+$0x0];
	_ =	sdelay $0x3  }
0x264: {  	[tilespmem:s12+$0x0] =	vst v2;
	v1 =	vadd.s32 v0, v1  }
0x265: {  	[tilespmem:s1+$0xFFFFFFF0] =	vst v1;
	v1 =	vadd.s32 v0, v3  }
0x266: {  	[tilespmem:s1+$0x0] =	vst v1  }
0x267: {  	v1 =	vld [tilespmem:$0x310];
	_ =	sdelay $0x4  }
0x268: {  	v1 =	vadd.s32 v0, v1  }
0x269: {  	s19 =	simm.s32 $0x6A40;
	[tilespmem:$0x310] =	vst v1  }
0x26a: {  	[tilespmem:s19], [sflag:$0x2] =	stream.indirect.gather [hbm4b:s5+s21], $0x40, s21, s21, $0xb8;
	[tilespmem:$0x1C850] =	vst v63  }
0x26b: {  	_ =	swait.ge [sflag:s8], $0x6400  }
0x26c: {  	[sflag:s8] =	ssyncset.done $0x0;
	s30 =	rddreg [dreg:$0x9]  }
0x26d: {  	[sflag:s8] =	ssyncadd.s32 $0xFFFF9C00;
	s1 =	sadd.s32 s28, s30  }
0x26e: {  	[tilespmem:s22], [sflag:$0x7] =	stream.linear.gather [hbm4b:s1+s3], $0x190, $0x38;
	[tilespmem:$0x1C850] =	vst v63  }
.LBB2_27:
0x26f: {  	s1 =	simm.s32 @!p1 $0xB  }
0x270: {  	_ =	swait.ge @!p1 [sflag:s1], $0xC80  }
0x271: {  	[sflag:s1] =	ssyncset.done @!p1 $0x0  }
0x272: {  	s16 =	simm.s32 $0xD230;
	[sflag:s1] =	ssyncadd.s32 @!p1 $0xFFFFF380  }
0x273: {  	v1 =	vld [tilespmem:s16+$0xFFFFFE10]  }
0x274: {  	v2 =	vld [tilespmem:s16+$0xFFFFFE50]  }
0x275: {  	v3 =	vld [tilespmem:s16+$0xFFFFFE90]  }
0x276: {  	v4 =	vld [tilespmem:s16+$0xFFFFFED0]  }
0x277: {  	v5 =	vld [tilespmem:s16+$0xFFFFFF10]  }
0x278: {  	v6 =	vld [tilespmem:s16+$0xFFFFFF50]  }
0x279: {  	v7 =	vld [tilespmem:s16+$0xFFFFFF90]  }
0x27a: {  	v8 =	vld [tilespmem:s16+$0xFFFFFFD0]  }
0x27b: {  	v9 =	vld [tilespmem:s16+$0xFFFFFC50]  }
0x27c: {  	s12 =	simm.s32 $0xD630;
	v10 =	vld [tilespmem:s16+$0xFFFFFC90]  }
0x27d: {  	v18 =	vld [tilespmem:s12+$0xFFFFFE50]  }
0x27e: {  	v19 =	vld [tilespmem:s12+$0xFFFFFE90]  }
0x27f: {  	v20 =	vld [tilespmem:s12+$0xFFFFFED0];
	v1 =	vadd.f32 v2, v1;
	v2 =	vadd.f32 v4, v3  }
0x280: {  	v3 =	vld [tilespmem:s16+$0xFFFFFCD0];
	v4 =	vadd.f32 v6, v5;
	v5 =	vadd.f32 v8, v7  }
0x281: {  	v6 =	vld [tilespmem:s16+$0xFFFFFD10]  }
0x282: {  	v7 =	vld [tilespmem:s16+$0xFFFFFD50];
	v1 =	vadd.f32 v2, v1;
	v2 =	vadd.f32 v5, v4  }
0x283: {  	v4 =	vld [tilespmem:s16+$0xFFFFFD90]  }
0x284: {  	v5 =	vld [tilespmem:s16+$0xFFFFFDD0];
	v1 =	vadd.f32 v2, v1  }
0x285: {  	s30 =	simm.s32 $0x1AFB0;
	v2 =	vld [tilespmem:s16+$0xFFFFFC10]  }
0x286: {  	v21 =	vld [tilespmem:s12+$0xFFFFFF10];
	[tilespmem:s30+$0xFFFFFFD0] =	vst v1  }
0x287: {  	v1 =	vld [tilespmem:s16+$0xFFFFFE20]  }
0x288: {  	v8 =	vld [tilespmem:s16+$0xFFFFFE60]  }
0x289: {  	v3 =	vadd.f32 v3, v10;
	v6 =	vadd.f32 v7, v6;
	v7 =	vld [tilespmem:s16+$0xFFFFFEA0]  }
0x28a: {  	v4 =	vadd.f32 v5, v4;
	v5 =	vld [tilespmem:s16+$0xFFFFFEE0];
	v2 =	vadd.f32 v9, v2  }
0x28b: {  	v9 =	vld [tilespmem:s16+$0xFFFFFF20]  }
0x28c: {  	v4 =	vadd.f32 v4, v6;
	v6 =	vld [tilespmem:s16+$0xFFFFFFA0];
	v2 =	vadd.f32 v3, v2  }
0x28d: {  	v3 =	vld [tilespmem:s16+$0xFFFFFF60]  }
0x28e: {  	v2 =	vadd.f32 v4, v2;
	v4 =	vld [tilespmem:s16+$0xFFFFFFE0]  }
0x28f: {  	v22 =	vld [tilespmem:s12+$0xFFFFFF50]  }
0x290: {  	v23 =	vld [tilespmem:s12+$0xFFFFFF90];
	[tilespmem:s30+$0xFFFFFF90] =	vst v2  }
0x291: {  	v2 =	vld [tilespmem:s16+$0xFFFFFC20]  }
0x292: {  	v1 =	vadd.f32 v8, v1;
	v5 =	vadd.f32 v5, v7;
	v10 =	vld [tilespmem:s16+$0xFFFFFC60]  }
0x293: {  	v7 =	vld [tilespmem:s16+$0xFFFFFCA0];
	v3 =	vadd.f32 v3, v9;
	v4 =	vadd.f32 v4, v6  }
0x294: {  	v8 =	vld [tilespmem:s16+$0xFFFFFD20]  }
0x295: {  	v1 =	vadd.f32 v5, v1;
	v5 =	vld [tilespmem:s16+$0xFFFFFDA0];
	v3 =	vadd.f32 v4, v3  }
0x296: {  	v6 =	vld [tilespmem:s16+$0xFFFFFCE0]  }
0x297: {  	v4 =	vld [tilespmem:s16+$0xFFFFFD60];
	v1 =	vadd.f32 v3, v1  }
0x298: {  	v3 =	vld [tilespmem:s16+$0xFFFFFDE0]  }
0x299: {  	v44 =	vld [tilespmem:s12+$0xFFFFFD50];
	[tilespmem:s30+$0xFFFFFFE0] =	vst v1  }
0x29a: {  	v1 =	vld [tilespmem:s16+$0xFFFFFE30]  }
0x29b: {  	v9 =	vld [tilespmem:s16+$0xFFFFFE70]  }
0x29c: {  	v2 =	vadd.f32 v10, v2;
	v6 =	vadd.f32 v6, v7;
	v7 =	vld [tilespmem:s16+$0xFFFFFEB0]  }
0x29d: {  	v4 =	vadd.f32 v4, v8;
	v8 =	vld [tilespmem:s16+$0xFFFFFF30];
	v3 =	vadd.f32 v3, v5  }
0x29e: {  	v2 =	vadd.f32 v6, v2;
	v6 =	vld [tilespmem:s16+$0xFFFFFFB0]  }
0x29f: {  	v5 =	vld [tilespmem:s16+$0xFFFFFEF0];
	v3 =	vadd.f32 v3, v4  }
0x2a0: {  	v4 =	vld [tilespmem:s16+$0xFFFFFF70]  }
0x2a1: {  	v2 =	vadd.f32 v3, v2;
	v3 =	vld [tilespmem:s16+$0xFFFFFFF0]  }
0x2a2: {  	v46 =	vld [tilespmem:s12+$0xFFFFFDD0]  }
0x2a3: {  	v1 =	vadd.f32 v9, v1;
	v9 =	vld [tilespmem:s12+$0xFFFFFE10];
	[tilespmem:s30+$0xFFFFFFA0] =	vst v2  }
0x2a4: {  	v2 =	vld [tilespmem:s16+$0xFFFFFC30]  }
0x2a5: {  	v5 =	vadd.f32 v5, v7;
	v10 =	vld [tilespmem:s16+$0xFFFFFC70]  }
0x2a6: {  	v7 =	vld [tilespmem:s16+$0xFFFFFCB0];
	v4 =	vadd.f32 v4, v8;
	v3 =	vadd.f32 v3, v6  }
0x2a7: {  	v6 =	vld [tilespmem:s16+$0xFFFFFCF0]  }
0x2a8: {  	v8 =	vld [tilespmem:s16+$0xFFFFFD30];
	v1 =	vadd.f32 v5, v1;
	v3 =	vadd.f32 v3, v4  }
0x2a9: {  	v5 =	vld [tilespmem:s16+$0xFFFFFDB0]  }
0x2aa: {  	v4 =	vld [tilespmem:s16+$0xFFFFFD70];
	v1 =	vadd.f32 v3, v1  }
0x2ab: {  	v3 =	vld [tilespmem:s16+$0xFFFFFDF0]  }
0x2ac: {  	v6 =	vadd.f32 v6, v7;
	v7 =	vld [tilespmem:s12+$0xFFFFFFD0];
	[tilespmem:s30+$0xFFFFFFF0] =	vst v1  }
0x2ad: {  	v1 =	vld [tilespmem:s16+$0xFFFFFE40]  }
0x2ae: {  	v11 =	vld [tilespmem:s16+$0xFFFFFE80]  }
0x2af: {  	v12 =	vld [tilespmem:s16+$0xFFFFFEC0]  }
0x2b0: {  	v13 =	vld [tilespmem:s16+$0xFFFFFF00]  }
0x2b1: {  	v14 =	vld [tilespmem:s16+$0xFFFFFF40]  }
0x2b2: {  	v15 =	vld [tilespmem:s16+$0xFFFFFF80]  }
0x2b3: {  	v2 =	vadd.f32 v10, v2;
	v16 =	vld [tilespmem:s16+$0xFFFFFFC0]  }
0x2b4: {  	v17 =	vld [tilespmem:s16+$0x0];
	v4 =	vadd.f32 v4, v8;
	v3 =	vadd.f32 v3, v5  }
0x2b5: {  	v45 =	vadd.f32 v22, v21;
	v9 =	vadd.f32 v18, v9;
	v8 =	vld [tilespmem:s12+$0xFFFFFC90]  }
0x2b6: {  	v2 =	vadd.f32 v6, v2;
	v6 =	vld [tilespmem:s12+$0xFFFFFD10];
	v3 =	vadd.f32 v3, v4  }
0x2b7: {  	v10 =	vadd.f32 v20, v19;
	v5 =	vld [tilespmem:s12+$0xFFFFFC50];
	v7 =	vadd.f32 v7, v23  }
0x2b8: {  	v4 =	vld [tilespmem:s12+$0xFFFFFCD0];
	v2 =	vadd.f32 v3, v2  }
0x2b9: {  	v9 =	vadd.f32 v10, v9;
	v7 =	vadd.f32 v7, v45;
	v3 =	vld [tilespmem:s12+$0xFFFFFD90]  }
0x2ba: {  	[tilespmem:s30+$0xFFFFFFB0] =	vst v2;
	v2 =	vld [tilespmem:s12+$0xFFFFFC10]  }
0x2bb: {  	v7 =	vadd.f32 v7, v9;
	v9 =	vld [tilespmem:s16+$0xFFFFFC40]  }
0x2bc: {  	s14 =	simm.s32 $0x1B030;
	v10 =	vld [tilespmem:s16+$0xFFFFFC80]  }
0x2bd: {  	[tilespmem:s14+$0xFFFFFFD0] =	vst v7;
	v47 =	vld [tilespmem:s16+$0xFFFFFCC0]  }
0x2be: {  	v6 =	vadd.f32 v44, v6;
	v4 =	vadd.f32 v4, v8;
	v7 =	vld [tilespmem:s12+$0xFFFFFE20]  }
0x2bf: {  	v8 =	vld [tilespmem:s12+$0xFFFFFEA0];
	v3 =	vadd.f32 v46, v3;
	v2 =	vadd.f32 v5, v2  }
0x2c0: {  	v48 =	vld [tilespmem:s12+$0xFFFFFFA0]  }
0x2c1: {  	v5 =	vld [tilespmem:s12+$0xFFFFFE60];
	v3 =	vadd.f32 v3, v6;
	v2 =	vadd.f32 v4, v2  }
0x2c2: {  	v6 =	vld [tilespmem:s12+$0xFFFFFF20]  }
0x2c3: {  	v4 =	vld [tilespmem:s12+$0xFFFFFEE0];
	v2 =	vadd.f32 v3, v2  }
0x2c4: {  	v3 =	vld [tilespmem:s12+$0xFFFFFF60]  }
0x2c5: {  	[tilespmem:s14+$0xFFFFFF90] =	vst v2;
	v2 =	vld [tilespmem:s12+$0xFFFFFFE0]  }
0x2c6: {  	v49 =	vld [tilespmem:s12+$0xFFFFFC20]  }
0x2c7: {  	v50 =	vld [tilespmem:s12+$0xFFFFFC60]  }
0x2c8: {  	v51 =	vld [tilespmem:s12+$0xFFFFFCA0]  }
0x2c9: {  	v5 =	vadd.f32 v5, v7;
	v7 =	vld [tilespmem:s12+$0xFFFFFCE0];
	v4 =	vadd.f32 v4, v8  }
0x2ca: {  	v8 =	vld [tilespmem:s12+$0xFFFFFD20];
	v3 =	vadd.f32 v3, v6;
	v2 =	vadd.f32 v2, v48  }
0x2cb: {  	v52 =	vld [tilespmem:s12+$0xFFFFFDA0]  }
0x2cc: {  	v6 =	vld [tilespmem:s12+$0xFFFFFD60];
	v4 =	vadd.f32 v4, v5;
	v2 =	vadd.f32 v2, v3  }
0x2cd: {  	v3 =	vld [tilespmem:s12+$0xFFFFFDE0]  }
0x2ce: {  	v53 =	vld [tilespmem:s16+$0xFFFFFD40];
	v2 =	vadd.f32 v2, v4  }
0x2cf: {  	v5 =	vld [tilespmem:s16+$0xFFFFFD00]  }
0x2d0: {  	[tilespmem:s14+$0xFFFFFFE0] =	vst v2;
	v2 =	vld [tilespmem:s16+$0xFFFFFD80]  }
0x2d1: {  	v7 =	vadd.f32 v7, v51;
	v6 =	vadd.f32 v6, v8;
	v54 =	vld [tilespmem:s12+$0xFFFFFE30]  }
0x2d2: {  	v4 =	vadd.f32 v50, v49;
	v3 =	vadd.f32 v3, v52;
	v8 =	vld [tilespmem:s12+$0xFFFFFE70]  }
0x2d3: {  	v55 =	vld [tilespmem:s12+$0xFFFFFEB0]  }
0x2d4: {  	v4 =	vadd.f32 v7, v4;
	v7 =	vld [tilespmem:s12+$0xFFFFFF30];
	v3 =	vadd.f32 v3, v6  }
0x2d5: {  	v56 =	vld [tilespmem:s12+$0xFFFFFF70]  }
0x2d6: {  	v6 =	vld [tilespmem:s12+$0xFFFFFEF0];
	v3 =	vadd.f32 v3, v4  }
0x2d7: {  	v1 =	vadd.f32 v11, v1;
	v57 =	vadd.f32 v15, v14;
	v11 =	vld [tilespmem:s12+$0xFFFFFFB0]  }
0x2d8: {  	v58 =	vadd.f32 v17, v16;
	v4 =	vadd.f32 v13, v12;
	[tilespmem:s14+$0xFFFFFFA0] =	vst v3;
	v3 =	vld [tilespmem:s12+$0xFFFFFFF0]  }
0x2d9: {  	v59 =	vld [tilespmem:s12+$0xFFFFFC30]  }
0x2da: {  	v1 =	vadd.f32 v4, v1;
	v4 =	vadd.f32 v58, v57;
	v60 =	vld [tilespmem:s12+$0xFFFFFC70]  }
0x2db: {  	v8 =	vadd.f32 v8, v54;
	v61 =	vld [tilespmem:s12+$0xFFFFFCB0];
	v6 =	vadd.f32 v6, v55  }
0x2dc: {  	v62 =	vadd.f32 v4, v1;
	v1 =	vadd.f32 v10, v9;
	v10 =	vld [tilespmem:s12+$0xFFFFFCF0]  }
0x2dd: {  	v4 =	vld [tilespmem:s12+$0xFFFFFD30];
	v9 =	vadd.f32 v56, v7;
	v3 =	vadd.f32 v3, v11  }
0x2de: {  	v7 =	vld [tilespmem:s12+$0xFFFFFD70];
	v11 =	vadd.f32 v5, v47  }
0x2df: {  	v6 =	vadd.f32 v6, v8;
	v8 =	vld [tilespmem:s12+$0xFFFFFDF0];
	v63 =	vadd.f32 v3, v9  }
0x2e0: {  	v5 =	vld [tilespmem:s12+$0xFFFFFDB0];
	v1 =	vadd.f32 v11, v1;
	v9 =	vadd.f32 v60, v59  }
0x2e1: {  	v3 =	vld [tilespmem:s16+$0xFFFFFDC0];
	v10 =	vadd.f32 v10, v61;
	v11 =	vadd.f32 v63, v6  }
0x2e2: {  	s19 =	simm.s32 $0xDA30;
	s1 =	simm.s32 $0x2;
	v2 =	vadd.f32 v2, v53;
	[tilespmem:s30+$0x0] =	vst v62;
	v6 =	vld [tilespmem:s16+$0xFFFFFE00]  }
.LBB2_28:
0x2e3: {  	v12 =	vld [tilespmem:s19+$0xFFFFFE10];
	v4 =	vadd.f32 v7, v4;
	v7 =	vadd.f32 v10, v9;
	[tilespmem:s14+$0xFFFFFFF0] =	vst v11  }
0x2e4: {  	v9 =	vld [tilespmem:s12+$0xFFFFFE40]  }
0x2e5: {  	v5 =	vadd.f32 v8, v5;
	v8 =	vld [tilespmem:s12+$0xFFFFFE80]  }
0x2e6: {  	v10 =	vld [tilespmem:s12+$0xFFFFFEC0]  }
0x2e7: {  	v4 =	vadd.f32 v5, v4;
	v5 =	vld [tilespmem:s12+$0xFFFFFF00];
	v3 =	vadd.f32 v6, v3  }
0x2e8: {  	v6 =	vld [tilespmem:s12+$0xFFFFFF40]  }
0x2e9: {  	v4 =	vadd.f32 v4, v7;
	v7 =	vld [tilespmem:s12+$0xFFFFFF80];
	v2 =	vadd.f32 v3, v2  }
0x2ea: {  	v3 =	vld [tilespmem:s12+$0xFFFFFFC0]  }
0x2eb: {  	[tilespmem:s14+$0xFFFFFFB0] =	vst v4;
	v4 =	vld [tilespmem:s12+$0x0];
	v1 =	vadd.f32 v2, v1  }
0x2ec: {  	v2 =	vld [tilespmem:s19+$0xFFFFFE50]  }
0x2ed: {  	v11 =	vld [tilespmem:s19+$0xFFFFFE90];
	[tilespmem:s30+$0xFFFFFFC0] =	vst v1;
	s30 =	smov.u32 s14  }
0x2ee: {  	v1 =	vld [tilespmem:s19+$0xFFFFFED0]  }
0x2ef: {  	v8 =	vadd.f32 v8, v9;
	v5 =	vadd.f32 v5, v10;
	v13 =	vld [tilespmem:s19+$0xFFFFFF10]  }
0x2f0: {  	v6 =	vadd.f32 v7, v6;
	v9 =	vld [tilespmem:s19+$0xFFFFFF50];
	v3 =	vadd.f32 v4, v3  }
0x2f1: {  	v4 =	vld [tilespmem:s19+$0xFFFFFF90]  }
0x2f2: {  	v5 =	vadd.f32 v5, v8;
	v7 =	vld [tilespmem:s19+$0xFFFFFFD0];
	v3 =	vadd.f32 v3, v6  }
0x2f3: {  	v6 =	vld [tilespmem:s19+$0xFFFFFC50]  }
0x2f4: {  	v8 =	vld [tilespmem:s19+$0xFFFFFC90];
	v3 =	vadd.f32 v3, v5  }
0x2f5: {  	v5 =	vld [tilespmem:s19+$0xFFFFFCD0]  }
0x2f6: {  	v2 =	vadd.f32 v2, v12;
	v1 =	vadd.f32 v1, v11;
	v10 =	vld [tilespmem:s19+$0xFFFFFD10];
	[tilespmem:s14+$0x0] =	vst v3  }
0x2f7: {  	v9 =	vadd.f32 v9, v13;
	v3 =	vld [tilespmem:s19+$0xFFFFFD50];
	v4 =	vadd.f32 v7, v4  }
0x2f8: {  	v7 =	vld [tilespmem:s19+$0xFFFFFD90]  }
0x2f9: {  	v1 =	vadd.f32 v1, v2;
	v11 =	vld [tilespmem:s19+$0xFFFFFDD0];
	v2 =	vadd.f32 v4, v9  }
0x2fa: {  	v4 =	vld [tilespmem:s19+$0xFFFFFC10];
	v5 =	vadd.f32 v5, v8  }
0x2fb: {  	v1 =	vadd.f32 v2, v1;
	v2 =	vld [tilespmem:s12+$0xFFFFFC40]  }
0x2fc: {  	s14 =	sadd.s32 $0x80, s14;
	v3 =	vadd.f32 v3, v10;
	v8 =	vld [tilespmem:s12+$0xFFFFFC80]  }
0x2fd: {  	[tilespmem:s14+$0xFFFFFFD0] =	vst v1;
	v1 =	vld [tilespmem:s12+$0xFFFFFCC0]  }
0x2fe: {  	v7 =	vadd.f32 v11, v7;
	v9 =	vld [tilespmem:s19+$0xFFFFFE20]  }
0x2ff: {  	v4 =	vadd.f32 v6, v4;
	v6 =	vld [tilespmem:s19+$0xFFFFFE60]  }
0x300: {  	v3 =	vadd.f32 v7, v3;
	v7 =	vld [tilespmem:s19+$0xFFFFFEA0]  }
0x301: {  	v4 =	vadd.f32 v5, v4;
	v5 =	vld [tilespmem:s19+$0xFFFFFEE0];
	v8 =	vadd.f32 v8, v2  }
0x302: {  	v2 =	vld [tilespmem:s19+$0xFFFFFF20]  }
0x303: {  	v3 =	vadd.f32 v3, v4;
	v4 =	vld [tilespmem:s19+$0xFFFFFF60]  }
0x304: {  	v10 =	vld [tilespmem:s19+$0xFFFFFFA0]  }
0x305: {  	[tilespmem:s14+$0xFFFFFF90] =	vst v3;
	v3 =	vld [tilespmem:s19+$0xFFFFFFE0]  }
0x306: {  	v11 =	vld [tilespmem:s19+$0xFFFFFC20]  }
0x307: {  	s1 =	sadd.s32 $0x2, s1;
	v12 =	vld [tilespmem:s19+$0xFFFFFC60]  }
0x308: {  	p3 =	slt.u32 s1, $0x30;
	v13 =	vld [tilespmem:s19+$0xFFFFFCA0]  }
0x309: {  	v6 =	vadd.f32 v6, v9;
	v5 =	vadd.f32 v5, v7;
	v14 =	vld [tilespmem:s19+$0xFFFFFCE0]  }
0x30a: {  	v2 =	vadd.f32 v4, v2;
	v7 =	vld [tilespmem:s19+$0xFFFFFD20];
	v3 =	vadd.f32 v3, v10  }
0x30b: {  	v4 =	vld [tilespmem:s19+$0xFFFFFD60]  }
0x30c: {  	v5 =	vadd.f32 v5, v6;
	v9 =	vld [tilespmem:s19+$0xFFFFFDA0];
	v2 =	vadd.f32 v3, v2  }
0x30d: {  	v6 =	vadd.f32 v12, v11;
	v3 =	vld [tilespmem:s19+$0xFFFFFDE0]  }
0x30e: {  	v10 =	vadd.f32 v14, v13;
	v2 =	vadd.f32 v2, v5;
	v5 =	vld [tilespmem:s12+$0xFFFFFD00]  }
0x30f: {  	v11 =	vld [tilespmem:s12+$0xFFFFFD40]  }
0x310: {  	v4 =	vadd.f32 v4, v7;
	v6 =	vadd.f32 v10, v6;
	[tilespmem:s14+$0xFFFFFFE0] =	vst v2;
	v2 =	vld [tilespmem:s12+$0xFFFFFD80]  }
0x311: {  	v7 =	vld [tilespmem:s19+$0xFFFFFE30]  }
0x312: {  	v3 =	vadd.f32 v3, v9;
	v9 =	vld [tilespmem:s19+$0xFFFFFE70]  }
0x313: {  	v10 =	vld [tilespmem:s19+$0xFFFFFEB0];
	v1 =	vadd.f32 v5, v1  }
0x314: {  	v3 =	vadd.f32 v3, v4;
	v4 =	vld [tilespmem:s19+$0xFFFFFEF0]  }
0x315: {  	v5 =	vld [tilespmem:s19+$0xFFFFFF30];
	v2 =	vadd.f32 v2, v11;
	v1 =	vadd.f32 v1, v8  }
0x316: {  	v3 =	vadd.f32 v3, v6;
	v6 =	vld [tilespmem:s19+$0xFFFFFF70]  }
0x317: {  	v8 =	vld [tilespmem:s19+$0xFFFFFFB0]  }
0x318: {  	[tilespmem:s14+$0xFFFFFFA0] =	vst v3;
	v3 =	vld [tilespmem:s19+$0xFFFFFFF0]  }
0x319: {  	v11 =	vld [tilespmem:s19+$0xFFFFFC30]  }
0x31a: {  	v12 =	vld [tilespmem:s19+$0xFFFFFC70]  }
0x31b: {  	v13 =	vld [tilespmem:s19+$0xFFFFFCB0]  }
0x31c: {  	v9 =	vadd.f32 v9, v7;
	v10 =	vadd.f32 v4, v10;
	v14 =	vld [tilespmem:s19+$0xFFFFFCF0]  }
0x31d: {  	v6 =	vadd.f32 v6, v5;
	v4 =	vld [tilespmem:s19+$0xFFFFFD30];
	v3 =	vadd.f32 v3, v8  }
.Ltmp16:
0x31e: {  	v7 =	vld [tilespmem:s19+$0xFFFFFD70];
	(pc) =	sbr.rel @p3 .LBB2_28-.Ltmp16, $4  }
0x31f: {  	v15 =	vadd.f32 v10, v9;
	v5 =	vld [tilespmem:s19+$0xFFFFFDB0];
	v3 =	vadd.f32 v3, v6  }
0x320: {  	v9 =	vadd.f32 v12, v11;
	v8 =	vld [tilespmem:s19+$0xFFFFFDF0]  }
0x321: {  	v10 =	vadd.f32 v14, v13;
	v11 =	vadd.f32 v3, v15;
	v3 =	vld [tilespmem:s12+$0xFFFFFDC0]  }
0x322: {  	v6 =	vld [tilespmem:s12+$0xFFFFFE00];
	s12 =	smov.u32 s19;
	s19 =	sadd.s32 $0x400, s19  }
0x323: {  	[tilespmem:s14+$0xFFFFFFF0] =	vst v11  }
0x324: {  	v11 =	vld [tilespmem:s12+$0xFFFFFE40]  }
0x325: {  	v4 =	vadd.f32 v7, v4;
	v53 =	vld [tilespmem:s12+$0xFFFFFE80];
	v5 =	vadd.f32 v8, v5  }
0x326: {  	v54 =	vld [tilespmem:s12+$0xFFFFFEC0]  }
0x327: {  	v9 =	vadd.f32 v10, v9;
	v55 =	vld [tilespmem:s12+$0xFFFFFF00];
	v4 =	vadd.f32 v5, v4  }
0x328: {  	v56 =	vld [tilespmem:s12+$0xFFFFFF40]  }
0x329: {  	v57 =	vld [tilespmem:s12+$0xFFFFFF80];
	v4 =	vadd.f32 v4, v9  }
0x32a: {  	v12 =	vld [tilespmem:s12+$0xFFFFFFC0]  }
0x32b: {  	v58 =	vld [tilespmem:s12+$0x0];
	[tilespmem:s14+$0xFFFFFFB0] =	vst v4  }
0x32c: {  	v13 =	vld [tilespmem:s12+$0xFFFFFC40]  }
0x32d: {  	v14 =	vld [tilespmem:s12+$0xFFFFFC80]  }
0x32e: {  	v15 =	vld [tilespmem:s12+$0xFFFFFCC0]  }
0x32f: {  	v16 =	vld [tilespmem:s12+$0xFFFFFD00]  }
0x330: {  	v3 =	vadd.f32 v6, v3;
	v59 =	vld [tilespmem:s12+$0xFFFFFD40]  }
0x331: {  	v17 =	vld [tilespmem:s12+$0xFFFFFD80]  }
0x332: {  	v2 =	vadd.f32 v3, v2;
	v3 =	vld [tilespmem:s12+$0xFFFFFDC0]  }
0x333: {  	v18 =	vld [tilespmem:s12+$0xFFFFFE00]  }
0x334: {  	v5 =	vadd.f32 v55, v54  }
0x335: {  	v60 =	vadd.f32 v57, v56;
	v1 =	vadd.f32 v2, v1  }
0x336: {  	v2 =	vadd.f32 v53, v11;
	v4 =	vadd.f32 v58, v12  }
0x337: {  	v61 =	vadd.f32 v14, v13;
	v62 =	vadd.f32 v16, v15  }
0x338: {  	v6 =	vadd.f32 v17, v59;
	v3 =	vadd.f32 v18, v3  }
0x339: {  	v2 =	vadd.f32 v5, v2;
	v4 =	vadd.f32 v4, v60  }
0x33a: {  	v63 =	vadd.f32 v62, v61;
	v3 =	vadd.f32 v3, v6  }
.Ltmp17:
0x33b: {  	s1 =	sadd.s32 s28, s15;
	v2 =	vadd.f32 v4, v2;
	(pc) =	sbr.rel @p2 .LBB2_31-.Ltmp17, $4  }
0x33c: {  	s1 =	sshll.u32 s1, $0x3;
	[tilespmem:s30+$0xFFFFFFC0] =	vst v1;
	v1 =	vadd.f32 v3, v63  }
0x33d: {  	s1 =	sand.u32 $0x1FFFFFE0, s1;
	[tilespmem:s14+$0x0] =	vst v2  }
0x33e: {  	s1 =	sadd.s32 s2, s1;
	[tilespmem:s14+$0xFFFFFFC0] =	vst v1  }
0x33f: {  	[hbm4b:s1+s3] =	stream.linear.scatter [tilespmem:s9], [sflag:$0xB], $0xC80, $0x38;
	[tilespmem:$0x1C850] =	vst v63  }
.Ltmp18:
0x340: {  	(pc) =	sbr.rel .LBB2_34-.Ltmp18, $4  }
0x341: {  	_ = 	snop  }
0x342: {  	_ =	swait.ge [sflag:s10], $0x6400  }
0x343: {  	[sflag:s10] =	ssyncset.done $0x0  }
0x344: {  	[sflag:s10] =	ssyncadd.s32 $0xFFFF9C00  }
.LBB2_31:
0x345: {  	_ =	swait.ge [sflag:s29], $0x190  }
0x346: {  	[sflag:s29] =	ssyncset.done $0x0  }
0x347: {  	s12 =	simm.s32 $0x330;
	[sflag:s29] =	ssyncadd.s32 $0xFFFFFE70  }
0x348: {  	v1 =	vld [tilespmem:s12+$0xFFFFFFF0]  }
0x349: {  	v2 =	vld [tilespmem:s12+$0x0];
	_ =	sdelay $0x3  }
0x34a: {  	s1 =	simm.s32 $0x350;
	v3 =	vadd.s32 v0, v1  }
0x34b: {  	s14 =	simm.s32 $0x20;
	v1 =	vld [tilespmem:s1+$0xFFFFFFF0];
	v2 =	vadd.s32 v0, v2;
	[tilespmem:s12+$0xFFFFFFF0] =	vst v3  }
.LBB2_32:
0x34c: {  	s14 =	sadd.s32 $0x20, s14  }
0x34d: {  	v3 =	vld [tilespmem:s1+$0x0];
	[tilespmem:s12+$0x0] =	vst v2;
	s12 =	smov.u32 s1;
	p2 =	slt.u32 s14, $0x160  }
.Ltmp19:
0x34e: {  	(pc) =	sbr.rel @p2 .LBB2_32-.Ltmp19, $3  }
0x34f: {  	_ =	sdelay $0x1  }
0x350: {  	s1 =	sadd.s32 $0x20, s1;
	v2 =	vadd.s32 v0, v1  }
0x351: {  	v1 =	vld [tilespmem:s1+$0xFFFFFFF0];
	[tilespmem:s12+$0xFFFFFFF0] =	vst v2;
	v2 =	vadd.s32 v0, v3  }
0x352: {  	v3 =	vld [tilespmem:s1+$0x0];
	_ =	sdelay $0x3  }
0x353: {  	[tilespmem:s12+$0x0] =	vst v2;
	v1 =	vadd.s32 v0, v1  }
0x354: {  	[tilespmem:s1+$0xFFFFFFF0] =	vst v1;
	v1 =	vadd.s32 v0, v3  }
0x355: {  	[tilespmem:s1+$0x0] =	vst v1  }
0x356: {  	v1 =	vld [tilespmem:$0x4A0];
	_ =	sdelay $0x4  }
0x357: {  	v1 =	vadd.s32 v0, v1  }
0x358: {  	s19 =	simm.s32 $0xCE40;
	[tilespmem:$0x4A0] =	vst v1  }
0x359: {  	[tilespmem:s19], [sflag:$0x3] =	stream.indirect.gather [hbm4b:s5+s21], $0x40, s22, s21, $0xb8;
	[tilespmem:$0x1C850] =	vst v63  }
0x35a: {  	_ =	swait.ge [sflag:s10], $0x6400  }
0x35b: {  	[sflag:s10] =	ssyncset.done $0x0;
	s30 =	rddreg [dreg:$0xa]  }
0x35c: {  	[sflag:s10] =	ssyncadd.s32 $0xFFFF9C00;
	s1 =	sadd.s32 s28, s30  }
0x35d: {  	[tilespmem:s23], [sflag:$0x8] =	stream.linear.gather [hbm4b:s1+s3], $0x190, $0x38;
	[tilespmem:$0x1C850] =	vst v63  }
.LBB2_34:
0x35e: {  	s1 =	simm.s32 @!p1 $0xC  }
0x35f: {  	_ =	swait.ge @!p1 [sflag:s1], $0xC80  }
0x360: {  	[sflag:s1] =	ssyncset.done @!p1 $0x0  }
0x361: {  	s16 =	simm.s32 $0x13630;
	[sflag:s1] =	ssyncadd.s32 @!p1 $0xFFFFF380  }
0x362: {  	v1 =	vld [tilespmem:s16+$0xFFFFFE10]  }
0x363: {  	v2 =	vld [tilespmem:s16+$0xFFFFFE50]  }
0x364: {  	v3 =	vld [tilespmem:s16+$0xFFFFFE90]  }
0x365: {  	v4 =	vld [tilespmem:s16+$0xFFFFFED0]  }
0x366: {  	v5 =	vld [tilespmem:s16+$0xFFFFFF10]  }
0x367: {  	v6 =	vld [tilespmem:s16+$0xFFFFFF50]  }
0x368: {  	v7 =	vld [tilespmem:s16+$0xFFFFFF90]  }
0x369: {  	v8 =	vld [tilespmem:s16+$0xFFFFFFD0]  }
0x36a: {  	v9 =	vld [tilespmem:s16+$0xFFFFFC50]  }
0x36b: {  	s12 =	simm.s32 $0x13A30;
	v10 =	vld [tilespmem:s16+$0xFFFFFC90]  }
0x36c: {  	v18 =	vld [tilespmem:s12+$0xFFFFFE50]  }
0x36d: {  	v19 =	vld [tilespmem:s12+$0xFFFFFE90]  }
0x36e: {  	v20 =	vld [tilespmem:s12+$0xFFFFFED0];
	v1 =	vadd.f32 v2, v1;
	v2 =	vadd.f32 v4, v3  }
0x36f: {  	v3 =	vld [tilespmem:s16+$0xFFFFFCD0];
	v4 =	vadd.f32 v6, v5;
	v5 =	vadd.f32 v8, v7  }
0x370: {  	v6 =	vld [tilespmem:s16+$0xFFFFFD10]  }
0x371: {  	v7 =	vld [tilespmem:s16+$0xFFFFFD50];
	v1 =	vadd.f32 v2, v1;
	v2 =	vadd.f32 v5, v4  }
0x372: {  	v4 =	vld [tilespmem:s16+$0xFFFFFD90]  }
0x373: {  	v5 =	vld [tilespmem:s16+$0xFFFFFDD0];
	v1 =	vadd.f32 v2, v1  }
0x374: {  	s30 =	simm.s32 $0x1BC30;
	v2 =	vld [tilespmem:s16+$0xFFFFFC10]  }
0x375: {  	v21 =	vld [tilespmem:s12+$0xFFFFFF10];
	[tilespmem:s30+$0xFFFFFFD0] =	vst v1  }
0x376: {  	v1 =	vld [tilespmem:s16+$0xFFFFFE20]  }
0x377: {  	v8 =	vld [tilespmem:s16+$0xFFFFFE60]  }
0x378: {  	v3 =	vadd.f32 v3, v10;
	v6 =	vadd.f32 v7, v6;
	v7 =	vld [tilespmem:s16+$0xFFFFFEA0]  }
0x379: {  	v4 =	vadd.f32 v5, v4;
	v5 =	vld [tilespmem:s16+$0xFFFFFEE0];
	v2 =	vadd.f32 v9, v2  }
0x37a: {  	v9 =	vld [tilespmem:s16+$0xFFFFFF20]  }
0x37b: {  	v4 =	vadd.f32 v4, v6;
	v6 =	vld [tilespmem:s16+$0xFFFFFFA0];
	v2 =	vadd.f32 v3, v2  }
0x37c: {  	v3 =	vld [tilespmem:s16+$0xFFFFFF60]  }
0x37d: {  	v2 =	vadd.f32 v4, v2;
	v4 =	vld [tilespmem:s16+$0xFFFFFFE0]  }
0x37e: {  	v22 =	vld [tilespmem:s12+$0xFFFFFF50]  }
0x37f: {  	v23 =	vld [tilespmem:s12+$0xFFFFFF90];
	[tilespmem:s30+$0xFFFFFF90] =	vst v2  }
0x380: {  	v2 =	vld [tilespmem:s16+$0xFFFFFC20]  }
0x381: {  	v1 =	vadd.f32 v8, v1;
	v5 =	vadd.f32 v5, v7;
	v10 =	vld [tilespmem:s16+$0xFFFFFC60]  }
0x382: {  	v7 =	vld [tilespmem:s16+$0xFFFFFCA0];
	v3 =	vadd.f32 v3, v9;
	v4 =	vadd.f32 v4, v6  }
0x383: {  	v8 =	vld [tilespmem:s16+$0xFFFFFD20]  }
0x384: {  	v1 =	vadd.f32 v5, v1;
	v5 =	vld [tilespmem:s16+$0xFFFFFDA0];
	v3 =	vadd.f32 v4, v3  }
0x385: {  	v6 =	vld [tilespmem:s16+$0xFFFFFCE0]  }
0x386: {  	v4 =	vld [tilespmem:s16+$0xFFFFFD60];
	v1 =	vadd.f32 v3, v1  }
0x387: {  	v3 =	vld [tilespmem:s16+$0xFFFFFDE0]  }
0x388: {  	v44 =	vld [tilespmem:s12+$0xFFFFFD50];
	[tilespmem:s30+$0xFFFFFFE0] =	vst v1  }
0x389: {  	v1 =	vld [tilespmem:s16+$0xFFFFFE30]  }
0x38a: {  	v9 =	vld [tilespmem:s16+$0xFFFFFE70]  }
0x38b: {  	v2 =	vadd.f32 v10, v2;
	v6 =	vadd.f32 v6, v7;
	v7 =	vld [tilespmem:s16+$0xFFFFFEB0]  }
0x38c: {  	v4 =	vadd.f32 v4, v8;
	v8 =	vld [tilespmem:s16+$0xFFFFFF30];
	v3 =	vadd.f32 v3, v5  }
0x38d: {  	v2 =	vadd.f32 v6, v2;
	v6 =	vld [tilespmem:s16+$0xFFFFFFB0]  }
0x38e: {  	v5 =	vld [tilespmem:s16+$0xFFFFFEF0];
	v3 =	vadd.f32 v3, v4  }
0x38f: {  	v4 =	vld [tilespmem:s16+$0xFFFFFF70]  }
0x390: {  	v2 =	vadd.f32 v3, v2;
	v3 =	vld [tilespmem:s16+$0xFFFFFFF0]  }
0x391: {  	v46 =	vld [tilespmem:s12+$0xFFFFFDD0]  }
0x392: {  	v1 =	vadd.f32 v9, v1;
	v9 =	vld [tilespmem:s12+$0xFFFFFE10];
	[tilespmem:s30+$0xFFFFFFA0] =	vst v2  }
0x393: {  	v2 =	vld [tilespmem:s16+$0xFFFFFC30]  }
0x394: {  	v5 =	vadd.f32 v5, v7;
	v10 =	vld [tilespmem:s16+$0xFFFFFC70]  }
0x395: {  	v7 =	vld [tilespmem:s16+$0xFFFFFCB0];
	v4 =	vadd.f32 v4, v8;
	v3 =	vadd.f32 v3, v6  }
0x396: {  	v6 =	vld [tilespmem:s16+$0xFFFFFCF0]  }
0x397: {  	v8 =	vld [tilespmem:s16+$0xFFFFFD30];
	v1 =	vadd.f32 v5, v1;
	v3 =	vadd.f32 v3, v4  }
0x398: {  	v5 =	vld [tilespmem:s16+$0xFFFFFDB0]  }
0x399: {  	v4 =	vld [tilespmem:s16+$0xFFFFFD70];
	v1 =	vadd.f32 v3, v1  }
0x39a: {  	v3 =	vld [tilespmem:s16+$0xFFFFFDF0]  }
0x39b: {  	v6 =	vadd.f32 v6, v7;
	v7 =	vld [tilespmem:s12+$0xFFFFFFD0];
	[tilespmem:s30+$0xFFFFFFF0] =	vst v1  }
0x39c: {  	v1 =	vld [tilespmem:s16+$0xFFFFFE40]  }
0x39d: {  	v11 =	vld [tilespmem:s16+$0xFFFFFE80]  }
0x39e: {  	v12 =	vld [tilespmem:s16+$0xFFFFFEC0]  }
0x39f: {  	v13 =	vld [tilespmem:s16+$0xFFFFFF00]  }
0x3a0: {  	v14 =	vld [tilespmem:s16+$0xFFFFFF40]  }
0x3a1: {  	v15 =	vld [tilespmem:s16+$0xFFFFFF80]  }
0x3a2: {  	v2 =	vadd.f32 v10, v2;
	v16 =	vld [tilespmem:s16+$0xFFFFFFC0]  }
0x3a3: {  	v17 =	vld [tilespmem:s16+$0x0];
	v4 =	vadd.f32 v4, v8;
	v3 =	vadd.f32 v3, v5  }
0x3a4: {  	v45 =	vadd.f32 v22, v21;
	v9 =	vadd.f32 v18, v9;
	v8 =	vld [tilespmem:s12+$0xFFFFFC90]  }
0x3a5: {  	v2 =	vadd.f32 v6, v2;
	v6 =	vld [tilespmem:s12+$0xFFFFFD10];
	v3 =	vadd.f32 v3, v4  }
0x3a6: {  	v10 =	vadd.f32 v20, v19;
	v5 =	vld [tilespmem:s12+$0xFFFFFC50];
	v7 =	vadd.f32 v7, v23  }
0x3a7: {  	v4 =	vld [tilespmem:s12+$0xFFFFFCD0];
	v2 =	vadd.f32 v3, v2  }
0x3a8: {  	v9 =	vadd.f32 v10, v9;
	v7 =	vadd.f32 v7, v45;
	v3 =	vld [tilespmem:s12+$0xFFFFFD90]  }
0x3a9: {  	[tilespmem:s30+$0xFFFFFFB0] =	vst v2;
	v2 =	vld [tilespmem:s12+$0xFFFFFC10]  }
0x3aa: {  	v7 =	vadd.f32 v7, v9;
	v9 =	vld [tilespmem:s16+$0xFFFFFC40]  }
0x3ab: {  	s14 =	simm.s32 $0x1BCB0;
	v10 =	vld [tilespmem:s16+$0xFFFFFC80]  }
0x3ac: {  	[tilespmem:s14+$0xFFFFFFD0] =	vst v7;
	v47 =	vld [tilespmem:s16+$0xFFFFFCC0]  }
0x3ad: {  	v6 =	vadd.f32 v44, v6;
	v4 =	vadd.f32 v4, v8;
	v7 =	vld [tilespmem:s12+$0xFFFFFE20]  }
0x3ae: {  	v8 =	vld [tilespmem:s12+$0xFFFFFEA0];
	v3 =	vadd.f32 v46, v3;
	v2 =	vadd.f32 v5, v2  }
0x3af: {  	v48 =	vld [tilespmem:s12+$0xFFFFFFA0]  }
0x3b0: {  	v5 =	vld [tilespmem:s12+$0xFFFFFE60];
	v3 =	vadd.f32 v3, v6;
	v2 =	vadd.f32 v4, v2  }
0x3b1: {  	v6 =	vld [tilespmem:s12+$0xFFFFFF20]  }
0x3b2: {  	v4 =	vld [tilespmem:s12+$0xFFFFFEE0];
	v2 =	vadd.f32 v3, v2  }
0x3b3: {  	v3 =	vld [tilespmem:s12+$0xFFFFFF60]  }
0x3b4: {  	[tilespmem:s14+$0xFFFFFF90] =	vst v2;
	v2 =	vld [tilespmem:s12+$0xFFFFFFE0]  }
0x3b5: {  	v49 =	vld [tilespmem:s12+$0xFFFFFC20]  }
0x3b6: {  	v50 =	vld [tilespmem:s12+$0xFFFFFC60]  }
0x3b7: {  	v51 =	vld [tilespmem:s12+$0xFFFFFCA0]  }
0x3b8: {  	v5 =	vadd.f32 v5, v7;
	v7 =	vld [tilespmem:s12+$0xFFFFFCE0];
	v4 =	vadd.f32 v4, v8  }
0x3b9: {  	v8 =	vld [tilespmem:s12+$0xFFFFFD20];
	v3 =	vadd.f32 v3, v6;
	v2 =	vadd.f32 v2, v48  }
0x3ba: {  	v52 =	vld [tilespmem:s12+$0xFFFFFDA0]  }
0x3bb: {  	v6 =	vld [tilespmem:s12+$0xFFFFFD60];
	v4 =	vadd.f32 v4, v5;
	v2 =	vadd.f32 v2, v3  }
0x3bc: {  	v3 =	vld [tilespmem:s12+$0xFFFFFDE0]  }
0x3bd: {  	v53 =	vld [tilespmem:s16+$0xFFFFFD40];
	v2 =	vadd.f32 v2, v4  }
0x3be: {  	v5 =	vld [tilespmem:s16+$0xFFFFFD00]  }
0x3bf: {  	[tilespmem:s14+$0xFFFFFFE0] =	vst v2;
	v2 =	vld [tilespmem:s16+$0xFFFFFD80]  }
0x3c0: {  	v7 =	vadd.f32 v7, v51;
	v6 =	vadd.f32 v6, v8;
	v54 =	vld [tilespmem:s12+$0xFFFFFE30]  }
0x3c1: {  	v4 =	vadd.f32 v50, v49;
	v3 =	vadd.f32 v3, v52;
	v8 =	vld [tilespmem:s12+$0xFFFFFE70]  }
0x3c2: {  	v55 =	vld [tilespmem:s12+$0xFFFFFEB0]  }
0x3c3: {  	v4 =	vadd.f32 v7, v4;
	v7 =	vld [tilespmem:s12+$0xFFFFFF30];
	v3 =	vadd.f32 v3, v6  }
0x3c4: {  	v56 =	vld [tilespmem:s12+$0xFFFFFF70]  }
0x3c5: {  	v6 =	vld [tilespmem:s12+$0xFFFFFEF0];
	v3 =	vadd.f32 v3, v4  }
0x3c6: {  	v1 =	vadd.f32 v11, v1;
	v57 =	vadd.f32 v15, v14;
	v11 =	vld [tilespmem:s12+$0xFFFFFFB0]  }
0x3c7: {  	v58 =	vadd.f32 v17, v16;
	v4 =	vadd.f32 v13, v12;
	[tilespmem:s14+$0xFFFFFFA0] =	vst v3;
	v3 =	vld [tilespmem:s12+$0xFFFFFFF0]  }
0x3c8: {  	v59 =	vld [tilespmem:s12+$0xFFFFFC30]  }
0x3c9: {  	v1 =	vadd.f32 v4, v1;
	v4 =	vadd.f32 v58, v57;
	v60 =	vld [tilespmem:s12+$0xFFFFFC70]  }
0x3ca: {  	v8 =	vadd.f32 v8, v54;
	v61 =	vld [tilespmem:s12+$0xFFFFFCB0];
	v6 =	vadd.f32 v6, v55  }
0x3cb: {  	v62 =	vadd.f32 v4, v1;
	v1 =	vadd.f32 v10, v9;
	v10 =	vld [tilespmem:s12+$0xFFFFFCF0]  }
0x3cc: {  	v4 =	vld [tilespmem:s12+$0xFFFFFD30];
	v9 =	vadd.f32 v56, v7;
	v3 =	vadd.f32 v3, v11  }
0x3cd: {  	v7 =	vld [tilespmem:s12+$0xFFFFFD70];
	v11 =	vadd.f32 v5, v47  }
0x3ce: {  	v6 =	vadd.f32 v6, v8;
	v8 =	vld [tilespmem:s12+$0xFFFFFDF0];
	v63 =	vadd.f32 v3, v9  }
0x3cf: {  	v5 =	vld [tilespmem:s12+$0xFFFFFDB0];
	v1 =	vadd.f32 v11, v1;
	v9 =	vadd.f32 v60, v59  }
0x3d0: {  	v3 =	vld [tilespmem:s16+$0xFFFFFDC0];
	v10 =	vadd.f32 v10, v61;
	v11 =	vadd.f32 v63, v6  }
0x3d1: {  	s19 =	simm.s32 $0x13E30;
	s1 =	simm.s32 $0x2;
	v2 =	vadd.f32 v2, v53;
	[tilespmem:s30+$0x0] =	vst v62;
	v6 =	vld [tilespmem:s16+$0xFFFFFE00]  }
.LBB2_35:
0x3d2: {  	v12 =	vld [tilespmem:s19+$0xFFFFFE10];
	v4 =	vadd.f32 v7, v4;
	v7 =	vadd.f32 v10, v9;
	[tilespmem:s14+$0xFFFFFFF0] =	vst v11  }
0x3d3: {  	v9 =	vld [tilespmem:s12+$0xFFFFFE40]  }
0x3d4: {  	v5 =	vadd.f32 v8, v5;
	v8 =	vld [tilespmem:s12+$0xFFFFFE80]  }
0x3d5: {  	v10 =	vld [tilespmem:s12+$0xFFFFFEC0]  }
0x3d6: {  	v4 =	vadd.f32 v5, v4;
	v5 =	vld [tilespmem:s12+$0xFFFFFF00];
	v3 =	vadd.f32 v6, v3  }
0x3d7: {  	v6 =	vld [tilespmem:s12+$0xFFFFFF40]  }
0x3d8: {  	v4 =	vadd.f32 v4, v7;
	v7 =	vld [tilespmem:s12+$0xFFFFFF80];
	v2 =	vadd.f32 v3, v2  }
0x3d9: {  	v3 =	vld [tilespmem:s12+$0xFFFFFFC0]  }
0x3da: {  	[tilespmem:s14+$0xFFFFFFB0] =	vst v4;
	v4 =	vld [tilespmem:s12+$0x0];
	v1 =	vadd.f32 v2, v1  }
0x3db: {  	v2 =	vld [tilespmem:s19+$0xFFFFFE50]  }
0x3dc: {  	v11 =	vld [tilespmem:s19+$0xFFFFFE90];
	[tilespmem:s30+$0xFFFFFFC0] =	vst v1;
	s30 =	smov.u32 s14  }
0x3dd: {  	v1 =	vld [tilespmem:s19+$0xFFFFFED0]  }
0x3de: {  	v8 =	vadd.f32 v8, v9;
	v5 =	vadd.f32 v5, v10;
	v13 =	vld [tilespmem:s19+$0xFFFFFF10]  }
0x3df: {  	v6 =	vadd.f32 v7, v6;
	v9 =	vld [tilespmem:s19+$0xFFFFFF50];
	v3 =	vadd.f32 v4, v3  }
0x3e0: {  	v4 =	vld [tilespmem:s19+$0xFFFFFF90]  }
0x3e1: {  	v5 =	vadd.f32 v5, v8;
	v7 =	vld [tilespmem:s19+$0xFFFFFFD0];
	v3 =	vadd.f32 v3, v6  }
0x3e2: {  	v6 =	vld [tilespmem:s19+$0xFFFFFC50]  }
0x3e3: {  	v8 =	vld [tilespmem:s19+$0xFFFFFC90];
	v3 =	vadd.f32 v3, v5  }
0x3e4: {  	v5 =	vld [tilespmem:s19+$0xFFFFFCD0]  }
0x3e5: {  	v2 =	vadd.f32 v2, v12;
	v1 =	vadd.f32 v1, v11;
	v10 =	vld [tilespmem:s19+$0xFFFFFD10];
	[tilespmem:s14+$0x0] =	vst v3  }
0x3e6: {  	v9 =	vadd.f32 v9, v13;
	v3 =	vld [tilespmem:s19+$0xFFFFFD50];
	v4 =	vadd.f32 v7, v4  }
0x3e7: {  	v7 =	vld [tilespmem:s19+$0xFFFFFD90]  }
0x3e8: {  	v1 =	vadd.f32 v1, v2;
	v11 =	vld [tilespmem:s19+$0xFFFFFDD0];
	v2 =	vadd.f32 v4, v9  }
0x3e9: {  	v4 =	vld [tilespmem:s19+$0xFFFFFC10];
	v5 =	vadd.f32 v5, v8  }
0x3ea: {  	v1 =	vadd.f32 v2, v1;
	v2 =	vld [tilespmem:s12+$0xFFFFFC40]  }
0x3eb: {  	s14 =	sadd.s32 $0x80, s14;
	v3 =	vadd.f32 v3, v10;
	v8 =	vld [tilespmem:s12+$0xFFFFFC80]  }
0x3ec: {  	[tilespmem:s14+$0xFFFFFFD0] =	vst v1;
	v1 =	vld [tilespmem:s12+$0xFFFFFCC0]  }
0x3ed: {  	v7 =	vadd.f32 v11, v7;
	v9 =	vld [tilespmem:s19+$0xFFFFFE20]  }
0x3ee: {  	v4 =	vadd.f32 v6, v4;
	v6 =	vld [tilespmem:s19+$0xFFFFFE60]  }
0x3ef: {  	v3 =	vadd.f32 v7, v3;
	v7 =	vld [tilespmem:s19+$0xFFFFFEA0]  }
0x3f0: {  	v4 =	vadd.f32 v5, v4;
	v5 =	vld [tilespmem:s19+$0xFFFFFEE0];
	v8 =	vadd.f32 v8, v2  }
0x3f1: {  	v2 =	vld [tilespmem:s19+$0xFFFFFF20]  }
0x3f2: {  	v3 =	vadd.f32 v3, v4;
	v4 =	vld [tilespmem:s19+$0xFFFFFF60]  }
0x3f3: {  	v10 =	vld [tilespmem:s19+$0xFFFFFFA0]  }
0x3f4: {  	[tilespmem:s14+$0xFFFFFF90] =	vst v3;
	v3 =	vld [tilespmem:s19+$0xFFFFFFE0]  }
0x3f5: {  	v11 =	vld [tilespmem:s19+$0xFFFFFC20]  }
0x3f6: {  	s1 =	sadd.s32 $0x2, s1;
	v12 =	vld [tilespmem:s19+$0xFFFFFC60]  }
0x3f7: {  	p1 =	slt.u32 s1, $0x30;
	v13 =	vld [tilespmem:s19+$0xFFFFFCA0]  }
0x3f8: {  	v6 =	vadd.f32 v6, v9;
	v5 =	vadd.f32 v5, v7;
	v14 =	vld [tilespmem:s19+$0xFFFFFCE0]  }
0x3f9: {  	v2 =	vadd.f32 v4, v2;
	v7 =	vld [tilespmem:s19+$0xFFFFFD20];
	v3 =	vadd.f32 v3, v10  }
0x3fa: {  	v4 =	vld [tilespmem:s19+$0xFFFFFD60]  }
0x3fb: {  	v5 =	vadd.f32 v5, v6;
	v9 =	vld [tilespmem:s19+$0xFFFFFDA0];
	v2 =	vadd.f32 v3, v2  }
0x3fc: {  	v6 =	vadd.f32 v12, v11;
	v3 =	vld [tilespmem:s19+$0xFFFFFDE0]  }
0x3fd: {  	v10 =	vadd.f32 v14, v13;
	v2 =	vadd.f32 v2, v5;
	v5 =	vld [tilespmem:s12+$0xFFFFFD00]  }
0x3fe: {  	v11 =	vld [tilespmem:s12+$0xFFFFFD40]  }
0x3ff: {  	v4 =	vadd.f32 v4, v7;
	v6 =	vadd.f32 v10, v6;
	[tilespmem:s14+$0xFFFFFFE0] =	vst v2;
	v2 =	vld [tilespmem:s12+$0xFFFFFD80]  }
0x400: {  	v7 =	vld [tilespmem:s19+$0xFFFFFE30]  }
0x401: {  	v3 =	vadd.f32 v3, v9;
	v9 =	vld [tilespmem:s19+$0xFFFFFE70]  }
0x402: {  	v10 =	vld [tilespmem:s19+$0xFFFFFEB0];
	v1 =	vadd.f32 v5, v1  }
0x403: {  	v3 =	vadd.f32 v3, v4;
	v4 =	vld [tilespmem:s19+$0xFFFFFEF0]  }
0x404: {  	v5 =	vld [tilespmem:s19+$0xFFFFFF30];
	v2 =	vadd.f32 v2, v11;
	v1 =	vadd.f32 v1, v8  }
0x405: {  	v3 =	vadd.f32 v3, v6;
	v6 =	vld [tilespmem:s19+$0xFFFFFF70]  }
0x406: {  	v8 =	vld [tilespmem:s19+$0xFFFFFFB0]  }
0x407: {  	[tilespmem:s14+$0xFFFFFFA0] =	vst v3;
	v3 =	vld [tilespmem:s19+$0xFFFFFFF0]  }
0x408: {  	v11 =	vld [tilespmem:s19+$0xFFFFFC30]  }
0x409: {  	v12 =	vld [tilespmem:s19+$0xFFFFFC70]  }
0x40a: {  	v13 =	vld [tilespmem:s19+$0xFFFFFCB0]  }
0x40b: {  	v9 =	vadd.f32 v9, v7;
	v10 =	vadd.f32 v4, v10;
	v14 =	vld [tilespmem:s19+$0xFFFFFCF0]  }
0x40c: {  	v6 =	vadd.f32 v6, v5;
	v4 =	vld [tilespmem:s19+$0xFFFFFD30];
	v3 =	vadd.f32 v3, v8  }
.Ltmp20:
0x40d: {  	v7 =	vld [tilespmem:s19+$0xFFFFFD70];
	(pc) =	sbr.rel @p1 .LBB2_35-.Ltmp20, $4  }
0x40e: {  	v15 =	vadd.f32 v10, v9;
	v5 =	vld [tilespmem:s19+$0xFFFFFDB0];
	v3 =	vadd.f32 v3, v6  }
0x40f: {  	v9 =	vadd.f32 v12, v11;
	v8 =	vld [tilespmem:s19+$0xFFFFFDF0]  }
0x410: {  	v10 =	vadd.f32 v14, v13;
	v11 =	vadd.f32 v3, v15;
	v3 =	vld [tilespmem:s12+$0xFFFFFDC0]  }
0x411: {  	v6 =	vld [tilespmem:s12+$0xFFFFFE00];
	s12 =	smov.u32 s19;
	s19 =	sadd.s32 $0x400, s19  }
0x412: {  	[tilespmem:s14+$0xFFFFFFF0] =	vst v11  }
0x413: {  	v11 =	vld [tilespmem:s12+$0xFFFFFE40]  }
0x414: {  	v4 =	vadd.f32 v7, v4;
	v53 =	vld [tilespmem:s12+$0xFFFFFE80];
	v5 =	vadd.f32 v8, v5  }
0x415: {  	v54 =	vld [tilespmem:s12+$0xFFFFFEC0]  }
0x416: {  	v9 =	vadd.f32 v10, v9;
	v55 =	vld [tilespmem:s12+$0xFFFFFF00];
	v4 =	vadd.f32 v5, v4  }
0x417: {  	v56 =	vld [tilespmem:s12+$0xFFFFFF40]  }
0x418: {  	v57 =	vld [tilespmem:s12+$0xFFFFFF80];
	v4 =	vadd.f32 v4, v9  }
0x419: {  	v12 =	vld [tilespmem:s12+$0xFFFFFFC0]  }
0x41a: {  	v58 =	vld [tilespmem:s12+$0x0];
	[tilespmem:s14+$0xFFFFFFB0] =	vst v4  }
0x41b: {  	v13 =	vld [tilespmem:s12+$0xFFFFFC40]  }
0x41c: {  	v14 =	vld [tilespmem:s12+$0xFFFFFC80]  }
0x41d: {  	v15 =	vld [tilespmem:s12+$0xFFFFFCC0]  }
0x41e: {  	v16 =	vld [tilespmem:s12+$0xFFFFFD00]  }
0x41f: {  	v3 =	vadd.f32 v6, v3;
	v59 =	vld [tilespmem:s12+$0xFFFFFD40]  }
0x420: {  	v17 =	vld [tilespmem:s12+$0xFFFFFD80]  }
0x421: {  	v2 =	vadd.f32 v3, v2;
	v3 =	vld [tilespmem:s12+$0xFFFFFDC0]  }
0x422: {  	v18 =	vld [tilespmem:s12+$0xFFFFFE00]  }
0x423: {  	v5 =	vadd.f32 v55, v54  }
0x424: {  	v60 =	vadd.f32 v57, v56;
	v1 =	vadd.f32 v2, v1  }
0x425: {  	v2 =	vadd.f32 v53, v11;
	v4 =	vadd.f32 v58, v12  }
0x426: {  	v61 =	vadd.f32 v14, v13;
	v62 =	vadd.f32 v16, v15  }
0x427: {  	v6 =	vadd.f32 v17, v59;
	v3 =	vadd.f32 v18, v3  }
0x428: {  	v2 =	vadd.f32 v5, v2;
	v4 =	vadd.f32 v4, v60  }
0x429: {  	v63 =	vadd.f32 v62, v61;
	v3 =	vadd.f32 v3, v6  }
.Ltmp21:
0x42a: {  	s1 =	sadd.s32 s28, s17;
	v2 =	vadd.f32 v4, v2;
	(pc) =	sbr.rel @p0 .LBB2_40-.Ltmp21, $4  }
0x42b: {  	s1 =	sshll.u32 s1, $0x3;
	[tilespmem:s30+$0xFFFFFFC0] =	vst v1;
	v1 =	vadd.f32 v3, v63  }
0x42c: {  	s1 =	sand.u32 $0x1FFFFFF0, s1;
	[tilespmem:s14+$0x0] =	vst v2  }
0x42d: {  	s1 =	sadd.s32 s2, s1;
	[tilespmem:s14+$0xFFFFFFC0] =	vst v1  }
0x42e: {  	[hbm4b:s1+s3] =	stream.linear.scatter [tilespmem:s18], [sflag:$0xC], $0xC80, $0x38;
	[tilespmem:$0x1C850] =	vst v63  }
0x42f: {  	_ =	swait.ge [sflag:s31], $0x190  }
0x430: {  	[sflag:s31] =	ssyncset.done $0x0  }
0x431: {  	s12 =	simm.s32 $0x4C0;
	[sflag:s31] =	ssyncadd.s32 $0xFFFFFE70  }
0x432: {  	v1 =	vld [tilespmem:s12+$0xFFFFFFF0]  }
0x433: {  	v2 =	vld [tilespmem:s12+$0x0];
	_ =	sdelay $0x3  }
0x434: {  	s1 =	simm.s32 $0x4E0;
	v3 =	vadd.s32 v0, v1  }
0x435: {  	s14 =	simm.s32 $0x20;
	v1 =	vld [tilespmem:s1+$0xFFFFFFF0];
	v2 =	vadd.s32 v0, v2;
	[tilespmem:s12+$0xFFFFFFF0] =	vst v3  }
.LBB2_38:
0x436: {  	s14 =	sadd.s32 $0x20, s14  }
0x437: {  	v3 =	vld [tilespmem:s1+$0x0];
	[tilespmem:s12+$0x0] =	vst v2;
	s12 =	smov.u32 s1;
	p0 =	slt.u32 s14, $0x160  }
.Ltmp22:
0x438: {  	(pc) =	sbr.rel @p0 .LBB2_38-.Ltmp22, $3  }
0x439: {  	_ =	sdelay $0x1  }
0x43a: {  	s1 =	sadd.s32 $0x20, s1;
	v2 =	vadd.s32 v0, v1  }
0x43b: {  	v1 =	vld [tilespmem:s1+$0xFFFFFFF0];
	[tilespmem:s12+$0xFFFFFFF0] =	vst v2;
	v2 =	vadd.s32 v0, v3  }
0x43c: {  	v3 =	vld [tilespmem:s1+$0x0];
	_ =	sdelay $0x3  }
0x43d: {  	[tilespmem:s12+$0x0] =	vst v2;
	v1 =	vadd.s32 v0, v1  }
0x43e: {  	[tilespmem:s1+$0xFFFFFFF0] =	vst v1;
	v1 =	vadd.s32 v0, v3  }
0x43f: {  	[tilespmem:s1+$0x0] =	vst v1  }
0x440: {  	v1 =	vld [tilespmem:$0x630];
	_ =	sdelay $0x2  }
.Ltmp23:
0x441: {  	_ = 	snop;
	(pc) =	sbr.rel .LBB2_10-.Ltmp23, $4  }
0x442: {  	_ = 	snop  }
0x443: {  	v1 =	vadd.s32 v0, v1  }
0x444: {  	s30 =	simm.s32 $0x13240;
	s25 =	sadd.s32 $0x1, s25;
	[tilespmem:$0x630] =	vst v1  }
0x445: {  	[tilespmem:s30], [sflag:$0x4] =	stream.indirect.gather [hbm4b:s5+s21], $0x40, s23, s21, $0xb8;
	[tilespmem:$0x1C850] =	vst v63  }
.LBB2_41:
0x446: {  	_ =	sfence.sel $0x180000  }
0x447: {  	[bflag:$0x0] =	sbarrier.arrive $0xFFFF  }
0x448: {  	_ =	strace $0x90000047  }
0x449: {  	s0 =	stileid.u32;
	[bflag:$0x2] =	sbarrier.arrive $0xFFFF  }
0x44a: {  	p0 =	sne.s32 s0, $0x0;
	s0 =	rddreg [dreg:$0x2]  }
0x44b: {  	s0 =	sadd.s32 @!p0 $0x100000, s0  }
0x44c: {  	[sflag:s0] =	ssyncadd.tile.s32 @!p0 $0x1;
	_ =	shalt  }
.Lfunc_end2:
_tile_overlayer_lowered:
.L_overlay_start_2:
0x44d: {  	(tag) =	ssettag $0x2  }
0x44e: {  	s0 =	rddreg [dreg:$0x0];
	s2 =	stileid.u32  }
0x44f: {  	s1 =	rddreg [dreg:$0x1];
	p0 =	sne.s32 s2, $0x0  }
0x450: {  	s3 =	rddreg [dreg:$0x2];
	[bflag:$0x3] =	sbarrier.arrive $0xFFFF;
	s2 =	simm.s32 @!p0 $0x1C0D  }
0x451: {  	[timem:s3], [sflag:s2] =	dma.local @!p0 [hbm:s0], s1  }
0x452: {  	s0 =	simm.s32 @!p0 $0xD  }
0x453: {  	_ =	swait.ge @!p0 [sflag:s0], s1  }
0x454: {  	s1 =	ssub.s32 @!p0 $0x0, s1;
	[sflag:s0] =	ssyncset.done @!p0 $0x0  }
0x455: {  	[sflag:s0] =	ssyncadd.s32 @!p0 s1  }
0x456: {  	[bflag:$0x3] =	sbarrier.arrive $0xFFFF  }
0x457: {  	_ =	shalt  }

// kernel: sparse-core-data-format-call.cloned.1.call-start
scs
called_computation_lowered:
.L_overlay_start_0:
0x0: {  	s2 =	sld [smem:$0x3FD9]  }
0x1: {  	s3 =	sld [smem:$0x3FFE];
	_ =	sdelay $0x1  }
0x2: {  	s1 =	srdreg.scid  }
0x3: {  	s0 =	sand.u32 $0x1, s1  }
0x4: {  	s18 =	sshll.u32 s0, $0xA;
	s2 =	sadd.s32 s3, s2  }
0x5: {  	s2 =	sadd.s32 s2, s18  }
0x6: {  	[smem:$0x3FC5] =	sst s2  }
0x7: {  	_ = 	snop  }
0x8: {  	s2 =	sld [smem:$0x3FD0];
	(tm) =	ssettm $0x1  }
0x9: {  	s19 =	sld [smem:$0x3FFB];
	_ =	sdelay $0x3  }
0xa: {  	_ =	strace s19  }
0xb: {  	s3 =	sld [smem:$0x3FFC];
	_ =	sdelay $0x3  }
0xc: {  	_ =	strace s3  }
0xd: {  	s3 =	sld [smem:$0x3FFD];
	_ =	sdelay $0x3  }
0xe: {  	_ =	strace s3  }
0xf: {  	_ =	strace $0x8FFFFFFF  }
0x10: {  	s20 =	sld [smem:$0x3FDB];
	_ =	sdelay $0x1  }
0x11: {  	s4 =	simm.s32 $_scs_section_size  }
0x12: {  	s5 =	simm.s32 $_size__tile_overlayer_lowered;
	s6 =	simm.s32 $_tile_overlayer_lowered  }
0x13: {  	s23 =	simm.s32 $0x1BFF;
	s22 =	sshll.u32 s6, $0x1;
	s3 =	sadd.s32 s4, s20  }
0x14: {  	s7 =	simm.s32 $0x0;
	s21 =	sshll.u32 s5, $0x1;
	s5 =	sadd.s32 s22, s3  }
0x15: {  	[timem:s7], [sflag:s23] =	dma.local [hbm:s5], s21  }
0x16: {  	_ =	swait.ge [sflag:s23], s21  }
0x17: {  	s4 =	ssub.s32 $0x0, s21;
	[sflag:s23] =	ssyncset.done $0x0  }
0x18: {  	[sflag:s23] =	ssyncadd.s32 s4;
	_ =	sdelay $0x1  }
0x19: {  	s24 =	simm.s32 $0x1B8B  }
0x1a: {  	_ =	swait.ge [sflag:s24], $0x1  }
0x1b: {  	[sflag:s24] =	ssyncset.done $0x0  }
0x1c: {  	s26 =	simm.s32 $0x1B8E;
	s25 =	sld [smem:$0x3FFE];
	[sflag:s24] =	ssyncadd.s32 $0xFFFFFFFF  }
0x1d: {  	s27 =	simm.s32 $execute0_lowered;
	[smem:$0x3FD2] =	sst s26  }
0x1e: {  	s5 =	sshll.u32 s27, $0x1;
	_ =	strace $0x80000049;
	[dreg:$0x1] =	wrdreg $0xFFFFFFFF  }
0x1f: {  	s28 =	simm.s32 $_size_execute0_lowered;
	s3 =	sadd.s32 s3, s5;
	[dreg:$0x0] =	wrdreg $0x0  }
0x20: {  	s5 =	sshll.u32 s28, $0x1;
	[dreg:$0x2] =	wrdreg s3  }
0x21: {  	[dreg:$0x3] =	wrdreg s5  }
0x22: {  	[dreg:$0x4] =	wrdreg $0xC0  }
0x23: {  	_ =	task [dreg:s7], $0x5FFFF  }
0x24: {  	[dreg:$0x1] =	wrdreg $0xFFFFFFFF  }
0x25: {  	[dreg:$0x0] =	wrdreg $0x60  }
0x26: {  	[dreg:$0x2] =	wrdreg s25  }
0x27: {  	[dreg:$0x3] =	wrdreg s2  }
0x28: {  	[dreg:$0x4] =	wrdreg $0x9  }
0x29: {  	_ =	task.clear_ibuf [dreg:s7], $0x5FFFF;
	_ =	strace $0x90000049  }
0x2a: {  	s29 =	simm.s32 $0x9;
	_ =	strace $0x8000004B  }
0x2b: {  	_ =	swait.ge [sflag:s29], $0x1  }
0x2c: {  	[sflag:s29] =	ssyncadd.s32 $0xFFFFFFFF  }
0x2d: {  	_ =	strace $0x9000004B  }
0x2e: {  	_ =	sfence  }
0x2f: {  	s30 =	sld [smem:$0x0];
	_ =	sdelay $0x2  }
0x30: {  	s31 =	sshll.u32 s1, $0xD;
	s1 =	sshrl.u32 s1, $0x2  }
0x31: {  	s3 =	sand.u32 $0x4000, s31;
	s1 =	sadd.s32 s1, s30  }
0x32: {  	s0 =	sor.u32 s3, s0;
	s1 =	sshll.u32 s1, $0x11  }
0x33: {  	s0 =	sor.u32 s1, s0  }
0x34: {  	s0 =	sadd.s32 $0x8F2B, s0  }
0x35: {  	[sflag:s0] =	ssyncadd.remote.s32 $0x1  }
0x36: {  	_ =	sfence.sel $0xFFFF  }
0x37: {  	[dreg:$0x0] =	wrdreg $0xFFFFFFFF;
	(pc) =	sbr.abs _section_cstart, $3  }
0x38: {  	[dreg:$0x1] =	wrdreg $0xFFFFFFFF  }
0x39: {  	_ =	task.clear_ibuf [dreg:s7], $0x2FFFF;
	_ =	strace $0x9FFFFFFF  }
0x3a: {  	(tm) =	ssettm $0x7FFFFFFF  }
0x3b: {  	_ =	shalt  }
tec
execute0_lowered:
.L_overlay_start_1:
0x0: {  	(tag) =	ssettag $0x1  }
0x1: {  	s0 =	stileid.u32;
	s6 =	rddreg [dreg:$0x0]  }
0x2: {  	s2 =	rddreg [dreg:$0x1];
	s5 =	srdreg.scid  }
0x3: {  	s31 =	simm.s32 $0x2;
	s13 =	simm.s32 $0x0;
	s1 =	sshll.u32 s0, $0x7  }
0x4: {  	s14 =	simm.s32 $0x0;
	s12 =	simm.s32 $0x0;
	s3 =	sand.u32 $0x380, s1  }
0x5: {  	s5 =	sshll.u32 s5, $0x4;
	s6 =	sadd.s32 $0xA00, s6;
	s4 =	ssub.s32 $0x400, s3  }
0x6: {  	s1 =	rddreg [dreg:$0x2];
	_ =	strace $0x8000004A;
	s7 =	sand.u32 $0x380, s4  }
0x7: {  	s5 =	sand.u32 $0x10, s5;
	p0 =	sne.s32 s7, $0x0;
	s7 =	simm.s32 $0x1  }
.Ltmp0:
0x8: {  	s8 =	sshrl.u32 s4, $0xA;
	s7 =	simm.s32 @!p0 $0x0;
	(pc) =	sbr.rel .LBB1_1-.Ltmp0, $4  }
0x9: {  	s9 =	sor.u32 s0, s5;
	s4 =	simm.s32 $0x1;
	s30 =	sadd.s32 s7, s8  }
0xa: {  	s11 =	smov.u32 s3;
	[sflag:s4] =	ssyncpa.u1 $0x0;
	s5 =	smul.u32 $0x32, s30  }
0xb: {  	[sflag:s31] =	ssyncpa.u1 $0x0;
	p0 =	por $0x0, $0x0;
	s7 =	sshrl.u32 s9, $0x3  }
0xc: {  	s9 =	simm.s32 $0x2000;
	s10 =	smov.u32 s7;
	s8 =	sor.u32 $0x1, s5  }
.LBB1_4:
0xd: {  	s17 =	sand.u32 $0x1F80, s14;
	s13 =	sshll.u32 s13, $0xD  }
0xe: {  	[tilespmem:s16+$0x810 ss:$0x81] =	vst.msk $0xffff, v2;
	s18 =	sshrl.u32 s14, $0x3;
	s31 =	sand.u32 $0x7, s14;
	s17 =	sadd.s32 s2, s17  }
0xf: {  	[tilespmem:s16+$0x1020 ss:$0x81] =	vst.msk $0xffff, v0;
	s18 =	sand.u32 $0xF, s18;
	s14 =	sshll.u32 s31, $0x12;
	s13 =	sadd.s32 s13, s17  }
0x10: {  	[tilespmem:s16+$0x0 ss:$0x81] =	vst.msk $0xffff, v1;
	s14 =	sor.u32 $0x400, s14;
	s13 =	sadd.s32 s18, s13  }
0x11: {  	[hbm4b:s13+s14] =	stream.strided.scatter [tilespmem:s15], [sflag:$0x2], $0x2000, s9, s14, $0x20;
	[tilespmem:$0x8080] =	vst v63  }
.LBB1_5:
0x12: {  	s15 =	sadd.s32 $0x4, s10  }
0x13: {  	s13 =	sadd.s32 $0x400, s11;
	s17 =	smov.u32 s11;
	p2 =	sgt.s32 s15, $0xC7  }
0x14: {  	s17 =	smov.u32 @p2 s13  }
0x15: {  	s15 =	smov.u32 @p2 s7;
	p2 =	sgt.s32 s17, $0x3FF  }
0x16: {  	s17 =	smov.u32 @p2 s3;
	p2 =	sne.s32 s12, s8  }
.Ltmp1:
0x17: {  	p1 =	slt.u32 s12, $0x2;
	(pc) =	sbr.rel @!p2 .LBB1_6-.Ltmp1, $4  }
0x18: {  	s16 =	simm.s32 @!p1 $0x2  }
0x19: {  	s14 =	smov.u32 s11;
	p0 =	por !p0, !p0;
	_ =	swait.ge @!p1 [sflag:s16], $0x2000  }
0x1a: {  	s13 =	smov.u32 s10;
	[sflag:s16] =	ssyncset.done @!p1 $0x0;
	s10 =	smov.u32 s15  }
0x1b: {  	s12 =	sadd.s32 $0x1, s12;
	[sflag:s16] =	ssyncadd.s32 @!p1 $0xFFFFE000;
	s11 =	smov.u32 s17  }
.LBB1_1:
0x1c: {  	p1 =	sge.u32 s12, s5  }
0x1d: {  	s15 =	sand.u32 @!p1 $0x1FFFFFF, s10  }
0x1e: {  	s16 =	smulhi.u32 @!p1 $0x147AE15, s15;
	_ =	sdelay $0x1  }
0x1f: {  	s16 =	smul.u32 @!p1 $0xC8, s16  }
0x20: {  	s17 =	sxor.u32 @!p1 $0xFFFFFFFF, s12;
	s18 =	smul.u32 @!p1 $0xC80, s11  }
0x21: {  	s31 =	sadd.s32 $0xFFFFFFFF, s12;
	s17 =	sshll.u32 @!p1 s17, $0xD;
	s15 =	ssub.s32 @!p1 s15, s16  }
0x22: {  	s16 =	sand.u32 @!p1 $0x2000, s17;
	s17 =	sadd.s32 @!p1 s6, s18;
	s15 =	sshll.u32 @!p1 s15, $0x4  }
0x23: {  	s18 =	simm.s32 @!p1 $0x6400;
	s15 =	sadd.s32 @!p1 s15, s17;
	s17 =	simm.s32 @!p1 $0x40  }
0x24: {  	[tilespmem:s16], [sflag:$0x1] =	stream.strided.gather @!p1 [hbm4b:s15+s17], $0x2000, s18, s17, $0x38;
	[tilespmem:$0x8080] =	vst v63  }
0x25: {  	p1 =	sge.u32 s31, s5  }
.Ltmp2:
0x26: {  	_ = 	snop;
	(pc) =	sbr.rel @p1 .LBB1_5-.Ltmp2, $1  }
0x27: {  	_ =	sdelay $0x3  }
0x28: {  	s15 =	simm.s32 $0x1  }
0x29: {  	_ =	swait.ge [sflag:s4], $0x2000;
	s15 =	simm.s32 @!p0 $0x0  }
0x2a: {  	[sflag:s4] =	ssyncset.done $0x0;
	s16 =	sshll.u32 s15, $0xD  }
0x2b: {  	[sflag:s4] =	ssyncadd.s32 $0xFFFFE000;
	s19 =	sor.u32 $0x20, s16  }
0x2c: {  	s15 =	smul.u32 $0x8100, s15;
	v3 =	vld [tilespmem:s19+$0x10]  }
0x2d: {  	s30 =	sand.u32 $0x1, s12;
	v2 =	vld [tilespmem:s19+$0xFFFFFFF0]  }
0x2e: {  	s16 =	smul.u32 $0x8100, s30;
	s15 =	sshrl.u32 s15, $0x2;
	v0 =	vld [tilespmem:s19+$0x0]  }
0x2f: {  	v1 =	vld [tilespmem:s19+$0xFFFFFFE0];
	s17 =	sor.u32 $0x4000, s15  }
0x30: {  	s31 =	sshrl.u32 s16, $0x2;
	s16 =	sadd.s32 $0x0, s17  }
0x31: {  	s18 =	simm.s32 $0x4;
	s19 =	sadd.s32 $0x40, s19;
	s15 =	sor.u32 $0x4000, s31;
	[tilespmem:s16+$0x1830 ss:$0x81] =	vst.msk $0xffff, v3  }
.LBB1_3:
0x32: {  	v3 =	vld [tilespmem:s19+$0x10];
	p1 =	sne.s32 s18, $0x1FC;
	[tilespmem:s16+$0x810 ss:$0x81] =	vst.msk $0xffff, v2;
	s20 =	smov.u32 s18;
	s18 =	sadd.s32 $0x4, s18  }
.Ltmp3:
0x33: {  	v2 =	vld [tilespmem:s19+$0xFFFFFFF0];
	[tilespmem:s16+$0x1020 ss:$0x81] =	vst.msk $0xffff, v0;
	(pc) =	sbr.rel @p1 .LBB1_3-.Ltmp3, $4  }
0x34: {  	v0 =	vld [tilespmem:s19+$0x0];
	[tilespmem:s16+$0x0 ss:$0x81] =	vst.msk $0xffff, v1  }
0x35: {  	s16 =	sshra.s32 s20, $0x2;
	v1 =	vld [tilespmem:s19+$0xFFFFFFE0]  }
0x36: {  	s16 =	sadd.s32 s16, s17  }
0x37: {  	s19 =	sadd.s32 $0x40, s19;
	[tilespmem:s16+$0x1830 ss:$0x81] =	vst.msk $0xffff, v3  }
.Ltmp4:
0x38: {  	_ = 	snop;
	(pc) =	sbr.rel .LBB1_4-.Ltmp4, $1  }
0x39: {  	_ =	sdelay $0x3  }
.LBB1_6:
0x3a: {  	_ =	sfence.sel $0x180000  }
0x3b: {  	s2 =	simm.s32 $0x1;
	[bflag:$0x0] =	sbarrier.arrive $0xFFFF  }
0x3c: {  	s31 =	simm.s32 $0x2;
	[sflag:s2] =	ssyncpa.u1 $0x1  }
0x3d: {  	[sflag:s31] =	ssyncpa.u1 $0x1  }
0x3e: {  	p0 =	sne.s32 s0, $0x0;
	_ =	strace $0x9000004A  }
0x3f: {  	s0 =	sadd.s32 @!p0 $0x100000, s1;
	[bflag:$0x2] =	sbarrier.arrive $0xFFFF  }
0x40: {  	[sflag:s0] =	ssyncadd.tile.s32 @!p0 $0x1;
	_ =	shalt  }
.Lfunc_end1:
_tile_overlayer_lowered:
.L_overlay_start_2:
0x41: {  	(tag) =	ssettag $0x2  }
0x42: {  	s0 =	rddreg [dreg:$0x0];
	s2 =	stileid.u32  }
0x43: {  	s1 =	rddreg [dreg:$0x1];
	p0 =	sne.s32 s2, $0x0  }
0x44: {  	s3 =	rddreg [dreg:$0x2];
	[bflag:$0x3] =	sbarrier.arrive $0xFFFF;
	s2 =	simm.s32 @!p0 $0x1C01  }
0x45: {  	[timem:s3], [sflag:s2] =	dma.local @!p0 [hbm:s0], s1  }
0x46: {  	s0 =	simm.s32 @!p0 $0x1  }
0x47: {  	_ =	swait.ge @!p0 [sflag:s0], s1  }
0x48: {  	s1 =	ssub.s32 @!p0 $0x0, s1;
	[sflag:s0] =	ssyncset.done @!p0 $0x0  }
0x49: {  	[sflag:s0] =	ssyncadd.s32 @!p0 s1  }
0x4a: {  	[bflag:$0x3] =	sbarrier.arrive $0xFFFF  }
0x4b: {  	_ =	shalt  }

</sc_bundles>
